<compile_context>
chip_gen: v7x
topology: tpu7x:2x2x1
jax: 0.10.2.dev20260603
libtpu: 0.0.44.dev20260713+nightly
codegen_flags: <defaults>
</compile_context>

<pallas_src>
import functools

import jax
import jax.numpy as jnp
from jax import lax
from jax.experimental import pallas as pl
from jax.experimental.pallas import tpu as pltpu
from jax.experimental.pallas import tpu_sc as plsc

N = 10000
E = 160000
D = 256
B = 64
EPS = 1e-5

NC = 2
NS = 16
LANES = 16
HALF = D // NC

EPT = E // NS
CHUNK = 40
NCHUNK = EPT // CHUNK
NPAD = 10240
ROWS = NPAD // NS
WCHUNK = 128
NWC = ROWS // WCHUNK

NB = 2000
NBLK = N // NB


def _sc_body(src_hbm, dst_hbm, x_hbm, ea_hbm, z_hbm, out_hbm,
             si0, si1, si2, si3, di0, di1, di2, di3,
             xr0, xr1, xr2, xr3, ea0, ea1, ea2, ea3, acc_sh,
             sx0, sx1, sx2, sx3, se0, se1, se2, se3,
             ss0, ss1, ss2, ss3, sd0, sd1, sd2, sd3,
             sc0, sc1, sc2, sc3):
    c = lax.axis_index("c")
    s = lax.axis_index("s")

    row0 = s * ROWS
    e0 = s * EPT
    col0 = pl.multiple_of(c * HALF, HALF)
    srcb = (si0, si1, si2, si3)
    dstb = (di0, di1, di2, di3)
    xrb = (xr0, xr1, xr2, xr3)
    eab = (ea0, ea1, ea2, ea3)
    sxb = (sx0, sx1, sx2, sx3)
    seb = (se0, se1, se2, se3)
    ssb = (ss0, ss1, ss2, ss3)
    sdb = (sd0, sd1, sd2, sd3)
    scb = (sc0, sc1, sc2, sc3)

    def src_desc(k, j):
        sl = pl.ds(e0 + k * CHUNK, CHUNK)
        return pltpu.make_async_copy(src_hbm.at[sl], srcb[j], ssb[j])

    def dst_desc(k, j):
        sl = pl.ds(e0 + k * CHUNK, CHUNK)
        return pltpu.make_async_copy(dst_hbm.at[sl], dstb[j], sdb[j])

    def gth_descs(k, j):
        cp_x = pltpu.make_async_copy(
            x_hbm.at[srcb[j], pl.ds(col0, HALF)], xrb[j], sxb[j])
        cp_e = pltpu.make_async_copy(
            ea_hbm.at[pl.ds(e0 + k * CHUNK, CHUNK), pl.ds(col0, HALF)],
            eab[j], seb[j])
        return cp_x, cp_e

    def issue_gathers(k, j):
        cp_x, cp_e = gth_descs(k, j)
        cp_x.start()
        cp_e.start()

    def scat_desc(j):
        return pltpu.make_async_copy(xrb[j], acc_sh.at[dstb[j]], scb[j])

    def proc(k, j):
        j2 = (j + 2) % 4
        cp_x, cp_e = gth_descs(k, j)
        cp_x.wait()
        cp_e.wait()
        xr = xrb[j]
        ea = eab[j]

        def rowf(r, rc):
            for u in range(2):
                for jj in range(HALF // LANES):
                    sl = pl.ds(jj * LANES, LANES)
                    xr[2 * r + u, sl] = jnp.maximum(
                        xr[2 * r + u, sl] + ea[2 * r + u, sl], 0.0)
            return rc

        lax.fori_loop(0, CHUNK // 2, rowf, 0)

        @pl.when(k >= 2)
        def _():
            dst_desc(k, j).wait()
        pltpu.async_copy(xr, acc_sh.at[dstb[j]], scb[j], add=True)

        @pl.when(k + 2 < NCHUNK)
        def _():
            @pl.when(k >= 2)
            def _():
                scat_desc(j2).wait()
            dst_desc(k + 2, j2).start()
            src_desc(k + 2, j2).wait()
            issue_gathers(k + 2, j2)

        @pl.when(k + 4 < NCHUNK)
        def _():
            src_desc(k + 4, j).start()

    for j in range(2):
        sl = pl.ds(e0 + j * CHUNK, CHUNK)
        pltpu.sync_copy(src_hbm.at[sl], srcb[j])
        pltpu.sync_copy(dst_hbm.at[sl], dstb[j])
    for j in (2, 3):
        src_desc(j, j).start()
    issue_gathers(0, 0)
    issue_gathers(1, 1)

    for k in range(NWC):
        pltpu.sync_copy(z_hbm, acc_sh.at[pl.ds(row0 + k * WCHUNK, WCHUNK)])
    plsc.subcore_barrier()

    def quad_body(i, carry):
        k = 4 * i
        proc(k, 0)
        proc(k + 1, 1)
        proc(k + 2, 2)
        proc(k + 3, 3)
        return carry

    lax.fori_loop(0, NCHUNK // 4, quad_body, 0)
    proc(NCHUNK - 2, 0)
    proc(NCHUNK - 1, 1)
    for j in range(4):
        scat_desc(j).wait()
    plsc.subcore_barrier()

    wdescs = []
    for k in range(NWC):
        sl = pl.ds(row0 + k * WCHUNK, WCHUNK)
        wdescs.append(
            pltpu.make_async_copy(acc_sh.at[sl], out_hbm.at[c, sl], scb[0]))
    for d in wdescs:
        d.start()
    for d in wdescs:
        d.wait()


@functools.lru_cache(maxsize=None)
def _build_sc_aggregate():
    return pl.kernel(
        _sc_body,
        out_type=jax.ShapeDtypeStruct((NC, NPAD, HALF), jnp.float32),
        mesh=plsc.VectorSubcoreMesh(
            core_axis_name="c", subcore_axis_name="s",
            num_cores=NC, num_subcores=NS),
        scratch_types=[
            pltpu.VMEM((CHUNK,), jnp.int32),
            pltpu.VMEM((CHUNK,), jnp.int32),
            pltpu.VMEM((CHUNK,), jnp.int32),
            pltpu.VMEM((CHUNK,), jnp.int32),
            pltpu.VMEM((CHUNK,), jnp.int32),
            pltpu.VMEM((CHUNK,), jnp.int32),
            pltpu.VMEM((CHUNK,), jnp.int32),
            pltpu.VMEM((CHUNK,), jnp.int32),
            pltpu.VMEM((CHUNK, HALF), jnp.float32),
            pltpu.VMEM((CHUNK, HALF), jnp.float32),
            pltpu.VMEM((CHUNK, HALF), jnp.float32),
            pltpu.VMEM((CHUNK, HALF), jnp.float32),
            pltpu.VMEM((CHUNK, HALF), jnp.float32),
            pltpu.VMEM((CHUNK, HALF), jnp.float32),
            pltpu.VMEM((CHUNK, HALF), jnp.float32),
            pltpu.VMEM((CHUNK, HALF), jnp.float32),
            pltpu.VMEM_SHARED((NPAD, HALF), jnp.float32),
        ] + [pltpu.SemaphoreType.DMA] * 20,
    )


def _sc_aggregate(src, dst, x, ea):
    zeros = jnp.zeros((WCHUNK, HALF), jnp.float32)
    return _build_sc_aggregate()(src, dst, x, ea, zeros)


def _fused_tc_kernel(x_ref, agg_ref, batch_ref, w1_ref, b1_ref, g_ref,
                     be_ref, mu_ref, va_ref, w2_ref, b2_ref, lnw_ref,
                     lnb_ref, gnw_ref, gnb_ref, gns_ref,
                     res_ref, out_s, stats_s):
    p = pl.program_id(0)
    i = pl.program_id(1)
    batch_col = batch_ref[0, 0, :].reshape(NB, 1)
    iota_b = lax.broadcasted_iota(jnp.int32, (NB, B), 1)
    ponehot = (batch_col == iota_b).astype(jnp.float32)
    row0 = pl.multiple_of(i * NB, NB)

    @pl.when(p == 0)
    def _():
        x = x_ref[...]
        h = x + jnp.concatenate([agg_ref[0], agg_ref[1]], axis=1)
        h1 = jnp.dot(h, w1_ref[...], preferred_element_type=jnp.float32)
        scale = g_ref[...] * lax.rsqrt(va_ref[...] + EPS)
        h1 = (h1 + b1_ref[...] - mu_ref[...]) * scale + be_ref[...]
        h1 = jnp.maximum(h1, 0.0)
        out = jnp.dot(h1, w2_ref[...], preferred_element_type=jnp.float32)
        out = out + b2_ref[...]
        out_s[pl.ds(row0, NB), :] = out
        m1 = lax.dot_general(ponehot, out, (((0,), (0,)), ((), ())),
                             preferred_element_type=jnp.float32)
        m2 = lax.dot_general(ponehot, out * out, (((0,), (0,)), ((), ())),
                             preferred_element_type=jnp.float32)
        deg = jnp.broadcast_to(jnp.sum(ponehot, axis=0)[:, None], (B, D))
        stacked = jnp.stack([m1, m2, deg])

        @pl.when(i == 0)
        def _():
            stats_s[...] = stacked

        @pl.when(i > 0)
        def _():
            stats_s[...] = stats_s[...] + stacked

    @pl.when(p == 1)
    def _():
        m1 = stats_s[0]
        m2 = stats_s[1]
        deg = stats_s[2, :, 0:1]
        cnt = jnp.maximum(deg, 1.0)
        norm = cnt * D
        ms1 = jnp.sum(m1, axis=1, keepdims=True)
        ms2 = jnp.sum(m2, axis=1, keepdims=True)
        m = ms1 / norm
        varb = ms2 / norm - m * m
        inv_s = lax.rsqrt(varb + EPS)
        lnw = lnw_ref[...][None, :]
        gns = gns_ref[...][None, :]
        gnw = gnw_ref[...][None, :]
        a = lnw * inv_s
        cc = lnb_ref[...][None, :] - m * a
        mu1 = m1 / cnt
        mu2 = m2 / cnt
        beta = cc * (1.0 - gns) - a * mu1 * gns
        gvar = a * a * mu2 + 2.0 * a * beta * mu1 + beta * beta
        invt = lax.rsqrt(gvar + EPS)
        gamma = gnw * a * invt
        delta = gnw * beta * invt + gnb_ref[...][None, :]
        gn = jnp.dot(ponehot, gamma, preferred_element_type=jnp.float32)
        dn = jnp.dot(ponehot, delta, preferred_element_type=jnp.float32)
        out = out_s[pl.ds(row0, NB), :]
        res_ref[...] = x_ref[...] + jnp.maximum(gn * out + dn, 0.0)


def _full(shape):
    nd = len(shape)
    return pl.BlockSpec(shape, lambda i: (0,) * nd)


def kernel(x, edge_index, edge_attr, batch, W1, b1, bn_gamma, bn_beta,
           bn_mean, bn_var, W2, b2, ln_w, ln_b, gn_w, gn_b, gn_scale):
    src = edge_index[0]
    dst = edge_index[1]
    agg = _sc_aggregate(src, dst, x, edge_attr)

    batch3 = batch.reshape(NBLK, 1, NB)
    blk = pl.BlockSpec((NB, D), lambda p, i: (i, 0))
    bblk = pl.BlockSpec((1, 1, NB), lambda p, i: (i, 0, 0))

    def _fullpi(shape):
        nd = len(shape)
        return pl.BlockSpec(shape, lambda p, i: (0,) * nd)

    res = pl.pallas_call(
        _fused_tc_kernel,
        grid=(2, NBLK),
        in_specs=[
            blk,
            pl.BlockSpec((NC, NB, HALF), lambda p, i: (0, (1 - p) * i, 0)),
            bblk,
            _fullpi((D, 2 * D)), _fullpi((2 * D,)), _fullpi((2 * D,)),
            _fullpi((2 * D,)), _fullpi((2 * D,)), _fullpi((2 * D,)),
            _fullpi((2 * D, D)), _fullpi((D,)),
            _fullpi((D,)), _fullpi((D,)), _fullpi((D,)), _fullpi((D,)),
            _fullpi((D,)),
        ],
        out_specs=pl.BlockSpec((NB, D), lambda p, i: (p * i, 0)),
        out_shape=jax.ShapeDtypeStruct((N, D), jnp.float32),
        scratch_shapes=[
            pltpu.VMEM((N, D), jnp.float32),
            pltpu.VMEM((3, B, D), jnp.float32),
        ],
        compiler_params=pltpu.CompilerParams(
            dimension_semantics=("arbitrary", "arbitrary")),
    )(x, agg, batch3, W1, b1, bn_gamma, bn_beta, bn_mean, bn_var, W2, b2,
      ln_w, ln_b, gn_w, gn_b, gn_scale)
    return res

# --- scband reference (transcript-rebuilt; emitter-appended) ---
"""Pipeline reference for scband-ginblock-21414706938217 (READ-ONLY COPY).

The authoritative reference and input builder live on the scoring server;
editing this copy changes nothing except your own understanding.
"""

import jax, jax.numpy as jnp
import numpy as np

N = 10000
E = 160000
D = 256
B = 64
EPS = 1e-5


def setup_inputs(seed: int = 0) -> dict:
    key = jax.random.key(seed)
    ks = jax.random.split(key, 8)
    x = jax.random.normal(ks[0], (N, D), dtype=jnp.float32)
    edge_index = jax.random.randint(ks[1], (2, E), 0, N, dtype=jnp.int32)
    edge_attr = jax.random.normal(ks[2], (E, D), dtype=jnp.float32)
    batch = jnp.sort(jax.random.randint(ks[3], (N,), 0, B, dtype=jnp.int32))
    W1 = jax.random.normal(ks[4], (D, 2 * D), dtype=jnp.float32) * 0.02
    b1 = jnp.zeros((2 * D,), jnp.float32)
    bn_gamma = jnp.ones((2 * D,), jnp.float32)
    bn_beta = jnp.zeros((2 * D,), jnp.float32)
    bn_mean = jnp.zeros((2 * D,), jnp.float32)
    bn_var = jnp.ones((2 * D,), jnp.float32)
    W2 = jax.random.normal(ks[5], (2 * D, D), dtype=jnp.float32) * 0.02
    b2 = jnp.zeros((D,), jnp.float32)
    ln_w = jnp.ones((D,), jnp.float32)
    ln_b = jnp.zeros((D,), jnp.float32)
    gn_w = jnp.ones((D,), jnp.float32)
    gn_b = jnp.zeros((D,), jnp.float32)
    gn_scale = jnp.ones((D,), jnp.float32)
    return {"x": x, "edge_index": edge_index, "edge_attr": edge_attr, "batch": batch,
            "W1": W1, "b1": b1, "bn_gamma": bn_gamma, "bn_beta": bn_beta,
            "bn_mean": bn_mean, "bn_var": bn_var, "W2": W2, "b2": b2,
            "ln_w": ln_w, "ln_b": ln_b, "gn_w": gn_w, "gn_b": gn_b, "gn_scale": gn_scale}


def reference(x, edge_index, edge_attr, batch, W1, b1, bn_gamma, bn_beta, bn_mean, bn_var,
              W2, b2, ln_w, ln_b, gn_w, gn_b, gn_scale):
    src = edge_index[0]
    dst = edge_index[1]
    # GINEConv: message = ReLU(x_j + edge_attr), sum-aggregate, (1+eps)*x + aggr (eps=0), then MLP
    msg = jax.nn.relu(x[src] + edge_attr)
    aggr = jax.ops.segment_sum(msg, dst, num_segments=N)
    h = x + aggr
    h1 = h @ W1 + b1
    # BatchNorm1d in eval mode (running stats)
    h1 = (h1 - bn_mean) / jnp.sqrt(bn_var + EPS) * bn_gamma + bn_beta
    h1 = jax.nn.relu(h1)
    out = h1 @ W2 + b2
    # pyg LayerNorm, mode='graph': normalize per graph over nodes AND channels
    deg = jax.ops.segment_sum(jnp.ones((N,), jnp.float32), batch, num_segments=B)
    norm = jnp.maximum(deg, 1.0) * D  # [B]
    mean = jax.ops.segment_sum(out, batch, num_segments=B).sum(axis=-1) / norm  # [B]
    out = out - mean[batch][:, None]
    var = jax.ops.segment_sum(out * out, batch, num_segments=B).sum(axis=-1) / norm
    out = out / jnp.sqrt(var + EPS)[batch][:, None]
    out = out * ln_w + ln_b
    # pyg GraphNorm: per-graph per-channel, learnable mean scale
    cnt = jnp.maximum(deg, 1.0)[:, None]  # [B,1]
    gmean = jax.ops.segment_sum(out, batch, num_segments=B) / cnt  # [B,D]
    out2 = out - gmean[batch] * gn_scale
    gvar = jax.ops.segment_sum(out2 * out2, batch, num_segments=B) / cnt
    out2 = gn_w * out2 / jnp.sqrt(gvar + EPS)[batch] + gn_b
    # Dropout (eval -> identity), last_act=True -> ReLU, residual
    out2 = jax.nn.relu(out2)
    return x + out2

if __name__ == "__main__":
    import jax
    _d = setup_inputs()
    print(jax.jit(kernel)(*tuple(_d.values())))

</pallas_src>

<mosaic_0001>
#map = affine_map<(d0, d1) -> (0)>
#map1 = affine_map<(d0, d1) -> (0, 0)>
#map2 = affine_map<(d0, d1) -> (0, 0, 0)>
module attributes {stable_mosaic.version = 14 : i64} {
  func.func @_sc_body(%arg0: i32, %arg1: i32, %arg2: memref<160000xi32, #tpu.memory_space<hbm>>, %arg3: memref<160000xi32, #tpu.memory_space<hbm>>, %arg4: memref<10000x256xf32, #tpu.memory_space<hbm>>, %arg5: memref<160000x256xf32, #tpu.memory_space<hbm>>, %arg6: memref<128x128xf32, #tpu.memory_space<hbm>>, %arg7: memref<2x10240x128xf32, #tpu.memory_space<hbm>>, %arg8: memref<40xi32, #tpu.memory_space<vmem>>, %arg9: memref<40xi32, #tpu.memory_space<vmem>>, %arg10: memref<40xi32, #tpu.memory_space<vmem>>, %arg11: memref<40xi32, #tpu.memory_space<vmem>>, %arg12: memref<40xi32, #tpu.memory_space<vmem>>, %arg13: memref<40xi32, #tpu.memory_space<vmem>>, %arg14: memref<40xi32, #tpu.memory_space<vmem>>, %arg15: memref<40xi32, #tpu.memory_space<vmem>>, %arg16: memref<40x128xf32, #tpu.memory_space<vmem>>, %arg17: memref<40x128xf32, #tpu.memory_space<vmem>>, %arg18: memref<40x128xf32, #tpu.memory_space<vmem>>, %arg19: memref<40x128xf32, #tpu.memory_space<vmem>>, %arg20: memref<40x128xf32, #tpu.memory_space<vmem>>, %arg21: memref<40x128xf32, #tpu.memory_space<vmem>>, %arg22: memref<40x128xf32, #tpu.memory_space<vmem>>, %arg23: memref<40x128xf32, #tpu.memory_space<vmem>>, %arg24: memref<10240x128xf32, #tpu.memory_space<vmem_shared>>, %arg25: memref<!tpu.dma_semaphore, #tpu.memory_space<semaphore_mem>>, %arg26: memref<!tpu.dma_semaphore, #tpu.memory_space<semaphore_mem>>, %arg27: memref<!tpu.dma_semaphore, #tpu.memory_space<semaphore_mem>>, %arg28: memref<!tpu.dma_semaphore, #tpu.memory_space<semaphore_mem>>, %arg29: memref<!tpu.dma_semaphore, #tpu.memory_space<semaphore_mem>>, %arg30: memref<!tpu.dma_semaphore, #tpu.memory_space<semaphore_mem>>, %arg31: memref<!tpu.dma_semaphore, #tpu.memory_space<semaphore_mem>>, %arg32: memref<!tpu.dma_semaphore, #tpu.memory_space<semaphore_mem>>, %arg33: memref<!tpu.dma_semaphore, #tpu.memory_space<semaphore_mem>>, %arg34: memref<!tpu.dma_semaphore, #tpu.memory_space<semaphore_mem>>, %arg35: memref<!tpu.dma_semaphore, #tpu.memory_space<semaphore_mem>>, %arg36: memref<!tpu.dma_semaphore, #tpu.memory_space<semaphore_mem>>, %arg37: memref<!tpu.dma_semaphore, #tpu.memory_space<semaphore_mem>>, %arg38: memref<!tpu.dma_semaphore, #tpu.memory_space<semaphore_mem>>, %arg39: memref<!tpu.dma_semaphore, #tpu.memory_space<semaphore_mem>>, %arg40: memref<!tpu.dma_semaphore, #tpu.memory_space<semaphore_mem>>, %arg41: memref<!tpu.dma_semaphore, #tpu.memory_space<semaphore_mem>>, %arg42: memref<!tpu.dma_semaphore, #tpu.memory_space<semaphore_mem>>, %arg43: memref<!tpu.dma_semaphore, #tpu.memory_space<semaphore_mem>>, %arg44: memref<!tpu.dma_semaphore, #tpu.memory_space<semaphore_mem>>) attributes {dimension_semantics = [#tpu.dimension_semantics<core_parallel>, #tpu.dimension_semantics<subcore_parallel>], iteration_bounds = array<i64: 2, 16>, scalar_prefetch = 0 : i64, scratch_operands = 37 : i64, tpu.core_type = #tpu.core_type<sc_vector_subcore>, window_params = [{transform_indices = #map}, {transform_indices = #map}, {transform_indices = #map1}, {transform_indices = #map1}, {transform_indices = #map1}, {transform_indices = #map2}]} {
    %mul3A = arith.constant 640 : i32
    %mul3A_0 = arith.muli %arg1, %mul3A : i32
    %mul3A_1 = arith.constant 10000 : i32
    %mul3A_2 = arith.muli %arg1, %mul3A_1 : i32
    %mul3A_3 = arith.constant 128 : i32
    %mul3A_4 = arith.muli %arg0, %mul3A_3 : i32
    %multiple_of3A = tpu.assume_multiple %mul3A_4, 128 : i32
    %add3A = arith.constant 0 : i32
    %add3A_5 = arith.addi %mul3A_2, %add3A : i32
    "tpu.region"() ({
      %run_scoped3A = tpu.sem_alloc : memref<!tpu.dma_semaphore, #tpu.memory_space<semaphore_mem>>
      %dma_start3A_152 = tpu.memref_slice %arg2[%add3A_5] : memref<160000xi32, #tpu.memory_space<hbm>> -> memref<40xi32, #tpu.memory_space<hbm>>
      %dma_start3A_153 = tpu.memref_slice %arg2[%add3A_5] : memref<160000xi32, #tpu.memory_space<hbm>> -> memref<40xi32, #tpu.memory_space<hbm>>
      tpu.enqueue_dma source(%dma_start3A_153 : memref<40xi32, #tpu.memory_space<hbm>>) target(%arg8 : memref<40xi32, #tpu.memory_space<vmem>>) target_semaphore(%run_scoped3A : memref<!tpu.dma_semaphore, #tpu.memory_space<semaphore_mem>>)
      %dma_wait3A_154 = tpu.memref_slice %arg2[%add3A_5] : memref<160000xi32, #tpu.memory_space<hbm>> -> memref<40xi32, #tpu.memory_space<hbm>>
      %dma_wait3A_155 = tpu.memref_slice %arg2[%add3A_5] : memref<160000xi32, #tpu.memory_space<hbm>> -> memref<40xi32, #tpu.memory_space<hbm>>
      tpu.wait_dma2 semaphore(%run_scoped3A : memref<!tpu.dma_semaphore, #tpu.memory_space<semaphore_mem>>) src(%dma_wait3A_155 : memref<40xi32, #tpu.memory_space<hbm>>) dst(%arg8 : memref<40xi32, #tpu.memory_space<vmem>>)
      tpu.yield
    }) : () -> ()
    "tpu.region"() ({
      %run_scoped3A = tpu.sem_alloc : memref<!tpu.dma_semaphore, #tpu.memory_space<semaphore_mem>>
      %dma_start3A_152 = tpu.memref_slice %arg3[%add3A_5] : memref<160000xi32, #tpu.memory_space<hbm>> -> memref<40xi32, #tpu.memory_space<hbm>>
      %dma_start3A_153 = tpu.memref_slice %arg3[%add3A_5] : memref<160000xi32, #tpu.memory_space<hbm>> -> memref<40xi32, #tpu.memory_space<hbm>>
      tpu.enqueue_dma source(%dma_start3A_153 : memref<40xi32, #tpu.memory_space<hbm>>) target(%arg12 : memref<40xi32, #tpu.memory_space<vmem>>) target_semaphore(%run_scoped3A : memref<!tpu.dma_semaphore, #tpu.memory_space<semaphore_mem>>)
      %dma_wait3A_154 = tpu.memref_slice %arg3[%add3A_5] : memref<160000xi32, #tpu.memory_space<hbm>> -> memref<40xi32, #tpu.memory_space<hbm>>
      %dma_wait3A_155 = tpu.memref_slice %arg3[%add3A_5] : memref<160000xi32, #tpu.memory_space<hbm>> -> memref<40xi32, #tpu.memory_space<hbm>>
      tpu.wait_dma2 semaphore(%run_scoped3A : memref<!tpu.dma_semaphore, #tpu.memory_space<semaphore_mem>>) src(%dma_wait3A_155 : memref<40xi32, #tpu.memory_space<hbm>>) dst(%arg12 : memref<40xi32, #tpu.memory_space<vmem>>)
      tpu.yield
    }) : () -> ()
    %add3A_6 = arith.constant 40 : i32
    %add3A_7 = arith.addi %mul3A_2, %add3A_6 : i32
    "tpu.region"() ({
      %run_scoped3A = tpu.sem_alloc : memref<!tpu.dma_semaphore, #tpu.memory_space<semaphore_mem>>
      %dma_start3A_152 = tpu.memref_slice %arg2[%add3A_7] : memref<160000xi32, #tpu.memory_space<hbm>> -> memref<40xi32, #tpu.memory_space<hbm>>
      %dma_start3A_153 = tpu.memref_slice %arg2[%add3A_7] : memref<160000xi32, #tpu.memory_space<hbm>> -> memref<40xi32, #tpu.memory_space<hbm>>
      tpu.enqueue_dma source(%dma_start3A_153 : memref<40xi32, #tpu.memory_space<hbm>>) target(%arg9 : memref<40xi32, #tpu.memory_space<vmem>>) target_semaphore(%run_scoped3A : memref<!tpu.dma_semaphore, #tpu.memory_space<semaphore_mem>>)
      %dma_wait3A_154 = tpu.memref_slice %arg2[%add3A_7] : memref<160000xi32, #tpu.memory_space<hbm>> -> memref<40xi32, #tpu.memory_space<hbm>>
      %dma_wait3A_155 = tpu.memref_slice %arg2[%add3A_7] : memref<160000xi32, #tpu.memory_space<hbm>> -> memref<40xi32, #tpu.memory_space<hbm>>
      tpu.wait_dma2 semaphore(%run_scoped3A : memref<!tpu.dma_semaphore, #tpu.memory_space<semaphore_mem>>) src(%dma_wait3A_155 : memref<40xi32, #tpu.memory_space<hbm>>) dst(%arg9 : memref<40xi32, #tpu.memory_space<vmem>>)
      tpu.yield
    }) : () -> ()
    "tpu.region"() ({
      %run_scoped3A = tpu.sem_alloc : memref<!tpu.dma_semaphore, #tpu.memory_space<semaphore_mem>>
      %dma_start3A_152 = tpu.memref_slice %arg3[%add3A_7] : memref<160000xi32, #tpu.memory_space<hbm>> -> memref<40xi32, #tpu.memory_space<hbm>>
      %dma_start3A_153 = tpu.memref_slice %arg3[%add3A_7] : memref<160000xi32, #tpu.memory_space<hbm>> -> memref<40xi32, #tpu.memory_space<hbm>>
      tpu.enqueue_dma source(%dma_start3A_153 : memref<40xi32, #tpu.memory_space<hbm>>) target(%arg13 : memref<40xi32, #tpu.memory_space<vmem>>) target_semaphore(%run_scoped3A : memref<!tpu.dma_semaphore, #tpu.memory_space<semaphore_mem>>)
      %dma_wait3A_154 = tpu.memref_slice %arg3[%add3A_7] : memref<160000xi32, #tpu.memory_space<hbm>> -> memref<40xi32, #tpu.memory_space<hbm>>
      %dma_wait3A_155 = tpu.memref_slice %arg3[%add3A_7] : memref<160000xi32, #tpu.memory_space<hbm>> -> memref<40xi32, #tpu.memory_space<hbm>>
      tpu.wait_dma2 semaphore(%run_scoped3A : memref<!tpu.dma_semaphore, #tpu.memory_space<semaphore_mem>>) src(%dma_wait3A_155 : memref<40xi32, #tpu.memory_space<hbm>>) dst(%arg13 : memref<40xi32, #tpu.memory_space<vmem>>)
      tpu.yield
    }) : () -> ()
    %add3A_8 = arith.constant 80 : i32
    %add3A_9 = arith.addi %mul3A_2, %add3A_8 : i32
    %dma_start3A = tpu.memref_slice %arg2[%add3A_9] : memref<160000xi32, #tpu.memory_space<hbm>> -> memref<40xi32, #tpu.memory_space<hbm>>
    %dma_start3A_10 = tpu.memref_slice %arg2[%add3A_9] : memref<160000xi32, #tpu.memory_space<hbm>> -> memref<40xi32, #tpu.memory_space<hbm>>
    tpu.enqueue_dma source(%dma_start3A_10 : memref<40xi32, #tpu.memory_space<hbm>>) target(%arg10 : memref<40xi32, #tpu.memory_space<vmem>>) target_semaphore(%arg35 : memref<!tpu.dma_semaphore, #tpu.memory_space<semaphore_mem>>)
    %add3A_11 = arith.constant 120 : i32
    %add3A_12 = arith.addi %mul3A_2, %add3A_11 : i32
    %dma_start3A_13 = tpu.memref_slice %arg2[%add3A_12] : memref<160000xi32, #tpu.memory_space<hbm>> -> memref<40xi32, #tpu.memory_space<hbm>>
    %dma_start3A_14 = tpu.memref_slice %arg2[%add3A_12] : memref<160000xi32, #tpu.memory_space<hbm>> -> memref<40xi32, #tpu.memory_space<hbm>>
    tpu.enqueue_dma source(%dma_start3A_14 : memref<40xi32, #tpu.memory_space<hbm>>) target(%arg11 : memref<40xi32, #tpu.memory_space<vmem>>) target_semaphore(%arg36 : memref<!tpu.dma_semaphore, #tpu.memory_space<semaphore_mem>>)
    %add3A_15 = arith.constant 0 : i32
    %add3A_16 = arith.addi %mul3A_2, %add3A_15 : i32
    %dma_start3A_17 = arith.constant 0 : i32
    %dma_start3A_18 = tpu.memref_slice %arg4[%dma_start3A_17, %multiple_of3A] : memref<10000x256xf32, #tpu.memory_space<hbm>> -> memref<10000x128xf32, #tpu.memory_space<hbm>>
    tpu.enqueue_indirect_dma source(%dma_start3A_18 : memref<10000x128xf32, #tpu.memory_space<hbm>>) target(%arg16 : memref<40x128xf32, #tpu.memory_space<vmem>>) offsets(%arg8 : memref<40xi32, #tpu.memory_space<vmem>>) semaphore(%arg25 : memref<!tpu.dma_semaphore, #tpu.memory_space<semaphore_mem>>)
    %dma_start3A_19 = tpu.memref_slice %arg5[%add3A_16, %multiple_of3A] : memref<160000x256xf32, #tpu.memory_space<hbm>> -> memref<40x128xf32, #tpu.memory_space<hbm>>
    %dma_start3A_20 = tpu.memref_slice %arg5[%add3A_16, %multiple_of3A] : memref<160000x256xf32, #tpu.memory_space<hbm>> -> memref<40x128xf32, #tpu.memory_space<hbm>>
    tpu.enqueue_dma source(%dma_start3A_20 : memref<40x128xf32, #tpu.memory_space<hbm>>) target(%arg20 : memref<40x128xf32, #tpu.memory_space<vmem>>) target_semaphore(%arg29 : memref<!tpu.dma_semaphore, #tpu.memory_space<semaphore_mem>>)
    %add3A_21 = arith.constant 40 : i32
    %add3A_22 = arith.addi %mul3A_2, %add3A_21 : i32
    %dma_start3A_23 = arith.constant 0 : i32
    %dma_start3A_24 = tpu.memref_slice %arg4[%dma_start3A_23, %multiple_of3A] : memref<10000x256xf32, #tpu.memory_space<hbm>> -> memref<10000x128xf32, #tpu.memory_space<hbm>>
    tpu.enqueue_indirect_dma source(%dma_start3A_24 : memref<10000x128xf32, #tpu.memory_space<hbm>>) target(%arg17 : memref<40x128xf32, #tpu.memory_space<vmem>>) offsets(%arg9 : memref<40xi32, #tpu.memory_space<vmem>>) semaphore(%arg26 : memref<!tpu.dma_semaphore, #tpu.memory_space<semaphore_mem>>)
    %dma_start3A_25 = tpu.memref_slice %arg5[%add3A_22, %multiple_of3A] : memref<160000x256xf32, #tpu.memory_space<hbm>> -> memref<40x128xf32, #tpu.memory_space<hbm>>
    %dma_start3A_26 = tpu.memref_slice %arg5[%add3A_22, %multiple_of3A] : memref<160000x256xf32, #tpu.memory_space<hbm>> -> memref<40x128xf32, #tpu.memory_space<hbm>>
    tpu.enqueue_dma source(%dma_start3A_26 : memref<40x128xf32, #tpu.memory_space<hbm>>) target(%arg21 : memref<40x128xf32, #tpu.memory_space<vmem>>) target_semaphore(%arg30 : memref<!tpu.dma_semaphore, #tpu.memory_space<semaphore_mem>>)
    %add3A_27 = arith.constant 0 : i32
    %add3A_28 = arith.addi %mul3A_0, %add3A_27 : i32
    "tpu.region"() ({
      %run_scoped3A = tpu.sem_alloc : memref<!tpu.dma_semaphore, #tpu.memory_space<semaphore_mem>>
      %dma_start3A_152 = arith.constant 0 : i32
      %dma_start3A_153 = tpu.memref_slice %arg24[%add3A_28, %dma_start3A_152] : memref<10240x128xf32, #tpu.memory_space<vmem_shared>> -> memref<128x128xf32, #tpu.memory_space<vmem_shared>>
      tpu.enqueue_dma source(%arg6 : memref<128x128xf32, #tpu.memory_space<hbm>>) target(%dma_start3A_153 : memref<128x128xf32, #tpu.memory_space<vmem_shared>>) target_semaphore(%run_scoped3A : memref<!tpu.dma_semaphore, #tpu.memory_space<semaphore_mem>>)
      %dma_wait3A_154 = arith.constant 0 : i32
      %dma_wait3A_155 = tpu.memref_slice %arg24[%add3A_28, %dma_wait3A_154] : memref<10240x128xf32, #tpu.memory_space<vmem_shared>> -> memref<128x128xf32, #tpu.memory_space<vmem_shared>>
      tpu.wait_dma2 semaphore(%run_scoped3A : memref<!tpu.dma_semaphore, #tpu.memory_space<semaphore_mem>>) src(%arg6 : memref<128x128xf32, #tpu.memory_space<hbm>>) dst(%dma_wait3A_155 : memref<128x128xf32, #tpu.memory_space<vmem_shared>>)
      tpu.yield
    }) : () -> ()
    %add3A_29 = arith.constant 128 : i32
    %add3A_30 = arith.addi %mul3A_0, %add3A_29 : i32
    "tpu.region"() ({
      %run_scoped3A = tpu.sem_alloc : memref<!tpu.dma_semaphore, #tpu.memory_space<semaphore_mem>>
      %dma_start3A_152 = arith.constant 0 : i32
      %dma_start3A_153 = tpu.memref_slice %arg24[%add3A_30, %dma_start3A_152] : memref<10240x128xf32, #tpu.memory_space<vmem_shared>> -> memref<128x128xf32, #tpu.memory_space<vmem_shared>>
      tpu.enqueue_dma source(%arg6 : memref<128x128xf32, #tpu.memory_space<hbm>>) target(%dma_start3A_153 : memref<128x128xf32, #tpu.memory_space<vmem_shared>>) target_semaphore(%run_scoped3A : memref<!tpu.dma_semaphore, #tpu.memory_space<semaphore_mem>>)
      %dma_wait3A_154 = arith.constant 0 : i32
      %dma_wait3A_155 = tpu.memref_slice %arg24[%add3A_30, %dma_wait3A_154] : memref<10240x128xf32, #tpu.memory_space<vmem_shared>> -> memref<128x128xf32, #tpu.memory_space<vmem_shared>>
      tpu.wait_dma2 semaphore(%run_scoped3A : memref<!tpu.dma_semaphore, #tpu.memory_space<semaphore_mem>>) src(%arg6 : memref<128x128xf32, #tpu.memory_space<hbm>>) dst(%dma_wait3A_155 : memref<128x128xf32, #tpu.memory_space<vmem_shared>>)
      tpu.yield
    }) : () -> ()
    %add3A_31 = arith.constant 256 : i32
    %add3A_32 = arith.addi %mul3A_0, %add3A_31 : i32
    "tpu.region"() ({
      %run_scoped3A = tpu.sem_alloc : memref<!tpu.dma_semaphore, #tpu.memory_space<semaphore_mem>>
      %dma_start3A_152 = arith.constant 0 : i32
      %dma_start3A_153 = tpu.memref_slice %arg24[%add3A_32, %dma_start3A_152] : memref<10240x128xf32, #tpu.memory_space<vmem_shared>> -> memref<128x128xf32, #tpu.memory_space<vmem_shared>>
      tpu.enqueue_dma source(%arg6 : memref<128x128xf32, #tpu.memory_space<hbm>>) target(%dma_start3A_153 : memref<128x128xf32, #tpu.memory_space<vmem_shared>>) target_semaphore(%run_scoped3A : memref<!tpu.dma_semaphore, #tpu.memory_space<semaphore_mem>>)
      %dma_wait3A_154 = arith.constant 0 : i32
      %dma_wait3A_155 = tpu.memref_slice %arg24[%add3A_32, %dma_wait3A_154] : memref<10240x128xf32, #tpu.memory_space<vmem_shared>> -> memref<128x128xf32, #tpu.memory_space<vmem_shared>>
      tpu.wait_dma2 semaphore(%run_scoped3A : memref<!tpu.dma_semaphore, #tpu.memory_space<semaphore_mem>>) src(%arg6 : memref<128x128xf32, #tpu.memory_space<hbm>>) dst(%dma_wait3A_155 : memref<128x128xf32, #tpu.memory_space<vmem_shared>>)
      tpu.yield
    }) : () -> ()
    %add3A_33 = arith.constant 384 : i32
    %add3A_34 = arith.addi %mul3A_0, %add3A_33 : i32
    "tpu.region"() ({
      %run_scoped3A = tpu.sem_alloc : memref<!tpu.dma_semaphore, #tpu.memory_space<semaphore_mem>>
      %dma_start3A_152 = arith.constant 0 : i32
      %dma_start3A_153 = tpu.memref_slice %arg24[%add3A_34, %dma_start3A_152] : memref<10240x128xf32, #tpu.memory_space<vmem_shared>> -> memref<128x128xf32, #tpu.memory_space<vmem_shared>>
      tpu.enqueue_dma source(%arg6 : memref<128x128xf32, #tpu.memory_space<hbm>>) target(%dma_start3A_153 : memref<128x128xf32, #tpu.memory_space<vmem_shared>>) target_semaphore(%run_scoped3A : memref<!tpu.dma_semaphore, #tpu.memory_space<semaphore_mem>>)
      %dma_wait3A_154 = arith.constant 0 : i32
      %dma_wait3A_155 = tpu.memref_slice %arg24[%add3A_34, %dma_wait3A_154] : memref<10240x128xf32, #tpu.memory_space<vmem_shared>> -> memref<128x128xf32, #tpu.memory_space<vmem_shared>>
      tpu.wait_dma2 semaphore(%run_scoped3A : memref<!tpu.dma_semaphore, #tpu.memory_space<semaphore_mem>>) src(%arg6 : memref<128x128xf32, #tpu.memory_space<hbm>>) dst(%dma_wait3A_155 : memref<128x128xf32, #tpu.memory_space<vmem_shared>>)
      tpu.yield
    }) : () -> ()
    %add3A_35 = arith.constant 512 : i32
    %add3A_36 = arith.addi %mul3A_0, %add3A_35 : i32
    "tpu.region"() ({
      %run_scoped3A = tpu.sem_alloc : memref<!tpu.dma_semaphore, #tpu.memory_space<semaphore_mem>>
      %dma_start3A_152 = arith.constant 0 : i32
      %dma_start3A_153 = tpu.memref_slice %arg24[%add3A_36, %dma_start3A_152] : memref<10240x128xf32, #tpu.memory_space<vmem_shared>> -> memref<128x128xf32, #tpu.memory_space<vmem_shared>>
      tpu.enqueue_dma source(%arg6 : memref<128x128xf32, #tpu.memory_space<hbm>>) target(%dma_start3A_153 : memref<128x128xf32, #tpu.memory_space<vmem_shared>>) target_semaphore(%run_scoped3A : memref<!tpu.dma_semaphore, #tpu.memory_space<semaphore_mem>>)
      %dma_wait3A_154 = arith.constant 0 : i32
      %dma_wait3A_155 = tpu.memref_slice %arg24[%add3A_36, %dma_wait3A_154] : memref<10240x128xf32, #tpu.memory_space<vmem_shared>> -> memref<128x128xf32, #tpu.memory_space<vmem_shared>>
      tpu.wait_dma2 semaphore(%run_scoped3A : memref<!tpu.dma_semaphore, #tpu.memory_space<semaphore_mem>>) src(%arg6 : memref<128x128xf32, #tpu.memory_space<hbm>>) dst(%dma_wait3A_155 : memref<128x128xf32, #tpu.memory_space<vmem_shared>>)
      tpu.yield
    }) : () -> ()
    %barrier3A = arith.constant 0 : index
    tpu.barrier barrier_id(%barrier3A)
    %scan3A = arith.constant 0 : i32
    %scan3A_37 = arith.constant 0 : i32
    %scan3A_38 = arith.constant 62 : i32
    %scan3A_39 = arith.addi %scan3A_37, %scan3A_38 : i32
    %scan3A_40 = arith.constant 1 : i32
    scf.for %scan3A_152 = %scan3A_37 to %scan3A_39 step %scan3A_40  : i32 {
      %mul3A_153 = arith.constant 4 : i32
      %mul3A_154 = arith.muli %mul3A_153, %scan3A_152 : i32
      %mul3A_155 = arith.constant 40 : i32
      %mul3A_156 = arith.muli %mul3A_154, %mul3A_155 : i32
      %add3A_157 = arith.addi %mul3A_2, %mul3A_156 : i32
      %dma_wait3A_158 = arith.constant 0 : i32
      %dma_wait3A_159 = tpu.memref_slice %arg4[%dma_wait3A_158, %multiple_of3A] : memref<10000x256xf32, #tpu.memory_space<hbm>> -> memref<10000x128xf32, #tpu.memory_space<hbm>>
      tpu.wait_indirect_dma semaphore(%arg25 : memref<!tpu.dma_semaphore, #tpu.memory_space<semaphore_mem>>) src(%dma_wait3A_159 : memref<10000x128xf32, #tpu.memory_space<hbm>>) dst(%arg16 : memref<40x128xf32, #tpu.memory_space<vmem>>)
      %dma_wait3A_160 = tpu.memref_slice %arg5[%add3A_157, %multiple_of3A] : memref<160000x256xf32, #tpu.memory_space<hbm>> -> memref<40x128xf32, #tpu.memory_space<hbm>>
      %dma_wait3A_161 = tpu.memref_slice %arg5[%add3A_157, %multiple_of3A] : memref<160000x256xf32, #tpu.memory_space<hbm>> -> memref<40x128xf32, #tpu.memory_space<hbm>>
      tpu.wait_dma2 semaphore(%arg29 : memref<!tpu.dma_semaphore, #tpu.memory_space<semaphore_mem>>) src(%dma_wait3A_161 : memref<40x128xf32, #tpu.memory_space<hbm>>) dst(%arg20 : memref<40x128xf32, #tpu.memory_space<vmem>>)
      %scan3A_162 = arith.constant 0 : i32
      %scan3A_163 = arith.constant 0 : i32
      %scan3A_164 = arith.constant 20 : i32
      %scan3A_165 = arith.addi %scan3A_163, %scan3A_164 : i32
      %scan3A_166 = arith.constant 1 : i32
      scf.for %scan3A_297 = %scan3A_163 to %scan3A_165 step %scan3A_166  : i32 {
        %mul3A_298 = arith.constant 2 : i32
        %mul3A_299 = arith.muli %mul3A_298, %scan3A_297 : i32
        %add3A_300 = arith.constant 0 : i32
        %add3A_301 = arith.addi %mul3A_299, %add3A_300 : i32
        %get3A = arith.index_cast %add3A_301 : i32 to index
        %get3A_302 = arith.constant 0 : index
        %get3A_303 = tpu.vector_load %arg16[%get3A, %get3A_302] {strides = array<i32>} : memref<40x128xf32, #tpu.memory_space<vmem>>, vector<1x16xf32>,
        %get3A_304 = vector.shape_cast %get3A_303 : vector<1x16xf32> to vector<16xf32>
        %mul3A_305 = arith.constant 2 : i32
        %mul3A_306 = arith.muli %mul3A_305, %scan3A_297 : i32
        %add3A_307 = arith.constant 0 : i32
        %add3A_308 = arith.addi %mul3A_306, %add3A_307 : i32
        %get3A_309 = arith.index_cast %add3A_308 : i32 to index
        %get3A_310 = arith.constant 0 : index
        %get3A_311 = tpu.vector_load %arg20[%get3A_309, %get3A_310] {strides = array<i32>} : memref<40x128xf32, #tpu.memory_space<vmem>>, vector<1x16xf32>,
        %get3A_312 = vector.shape_cast %get3A_311 : vector<1x16xf32> to vector<16xf32>
        %add3A_313 = arith.addf %get3A_304, %get3A_312 : vector<16xf32>
        %max3A = arith.constant 0.000000e+00 : f32
        %max3A_314 = vector.broadcast %max3A : f32 to vector<16xf32>
        %max3A_315 = arith.maximumf %add3A_313, %max3A_314 : vector<16xf32>
        %mul3A_316 = arith.constant 2 : i32
        %mul3A_317 = arith.muli %mul3A_316, %scan3A_297 : i32
        %add3A_318 = arith.constant 0 : i32
        %add3A_319 = arith.addi %mul3A_317, %add3A_318 : i32
        %swap3A = arith.index_cast %add3A_319 : i32 to index
        %swap3A_320 = arith.constant 0 : index
        %swap3A_321 = tpu.vector_load %arg16[%swap3A, %swap3A_320] {strides = array<i32>} : memref<40x128xf32, #tpu.memory_space<vmem>>, vector<1x16xf32>,
        %swap3A_322 = vector.shape_cast %swap3A_321 : vector<1x16xf32> to vector<16xf32>
        %swap3A_323 = vector.shape_cast %max3A_315 : vector<16xf32> to vector<1x16xf32>
        tpu.vector_store %arg16[%swap3A, %swap3A_320], %swap3A_323 {strides = array<i32>} : memref<40x128xf32, #tpu.memory_space<vmem>>, vector<1x16xf32>,
        %mul3A_324 = arith.constant 2 : i32
        %mul3A_325 = arith.muli %mul3A_324, %scan3A_297 : i32
        %add3A_326 = arith.constant 0 : i32
        %add3A_327 = arith.addi %mul3A_325, %add3A_326 : i32
        %get3A_328 = arith.index_cast %add3A_327 : i32 to index
        %get3A_329 = arith.constant 16 : index
        %get3A_330 = tpu.vector_load %arg16[%get3A_328, %get3A_329] {strides = array<i32>} : memref<40x128xf32, #tpu.memory_space<vmem>>, vector<1x16xf32>,
        %get3A_331 = vector.shape_cast %get3A_330 : vector<1x16xf32> to vector<16xf32>
        %mul3A_332 = arith.constant 2 : i32
        %mul3A_333 = arith.muli %mul3A_332, %scan3A_297 : i32
        %add3A_334 = arith.constant 0 : i32
        %add3A_335 = arith.addi %mul3A_333, %add3A_334 : i32
        %get3A_336 = arith.index_cast %add3A_335 : i32 to index
        %get3A_337 = arith.constant 16 : index
        %get3A_338 = tpu.vector_load %arg20[%get3A_336, %get3A_337] {strides = array<i32>} : memref<40x128xf32, #tpu.memory_space<vmem>>, vector<1x16xf32>,
        %get3A_339 = vector.shape_cast %get3A_338 : vector<1x16xf32> to vector<16xf32>
        %add3A_340 = arith.addf %get3A_331, %get3A_339 : vector<16xf32>
        %max3A_341 = arith.constant 0.000000e+00 : f32
        %max3A_342 = vector.broadcast %max3A_341 : f32 to vector<16xf32>
        %max3A_343 = arith.maximumf %add3A_340, %max3A_342 : vector<16xf32>
        %mul3A_344 = arith.constant 2 : i32
        %mul3A_345 = arith.muli %mul3A_344, %scan3A_297 : i32
        %add3A_346 = arith.constant 0 : i32
        %add3A_347 = arith.addi %mul3A_345, %add3A_346 : i32
        %swap3A_348 = arith.index_cast %add3A_347 : i32 to index
        %swap3A_349 = arith.constant 16 : index
        %swap3A_350 = tpu.vector_load %arg16[%swap3A_348, %swap3A_349] {strides = array<i32>} : memref<40x128xf32, #tpu.memory_space<vmem>>, vector<1x16xf32>,
        %swap3A_351 = vector.shape_cast %swap3A_350 : vector<1x16xf32> to vector<16xf32>
        %swap3A_352 = vector.shape_cast %max3A_343 : vector<16xf32> to vector<1x16xf32>
        tpu.vector_store %arg16[%swap3A_348, %swap3A_349], %swap3A_352 {strides = array<i32>} : memref<40x128xf32, #tpu.memory_space<vmem>>, vector<1x16xf32>,
        %mul3A_353 = arith.constant 2 : i32
        %mul3A_354 = arith.muli %mul3A_353, %scan3A_297 : i32
        %add3A_355 = arith.constant 0 : i32
        %add3A_356 = arith.addi %mul3A_354, %add3A_355 : i32
        %get3A_357 = arith.index_cast %add3A_356 : i32 to index
        %get3A_358 = arith.constant 32 : index
        %get3A_359 = tpu.vector_load %arg16[%get3A_357, %get3A_358] {strides = array<i32>} : memref<40x128xf32, #tpu.memory_space<vmem>>, vector<1x16xf32>,
        %get3A_360 = vector.shape_cast %get3A_359 : vector<1x16xf32> to vector<16xf32>
        %mul3A_361 = arith.constant 2 : i32
        %mul3A_362 = arith.muli %mul3A_361, %scan3A_297 : i32
        %add3A_363 = arith.constant 0 : i32
        %add3A_364 = arith.addi %mul3A_362, %add3A_363 : i32
        %get3A_365 = arith.index_cast %add3A_364 : i32 to index
        %get3A_366 = arith.constant 32 : index
        %get3A_367 = tpu.vector_load %arg20[%get3A_365, %get3A_366] {strides = array<i32>} : memref<40x128xf32, #tpu.memory_space<vmem>>, vector<1x16xf32>,
        %get3A_368 = vector.shape_cast %get3A_367 : vector<1x16xf32> to vector<16xf32>
        %add3A_369 = arith.addf %get3A_360, %get3A_368 : vector<16xf32>
        %max3A_370 = arith.constant 0.000000e+00 : f32
        %max3A_371 = vector.broadcast %max3A_370 : f32 to vector<16xf32>
        %max3A_372 = arith.maximumf %add3A_369, %max3A_371 : vector<16xf32>
        %mul3A_373 = arith.constant 2 : i32
        %mul3A_374 = arith.muli %mul3A_373, %scan3A_297 : i32
        %add3A_375 = arith.constant 0 : i32
        %add3A_376 = arith.addi %mul3A_374, %add3A_375 : i32
        %swap3A_377 = arith.index_cast %add3A_376 : i32 to index
        %swap3A_378 = arith.constant 32 : index
        %swap3A_379 = tpu.vector_load %arg16[%swap3A_377, %swap3A_378] {strides = array<i32>} : memref<40x128xf32, #tpu.memory_space<vmem>>, vector<1x16xf32>,
        %swap3A_380 = vector.shape_cast %swap3A_379 : vector<1x16xf32> to vector<16xf32>
        %swap3A_381 = vector.shape_cast %max3A_372 : vector<16xf32> to vector<1x16xf32>
        tpu.vector_store %arg16[%swap3A_377, %swap3A_378], %swap3A_381 {strides = array<i32>} : memref<40x128xf32, #tpu.memory_space<vmem>>, vector<1x16xf32>,
        %mul3A_382 = arith.constant 2 : i32
        %mul3A_383 = arith.muli %mul3A_382, %scan3A_297 : i32
        %add3A_384 = arith.constant 0 : i32
        %add3A_385 = arith.addi %mul3A_383, %add3A_384 : i32
        %get3A_386 = arith.index_cast %add3A_385 : i32 to index
        %get3A_387 = arith.constant 48 : index
        %get3A_388 = tpu.vector_load %arg16[%get3A_386, %get3A_387] {strides = array<i32>} : memref<40x128xf32, #tpu.memory_space<vmem>>, vector<1x16xf32>,
        %get3A_389 = vector.shape_cast %get3A_388 : vector<1x16xf32> to vector<16xf32>
        %mul3A_390 = arith.constant 2 : i32
        %mul3A_391 = arith.muli %mul3A_390, %scan3A_297 : i32
        %add3A_392 = arith.constant 0 : i32
        %add3A_393 = arith.addi %mul3A_391, %add3A_392 : i32
        %get3A_394 = arith.index_cast %add3A_393 : i32 to index
        %get3A_395 = arith.constant 48 : index
        %get3A_396 = tpu.vector_load %arg20[%get3A_394, %get3A_395] {strides = array<i32>} : memref<40x128xf32, #tpu.memory_space<vmem>>, vector<1x16xf32>,
        %get3A_397 = vector.shape_cast %get3A_396 : vector<1x16xf32> to vector<16xf32>
        %add3A_398 = arith.addf %get3A_389, %get3A_397 : vector<16xf32>
        %max3A_399 = arith.constant 0.000000e+00 : f32
        %max3A_400 = vector.broadcast %max3A_399 : f32 to vector<16xf32>
        %max3A_401 = arith.maximumf %add3A_398, %max3A_400 : vector<16xf32>
        %mul3A_402 = arith.constant 2 : i32
        %mul3A_403 = arith.muli %mul3A_402, %scan3A_297 : i32
        %add3A_404 = arith.constant 0 : i32
        %add3A_405 = arith.addi %mul3A_403, %add3A_404 : i32
        %swap3A_406 = arith.index_cast %add3A_405 : i32 to index
        %swap3A_407 = arith.constant 48 : index
        %swap3A_408 = tpu.vector_load %arg16[%swap3A_406, %swap3A_407] {strides = array<i32>} : memref<40x128xf32, #tpu.memory_space<vmem>>, vector<1x16xf32>,
        %swap3A_409 = vector.shape_cast %swap3A_408 : vector<1x16xf32> to vector<16xf32>
        %swap3A_410 = vector.shape_cast %max3A_401 : vector<16xf32> to vector<1x16xf32>
        tpu.vector_store %arg16[%swap3A_406, %swap3A_407], %swap3A_410 {strides = array<i32>} : memref<40x128xf32, #tpu.memory_space<vmem>>, vector<1x16xf32>,
        %mul3A_411 = arith.constant 2 : i32
        %mul3A_412 = arith.muli %mul3A_411, %scan3A_297 : i32
        %add3A_413 = arith.constant 0 : i32
        %add3A_414 = arith.addi %mul3A_412, %add3A_413 : i32
        %get3A_415 = arith.index_cast %add3A_414 : i32 to index
        %get3A_416 = arith.constant 64 : index
        %get3A_417 = tpu.vector_load %arg16[%get3A_415, %get3A_416] {strides = array<i32>} : memref<40x128xf32, #tpu.memory_space<vmem>>, vector<1x16xf32>,
        %get3A_418 = vector.shape_cast %get3A_417 : vector<1x16xf32> to vector<16xf32>
        %mul3A_419 = arith.constant 2 : i32
        %mul3A_420 = arith.muli %mul3A_419, %scan3A_297 : i32
        %add3A_421 = arith.constant 0 : i32
        %add3A_422 = arith.addi %mul3A_420, %add3A_421 : i32
        %get3A_423 = arith.index_cast %add3A_422 : i32 to index
        %get3A_424 = arith.constant 64 : index
        %get3A_425 = tpu.vector_load %arg20[%get3A_423, %get3A_424] {strides = array<i32>} : memref<40x128xf32, #tpu.memory_space<vmem>>, vector<1x16xf32>,
        %get3A_426 = vector.shape_cast %get3A_425 : vector<1x16xf32> to vector<16xf32>
        %add3A_427 = arith.addf %get3A_418, %get3A_426 : vector<16xf32>
        %max3A_428 = arith.constant 0.000000e+00 : f32
        %max3A_429 = vector.broadcast %max3A_428 : f32 to vector<16xf32>
        %max3A_430 = arith.maximumf %add3A_427, %max3A_429 : vector<16xf32>
        %mul3A_431 = arith.constant 2 : i32
        %mul3A_432 = arith.muli %mul3A_431, %scan3A_297 : i32
        %add3A_433 = arith.constant 0 : i32
        %add3A_434 = arith.addi %mul3A_432, %add3A_433 : i32
        %swap3A_435 = arith.index_cast %add3A_434 : i32 to index
        %swap3A_436 = arith.constant 64 : index
        %swap3A_437 = tpu.vector_load %arg16[%swap3A_435, %swap3A_436] {strides = array<i32>} : memref<40x128xf32, #tpu.memory_space<vmem>>, vector<1x16xf32>,
        %swap3A_438 = vector.shape_cast %swap3A_437 : vector<1x16xf32> to vector<16xf32>
        %swap3A_439 = vector.shape_cast %max3A_430 : vector<16xf32> to vector<1x16xf32>
        tpu.vector_store %arg16[%swap3A_435, %swap3A_436], %swap3A_439 {strides = array<i32>} : memref<40x128xf32, #tpu.memory_space<vmem>>, vector<1x16xf32>,
        %mul3A_440 = arith.constant 2 : i32
        %mul3A_441 = arith.muli %mul3A_440, %scan3A_297 : i32
        %add3A_442 = arith.constant 0 : i32
        %add3A_443 = arith.addi %mul3A_441, %add3A_442 : i32
        %get3A_444 = arith.index_cast %add3A_443 : i32 to index
        %get3A_445 = arith.constant 80 : index
        %get3A_446 = tpu.vector_load %arg16[%get3A_444, %get3A_445] {strides = array<i32>} : memref<40x128xf32, #tpu.memory_space<vmem>>, vector<1x16xf32>,
        %get3A_447 = vector.shape_cast %get3A_446 : vector<1x16xf32> to vector<16xf32>
        %mul3A_448 = arith.constant 2 : i32
        %mul3A_449 = arith.muli %mul3A_448, %scan3A_297 : i32
        %add3A_450 = arith.constant 0 : i32
        %add3A_451 = arith.addi %mul3A_449, %add3A_450 : i32
        %get3A_452 = arith.index_cast %add3A_451 : i32 to index
        %get3A_453 = arith.constant 80 : index
        %get3A_454 = tpu.vector_load %arg20[%get3A_452, %get3A_453] {strides = array<i32>} : memref<40x128xf32, #tpu.memory_space<vmem>>, vector<1x16xf32>,
        %get3A_455 = vector.shape_cast %get3A_454 : vector<1x16xf32> to vector<16xf32>
        %add3A_456 = arith.addf %get3A_447, %get3A_455 : vector<16xf32>
        %max3A_457 = arith.constant 0.000000e+00 : f32
        %max3A_458 = vector.broadcast %max3A_457 : f32 to vector<16xf32>
        %max3A_459 = arith.maximumf %add3A_456, %max3A_458 : vector<16xf32>
        %mul3A_460 = arith.constant 2 : i32
        %mul3A_461 = arith.muli %mul3A_460, %scan3A_297 : i32
        %add3A_462 = arith.constant 0 : i32
        %add3A_463 = arith.addi %mul3A_461, %add3A_462 : i32
        %swap3A_464 = arith.index_cast %add3A_463 : i32 to index
        %swap3A_465 = arith.constant 80 : index
        %swap3A_466 = tpu.vector_load %arg16[%swap3A_464, %swap3A_465] {strides = array<i32>} : memref<40x128xf32, #tpu.memory_space<vmem>>, vector<1x16xf32>,
        %swap3A_467 = vector.shape_cast %swap3A_466 : vector<1x16xf32> to vector<16xf32>
        %swap3A_468 = vector.shape_cast %max3A_459 : vector<16xf32> to vector<1x16xf32>
        tpu.vector_store %arg16[%swap3A_464, %swap3A_465], %swap3A_468 {strides = array<i32>} : memref<40x128xf32, #tpu.memory_space<vmem>>, vector<1x16xf32>,
        %mul3A_469 = arith.constant 2 : i32
        %mul3A_470 = arith.muli %mul3A_469, %scan3A_297 : i32
        %add3A_471 = arith.constant 0 : i32
        %add3A_472 = arith.addi %mul3A_470, %add3A_471 : i32
        %get3A_473 = arith.index_cast %add3A_472 : i32 to index
        %get3A_474 = arith.constant 96 : index
        %get3A_475 = tpu.vector_load %arg16[%get3A_473, %get3A_474] {strides = array<i32>} : memref<40x128xf32, #tpu.memory_space<vmem>>, vector<1x16xf32>,
        %get3A_476 = vector.shape_cast %get3A_475 : vector<1x16xf32> to vector<16xf32>
        %mul3A_477 = arith.constant 2 : i32
        %mul3A_478 = arith.muli %mul3A_477, %scan3A_297 : i32
        %add3A_479 = arith.constant 0 : i32
        %add3A_480 = arith.addi %mul3A_478, %add3A_479 : i32
        %get3A_481 = arith.index_cast %add3A_480 : i32 to index
        %get3A_482 = arith.constant 96 : index
        %get3A_483 = tpu.vector_load %arg20[%get3A_481, %get3A_482] {strides = array<i32>} : memref<40x128xf32, #tpu.memory_space<vmem>>, vector<1x16xf32>,
        %get3A_484 = vector.shape_cast %get3A_483 : vector<1x16xf32> to vector<16xf32>
        %add3A_485 = arith.addf %get3A_476, %get3A_484 : vector<16xf32>
        %max3A_486 = arith.constant 0.000000e+00 : f32
        %max3A_487 = vector.broadcast %max3A_486 : f32 to vector<16xf32>
        %max3A_488 = arith.maximumf %add3A_485, %max3A_487 : vector<16xf32>
        %mul3A_489 = arith.constant 2 : i32
        %mul3A_490 = arith.muli %mul3A_489, %scan3A_297 : i32
        %add3A_491 = arith.constant 0 : i32
        %add3A_492 = arith.addi %mul3A_490, %add3A_491 : i32
        %swap3A_493 = arith.index_cast %add3A_492 : i32 to index
        %swap3A_494 = arith.constant 96 : index
        %swap3A_495 = tpu.vector_load %arg16[%swap3A_493, %swap3A_494] {strides = array<i32>} : memref<40x128xf32, #tpu.memory_space<vmem>>, vector<1x16xf32>,
        %swap3A_496 = vector.shape_cast %swap3A_495 : vector<1x16xf32> to vector<16xf32>
        %swap3A_497 = vector.shape_cast %max3A_488 : vector<16xf32> to vector<1x16xf32>
        tpu.vector_store %arg16[%swap3A_493, %swap3A_494], %swap3A_497 {strides = array<i32>} : memref<40x128xf32, #tpu.memory_space<vmem>>, vector<1x16xf32>,
        %mul3A_498 = arith.constant 2 : i32
        %mul3A_499 = arith.muli %mul3A_498, %scan3A_297 : i32
        %add3A_500 = arith.constant 0 : i32
        %add3A_501 = arith.addi %mul3A_499, %add3A_500 : i32
        %get3A_502 = arith.index_cast %add3A_501 : i32 to index
        %get3A_503 = arith.constant 112 : index
        %get3A_504 = tpu.vector_load %arg16[%get3A_502, %get3A_503] {strides = array<i32>} : memref<40x128xf32, #tpu.memory_space<vmem>>, vector<1x16xf32>,
        %get3A_505 = vector.shape_cast %get3A_504 : vector<1x16xf32> to vector<16xf32>
        %mul3A_506 = arith.constant 2 : i32
        %mul3A_507 = arith.muli %mul3A_506, %scan3A_297 : i32
        %add3A_508 = arith.constant 0 : i32
        %add3A_509 = arith.addi %mul3A_507, %add3A_508 : i32
        %get3A_510 = arith.index_cast %add3A_509 : i32 to index
        %get3A_511 = arith.constant 112 : index
        %get3A_512 = tpu.vector_load %arg20[%get3A_510, %get3A_511] {strides = array<i32>} : memref<40x128xf32, #tpu.memory_space<vmem>>, vector<1x16xf32>,
        %get3A_513 = vector.shape_cast %get3A_512 : vector<1x16xf32> to vector<16xf32>
        %add3A_514 = arith.addf %get3A_505, %get3A_513 : vector<16xf32>
        %max3A_515 = arith.constant 0.000000e+00 : f32
        %max3A_516 = vector.broadcast %max3A_515 : f32 to vector<16xf32>
        %max3A_517 = arith.maximumf %add3A_514, %max3A_516 : vector<16xf32>
        %mul3A_518 = arith.constant 2 : i32
        %mul3A_519 = arith.muli %mul3A_518, %scan3A_297 : i32
        %add3A_520 = arith.constant 0 : i32
        %add3A_521 = arith.addi %mul3A_519, %add3A_520 : i32
        %swap3A_522 = arith.index_cast %add3A_521 : i32 to index
        %swap3A_523 = arith.constant 112 : index
        %swap3A_524 = tpu.vector_load %arg16[%swap3A_522, %swap3A_523] {strides = array<i32>} : memref<40x128xf32, #tpu.memory_space<vmem>>, vector<1x16xf32>,
        %swap3A_525 = vector.shape_cast %swap3A_524 : vector<1x16xf32> to vector<16xf32>
        %swap3A_526 = vector.shape_cast %max3A_517 : vector<16xf32> to vector<1x16xf32>
        tpu.vector_store %arg16[%swap3A_522, %swap3A_523], %swap3A_526 {strides = array<i32>} : memref<40x128xf32, #tpu.memory_space<vmem>>, vector<1x16xf32>,
        %mul3A_527 = arith.constant 2 : i32
        %mul3A_528 = arith.muli %mul3A_527, %scan3A_297 : i32
        %add3A_529 = arith.constant 1 : i32
        %add3A_530 = arith.addi %mul3A_528, %add3A_529 : i32
        %get3A_531 = arith.index_cast %add3A_530 : i32 to index
        %get3A_532 = arith.constant 0 : index
        %get3A_533 = tpu.vector_load %arg16[%get3A_531, %get3A_532] {strides = array<i32>} : memref<40x128xf32, #tpu.memory_space<vmem>>, vector<1x16xf32>,
        %get3A_534 = vector.shape_cast %get3A_533 : vector<1x16xf32> to vector<16xf32>
        %mul3A_535 = arith.constant 2 : i32
        %mul3A_536 = arith.muli %mul3A_535, %scan3A_297 : i32
        %add3A_537 = arith.constant 1 : i32
        %add3A_538 = arith.addi %mul3A_536, %add3A_537 : i32
        %get3A_539 = arith.index_cast %add3A_538 : i32 to index
        %get3A_540 = arith.constant 0 : index
        %get3A_541 = tpu.vector_load %arg20[%get3A_539, %get3A_540] {strides = array<i32>} : memref<40x128xf32, #tpu.memory_space<vmem>>, vector<1x16xf32>,
        %get3A_542 = vector.shape_cast %get3A_541 : vector<1x16xf32> to vector<16xf32>
        %add3A_543 = arith.addf %get3A_534, %get3A_542 : vector<16xf32>
        %max3A_544 = arith.constant 0.000000e+00 : f32
        %max3A_545 = vector.broadcast %max3A_544 : f32 to vector<16xf32>
        %max3A_546 = arith.maximumf %add3A_543, %max3A_545 : vector<16xf32>
        %mul3A_547 = arith.constant 2 : i32
        %mul3A_548 = arith.muli %mul3A_547, %scan3A_297 : i32
        %add3A_549 = arith.constant 1 : i32
        %add3A_550 = arith.addi %mul3A_548, %add3A_549 : i32
        %swap3A_551 = arith.index_cast %add3A_550 : i32 to index
        %swap3A_552 = arith.constant 0 : index
        %swap3A_553 = tpu.vector_load %arg16[%swap3A_551, %swap3A_552] {strides = array<i32>} : memref<40x128xf32, #tpu.memory_space<vmem>>, vector<1x16xf32>,
        %swap3A_554 = vector.shape_cast %swap3A_553 : vector<1x16xf32> to vector<16xf32>
        %swap3A_555 = vector.shape_cast %max3A_546 : vector<16xf32> to vector<1x16xf32>
        tpu.vector_store %arg16[%swap3A_551, %swap3A_552], %swap3A_555 {strides = array<i32>} : memref<40x128xf32, #tpu.memory_space<vmem>>, vector<1x16xf32>,
        %mul3A_556 = arith.constant 2 : i32
        %mul3A_557 = arith.muli %mul3A_556, %scan3A_297 : i32
        %add3A_558 = arith.constant 1 : i32
        %add3A_559 = arith.addi %mul3A_557, %add3A_558 : i32
        %get3A_560 = arith.index_cast %add3A_559 : i32 to index
        %get3A_561 = arith.constant 16 : index
        %get3A_562 = tpu.vector_load %arg16[%get3A_560, %get3A_561] {strides = array<i32>} : memref<40x128xf32, #tpu.memory_space<vmem>>, vector<1x16xf32>,
        %get3A_563 = vector.shape_cast %get3A_562 : vector<1x16xf32> to vector<16xf32>
        %mul3A_564 = arith.constant 2 : i32
        %mul3A_565 = arith.muli %mul3A_564, %scan3A_297 : i32
        %add3A_566 = arith.constant 1 : i32
        %add3A_567 = arith.addi %mul3A_565, %add3A_566 : i32
        %get3A_568 = arith.index_cast %add3A_567 : i32 to index
        %get3A_569 = arith.constant 16 : index
        %get3A_570 = tpu.vector_load %arg20[%get3A_568, %get3A_569] {strides = array<i32>} : memref<40x128xf32, #tpu.memory_space<vmem>>, vector<1x16xf32>,
        %get3A_571 = vector.shape_cast %get3A_570 : vector<1x16xf32> to vector<16xf32>
        %add3A_572 = arith.addf %get3A_563, %get3A_571 : vector<16xf32>
        %max3A_573 = arith.constant 0.000000e+00 : f32
        %max3A_574 = vector.broadcast %max3A_573 : f32 to vector<16xf32>
        %max3A_575 = arith.maximumf %add3A_572, %max3A_574 : vector<16xf32>
        %mul3A_576 = arith.constant 2 : i32
        %mul3A_577 = arith.muli %mul3A_576, %scan3A_297 : i32
        %add3A_578 = arith.constant 1 : i32
        %add3A_579 = arith.addi %mul3A_577, %add3A_578 : i32
        %swap3A_580 = arith.index_cast %add3A_579 : i32 to index
        %swap3A_581 = arith.constant 16 : index
        %swap3A_582 = tpu.vector_load %arg16[%swap3A_580, %swap3A_581] {strides = array<i32>} : memref<40x128xf32, #tpu.memory_space<vmem>>, vector<1x16xf32>,
        %swap3A_583 = vector.shape_cast %swap3A_582 : vector<1x16xf32> to vector<16xf32>
        %swap3A_584 = vector.shape_cast %max3A_575 : vector<16xf32> to vector<1x16xf32>
        tpu.vector_store %arg16[%swap3A_580, %swap3A_581], %swap3A_584 {strides = array<i32>} : memref<40x128xf32, #tpu.memory_space<vmem>>, vector<1x16xf32>,
        %mul3A_585 = arith.constant 2 : i32
        %mul3A_586 = arith.muli %mul3A_585, %scan3A_297 : i32
        %add3A_587 = arith.constant 1 : i32
        %add3A_588 = arith.addi %mul3A_586, %add3A_587 : i32
        %get3A_589 = arith.index_cast %add3A_588 : i32 to index
        %get3A_590 = arith.constant 32 : index
        %get3A_591 = tpu.vector_load %arg16[%get3A_589, %get3A_590] {strides = array<i32>} : memref<40x128xf32, #tpu.memory_space<vmem>>, vector<1x16xf32>,
        %get3A_592 = vector.shape_cast %get3A_591 : vector<1x16xf32> to vector<16xf32>
        %mul3A_593 = arith.constant 2 : i32
        %mul3A_594 = arith.muli %mul3A_593, %scan3A_297 : i32
        %add3A_595 = arith.constant 1 : i32
        %add3A_596 = arith.addi %mul3A_594, %add3A_595 : i32
        %get3A_597 = arith.index_cast %add3A_596 : i32 to index
        %get3A_598 = arith.constant 32 : index
        %get3A_599 = tpu.vector_load %arg20[%get3A_597, %get3A_598] {strides = array<i32>} : memref<40x128xf32, #tpu.memory_space<vmem>>, vector<1x16xf32>,
        %get3A_600 = vector.shape_cast %get3A_599 : vector<1x16xf32> to vector<16xf32>
        %add3A_601 = arith.addf %get3A_592, %get3A_600 : vector<16xf32>
        %max3A_602 = arith.constant 0.000000e+00 : f32
        %max3A_603 = vector.broadcast %max3A_602 : f32 to vector<16xf32>
        %max3A_604 = arith.maximumf %add3A_601, %max3A_603 : vector<16xf32>
        %mul3A_605 = arith.constant 2 : i32
        %mul3A_606 = arith.muli %mul3A_605, %scan3A_297 : i32
        %add3A_607 = arith.constant 1 : i32
        %add3A_608 = arith.addi %mul3A_606, %add3A_607 : i32
        %swap3A_609 = arith.index_cast %add3A_608 : i32 to index
        %swap3A_610 = arith.constant 32 : index
        %swap3A_611 = tpu.vector_load %arg16[%swap3A_609, %swap3A_610] {strides = array<i32>} : memref<40x128xf32, #tpu.memory_space<vmem>>, vector<1x16xf32>,
        %swap3A_612 = vector.shape_cast %swap3A_611 : vector<1x16xf32> to vector<16xf32>
        %swap3A_613 = vector.shape_cast %max3A_604 : vector<16xf32> to vector<1x16xf32>
        tpu.vector_store %arg16[%swap3A_609, %swap3A_610], %swap3A_613 {strides = array<i32>} : memref<40x128xf32, #tpu.memory_space<vmem>>, vector<1x16xf32>,
        %mul3A_614 = arith.constant 2 : i32
        %mul3A_615 = arith.muli %mul3A_614, %scan3A_297 : i32
        %add3A_616 = arith.constant 1 : i32
        %add3A_617 = arith.addi %mul3A_615, %add3A_616 : i32
        %get3A_618 = arith.index_cast %add3A_617 : i32 to index
        %get3A_619 = arith.constant 48 : index
        %get3A_620 = tpu.vector_load %arg16[%get3A_618, %get3A_619] {strides = array<i32>} : memref<40x128xf32, #tpu.memory_space<vmem>>, vector<1x16xf32>,
        %get3A_621 = vector.shape_cast %get3A_620 : vector<1x16xf32> to vector<16xf32>
        %mul3A_622 = arith.constant 2 : i32
        %mul3A_623 = arith.muli %mul3A_622, %scan3A_297 : i32
        %add3A_624 = arith.constant 1 : i32
        %add3A_625 = arith.addi %mul3A_623, %add3A_624 : i32
        %get3A_626 = arith.index_cast %add3A_625 : i32 to index
        %get3A_627 = arith.constant 48 : index
        %get3A_628 = tpu.vector_load %arg20[%get3A_626, %get3A_627] {strides = array<i32>} : memref<40x128xf32, #tpu.memory_space<vmem>>, vector<1x16xf32>,
        %get3A_629 = vector.shape_cast %get3A_628 : vector<1x16xf32> to vector<16xf32>
        %add3A_630 = arith.addf %get3A_621, %get3A_629 : vector<16xf32>
        %max3A_631 = arith.constant 0.000000e+00 : f32
        %max3A_632 = vector.broadcast %max3A_631 : f32 to vector<16xf32>
        %max3A_633 = arith.maximumf %add3A_630, %max3A_632 : vector<16xf32>
        %mul3A_634 = arith.constant 2 : i32
        %mul3A_635 = arith.muli %mul3A_634, %scan3A_297 : i32
        %add3A_636 = arith.constant 1 : i32
        %add3A_637 = arith.addi %mul3A_635, %add3A_636 : i32
        %swap3A_638 = arith.index_cast %add3A_637 : i32 to index
        %swap3A_639 = arith.constant 48 : index
        %swap3A_640 = tpu.vector_load %arg16[%swap3A_638, %swap3A_639] {strides = array<i32>} : memref<40x128xf32, #tpu.memory_space<vmem>>, vector<1x16xf32>,
        %swap3A_641 = vector.shape_cast %swap3A_640 : vector<1x16xf32> to vector<16xf32>
        %swap3A_642 = vector.shape_cast %max3A_633 : vector<16xf32> to vector<1x16xf32>
        tpu.vector_store %arg16[%swap3A_638, %swap3A_639], %swap3A_642 {strides = array<i32>} : memref<40x128xf32, #tpu.memory_space<vmem>>, vector<1x16xf32>,
        %mul3A_643 = arith.constant 2 : i32
        %mul3A_644 = arith.muli %mul3A_643, %scan3A_297 : i32
        %add3A_645 = arith.constant 1 : i32
        %add3A_646 = arith.addi %mul3A_644, %add3A_645 : i32
        %get3A_647 = arith.index_cast %add3A_646 : i32 to index
        %get3A_648 = arith.constant 64 : index
        %get3A_649 = tpu.vector_load %arg16[%get3A_647, %get3A_648] {strides = array<i32>} : memref<40x128xf32, #tpu.memory_space<vmem>>, vector<1x16xf32>,
        %get3A_650 = vector.shape_cast %get3A_649 : vector<1x16xf32> to vector<16xf32>
        %mul3A_651 = arith.constant 2 : i32
        %mul3A_652 = arith.muli %mul3A_651, %scan3A_297 : i32
        %add3A_653 = arith.constant 1 : i32
        %add3A_654 = arith.addi %mul3A_652, %add3A_653 : i32
        %get3A_655 = arith.index_cast %add3A_654 : i32 to index
        %get3A_656 = arith.constant 64 : index
        %get3A_657 = tpu.vector_load %arg20[%get3A_655, %get3A_656] {strides = array<i32>} : memref<40x128xf32, #tpu.memory_space<vmem>>, vector<1x16xf32>,
        %get3A_658 = vector.shape_cast %get3A_657 : vector<1x16xf32> to vector<16xf32>
        %add3A_659 = arith.addf %get3A_650, %get3A_658 : vector<16xf32>
        %max3A_660 = arith.constant 0.000000e+00 : f32
        %max3A_661 = vector.broadcast %max3A_660 : f32 to vector<16xf32>
        %max3A_662 = arith.maximumf %add3A_659, %max3A_661 : vector<16xf32>
        %mul3A_663 = arith.constant 2 : i32
        %mul3A_664 = arith.muli %mul3A_663, %scan3A_297 : i32
        %add3A_665 = arith.constant 1 : i32
        %add3A_666 = arith.addi %mul3A_664, %add3A_665 : i32
        %swap3A_667 = arith.index_cast %add3A_666 : i32 to index
        %swap3A_668 = arith.constant 64 : index
        %swap3A_669 = tpu.vector_load %arg16[%swap3A_667, %swap3A_668] {strides = array<i32>} : memref<40x128xf32, #tpu.memory_space<vmem>>, vector<1x16xf32>,
        %swap3A_670 = vector.shape_cast %swap3A_669 : vector<1x16xf32> to vector<16xf32>
        %swap3A_671 = vector.shape_cast %max3A_662 : vector<16xf32> to vector<1x16xf32>
        tpu.vector_store %arg16[%swap3A_667, %swap3A_668], %swap3A_671 {strides = array<i32>} : memref<40x128xf32, #tpu.memory_space<vmem>>, vector<1x16xf32>,
        %mul3A_672 = arith.constant 2 : i32
        %mul3A_673 = arith.muli %mul3A_672, %scan3A_297 : i32
        %add3A_674 = arith.constant 1 : i32
        %add3A_675 = arith.addi %mul3A_673, %add3A_674 : i32
        %get3A_676 = arith.index_cast %add3A_675 : i32 to index
        %get3A_677 = arith.constant 80 : index
        %get3A_678 = tpu.vector_load %arg16[%get3A_676, %get3A_677] {strides = array<i32>} : memref<40x128xf32, #tpu.memory_space<vmem>>, vector<1x16xf32>,
        %get3A_679 = vector.shape_cast %get3A_678 : vector<1x16xf32> to vector<16xf32>
        %mul3A_680 = arith.constant 2 : i32
        %mul3A_681 = arith.muli %mul3A_680, %scan3A_297 : i32
        %add3A_682 = arith.constant 1 : i32
        %add3A_683 = arith.addi %mul3A_681, %add3A_682 : i32
        %get3A_684 = arith.index_cast %add3A_683 : i32 to index
        %get3A_685 = arith.constant 80 : index
        %get3A_686 = tpu.vector_load %arg20[%get3A_684, %get3A_685] {strides = array<i32>} : memref<40x128xf32, #tpu.memory_space<vmem>>, vector<1x16xf32>,
        %get3A_687 = vector.shape_cast %get3A_686 : vector<1x16xf32> to vector<16xf32>
        %add3A_688 = arith.addf %get3A_679, %get3A_687 : vector<16xf32>
        %max3A_689 = arith.constant 0.000000e+00 : f32
        %max3A_690 = vector.broadcast %max3A_689 : f32 to vector<16xf32>
        %max3A_691 = arith.maximumf %add3A_688, %max3A_690 : vector<16xf32>
        %mul3A_692 = arith.constant 2 : i32
        %mul3A_693 = arith.muli %mul3A_692, %scan3A_297 : i32
        %add3A_694 = arith.constant 1 : i32
        %add3A_695 = arith.addi %mul3A_693, %add3A_694 : i32
        %swap3A_696 = arith.index_cast %add3A_695 : i32 to index
        %swap3A_697 = arith.constant 80 : index
        %swap3A_698 = tpu.vector_load %arg16[%swap3A_696, %swap3A_697] {strides = array<i32>} : memref<40x128xf32, #tpu.memory_space<vmem>>, vector<1x16xf32>,
        %swap3A_699 = vector.shape_cast %swap3A_698 : vector<1x16xf32> to vector<16xf32>
        %swap3A_700 = vector.shape_cast %max3A_691 : vector<16xf32> to vector<1x16xf32>
        tpu.vector_store %arg16[%swap3A_696, %swap3A_697], %swap3A_700 {strides = array<i32>} : memref<40x128xf32, #tpu.memory_space<vmem>>, vector<1x16xf32>,
        %mul3A_701 = arith.constant 2 : i32
        %mul3A_702 = arith.muli %mul3A_701, %scan3A_297 : i32
        %add3A_703 = arith.constant 1 : i32
        %add3A_704 = arith.addi %mul3A_702, %add3A_703 : i32
        %get3A_705 = arith.index_cast %add3A_704 : i32 to index
        %get3A_706 = arith.constant 96 : index
        %get3A_707 = tpu.vector_load %arg16[%get3A_705, %get3A_706] {strides = array<i32>} : memref<40x128xf32, #tpu.memory_space<vmem>>, vector<1x16xf32>,
        %get3A_708 = vector.shape_cast %get3A_707 : vector<1x16xf32> to vector<16xf32>
        %mul3A_709 = arith.constant 2 : i32
        %mul3A_710 = arith.muli %mul3A_709, %scan3A_297 : i32
        %add3A_711 = arith.constant 1 : i32
        %add3A_712 = arith.addi %mul3A_710, %add3A_711 : i32
        %get3A_713 = arith.index_cast %add3A_712 : i32 to index
        %get3A_714 = arith.constant 96 : index
        %get3A_715 = tpu.vector_load %arg20[%get3A_713, %get3A_714] {strides = array<i32>} : memref<40x128xf32, #tpu.memory_space<vmem>>, vector<1x16xf32>,
        %get3A_716 = vector.shape_cast %get3A_715 : vector<1x16xf32> to vector<16xf32>
        %add3A_717 = arith.addf %get3A_708, %get3A_716 : vector<16xf32>
        %max3A_718 = arith.constant 0.000000e+00 : f32
        %max3A_719 = vector.broadcast %max3A_718 : f32 to vector<16xf32>
        %max3A_720 = arith.maximumf %add3A_717, %max3A_719 : vector<16xf32>
        %mul3A_721 = arith.constant 2 : i32
        %mul3A_722 = arith.muli %mul3A_721, %scan3A_297 : i32
        %add3A_723 = arith.constant 1 : i32
        %add3A_724 = arith.addi %mul3A_722, %add3A_723 : i32
        %swap3A_725 = arith.index_cast %add3A_724 : i32 to index
        %swap3A_726 = arith.constant 96 : index
        %swap3A_727 = tpu.vector_load %arg16[%swap3A_725, %swap3A_726] {strides = array<i32>} : memref<40x128xf32, #tpu.memory_space<vmem>>, vector<1x16xf32>,
        %swap3A_728 = vector.shape_cast %swap3A_727 : vector<1x16xf32> to vector<16xf32>
        %swap3A_729 = vector.shape_cast %max3A_720 : vector<16xf32> to vector<1x16xf32>
        tpu.vector_store %arg16[%swap3A_725, %swap3A_726], %swap3A_729 {strides = array<i32>} : memref<40x128xf32, #tpu.memory_space<vmem>>, vector<1x16xf32>,
        %mul3A_730 = arith.constant 2 : i32
        %mul3A_731 = arith.muli %mul3A_730, %scan3A_297 : i32
        %add3A_732 = arith.constant 1 : i32
        %add3A_733 = arith.addi %mul3A_731, %add3A_732 : i32
        %get3A_734 = arith.index_cast %add3A_733 : i32 to index
        %get3A_735 = arith.constant 112 : index
        %get3A_736 = tpu.vector_load %arg16[%get3A_734, %get3A_735] {strides = array<i32>} : memref<40x128xf32, #tpu.memory_space<vmem>>, vector<1x16xf32>,
        %get3A_737 = vector.shape_cast %get3A_736 : vector<1x16xf32> to vector<16xf32>
        %mul3A_738 = arith.constant 2 : i32
        %mul3A_739 = arith.muli %mul3A_738, %scan3A_297 : i32
        %add3A_740 = arith.constant 1 : i32
        %add3A_741 = arith.addi %mul3A_739, %add3A_740 : i32
        %get3A_742 = arith.index_cast %add3A_741 : i32 to index
        %get3A_743 = arith.constant 112 : index
        %get3A_744 = tpu.vector_load %arg20[%get3A_742, %get3A_743] {strides = array<i32>} : memref<40x128xf32, #tpu.memory_space<vmem>>, vector<1x16xf32>,
        %get3A_745 = vector.shape_cast %get3A_744 : vector<1x16xf32> to vector<16xf32>
        %add3A_746 = arith.addf %get3A_737, %get3A_745 : vector<16xf32>
        %max3A_747 = arith.constant 0.000000e+00 : f32
        %max3A_748 = vector.broadcast %max3A_747 : f32 to vector<16xf32>
        %max3A_749 = arith.maximumf %add3A_746, %max3A_748 : vector<16xf32>
        %mul3A_750 = arith.constant 2 : i32
        %mul3A_751 = arith.muli %mul3A_750, %scan3A_297 : i32
        %add3A_752 = arith.constant 1 : i32
        %add3A_753 = arith.addi %mul3A_751, %add3A_752 : i32
        %swap3A_754 = arith.index_cast %add3A_753 : i32 to index
        %swap3A_755 = arith.constant 112 : index
        %swap3A_756 = tpu.vector_load %arg16[%swap3A_754, %swap3A_755] {strides = array<i32>} : memref<40x128xf32, #tpu.memory_space<vmem>>, vector<1x16xf32>,
        %swap3A_757 = vector.shape_cast %swap3A_756 : vector<1x16xf32> to vector<16xf32>
        %swap3A_758 = vector.shape_cast %max3A_749 : vector<16xf32> to vector<1x16xf32>
        tpu.vector_store %arg16[%swap3A_754, %swap3A_755], %swap3A_758 {strides = array<i32>} : memref<40x128xf32, #tpu.memory_space<vmem>>, vector<1x16xf32>,
      }
      %scan3A_167 = arith.constant 20 : i32
      %ge3A = arith.constant 2 : i32
      %ge3A_168 = arith.cmpi sge, %mul3A_154, %ge3A : i32
      %convert_element_type3A = arith.extui %ge3A_168 : i1 to i32
      %cond3A = arith.constant 0 : i32
      %cond3A_169 = arith.cmpi ne, %convert_element_type3A, %cond3A : i32
      scf.if %cond3A_169 {
        %mul3A_297 = arith.constant 40 : i32
        %mul3A_298 = arith.muli %mul3A_154, %mul3A_297 : i32
        %add3A_299 = arith.addi %mul3A_2, %mul3A_298 : i32
        %dma_wait3A_300 = tpu.memref_slice %arg3[%add3A_299] : memref<160000xi32, #tpu.memory_space<hbm>> -> memref<40xi32, #tpu.memory_space<hbm>>
        %dma_wait3A_301 = tpu.memref_slice %arg3[%add3A_299] : memref<160000xi32, #tpu.memory_space<hbm>> -> memref<40xi32, #tpu.memory_space<hbm>>
        tpu.wait_dma2 semaphore(%arg37 : memref<!tpu.dma_semaphore, #tpu.memory_space<semaphore_mem>>) src(%dma_wait3A_301 : memref<40xi32, #tpu.memory_space<hbm>>) dst(%arg12 : memref<40xi32, #tpu.memory_space<vmem>>)
      } else {
      }
      %dma_start3A_170 = arith.constant 0 : i32
      %dma_start3A_171 = arith.constant 0 : i32
      %dma_start3A_172 = tpu.memref_slice %arg24[%dma_start3A_170, %dma_start3A_171] : memref<10240x128xf32, #tpu.memory_space<vmem_shared>> -> memref<10240x128xf32, #tpu.memory_space<vmem_shared>>
      tpu.enqueue_indirect_dma source(%arg16 : memref<40x128xf32, #tpu.memory_space<vmem>>) target(%dma_start3A_172 : memref<10240x128xf32, #tpu.memory_space<vmem_shared>>) offsets(%arg12 : memref<40xi32, #tpu.memory_space<vmem>>) semaphore(%arg41 : memref<!tpu.dma_semaphore, #tpu.memory_space<semaphore_mem>>) {add = true}
      %add3A_173 = arith.constant 2 : i32
      %add3A_174 = arith.addi %mul3A_154, %add3A_173 : i32
      %lt3A = arith.constant 250 : i32
      %lt3A_175 = arith.cmpi slt, %add3A_174, %lt3A : i32
      %convert_element_type3A_176 = arith.extui %lt3A_175 : i1 to i32
      %cond3A_177 = arith.constant 0 : i32
      %cond3A_178 = arith.cmpi ne, %convert_element_type3A_176, %cond3A_177 : i32
      scf.if %cond3A_178 {
        %ge3A_297 = arith.constant 2 : i32
        %ge3A_298 = arith.cmpi sge, %mul3A_154, %ge3A_297 : i32
        %convert_element_type3A_299 = arith.extui %ge3A_298 : i1 to i32
        %cond3A_300 = arith.constant 0 : i32
        %cond3A_301 = arith.cmpi ne, %convert_element_type3A_299, %cond3A_300 : i32
        scf.if %cond3A_301 {
          %dma_wait3A_325 = arith.constant 0 : i32
          %dma_wait3A_326 = arith.constant 0 : i32
          %dma_wait3A_327 = tpu.memref_slice %arg24[%dma_wait3A_325, %dma_wait3A_326] : memref<10240x128xf32, #tpu.memory_space<vmem_shared>> -> memref<10240x128xf32, #tpu.memory_space<vmem_shared>>
          tpu.wait_indirect_dma semaphore(%arg43 : memref<!tpu.dma_semaphore, #tpu.memory_space<semaphore_mem>>) src(%arg18 : memref<40x128xf32, #tpu.memory_space<vmem>>) dst(%dma_wait3A_327 : memref<10240x128xf32, #tpu.memory_space<vmem_shared>>)
        } else {
        }
        %add3A_302 = arith.constant 2 : i32
        %add3A_303 = arith.addi %mul3A_154, %add3A_302 : i32
        %mul3A_304 = arith.constant 40 : i32
        %mul3A_305 = arith.muli %add3A_303, %mul3A_304 : i32
        %add3A_306 = arith.addi %mul3A_2, %mul3A_305 : i32
        %dma_start3A_307 = tpu.memref_slice %arg3[%add3A_306] : memref<160000xi32, #tpu.memory_space<hbm>> -> memref<40xi32, #tpu.memory_space<hbm>>
        %dma_start3A_308 = tpu.memref_slice %arg3[%add3A_306] : memref<160000xi32, #tpu.memory_space<hbm>> -> memref<40xi32, #tpu.memory_space<hbm>>
        tpu.enqueue_dma source(%dma_start3A_308 : memref<40xi32, #tpu.memory_space<hbm>>) target(%arg14 : memref<40xi32, #tpu.memory_space<vmem>>) target_semaphore(%arg39 : memref<!tpu.dma_semaphore, #tpu.memory_space<semaphore_mem>>)
        %add3A_309 = arith.constant 2 : i32
        %add3A_310 = arith.addi %mul3A_154, %add3A_309 : i32
        %mul3A_311 = arith.constant 40 : i32
        %mul3A_312 = arith.muli %add3A_310, %mul3A_311 : i32
        %add3A_313 = arith.addi %mul3A_2, %mul3A_312 : i32
        %dma_wait3A_314 = tpu.memref_slice %arg2[%add3A_313] : memref<160000xi32, #tpu.memory_space<hbm>> -> memref<40xi32, #tpu.memory_space<hbm>>
        %dma_wait3A_315 = tpu.memref_slice %arg2[%add3A_313] : memref<160000xi32, #tpu.memory_space<hbm>> -> memref<40xi32, #tpu.memory_space<hbm>>
        tpu.wait_dma2 semaphore(%arg35 : memref<!tpu.dma_semaphore, #tpu.memory_space<semaphore_mem>>) src(%dma_wait3A_315 : memref<40xi32, #tpu.memory_space<hbm>>) dst(%arg10 : memref<40xi32, #tpu.memory_space<vmem>>)
        %add3A_316 = arith.constant 2 : i32
        %add3A_317 = arith.addi %mul3A_154, %add3A_316 : i32
        %mul3A_318 = arith.constant 40 : i32
        %mul3A_319 = arith.muli %add3A_317, %mul3A_318 : i32
        %add3A_320 = arith.addi %mul3A_2, %mul3A_319 : i32
        %dma_start3A_321 = arith.constant 0 : i32
        %dma_start3A_322 = tpu.memref_slice %arg4[%dma_start3A_321, %multiple_of3A] : memref<10000x256xf32, #tpu.memory_space<hbm>> -> memref<10000x128xf32, #tpu.memory_space<hbm>>
        tpu.enqueue_indirect_dma source(%dma_start3A_322 : memref<10000x128xf32, #tpu.memory_space<hbm>>) target(%arg18 : memref<40x128xf32, #tpu.memory_space<vmem>>) offsets(%arg10 : memref<40xi32, #tpu.memory_space<vmem>>) semaphore(%arg27 : memref<!tpu.dma_semaphore, #tpu.memory_space<semaphore_mem>>)
        %dma_start3A_323 = tpu.memref_slice %arg5[%add3A_320, %multiple_of3A] : memref<160000x256xf32, #tpu.memory_space<hbm>> -> memref<40x128xf32, #tpu.memory_space<hbm>>
        %dma_start3A_324 = tpu.memref_slice %arg5[%add3A_320, %multiple_of3A] : memref<160000x256xf32, #tpu.memory_space<hbm>> -> memref<40x128xf32, #tpu.memory_space<hbm>>
        tpu.enqueue_dma source(%dma_start3A_324 : memref<40x128xf32, #tpu.memory_space<hbm>>) target(%arg22 : memref<40x128xf32, #tpu.memory_space<vmem>>) target_semaphore(%arg31 : memref<!tpu.dma_semaphore, #tpu.memory_space<semaphore_mem>>)
      } else {
      }
      %add3A_179 = arith.constant 4 : i32
      %add3A_180 = arith.addi %mul3A_154, %add3A_179 : i32
      %lt3A_181 = arith.constant 250 : i32
      %lt3A_182 = arith.cmpi slt, %add3A_180, %lt3A_181 : i32
      %convert_element_type3A_183 = arith.extui %lt3A_182 : i1 to i32
      %cond3A_184 = arith.constant 0 : i32
      %cond3A_185 = arith.cmpi ne, %convert_element_type3A_183, %cond3A_184 : i32
      scf.if %cond3A_185 {
        %add3A_297 = arith.constant 4 : i32
        %add3A_298 = arith.addi %mul3A_154, %add3A_297 : i32
        %mul3A_299 = arith.constant 40 : i32
        %mul3A_300 = arith.muli %add3A_298, %mul3A_299 : i32
        %add3A_301 = arith.addi %mul3A_2, %mul3A_300 : i32
        %dma_start3A_302 = tpu.memref_slice %arg2[%add3A_301] : memref<160000xi32, #tpu.memory_space<hbm>> -> memref<40xi32, #tpu.memory_space<hbm>>
        %dma_start3A_303 = tpu.memref_slice %arg2[%add3A_301] : memref<160000xi32, #tpu.memory_space<hbm>> -> memref<40xi32, #tpu.memory_space<hbm>>
        tpu.enqueue_dma source(%dma_start3A_303 : memref<40xi32, #tpu.memory_space<hbm>>) target(%arg8 : memref<40xi32, #tpu.memory_space<vmem>>) target_semaphore(%arg33 : memref<!tpu.dma_semaphore, #tpu.memory_space<semaphore_mem>>)
      } else {
      }
      %add3A_186 = arith.constant 1 : i32
      %add3A_187 = arith.addi %mul3A_154, %add3A_186 : i32
      %mul3A_188 = arith.constant 40 : i32
      %mul3A_189 = arith.muli %add3A_187, %mul3A_188 : i32
      %add3A_190 = arith.addi %mul3A_2, %mul3A_189 : i32
      %dma_wait3A_191 = arith.constant 0 : i32
      %dma_wait3A_192 = tpu.memref_slice %arg4[%dma_wait3A_191, %multiple_of3A] : memref<10000x256xf32, #tpu.memory_space<hbm>> -> memref<10000x128xf32, #tpu.memory_space<hbm>>
      tpu.wait_indirect_dma semaphore(%arg26 : memref<!tpu.dma_semaphore, #tpu.memory_space<semaphore_mem>>) src(%dma_wait3A_192 : memref<10000x128xf32, #tpu.memory_space<hbm>>) dst(%arg17 : memref<40x128xf32, #tpu.memory_space<vmem>>)
      %dma_wait3A_193 = tpu.memref_slice %arg5[%add3A_190, %multiple_of3A] : memref<160000x256xf32, #tpu.memory_space<hbm>> -> memref<40x128xf32, #tpu.memory_space<hbm>>
      %dma_wait3A_194 = tpu.memref_slice %arg5[%add3A_190, %multiple_of3A] : memref<160000x256xf32, #tpu.memory_space<hbm>> -> memref<40x128xf32, #tpu.memory_space<hbm>>
      tpu.wait_dma2 semaphore(%arg30 : memref<!tpu.dma_semaphore, #tpu.memory_space<semaphore_mem>>) src(%dma_wait3A_194 : memref<40x128xf32, #tpu.memory_space<hbm>>) dst(%arg21 : memref<40x128xf32, #tpu.memory_space<vmem>>)
      %scan3A_195 = arith.constant 0 : i32
      %scan3A_196 = arith.constant 0 : i32
      %scan3A_197 = arith.constant 20 : i32
      %scan3A_198 = arith.addi %scan3A_196, %scan3A_197 : i32
      %scan3A_199 = arith.constant 1 : i32
      scf.for %scan3A_297 = %scan3A_196 to %scan3A_198 step %scan3A_199  : i32 {
        %mul3A_298 = arith.constant 2 : i32
        %mul3A_299 = arith.muli %mul3A_298, %scan3A_297 : i32
        %add3A_300 = arith.constant 0 : i32
        %add3A_301 = arith.addi %mul3A_299, %add3A_300 : i32
        %get3A = arith.index_cast %add3A_301 : i32 to index
        %get3A_302 = arith.constant 0 : index
        %get3A_303 = tpu.vector_load %arg17[%get3A, %get3A_302] {strides = array<i32>} : memref<40x128xf32, #tpu.memory_space<vmem>>, vector<1x16xf32>,
        %get3A_304 = vector.shape_cast %get3A_303 : vector<1x16xf32> to vector<16xf32>
        %mul3A_305 = arith.constant 2 : i32
        %mul3A_306 = arith.muli %mul3A_305, %scan3A_297 : i32
        %add3A_307 = arith.constant 0 : i32
        %add3A_308 = arith.addi %mul3A_306, %add3A_307 : i32
        %get3A_309 = arith.index_cast %add3A_308 : i32 to index
        %get3A_310 = arith.constant 0 : index
        %get3A_311 = tpu.vector_load %arg21[%get3A_309, %get3A_310] {strides = array<i32>} : memref<40x128xf32, #tpu.memory_space<vmem>>, vector<1x16xf32>,
        %get3A_312 = vector.shape_cast %get3A_311 : vector<1x16xf32> to vector<16xf32>
        %add3A_313 = arith.addf %get3A_304, %get3A_312 : vector<16xf32>
        %max3A = arith.constant 0.000000e+00 : f32
        %max3A_314 = vector.broadcast %max3A : f32 to vector<16xf32>
        %max3A_315 = arith.maximumf %add3A_313, %max3A_314 : vector<16xf32>
        %mul3A_316 = arith.constant 2 : i32
        %mul3A_317 = arith.muli %mul3A_316, %scan3A_297 : i32
        %add3A_318 = arith.constant 0 : i32
        %add3A_319 = arith.addi %mul3A_317, %add3A_318 : i32
        %swap3A = arith.index_cast %add3A_319 : i32 to index
        %swap3A_320 = arith.constant 0 : index
        %swap3A_321 = tpu.vector_load %arg17[%swap3A, %swap3A_320] {strides = array<i32>} : memref<40x128xf32, #tpu.memory_space<vmem>>, vector<1x16xf32>,
        %swap3A_322 = vector.shape_cast %swap3A_321 : vector<1x16xf32> to vector<16xf32>
        %swap3A_323 = vector.shape_cast %max3A_315 : vector<16xf32> to vector<1x16xf32>
        tpu.vector_store %arg17[%swap3A, %swap3A_320], %swap3A_323 {strides = array<i32>} : memref<40x128xf32, #tpu.memory_space<vmem>>, vector<1x16xf32>,
        %mul3A_324 = arith.constant 2 : i32
        %mul3A_325 = arith.muli %mul3A_324, %scan3A_297 : i32
        %add3A_326 = arith.constant 0 : i32
        %add3A_327 = arith.addi %mul3A_325, %add3A_326 : i32
        %get3A_328 = arith.index_cast %add3A_327 : i32 to index
        %get3A_329 = arith.constant 16 : index
        %get3A_330 = tpu.vector_load %arg17[%get3A_328, %get3A_329] {strides = array<i32>} : memref<40x128xf32, #tpu.memory_space<vmem>>, vector<1x16xf32>,
        %get3A_331 = vector.shape_cast %get3A_330 : vector<1x16xf32> to vector<16xf32>
        %mul3A_332 = arith.constant 2 : i32
        %mul3A_333 = arith.muli %mul3A_332, %scan3A_297 : i32
        %add3A_334 = arith.constant 0 : i32
        %add3A_335 = arith.addi %mul3A_333, %add3A_334 : i32
        %get3A_336 = arith.index_cast %add3A_335 : i32 to index
        %get3A_337 = arith.constant 16 : index
        %get3A_338 = tpu.vector_load %arg21[%get3A_336, %get3A_337] {strides = array<i32>} : memref<40x128xf32, #tpu.memory_space<vmem>>, vector<1x16xf32>,
        %get3A_339 = vector.shape_cast %get3A_338 : vector<1x16xf32> to vector<16xf32>
        %add3A_340 = arith.addf %get3A_331, %get3A_339 : vector<16xf32>
        %max3A_341 = arith.constant 0.000000e+00 : f32
        %max3A_342 = vector.broadcast %max3A_341 : f32 to vector<16xf32>
        %max3A_343 = arith.maximumf %add3A_340, %max3A_342 : vector<16xf32>
        %mul3A_344 = arith.constant 2 : i32
        %mul3A_345 = arith.muli %mul3A_344, %scan3A_297 : i32
        %add3A_346 = arith.constant 0 : i32
        %add3A_347 = arith.addi %mul3A_345, %add3A_346 : i32
        %swap3A_348 = arith.index_cast %add3A_347 : i32 to index
        %swap3A_349 = arith.constant 16 : index
        %swap3A_350 = tpu.vector_load %arg17[%swap3A_348, %swap3A_349] {strides = array<i32>} : memref<40x128xf32, #tpu.memory_space<vmem>>, vector<1x16xf32>,
        %swap3A_351 = vector.shape_cast %swap3A_350 : vector<1x16xf32> to vector<16xf32>
        %swap3A_352 = vector.shape_cast %max3A_343 : vector<16xf32> to vector<1x16xf32>
        tpu.vector_store %arg17[%swap3A_348, %swap3A_349], %swap3A_352 {strides = array<i32>} : memref<40x128xf32, #tpu.memory_space<vmem>>, vector<1x16xf32>,
        %mul3A_353 = arith.constant 2 : i32
        %mul3A_354 = arith.muli %mul3A_353, %scan3A_297 : i32
        %add3A_355 = arith.constant 0 : i32
        %add3A_356 = arith.addi %mul3A_354, %add3A_355 : i32
        %get3A_357 = arith.index_cast %add3A_356 : i32 to index
        %get3A_358 = arith.constant 32 : index
        %get3A_359 = tpu.vector_load %arg17[%get3A_357, %get3A_358] {strides = array<i32>} : memref<40x128xf32, #tpu.memory_space<vmem>>, vector<1x16xf32>,
        %get3A_360 = vector.shape_cast %get3A_359 : vector<1x16xf32> to vector<16xf32>
        %mul3A_361 = arith.constant 2 : i32
        %mul3A_362 = arith.muli %mul3A_361, %scan3A_297 : i32
        %add3A_363 = arith.constant 0 : i32
        %add3A_364 = arith.addi %mul3A_362, %add3A_363 : i32
        %get3A_365 = arith.index_cast %add3A_364 : i32 to index
        %get3A_366 = arith.constant 32 : index
        %get3A_367 = tpu.vector_load %arg21[%get3A_365, %get3A_366] {strides = array<i32>} : memref<40x128xf32, #tpu.memory_space<vmem>>, vector<1x16xf32>,
        %get3A_368 = vector.shape_cast %get3A_367 : vector<1x16xf32> to vector<16xf32>
        %add3A_369 = arith.addf %get3A_360, %get3A_368 : vector<16xf32>
        %max3A_370 = arith.constant 0.000000e+00 : f32
        %max3A_371 = vector.broadcast %max3A_370 : f32 to vector<16xf32>
        %max3A_372 = arith.maximumf %add3A_369, %max3A_371 : vector<16xf32>
        %mul3A_373 = arith.constant 2 : i32
        %mul3A_374 = arith.muli %mul3A_373, %scan3A_297 : i32
        %add3A_375 = arith.constant 0 : i32
        %add3A_376 = arith.addi %mul3A_374, %add3A_375 : i32
        %swap3A_377 = arith.index_cast %add3A_376 : i32 to index
        %swap3A_378 = arith.constant 32 : index
        %swap3A_379 = tpu.vector_load %arg17[%swap3A_377, %swap3A_378] {strides = array<i32>} : memref<40x128xf32, #tpu.memory_space<vmem>>, vector<1x16xf32>,
        %swap3A_380 = vector.shape_cast %swap3A_379 : vector<1x16xf32> to vector<16xf32>
        %swap3A_381 = vector.shape_cast %max3A_372 : vector<16xf32> to vector<1x16xf32>
        tpu.vector_store %arg17[%swap3A_377, %swap3A_378], %swap3A_381 {strides = array<i32>} : memref<40x128xf32, #tpu.memory_space<vmem>>, vector<1x16xf32>,
        %mul3A_382 = arith.constant 2 : i32
        %mul3A_383 = arith.muli %mul3A_382, %scan3A_297 : i32
        %add3A_384 = arith.constant 0 : i32
        %add3A_385 = arith.addi %mul3A_383, %add3A_384 : i32
        %get3A_386 = arith.index_cast %add3A_385 : i32 to index
        %get3A_387 = arith.constant 48 : index
        %get3A_388 = tpu.vector_load %arg17[%get3A_386, %get3A_387] {strides = array<i32>} : memref<40x128xf32, #tpu.memory_space<vmem>>, vector<1x16xf32>,
        %get3A_389 = vector.shape_cast %get3A_388 : vector<1x16xf32> to vector<16xf32>
        %mul3A_390 = arith.constant 2 : i32
        %mul3A_391 = arith.muli %mul3A_390, %scan3A_297 : i32
        %add3A_392 = arith.constant 0 : i32
        %add3A_393 = arith.addi %mul3A_391, %add3A_392 : i32
        %get3A_394 = arith.index_cast %add3A_393 : i32 to index
        %get3A_395 = arith.constant 48 : index
        %get3A_396 = tpu.vector_load %arg21[%get3A_394, %get3A_395] {strides = array<i32>} : memref<40x128xf32, #tpu.memory_space<vmem>>, vector<1x16xf32>,
        %get3A_397 = vector.shape_cast %get3A_396 : vector<1x16xf32> to vector<16xf32>
        %add3A_398 = arith.addf %get3A_389, %get3A_397 : vector<16xf32>
        %max3A_399 = arith.constant 0.000000e+00 : f32
        %max3A_400 = vector.broadcast %max3A_399 : f32 to vector<16xf32>
        %max3A_401 = arith.maximumf %add3A_398, %max3A_400 : vector<16xf32>
        %mul3A_402 = arith.constant 2 : i32
        %mul3A_403 = arith.muli %mul3A_402, %scan3A_297 : i32
        %add3A_404 = arith.constant 0 : i32
        %add3A_405 = arith.addi %mul3A_403, %add3A_404 : i32
        %swap3A_406 = arith.index_cast %add3A_405 : i32 to index
        %swap3A_407 = arith.constant 48 : index
        %swap3A_408 = tpu.vector_load %arg17[%swap3A_406, %swap3A_407] {strides = array<i32>} : memref<40x128xf32, #tpu.memory_space<vmem>>, vector<1x16xf32>,
        %swap3A_409 = vector.shape_cast %swap3A_408 : vector<1x16xf32> to vector<16xf32>
        %swap3A_410 = vector.shape_cast %max3A_401 : vector<16xf32> to vector<1x16xf32>
        tpu.vector_store %arg17[%swap3A_406, %swap3A_407], %swap3A_410 {strides = array<i32>} : memref<40x128xf32, #tpu.memory_space<vmem>>, vector<1x16xf32>,
        %mul3A_411 = arith.constant 2 : i32
        %mul3A_412 = arith.muli %mul3A_411, %scan3A_297 : i32
        %add3A_413 = arith.constant 0 : i32
        %add3A_414 = arith.addi %mul3A_412, %add3A_413 : i32
        %get3A_415 = arith.index_cast %add3A_414 : i32 to index
        %get3A_416 = arith.constant 64 : index
        %get3A_417 = tpu.vector_load %arg17[%get3A_415, %get3A_416] {strides = array<i32>} : memref<40x128xf32, #tpu.memory_space<vmem>>, vector<1x16xf32>,
        %get3A_418 = vector.shape_cast %get3A_417 : vector<1x16xf32> to vector<16xf32>
        %mul3A_419 = arith.constant 2 : i32
        %mul3A_420 = arith.muli %mul3A_419, %scan3A_297 : i32
        %add3A_421 = arith.constant 0 : i32
        %add3A_422 = arith.addi %mul3A_420, %add3A_421 : i32
        %get3A_423 = arith.index_cast %add3A_422 : i32 to index
        %get3A_424 = arith.constant 64 : index
        %get3A_425 = tpu.vector_load %arg21[%get3A_423, %get3A_424] {strides = array<i32>} : memref<40x128xf32, #tpu.memory_space<vmem>>, vector<1x16xf32>,
        %get3A_426 = vector.shape_cast %get3A_425 : vector<1x16xf32> to vector<16xf32>
        %add3A_427 = arith.addf %get3A_418, %get3A_426 : vector<16xf32>
        %max3A_428 = arith.constant 0.000000e+00 : f32
        %max3A_429 = vector.broadcast %max3A_428 : f32 to vector<16xf32>
        %max3A_430 = arith.maximumf %add3A_427, %max3A_429 : vector<16xf32>
        %mul3A_431 = arith.constant 2 : i32
        %mul3A_432 = arith.muli %mul3A_431, %scan3A_297 : i32
        %add3A_433 = arith.constant 0 : i32
        %add3A_434 = arith.addi %mul3A_432, %add3A_433 : i32
        %swap3A_435 = arith.index_cast %add3A_434 : i32 to index
        %swap3A_436 = arith.constant 64 : index
        %swap3A_437 = tpu.vector_load %arg17[%swap3A_435, %swap3A_436] {strides = array<i32>} : memref<40x128xf32, #tpu.memory_space<vmem>>, vector<1x16xf32>,
        %swap3A_438 = vector.shape_cast %swap3A_437 : vector<1x16xf32> to vector<16xf32>
        %swap3A_439 = vector.shape_cast %max3A_430 : vector<16xf32> to vector<1x16xf32>
        tpu.vector_store %arg17[%swap3A_435, %swap3A_436], %swap3A_439 {strides = array<i32>} : memref<40x128xf32, #tpu.memory_space<vmem>>, vector<1x16xf32>,
        %mul3A_440 = arith.constant 2 : i32
        %mul3A_441 = arith.muli %mul3A_440, %scan3A_297 : i32
        %add3A_442 = arith.constant 0 : i32
        %add3A_443 = arith.addi %mul3A_441, %add3A_442 : i32
        %get3A_444 = arith.index_cast %add3A_443 : i32 to index
        %get3A_445 = arith.constant 80 : index
        %get3A_446 = tpu.vector_load %arg17[%get3A_444, %get3A_445] {strides = array<i32>} : memref<40x128xf32, #tpu.memory_space<vmem>>, vector<1x16xf32>,
        %get3A_447 = vector.shape_cast %get3A_446 : vector<1x16xf32> to vector<16xf32>
        %mul3A_448 = arith.constant 2 : i32
        %mul3A_449 = arith.muli %mul3A_448, %scan3A_297 : i32
        %add3A_450 = arith.constant 0 : i32
        %add3A_451 = arith.addi %mul3A_449, %add3A_450 : i32
        %get3A_452 = arith.index_cast %add3A_451 : i32 to index
        %get3A_453 = arith.constant 80 : index
        %get3A_454 = tpu.vector_load %arg21[%get3A_452, %get3A_453] {strides = array<i32>} : memref<40x128xf32, #tpu.memory_space<vmem>>, vector<1x16xf32>,
        %get3A_455 = vector.shape_cast %get3A_454 : vector<1x16xf32> to vector<16xf32>
        %add3A_456 = arith.addf %get3A_447, %get3A_455 : vector<16xf32>
        %max3A_457 = arith.constant 0.000000e+00 : f32
        %max3A_458 = vector.broadcast %max3A_457 : f32 to vector<16xf32>
        %max3A_459 = arith.maximumf %add3A_456, %max3A_458 : vector<16xf32>
        %mul3A_460 = arith.constant 2 : i32
        %mul3A_461 = arith.muli %mul3A_460, %scan3A_297 : i32
        %add3A_462 = arith.constant 0 : i32
        %add3A_463 = arith.addi %mul3A_461, %add3A_462 : i32
        %swap3A_464 = arith.index_cast %add3A_463 : i32 to index
        %swap3A_465 = arith.constant 80 : index
        %swap3A_466 = tpu.vector_load %arg17[%swap3A_464, %swap3A_465] {strides = array<i32>} : memref<40x128xf32, #tpu.memory_space<vmem>>, vector<1x16xf32>,
        %swap3A_467 = vector.shape_cast %swap3A_466 : vector<1x16xf32> to vector<16xf32>
        %swap3A_468 = vector.shape_cast %max3A_459 : vector<16xf32> to vector<1x16xf32>
        tpu.vector_store %arg17[%swap3A_464, %swap3A_465], %swap3A_468 {strides = array<i32>} : memref<40x128xf32, #tpu.memory_space<vmem>>, vector<1x16xf32>,
        %mul3A_469 = arith.constant 2 : i32
        %mul3A_470 = arith.muli %mul3A_469, %scan3A_297 : i32
        %add3A_471 = arith.constant 0 : i32
        %add3A_472 = arith.addi %mul3A_470, %add3A_471 : i32
        %get3A_473 = arith.index_cast %add3A_472 : i32 to index
        %get3A_474 = arith.constant 96 : index
        %get3A_475 = tpu.vector_load %arg17[%get3A_473, %get3A_474] {strides = array<i32>} : memref<40x128xf32, #tpu.memory_space<vmem>>, vector<1x16xf32>,
        %get3A_476 = vector.shape_cast %get3A_475 : vector<1x16xf32> to vector<16xf32>
        %mul3A_477 = arith.constant 2 : i32
        %mul3A_478 = arith.muli %mul3A_477, %scan3A_297 : i32
        %add3A_479 = arith.constant 0 : i32
        %add3A_480 = arith.addi %mul3A_478, %add3A_479 : i32
        %get3A_481 = arith.index_cast %add3A_480 : i32 to index
        %get3A_482 = arith.constant 96 : index
        %get3A_483 = tpu.vector_load %arg21[%get3A_481, %get3A_482] {strides = array<i32>} : memref<40x128xf32, #tpu.memory_space<vmem>>, vector<1x16xf32>,
        %get3A_484 = vector.shape_cast %get3A_483 : vector<1x16xf32> to vector<16xf32>
        %add3A_485 = arith.addf %get3A_476, %get3A_484 : vector<16xf32>
        %max3A_486 = arith.constant 0.000000e+00 : f32
        %max3A_487 = vector.broadcast %max3A_486 : f32 to vector<16xf32>
        %max3A_488 = arith.maximumf %add3A_485, %max3A_487 : vector<16xf32>
        %mul3A_489 = arith.constant 2 : i32
        %mul3A_490 = arith.muli %mul3A_489, %scan3A_297 : i32
        %add3A_491 = arith.constant 0 : i32
        %add3A_492 = arith.addi %mul3A_490, %add3A_491 : i32
        %swap3A_493 = arith.index_cast %add3A_492 : i32 to index
        %swap3A_494 = arith.constant 96 : index
        %swap3A_495 = tpu.vector_load %arg17[%swap3A_493, %swap3A_494] {strides = array<i32>} : memref<40x128xf32, #tpu.memory_space<vmem>>, vector<1x16xf32>,
        %swap3A_496 = vector.shape_cast %swap3A_495 : vector<1x16xf32> to vector<16xf32>
        %swap3A_497 = vector.shape_cast %max3A_488 : vector<16xf32> to vector<1x16xf32>
        tpu.vector_store %arg17[%swap3A_493, %swap3A_494], %swap3A_497 {strides = array<i32>} : memref<40x128xf32, #tpu.memory_space<vmem>>, vector<1x16xf32>,
        %mul3A_498 = arith.constant 2 : i32
        %mul3A_499 = arith.muli %mul3A_498, %scan3A_297 : i32
        %add3A_500 = arith.constant 0 : i32
        %add3A_501 = arith.addi %mul3A_499, %add3A_500 : i32
        %get3A_502 = arith.index_cast %add3A_501 : i32 to index
        %get3A_503 = arith.constant 112 : index
        %get3A_504 = tpu.vector_load %arg17[%get3A_502, %get3A_503] {strides = array<i32>} : memref<40x128xf32, #tpu.memory_space<vmem>>, vector<1x16xf32>,
        %get3A_505 = vector.shape_cast %get3A_504 : vector<1x16xf32> to vector<16xf32>
        %mul3A_506 = arith.constant 2 : i32
        %mul3A_507 = arith.muli %mul3A_506, %scan3A_297 : i32
        %add3A_508 = arith.constant 0 : i32
        %add3A_509 = arith.addi %mul3A_507, %add3A_508 : i32
        %get3A_510 = arith.index_cast %add3A_509 : i32 to index
        %get3A_511 = arith.constant 112 : index
        %get3A_512 = tpu.vector_load %arg21[%get3A_510, %get3A_511] {strides = array<i32>} : memref<40x128xf32, #tpu.memory_space<vmem>>, vector<1x16xf32>,
        %get3A_513 = vector.shape_cast %get3A_512 : vector<1x16xf32> to vector<16xf32>
        %add3A_514 = arith.addf %get3A_505, %get3A_513 : vector<16xf32>
        %max3A_515 = arith.constant 0.000000e+00 : f32
        %max3A_516 = vector.broadcast %max3A_515 : f32 to vector<16xf32>
        %max3A_517 = arith.maximumf %add3A_514, %max3A_516 : vector<16xf32>
        %mul3A_518 = arith.constant 2 : i32
        %mul3A_519 = arith.muli %mul3A_518, %scan3A_297 : i32
        %add3A_520 = arith.constant 0 : i32
        %add3A_521 = arith.addi %mul3A_519, %add3A_520 : i32
        %swap3A_522 = arith.index_cast %add3A_521 : i32 to index
        %swap3A_523 = arith.constant 112 : index
        %swap3A_524 = tpu.vector_load %arg17[%swap3A_522, %swap3A_523] {strides = array<i32>} : memref<40x128xf32, #tpu.memory_space<vmem>>, vector<1x16xf32>,
        %swap3A_525 = vector.shape_cast %swap3A_524 : vector<1x16xf32> to vector<16xf32>
        %swap3A_526 = vector.shape_cast %max3A_517 : vector<16xf32> to vector<1x16xf32>
        tpu.vector_store %arg17[%swap3A_522, %swap3A_523], %swap3A_526 {strides = array<i32>} : memref<40x128xf32, #tpu.memory_space<vmem>>, vector<1x16xf32>,
        %mul3A_527 = arith.constant 2 : i32
        %mul3A_528 = arith.muli %mul3A_527, %scan3A_297 : i32
        %add3A_529 = arith.constant 1 : i32
        %add3A_530 = arith.addi %mul3A_528, %add3A_529 : i32
        %get3A_531 = arith.index_cast %add3A_530 : i32 to index
        %get3A_532 = arith.constant 0 : index
        %get3A_533 = tpu.vector_load %arg17[%get3A_531, %get3A_532] {strides = array<i32>} : memref<40x128xf32, #tpu.memory_space<vmem>>, vector<1x16xf32>,
        %get3A_534 = vector.shape_cast %get3A_533 : vector<1x16xf32> to vector<16xf32>
        %mul3A_535 = arith.constant 2 : i32
        %mul3A_536 = arith.muli %mul3A_535, %scan3A_297 : i32
        %add3A_537 = arith.constant 1 : i32
        %add3A_538 = arith.addi %mul3A_536, %add3A_537 : i32
        %get3A_539 = arith.index_cast %add3A_538 : i32 to index
        %get3A_540 = arith.constant 0 : index
        %get3A_541 = tpu.vector_load %arg21[%get3A_539, %get3A_540] {strides = array<i32>} : memref<40x128xf32, #tpu.memory_space<vmem>>, vector<1x16xf32>,
        %get3A_542 = vector.shape_cast %get3A_541 : vector<1x16xf32> to vector<16xf32>
        %add3A_543 = arith.addf %get3A_534, %get3A_542 : vector<16xf32>
        %max3A_544 = arith.constant 0.000000e+00 : f32
        %max3A_545 = vector.broadcast %max3A_544 : f32 to vector<16xf32>
        %max3A_546 = arith.maximumf %add3A_543, %max3A_545 : vector<16xf32>
        %mul3A_547 = arith.constant 2 : i32
        %mul3A_548 = arith.muli %mul3A_547, %scan3A_297 : i32
        %add3A_549 = arith.constant 1 : i32
        %add3A_550 = arith.addi %mul3A_548, %add3A_549 : i32
        %swap3A_551 = arith.index_cast %add3A_550 : i32 to index
        %swap3A_552 = arith.constant 0 : index
        %swap3A_553 = tpu.vector_load %arg17[%swap3A_551, %swap3A_552] {strides = array<i32>} : memref<40x128xf32, #tpu.memory_space<vmem>>, vector<1x16xf32>,
        %swap3A_554 = vector.shape_cast %swap3A_553 : vector<1x16xf32> to vector<16xf32>
        %swap3A_555 = vector.shape_cast %max3A_546 : vector<16xf32> to vector<1x16xf32>
        tpu.vector_store %arg17[%swap3A_551, %swap3A_552], %swap3A_555 {strides = array<i32>} : memref<40x128xf32, #tpu.memory_space<vmem>>, vector<1x16xf32>,
        %mul3A_556 = arith.constant 2 : i32
        %mul3A_557 = arith.muli %mul3A_556, %scan3A_297 : i32
        %add3A_558 = arith.constant 1 : i32
        %add3A_559 = arith.addi %mul3A_557, %add3A_558 : i32
        %get3A_560 = arith.index_cast %add3A_559 : i32 to index
        %get3A_561 = arith.constant 16 : index
        %get3A_562 = tpu.vector_load %arg17[%get3A_560, %get3A_561] {strides = array<i32>} : memref<40x128xf32, #tpu.memory_space<vmem>>, vector<1x16xf32>,
        %get3A_563 = vector.shape_cast %get3A_562 : vector<1x16xf32> to vector<16xf32>
        %mul3A_564 = arith.constant 2 : i32
        %mul3A_565 = arith.muli %mul3A_564, %scan3A_297 : i32
        %add3A_566 = arith.constant 1 : i32
        %add3A_567 = arith.addi %mul3A_565, %add3A_566 : i32
        %get3A_568 = arith.index_cast %add3A_567 : i32 to index
        %get3A_569 = arith.constant 16 : index
        %get3A_570 = tpu.vector_load %arg21[%get3A_568, %get3A_569] {strides = array<i32>} : memref<40x128xf32, #tpu.memory_space<vmem>>, vector<1x16xf32>,
        %get3A_571 = vector.shape_cast %get3A_570 : vector<1x16xf32> to vector<16xf32>
        %add3A_572 = arith.addf %get3A_563, %get3A_571 : vector<16xf32>
        %max3A_573 = arith.constant 0.000000e+00 : f32
        %max3A_574 = vector.broadcast %max3A_573 : f32 to vector<16xf32>
        %max3A_575 = arith.maximumf %add3A_572, %max3A_574 : vector<16xf32>
        %mul3A_576 = arith.constant 2 : i32
        %mul3A_577 = arith.muli %mul3A_576, %scan3A_297 : i32
        %add3A_578 = arith.constant 1 : i32
        %add3A_579 = arith.addi %mul3A_577, %add3A_578 : i32
        %swap3A_580 = arith.index_cast %add3A_579 : i32 to index
        %swap3A_581 = arith.constant 16 : index
        %swap3A_582 = tpu.vector_load %arg17[%swap3A_580, %swap3A_581] {strides = array<i32>} : memref<40x128xf32, #tpu.memory_space<vmem>>, vector<1x16xf32>,
        %swap3A_583 = vector.shape_cast %swap3A_582 : vector<1x16xf32> to vector<16xf32>
        %swap3A_584 = vector.shape_cast %max3A_575 : vector<16xf32> to vector<1x16xf32>
        tpu.vector_store %arg17[%swap3A_580, %swap3A_581], %swap3A_584 {strides = array<i32>} : memref<40x128xf32, #tpu.memory_space<vmem>>, vector<1x16xf32>,
        %mul3A_585 = arith.constant 2 : i32
        %mul3A_586 = arith.muli %mul3A_585, %scan3A_297 : i32
        %add3A_587 = arith.constant 1 : i32
        %add3A_588 = arith.addi %mul3A_586, %add3A_587 : i32
        %get3A_589 = arith.index_cast %add3A_588 : i32 to index
        %get3A_590 = arith.constant 32 : index
        %get3A_591 = tpu.vector_load %arg17[%get3A_589, %get3A_590] {strides = array<i32>} : memref<40x128xf32, #tpu.memory_space<vmem>>, vector<1x16xf32>,
        %get3A_592 = vector.shape_cast %get3A_591 : vector<1x16xf32> to vector<16xf32>
        %mul3A_593 = arith.constant 2 : i32
        %mul3A_594 = arith.muli %mul3A_593, %scan3A_297 : i32
        %add3A_595 = arith.constant 1 : i32
        %add3A_596 = arith.addi %mul3A_594, %add3A_595 : i32
        %get3A_597 = arith.index_cast %add3A_596 : i32 to index
        %get3A_598 = arith.constant 32 : index
        %get3A_599 = tpu.vector_load %arg21[%get3A_597, %get3A_598] {strides = array<i32>} : memref<40x128xf32, #tpu.memory_space<vmem>>, vector<1x16xf32>,
        %get3A_600 = vector.shape_cast %get3A_599 : vector<1x16xf32> to vector<16xf32>
        %add3A_601 = arith.addf %get3A_592, %get3A_600 : vector<16xf32>
        %max3A_602 = arith.constant 0.000000e+00 : f32
        %max3A_603 = vector.broadcast %max3A_602 : f32 to vector<16xf32>
        %max3A_604 = arith.maximumf %add3A_601, %max3A_603 : vector<16xf32>
        %mul3A_605 = arith.constant 2 : i32
        %mul3A_606 = arith.muli %mul3A_605, %scan3A_297 : i32
        %add3A_607 = arith.constant 1 : i32
        %add3A_608 = arith.addi %mul3A_606, %add3A_607 : i32
        %swap3A_609 = arith.index_cast %add3A_608 : i32 to index
        %swap3A_610 = arith.constant 32 : index
        %swap3A_611 = tpu.vector_load %arg17[%swap3A_609, %swap3A_610] {strides = array<i32>} : memref<40x128xf32, #tpu.memory_space<vmem>>, vector<1x16xf32>,
        %swap3A_612 = vector.shape_cast %swap3A_611 : vector<1x16xf32> to vector<16xf32>
        %swap3A_613 = vector.shape_cast %max3A_604 : vector<16xf32> to vector<1x16xf32>
        tpu.vector_store %arg17[%swap3A_609, %swap3A_610], %swap3A_613 {strides = array<i32>} : memref<40x128xf32, #tpu.memory_space<vmem>>, vector<1x16xf32>,
        %mul3A_614 = arith.constant 2 : i32
        %mul3A_615 = arith.muli %mul3A_614, %scan3A_297 : i32
        %add3A_616 = arith.constant 1 : i32
        %add3A_617 = arith.addi %mul3A_615, %add3A_616 : i32
        %get3A_618 = arith.index_cast %add3A_617 : i32 to index
        %get3A_619 = arith.constant 48 : index
        %get3A_620 = tpu.vector_load %arg17[%get3A_618, %get3A_619] {strides = array<i32>} : memref<40x128xf32, #tpu.memory_space<vmem>>, vector<1x16xf32>,
        %get3A_621 = vector.shape_cast %get3A_620 : vector<1x16xf32> to vector<16xf32>
        %mul3A_622 = arith.constant 2 : i32
        %mul3A_623 = arith.muli %mul3A_622, %scan3A_297 : i32
        %add3A_624 = arith.constant 1 : i32
        %add3A_625 = arith.addi %mul3A_623, %add3A_624 : i32
        %get3A_626 = arith.index_cast %add3A_625 : i32 to index
        %get3A_627 = arith.constant 48 : index
        %get3A_628 = tpu.vector_load %arg21[%get3A_626, %get3A_627] {strides = array<i32>} : memref<40x128xf32, #tpu.memory_space<vmem>>, vector<1x16xf32>,
        %get3A_629 = vector.shape_cast %get3A_628 : vector<1x16xf32> to vector<16xf32>
        %add3A_630 = arith.addf %get3A_621, %get3A_629 : vector<16xf32>
        %max3A_631 = arith.constant 0.000000e+00 : f32
        %max3A_632 = vector.broadcast %max3A_631 : f32 to vector<16xf32>
        %max3A_633 = arith.maximumf %add3A_630, %max3A_632 : vector<16xf32>
        %mul3A_634 = arith.constant 2 : i32
        %mul3A_635 = arith.muli %mul3A_634, %scan3A_297 : i32
        %add3A_636 = arith.constant 1 : i32
        %add3A_637 = arith.addi %mul3A_635, %add3A_636 : i32
        %swap3A_638 = arith.index_cast %add3A_637 : i32 to index
        %swap3A_639 = arith.constant 48 : index
        %swap3A_640 = tpu.vector_load %arg17[%swap3A_638, %swap3A_639] {strides = array<i32>} : memref<40x128xf32, #tpu.memory_space<vmem>>, vector<1x16xf32>,
        %swap3A_641 = vector.shape_cast %swap3A_640 : vector<1x16xf32> to vector<16xf32>
        %swap3A_642 = vector.shape_cast %max3A_633 : vector<16xf32> to vector<1x16xf32>
        tpu.vector_store %arg17[%swap3A_638, %swap3A_639], %swap3A_642 {strides = array<i32>} : memref<40x128xf32, #tpu.memory_space<vmem>>, vector<1x16xf32>,
        %mul3A_643 = arith.constant 2 : i32
        %mul3A_644 = arith.muli %mul3A_643, %scan3A_297 : i32
        %add3A_645 = arith.constant 1 : i32
        %add3A_646 = arith.addi %mul3A_644, %add3A_645 : i32
        %get3A_647 = arith.index_cast %add3A_646 : i32 to index
        %get3A_648 = arith.constant 64 : index
        %get3A_649 = tpu.vector_load %arg17[%get3A_647, %get3A_648] {strides = array<i32>} : memref<40x128xf32, #tpu.memory_space<vmem>>, vector<1x16xf32>,
        %get3A_650 = vector.shape_cast %get3A_649 : vector<1x16xf32> to vector<16xf32>
        %mul3A_651 = arith.constant 2 : i32
        %mul3A_652 = arith.muli %mul3A_651, %scan3A_297 : i32
        %add3A_653 = arith.constant 1 : i32
        %add3A_654 = arith.addi %mul3A_652, %add3A_653 : i32
        %get3A_655 = arith.index_cast %add3A_654 : i32 to index
        %get3A_656 = arith.constant 64 : index
        %get3A_657 = tpu.vector_load %arg21[%get3A_655, %get3A_656] {strides = array<i32>} : memref<40x128xf32, #tpu.memory_space<vmem>>, vector<1x16xf32>,
        %get3A_658 = vector.shape_cast %get3A_657 : vector<1x16xf32> to vector<16xf32>
        %add3A_659 = arith.addf %get3A_650, %get3A_658 : vector<16xf32>
        %max3A_660 = arith.constant 0.000000e+00 : f32
        %max3A_661 = vector.broadcast %max3A_660 : f32 to vector<16xf32>
        %max3A_662 = arith.maximumf %add3A_659, %max3A_661 : vector<16xf32>
        %mul3A_663 = arith.constant 2 : i32
        %mul3A_664 = arith.muli %mul3A_663, %scan3A_297 : i32
        %add3A_665 = arith.constant 1 : i32
        %add3A_666 = arith.addi %mul3A_664, %add3A_665 : i32
        %swap3A_667 = arith.index_cast %add3A_666 : i32 to index
        %swap3A_668 = arith.constant 64 : index
        %swap3A_669 = tpu.vector_load %arg17[%swap3A_667, %swap3A_668] {strides = array<i32>} : memref<40x128xf32, #tpu.memory_space<vmem>>, vector<1x16xf32>,
        %swap3A_670 = vector.shape_cast %swap3A_669 : vector<1x16xf32> to vector<16xf32>
        %swap3A_671 = vector.shape_cast %max3A_662 : vector<16xf32> to vector<1x16xf32>
        tpu.vector_store %arg17[%swap3A_667, %swap3A_668], %swap3A_671 {strides = array<i32>} : memref<40x128xf32, #tpu.memory_space<vmem>>, vector<1x16xf32>,
        %mul3A_672 = arith.constant 2 : i32
        %mul3A_673 = arith.muli %mul3A_672, %scan3A_297 : i32
        %add3A_674 = arith.constant 1 : i32
        %add3A_675 = arith.addi %mul3A_673, %add3A_674 : i32
        %get3A_676 = arith.index_cast %add3A_675 : i32 to index
        %get3A_677 = arith.constant 80 : index
        %get3A_678 = tpu.vector_load %arg17[%get3A_676, %get3A_677] {strides = array<i32>} : memref<40x128xf32, #tpu.memory_space<vmem>>, vector<1x16xf32>,
        %get3A_679 = vector.shape_cast %get3A_678 : vector<1x16xf32> to vector<16xf32>
        %mul3A_680 = arith.constant 2 : i32
        %mul3A_681 = arith.muli %mul3A_680, %scan3A_297 : i32
        %add3A_682 = arith.constant 1 : i32
        %add3A_683 = arith.addi %mul3A_681, %add3A_682 : i32
        %get3A_684 = arith.index_cast %add3A_683 : i32 to index
        %get3A_685 = arith.constant 80 : index
        %get3A_686 = tpu.vector_load %arg21[%get3A_684, %get3A_685] {strides = array<i32>} : memref<40x128xf32, #tpu.memory_space<vmem>>, vector<1x16xf32>,
        %get3A_687 = vector.shape_cast %get3A_686 : vector<1x16xf32> to vector<16xf32>
        %add3A_688 = arith.addf %get3A_679, %get3A_687 : vector<16xf32>
        %max3A_689 = arith.constant 0.000000e+00 : f32
        %max3A_690 = vector.broadcast %max3A_689 : f32 to vector<16xf32>
        %max3A_691 = arith.maximumf %add3A_688, %max3A_690 : vector<16xf32>
        %mul3A_692 = arith.constant 2 : i32
        %mul3A_693 = arith.muli %mul3A_692, %scan3A_297 : i32
        %add3A_694 = arith.constant 1 : i32
        %add3A_695 = arith.addi %mul3A_693, %add3A_694 : i32
        %swap3A_696 = arith.index_cast %add3A_695 : i32 to index
        %swap3A_697 = arith.constant 80 : index
        %swap3A_698 = tpu.vector_load %arg17[%swap3A_696, %swap3A_697] {strides = array<i32>} : memref<40x128xf32, #tpu.memory_space<vmem>>, vector<1x16xf32>,
        %swap3A_699 = vector.shape_cast %swap3A_698 : vector<1x16xf32> to vector<16xf32>
        %swap3A_700 = vector.shape_cast %max3A_691 : vector<16xf32> to vector<1x16xf32>
        tpu.vector_store %arg17[%swap3A_696, %swap3A_697], %swap3A_700 {strides = array<i32>} : memref<40x128xf32, #tpu.memory_space<vmem>>, vector<1x16xf32>,
        %mul3A_701 = arith.constant 2 : i32
        %mul3A_702 = arith.muli %mul3A_701, %scan3A_297 : i32
        %add3A_703 = arith.constant 1 : i32
        %add3A_704 = arith.addi %mul3A_702, %add3A_703 : i32
        %get3A_705 = arith.index_cast %add3A_704 : i32 to index
        %get3A_706 = arith.constant 96 : index
        %get3A_707 = tpu.vector_load %arg17[%get3A_705, %get3A_706] {strides = array<i32>} : memref<40x128xf32, #tpu.memory_space<vmem>>, vector<1x16xf32>,
        %get3A_708 = vector.shape_cast %get3A_707 : vector<1x16xf32> to vector<16xf32>
        %mul3A_709 = arith.constant 2 : i32
        %mul3A_710 = arith.muli %mul3A_709, %scan3A_297 : i32
        %add3A_711 = arith.constant 1 : i32
        %add3A_712 = arith.addi %mul3A_710, %add3A_711 : i32
        %get3A_713 = arith.index_cast %add3A_712 : i32 to index
        %get3A_714 = arith.constant 96 : index
        %get3A_715 = tpu.vector_load %arg21[%get3A_713, %get3A_714] {strides = array<i32>} : memref<40x128xf32, #tpu.memory_space<vmem>>, vector<1x16xf32>,
        %get3A_716 = vector.shape_cast %get3A_715 : vector<1x16xf32> to vector<16xf32>
        %add3A_717 = arith.addf %get3A_708, %get3A_716 : vector<16xf32>
        %max3A_718 = arith.constant 0.000000e+00 : f32
        %max3A_719 = vector.broadcast %max3A_718 : f32 to vector<16xf32>
        %max3A_720 = arith.maximumf %add3A_717, %max3A_719 : vector<16xf32>
        %mul3A_721 = arith.constant 2 : i32
        %mul3A_722 = arith.muli %mul3A_721, %scan3A_297 : i32
        %add3A_723 = arith.constant 1 : i32
        %add3A_724 = arith.addi %mul3A_722, %add3A_723 : i32
        %swap3A_725 = arith.index_cast %add3A_724 : i32 to index
        %swap3A_726 = arith.constant 96 : index
        %swap3A_727 = tpu.vector_load %arg17[%swap3A_725, %swap3A_726] {strides = array<i32>} : memref<40x128xf32, #tpu.memory_space<vmem>>, vector<1x16xf32>,
        %swap3A_728 = vector.shape_cast %swap3A_727 : vector<1x16xf32> to vector<16xf32>
        %swap3A_729 = vector.shape_cast %max3A_720 : vector<16xf32> to vector<1x16xf32>
        tpu.vector_store %arg17[%swap3A_725, %swap3A_726], %swap3A_729 {strides = array<i32>} : memref<40x128xf32, #tpu.memory_space<vmem>>, vector<1x16xf32>,
        %mul3A_730 = arith.constant 2 : i32
        %mul3A_731 = arith.muli %mul3A_730, %scan3A_297 : i32
        %add3A_732 = arith.constant 1 : i32
        %add3A_733 = arith.addi %mul3A_731, %add3A_732 : i32
        %get3A_734 = arith.index_cast %add3A_733 : i32 to index
        %get3A_735 = arith.constant 112 : index
        %get3A_736 = tpu.vector_load %arg17[%get3A_734, %get3A_735] {strides = array<i32>} : memref<40x128xf32, #tpu.memory_space<vmem>>, vector<1x16xf32>,
        %get3A_737 = vector.shape_cast %get3A_736 : vector<1x16xf32> to vector<16xf32>
        %mul3A_738 = arith.constant 2 : i32
        %mul3A_739 = arith.muli %mul3A_738, %scan3A_297 : i32
        %add3A_740 = arith.constant 1 : i32
        %add3A_741 = arith.addi %mul3A_739, %add3A_740 : i32
        %get3A_742 = arith.index_cast %add3A_741 : i32 to index
        %get3A_743 = arith.constant 112 : index
        %get3A_744 = tpu.vector_load %arg21[%get3A_742, %get3A_743] {strides = array<i32>} : memref<40x128xf32, #tpu.memory_space<vmem>>, vector<1x16xf32>,
        %get3A_745 = vector.shape_cast %get3A_744 : vector<1x16xf32> to vector<16xf32>
        %add3A_746 = arith.addf %get3A_737, %get3A_745 : vector<16xf32>
        %max3A_747 = arith.constant 0.000000e+00 : f32
        %max3A_748 = vector.broadcast %max3A_747 : f32 to vector<16xf32>
        %max3A_749 = arith.maximumf %add3A_746, %max3A_748 : vector<16xf32>
        %mul3A_750 = arith.constant 2 : i32
        %mul3A_751 = arith.muli %mul3A_750, %scan3A_297 : i32
        %add3A_752 = arith.constant 1 : i32
        %add3A_753 = arith.addi %mul3A_751, %add3A_752 : i32
        %swap3A_754 = arith.index_cast %add3A_753 : i32 to index
        %swap3A_755 = arith.constant 112 : index
        %swap3A_756 = tpu.vector_load %arg17[%swap3A_754, %swap3A_755] {strides = array<i32>} : memref<40x128xf32, #tpu.memory_space<vmem>>, vector<1x16xf32>,
        %swap3A_757 = vector.shape_cast %swap3A_756 : vector<1x16xf32> to vector<16xf32>
        %swap3A_758 = vector.shape_cast %max3A_749 : vector<16xf32> to vector<1x16xf32>
        tpu.vector_store %arg17[%swap3A_754, %swap3A_755], %swap3A_758 {strides = array<i32>} : memref<40x128xf32, #tpu.memory_space<vmem>>, vector<1x16xf32>,
      }
      %scan3A_200 = arith.constant 20 : i32
      %ge3A_201 = arith.constant 2 : i32
      %ge3A_202 = arith.cmpi sge, %add3A_187, %ge3A_201 : i32
      %convert_element_type3A_203 = arith.extui %ge3A_202 : i1 to i32
      %cond3A_204 = arith.constant 0 : i32
      %cond3A_205 = arith.cmpi ne, %convert_element_type3A_203, %cond3A_204 : i32
      scf.if %cond3A_205 {
        %mul3A_297 = arith.constant 40 : i32
        %mul3A_298 = arith.muli %add3A_187, %mul3A_297 : i32
        %add3A_299 = arith.addi %mul3A_2, %mul3A_298 : i32
        %dma_wait3A_300 = tpu.memref_slice %arg3[%add3A_299] : memref<160000xi32, #tpu.memory_space<hbm>> -> memref<40xi32, #tpu.memory_space<hbm>>
        %dma_wait3A_301 = tpu.memref_slice %arg3[%add3A_299] : memref<160000xi32, #tpu.memory_space<hbm>> -> memref<40xi32, #tpu.memory_space<hbm>>
        tpu.wait_dma2 semaphore(%arg38 : memref<!tpu.dma_semaphore, #tpu.memory_space<semaphore_mem>>) src(%dma_wait3A_301 : memref<40xi32, #tpu.memory_space<hbm>>) dst(%arg13 : memref<40xi32, #tpu.memory_space<vmem>>)
      } else {
      }
      %dma_start3A_206 = arith.constant 0 : i32
      %dma_start3A_207 = arith.constant 0 : i32
      %dma_start3A_208 = tpu.memref_slice %arg24[%dma_start3A_206, %dma_start3A_207] : memref<10240x128xf32, #tpu.memory_space<vmem_shared>> -> memref<10240x128xf32, #tpu.memory_space<vmem_shared>>
      tpu.enqueue_indirect_dma source(%arg17 : memref<40x128xf32, #tpu.memory_space<vmem>>) target(%dma_start3A_208 : memref<10240x128xf32, #tpu.memory_space<vmem_shared>>) offsets(%arg13 : memref<40xi32, #tpu.memory_space<vmem>>) semaphore(%arg42 : memref<!tpu.dma_semaphore, #tpu.memory_space<semaphore_mem>>) {add = true}
      %add3A_209 = arith.constant 2 : i32
      %add3A_210 = arith.addi %add3A_187, %add3A_209 : i32
      %lt3A_211 = arith.constant 250 : i32
      %lt3A_212 = arith.cmpi slt, %add3A_210, %lt3A_211 : i32
      %convert_element_type3A_213 = arith.extui %lt3A_212 : i1 to i32
      %cond3A_214 = arith.constant 0 : i32
      %cond3A_215 = arith.cmpi ne, %convert_element_type3A_213, %cond3A_214 : i32
      scf.if %cond3A_215 {
        %ge3A_297 = arith.constant 2 : i32
        %ge3A_298 = arith.cmpi sge, %add3A_187, %ge3A_297 : i32
        %convert_element_type3A_299 = arith.extui %ge3A_298 : i1 to i32
        %cond3A_300 = arith.constant 0 : i32
        %cond3A_301 = arith.cmpi ne, %convert_element_type3A_299, %cond3A_300 : i32
        scf.if %cond3A_301 {
          %dma_wait3A_325 = arith.constant 0 : i32
          %dma_wait3A_326 = arith.constant 0 : i32
          %dma_wait3A_327 = tpu.memref_slice %arg24[%dma_wait3A_325, %dma_wait3A_326] : memref<10240x128xf32, #tpu.memory_space<vmem_shared>> -> memref<10240x128xf32, #tpu.memory_space<vmem_shared>>
          tpu.wait_indirect_dma semaphore(%arg44 : memref<!tpu.dma_semaphore, #tpu.memory_space<semaphore_mem>>) src(%arg19 : memref<40x128xf32, #tpu.memory_space<vmem>>) dst(%dma_wait3A_327 : memref<10240x128xf32, #tpu.memory_space<vmem_shared>>)
        } else {
        }
        %add3A_302 = arith.constant 2 : i32
        %add3A_303 = arith.addi %add3A_187, %add3A_302 : i32
        %mul3A_304 = arith.constant 40 : i32
        %mul3A_305 = arith.muli %add3A_303, %mul3A_304 : i32
        %add3A_306 = arith.addi %mul3A_2, %mul3A_305 : i32
        %dma_start3A_307 = tpu.memref_slice %arg3[%add3A_306] : memref<160000xi32, #tpu.memory_space<hbm>> -> memref<40xi32, #tpu.memory_space<hbm>>
        %dma_start3A_308 = tpu.memref_slice %arg3[%add3A_306] : memref<160000xi32, #tpu.memory_space<hbm>> -> memref<40xi32, #tpu.memory_space<hbm>>
        tpu.enqueue_dma source(%dma_start3A_308 : memref<40xi32, #tpu.memory_space<hbm>>) target(%arg15 : memref<40xi32, #tpu.memory_space<vmem>>) target_semaphore(%arg40 : memref<!tpu.dma_semaphore, #tpu.memory_space<semaphore_mem>>)
        %add3A_309 = arith.constant 2 : i32
        %add3A_310 = arith.addi %add3A_187, %add3A_309 : i32
        %mul3A_311 = arith.constant 40 : i32
        %mul3A_312 = arith.muli %add3A_310, %mul3A_311 : i32
        %add3A_313 = arith.addi %mul3A_2, %mul3A_312 : i32
        %dma_wait3A_314 = tpu.memref_slice %arg2[%add3A_313] : memref<160000xi32, #tpu.memory_space<hbm>> -> memref<40xi32, #tpu.memory_space<hbm>>
        %dma_wait3A_315 = tpu.memref_slice %arg2[%add3A_313] : memref<160000xi32, #tpu.memory_space<hbm>> -> memref<40xi32, #tpu.memory_space<hbm>>
        tpu.wait_dma2 semaphore(%arg36 : memref<!tpu.dma_semaphore, #tpu.memory_space<semaphore_mem>>) src(%dma_wait3A_315 : memref<40xi32, #tpu.memory_space<hbm>>) dst(%arg11 : memref<40xi32, #tpu.memory_space<vmem>>)
        %add3A_316 = arith.constant 2 : i32
        %add3A_317 = arith.addi %add3A_187, %add3A_316 : i32
        %mul3A_318 = arith.constant 40 : i32
        %mul3A_319 = arith.muli %add3A_317, %mul3A_318 : i32
        %add3A_320 = arith.addi %mul3A_2, %mul3A_319 : i32
        %dma_start3A_321 = arith.constant 0 : i32
        %dma_start3A_322 = tpu.memref_slice %arg4[%dma_start3A_321, %multiple_of3A] : memref<10000x256xf32, #tpu.memory_space<hbm>> -> memref<10000x128xf32, #tpu.memory_space<hbm>>
        tpu.enqueue_indirect_dma source(%dma_start3A_322 : memref<10000x128xf32, #tpu.memory_space<hbm>>) target(%arg19 : memref<40x128xf32, #tpu.memory_space<vmem>>) offsets(%arg11 : memref<40xi32, #tpu.memory_space<vmem>>) semaphore(%arg28 : memref<!tpu.dma_semaphore, #tpu.memory_space<semaphore_mem>>)
        %dma_start3A_323 = tpu.memref_slice %arg5[%add3A_320, %multiple_of3A] : memref<160000x256xf32, #tpu.memory_space<hbm>> -> memref<40x128xf32, #tpu.memory_space<hbm>>
        %dma_start3A_324 = tpu.memref_slice %arg5[%add3A_320, %multiple_of3A] : memref<160000x256xf32, #tpu.memory_space<hbm>> -> memref<40x128xf32, #tpu.memory_space<hbm>>
        tpu.enqueue_dma source(%dma_start3A_324 : memref<40x128xf32, #tpu.memory_space<hbm>>) target(%arg23 : memref<40x128xf32, #tpu.memory_space<vmem>>) target_semaphore(%arg32 : memref<!tpu.dma_semaphore, #tpu.memory_space<semaphore_mem>>)
      } else {
      }
      %add3A_216 = arith.constant 4 : i32
      %add3A_217 = arith.addi %add3A_187, %add3A_216 : i32
      %lt3A_218 = arith.constant 250 : i32
      %lt3A_219 = arith.cmpi slt, %add3A_217, %lt3A_218 : i32
      %convert_element_type3A_220 = arith.extui %lt3A_219 : i1 to i32
      %cond3A_221 = arith.constant 0 : i32
      %cond3A_222 = arith.cmpi ne, %convert_element_type3A_220, %cond3A_221 : i32
      scf.if %cond3A_222 {
        %add3A_297 = arith.constant 4 : i32
        %add3A_298 = arith.addi %add3A_187, %add3A_297 : i32
        %mul3A_299 = arith.constant 40 : i32
        %mul3A_300 = arith.muli %add3A_298, %mul3A_299 : i32
        %add3A_301 = arith.addi %mul3A_2, %mul3A_300 : i32
        %dma_start3A_302 = tpu.memref_slice %arg2[%add3A_301] : memref<160000xi32, #tpu.memory_space<hbm>> -> memref<40xi32, #tpu.memory_space<hbm>>
        %dma_start3A_303 = tpu.memref_slice %arg2[%add3A_301] : memref<160000xi32, #tpu.memory_space<hbm>> -> memref<40xi32, #tpu.memory_space<hbm>>
        tpu.enqueue_dma source(%dma_start3A_303 : memref<40xi32, #tpu.memory_space<hbm>>) target(%arg9 : memref<40xi32, #tpu.memory_space<vmem>>) target_semaphore(%arg34 : memref<!tpu.dma_semaphore, #tpu.memory_space<semaphore_mem>>)
      } else {
      }
      %add3A_223 = arith.constant 2 : i32
      %add3A_224 = arith.addi %mul3A_154, %add3A_223 : i32
      %mul3A_225 = arith.constant 40 : i32
      %mul3A_226 = arith.muli %add3A_224, %mul3A_225 : i32
      %add3A_227 = arith.addi %mul3A_2, %mul3A_226 : i32
      %dma_wait3A_228 = arith.constant 0 : i32
      %dma_wait3A_229 = tpu.memref_slice %arg4[%dma_wait3A_228, %multiple_of3A] : memref<10000x256xf32, #tpu.memory_space<hbm>> -> memref<10000x128xf32, #tpu.memory_space<hbm>>
      tpu.wait_indirect_dma semaphore(%arg27 : memref<!tpu.dma_semaphore, #tpu.memory_space<semaphore_mem>>) src(%dma_wait3A_229 : memref<10000x128xf32, #tpu.memory_space<hbm>>) dst(%arg18 : memref<40x128xf32, #tpu.memory_space<vmem>>)
      %dma_wait3A_230 = tpu.memref_slice %arg5[%add3A_227, %multiple_of3A] : memref<160000x256xf32, #tpu.memory_space<hbm>> -> memref<40x128xf32, #tpu.memory_space<hbm>>
      %dma_wait3A_231 = tpu.memref_slice %arg5[%add3A_227, %multiple_of3A] : memref<160000x256xf32, #tpu.memory_space<hbm>> -> memref<40x128xf32, #tpu.memory_space<hbm>>
      tpu.wait_dma2 semaphore(%arg31 : memref<!tpu.dma_semaphore, #tpu.memory_space<semaphore_mem>>) src(%dma_wait3A_231 : memref<40x128xf32, #tpu.memory_space<hbm>>) dst(%arg22 : memref<40x128xf32, #tpu.memory_space<vmem>>)
      %scan3A_232 = arith.constant 0 : i32
      %scan3A_233 = arith.constant 0 : i32
      %scan3A_234 = arith.constant 20 : i32
      %scan3A_235 = arith.addi %scan3A_233, %scan3A_234 : i32
      %scan3A_236 = arith.constant 1 : i32
      scf.for %scan3A_297 = %scan3A_233 to %scan3A_235 step %scan3A_236  : i32 {
        %mul3A_298 = arith.constant 2 : i32
        %mul3A_299 = arith.muli %mul3A_298, %scan3A_297 : i32
        %add3A_300 = arith.constant 0 : i32
        %add3A_301 = arith.addi %mul3A_299, %add3A_300 : i32
        %get3A = arith.index_cast %add3A_301 : i32 to index
        %get3A_302 = arith.constant 0 : index
        %get3A_303 = tpu.vector_load %arg18[%get3A, %get3A_302] {strides = array<i32>} : memref<40x128xf32, #tpu.memory_space<vmem>>, vector<1x16xf32>,
        %get3A_304 = vector.shape_cast %get3A_303 : vector<1x16xf32> to vector<16xf32>
        %mul3A_305 = arith.constant 2 : i32
        %mul3A_306 = arith.muli %mul3A_305, %scan3A_297 : i32
        %add3A_307 = arith.constant 0 : i32
        %add3A_308 = arith.addi %mul3A_306, %add3A_307 : i32
        %get3A_309 = arith.index_cast %add3A_308 : i32 to index
        %get3A_310 = arith.constant 0 : index
        %get3A_311 = tpu.vector_load %arg22[%get3A_309, %get3A_310] {strides = array<i32>} : memref<40x128xf32, #tpu.memory_space<vmem>>, vector<1x16xf32>,
        %get3A_312 = vector.shape_cast %get3A_311 : vector<1x16xf32> to vector<16xf32>
        %add3A_313 = arith.addf %get3A_304, %get3A_312 : vector<16xf32>
        %max3A = arith.constant 0.000000e+00 : f32
        %max3A_314 = vector.broadcast %max3A : f32 to vector<16xf32>
        %max3A_315 = arith.maximumf %add3A_313, %max3A_314 : vector<16xf32>
        %mul3A_316 = arith.constant 2 : i32
        %mul3A_317 = arith.muli %mul3A_316, %scan3A_297 : i32
        %add3A_318 = arith.constant 0 : i32
        %add3A_319 = arith.addi %mul3A_317, %add3A_318 : i32
        %swap3A = arith.index_cast %add3A_319 : i32 to index
        %swap3A_320 = arith.constant 0 : index
        %swap3A_321 = tpu.vector_load %arg18[%swap3A, %swap3A_320] {strides = array<i32>} : memref<40x128xf32, #tpu.memory_space<vmem>>, vector<1x16xf32>,
        %swap3A_322 = vector.shape_cast %swap3A_321 : vector<1x16xf32> to vector<16xf32>
        %swap3A_323 = vector.shape_cast %max3A_315 : vector<16xf32> to vector<1x16xf32>
        tpu.vector_store %arg18[%swap3A, %swap3A_320], %swap3A_323 {strides = array<i32>} : memref<40x128xf32, #tpu.memory_space<vmem>>, vector<1x16xf32>,
        %mul3A_324 = arith.constant 2 : i32
        %mul3A_325 = arith.muli %mul3A_324, %scan3A_297 : i32
        %add3A_326 = arith.constant 0 : i32
        %add3A_327 = arith.addi %mul3A_325, %add3A_326 : i32
        %get3A_328 = arith.index_cast %add3A_327 : i32 to index
        %get3A_329 = arith.constant 16 : index
        %get3A_330 = tpu.vector_load %arg18[%get3A_328, %get3A_329] {strides = array<i32>} : memref<40x128xf32, #tpu.memory_space<vmem>>, vector<1x16xf32>,
        %get3A_331 = vector.shape_cast %get3A_330 : vector<1x16xf32> to vector<16xf32>
        %mul3A_332 = arith.constant 2 : i32
        %mul3A_333 = arith.muli %mul3A_332, %scan3A_297 : i32
        %add3A_334 = arith.constant 0 : i32
        %add3A_335 = arith.addi %mul3A_333, %add3A_334 : i32
        %get3A_336 = arith.index_cast %add3A_335 : i32 to index
        %get3A_337 = arith.constant 16 : index
        %get3A_338 = tpu.vector_load %arg22[%get3A_336, %get3A_337] {strides = array<i32>} : memref<40x128xf32, #tpu.memory_space<vmem>>, vector<1x16xf32>,
        %get3A_339 = vector.shape_cast %get3A_338 : vector<1x16xf32> to vector<16xf32>
        %add3A_340 = arith.addf %get3A_331, %get3A_339 : vector<16xf32>
        %max3A_341 = arith.constant 0.000000e+00 : f32
        %max3A_342 = vector.broadcast %max3A_341 : f32 to vector<16xf32>
        %max3A_343 = arith.maximumf %add3A_340, %max3A_342 : vector<16xf32>
        %mul3A_344 = arith.constant 2 : i32
        %mul3A_345 = arith.muli %mul3A_344, %scan3A_297 : i32
        %add3A_346 = arith.constant 0 : i32
        %add3A_347 = arith.addi %mul3A_345, %add3A_346 : i32
        %swap3A_348 = arith.index_cast %add3A_347 : i32 to index
        %swap3A_349 = arith.constant 16 : index
        %swap3A_350 = tpu.vector_load %arg18[%swap3A_348, %swap3A_349] {strides = array<i32>} : memref<40x128xf32, #tpu.memory_space<vmem>>, vector<1x16xf32>,
        %swap3A_351 = vector.shape_cast %swap3A_350 : vector<1x16xf32> to vector<16xf32>
        %swap3A_352 = vector.shape_cast %max3A_343 : vector<16xf32> to vector<1x16xf32>
        tpu.vector_store %arg18[%swap3A_348, %swap3A_349], %swap3A_352 {strides = array<i32>} : memref<40x128xf32, #tpu.memory_space<vmem>>, vector<1x16xf32>,
        %mul3A_353 = arith.constant 2 : i32
        %mul3A_354 = arith.muli %mul3A_353, %scan3A_297 : i32
        %add3A_355 = arith.constant 0 : i32
        %add3A_356 = arith.addi %mul3A_354, %add3A_355 : i32
        %get3A_357 = arith.index_cast %add3A_356 : i32 to index
        %get3A_358 = arith.constant 32 : index
        %get3A_359 = tpu.vector_load %arg18[%get3A_357, %get3A_358] {strides = array<i32>} : memref<40x128xf32, #tpu.memory_space<vmem>>, vector<1x16xf32>,
        %get3A_360 = vector.shape_cast %get3A_359 : vector<1x16xf32> to vector<16xf32>
        %mul3A_361 = arith.constant 2 : i32
        %mul3A_362 = arith.muli %mul3A_361, %scan3A_297 : i32
        %add3A_363 = arith.constant 0 : i32
        %add3A_364 = arith.addi %mul3A_362, %add3A_363 : i32
        %get3A_365 = arith.index_cast %add3A_364 : i32 to index
        %get3A_366 = arith.constant 32 : index
        %get3A_367 = tpu.vector_load %arg22[%get3A_365, %get3A_366] {strides = array<i32>} : memref<40x128xf32, #tpu.memory_space<vmem>>, vector<1x16xf32>,
        %get3A_368 = vector.shape_cast %get3A_367 : vector<1x16xf32> to vector<16xf32>
        %add3A_369 = arith.addf %get3A_360, %get3A_368 : vector<16xf32>
        %max3A_370 = arith.constant 0.000000e+00 : f32
        %max3A_371 = vector.broadcast %max3A_370 : f32 to vector<16xf32>
        %max3A_372 = arith.maximumf %add3A_369, %max3A_371 : vector<16xf32>
        %mul3A_373 = arith.constant 2 : i32
        %mul3A_374 = arith.muli %mul3A_373, %scan3A_297 : i32
        %add3A_375 = arith.constant 0 : i32
        %add3A_376 = arith.addi %mul3A_374, %add3A_375 : i32
        %swap3A_377 = arith.index_cast %add3A_376 : i32 to index
        %swap3A_378 = arith.constant 32 : index
        %swap3A_379 = tpu.vector_load %arg18[%swap3A_377, %swap3A_378] {strides = array<i32>} : memref<40x128xf32, #tpu.memory_space<vmem>>, vector<1x16xf32>,
        %swap3A_380 = vector.shape_cast %swap3A_379 : vector<1x16xf32> to vector<16xf32>
        %swap3A_381 = vector.shape_cast %max3A_372 : vector<16xf32> to vector<1x16xf32>
        tpu.vector_store %arg18[%swap3A_377, %swap3A_378], %swap3A_381 {strides = array<i32>} : memref<40x128xf32, #tpu.memory_space<vmem>>, vector<1x16xf32>,
        %mul3A_382 = arith.constant 2 : i32
        %mul3A_383 = arith.muli %mul3A_382, %scan3A_297 : i32
        %add3A_384 = arith.constant 0 : i32
        %add3A_385 = arith.addi %mul3A_383, %add3A_384 : i32
        %get3A_386 = arith.index_cast %add3A_385 : i32 to index
        %get3A_387 = arith.constant 48 : index
        %get3A_388 = tpu.vector_load %arg18[%get3A_386, %get3A_387] {strides = array<i32>} : memref<40x128xf32, #tpu.memory_space<vmem>>, vector<1x16xf32>,
        %get3A_389 = vector.shape_cast %get3A_388 : vector<1x16xf32> to vector<16xf32>
        %mul3A_390 = arith.constant 2 : i32
        %mul3A_391 = arith.muli %mul3A_390, %scan3A_297 : i32
        %add3A_392 = arith.constant 0 : i32
        %add3A_393 = arith.addi %mul3A_391, %add3A_392 : i32
        %get3A_394 = arith.index_cast %add3A_393 : i32 to index
        %get3A_395 = arith.constant 48 : index
        %get3A_396 = tpu.vector_load %arg22[%get3A_394, %get3A_395] {strides = array<i32>} : memref<40x128xf32, #tpu.memory_space<vmem>>, vector<1x16xf32>,
        %get3A_397 = vector.shape_cast %get3A_396 : vector<1x16xf32> to vector<16xf32>
        %add3A_398 = arith.addf %get3A_389, %get3A_397 : vector<16xf32>
        %max3A_399 = arith.constant 0.000000e+00 : f32
        %max3A_400 = vector.broadcast %max3A_399 : f32 to vector<16xf32>
        %max3A_401 = arith.maximumf %add3A_398, %max3A_400 : vector<16xf32>
        %mul3A_402 = arith.constant 2 : i32
        %mul3A_403 = arith.muli %mul3A_402, %scan3A_297 : i32
        %add3A_404 = arith.constant 0 : i32
        %add3A_405 = arith.addi %mul3A_403, %add3A_404 : i32
        %swap3A_406 = arith.index_cast %add3A_405 : i32 to index
        %swap3A_407 = arith.constant 48 : index
        %swap3A_408 = tpu.vector_load %arg18[%swap3A_406, %swap3A_407] {strides = array<i32>} : memref<40x128xf32, #tpu.memory_space<vmem>>, vector<1x16xf32>,
        %swap3A_409 = vector.shape_cast %swap3A_408 : vector<1x16xf32> to vector<16xf32>
        %swap3A_410 = vector.shape_cast %max3A_401 : vector<16xf32> to vector<1x16xf32>
        tpu.vector_store %arg18[%swap3A_406, %swap3A_407], %swap3A_410 {strides = array<i32>} : memref<40x128xf32, #tpu.memory_space<vmem>>, vector<1x16xf32>,
        %mul3A_411 = arith.constant 2 : i32
        %mul3A_412 = arith.muli %mul3A_411, %scan3A_297 : i32
        %add3A_413 = arith.constant 0 : i32
        %add3A_414 = arith.addi %mul3A_412, %add3A_413 : i32
        %get3A_415 = arith.index_cast %add3A_414 : i32 to index
        %get3A_416 = arith.constant 64 : index
        %get3A_417 = tpu.vector_load %arg18[%get3A_415, %get3A_416] {strides = array<i32>} : memref<40x128xf32, #tpu.memory_space<vmem>>, vector<1x16xf32>,
        %get3A_418 = vector.shape_cast %get3A_417 : vector<1x16xf32> to vector<16xf32>
        %mul3A_419 = arith.constant 2 : i32
        %mul3A_420 = arith.muli %mul3A_419, %scan3A_297 : i32
        %add3A_421 = arith.constant 0 : i32
        %add3A_422 = arith.addi %mul3A_420, %add3A_421 : i32
        %get3A_423 = arith.index_cast %add3A_422 : i32 to index
        %get3A_424 = arith.constant 64 : index
        %get3A_425 = tpu.vector_load %arg22[%get3A_423, %get3A_424] {strides = array<i32>} : memref<40x128xf32, #tpu.memory_space<vmem>>, vector<1x16xf32>,
        %get3A_426 = vector.shape_cast %get3A_425 : vector<1x16xf32> to vector<16xf32>
        %add3A_427 = arith.addf %get3A_418, %get3A_426 : vector<16xf32>
        %max3A_428 = arith.constant 0.000000e+00 : f32
        %max3A_429 = vector.broadcast %max3A_428 : f32 to vector<16xf32>
        %max3A_430 = arith.maximumf %add3A_427, %max3A_429 : vector<16xf32>
        %mul3A_431 = arith.constant 2 : i32
        %mul3A_432 = arith.muli %mul3A_431, %scan3A_297 : i32
        %add3A_433 = arith.constant 0 : i32
        %add3A_434 = arith.addi %mul3A_432, %add3A_433 : i32
        %swap3A_435 = arith.index_cast %add3A_434 : i32 to index
        %swap3A_436 = arith.constant 64 : index
        %swap3A_437 = tpu.vector_load %arg18[%swap3A_435, %swap3A_436] {strides = array<i32>} : memref<40x128xf32, #tpu.memory_space<vmem>>, vector<1x16xf32>,
        %swap3A_438 = vector.shape_cast %swap3A_437 : vector<1x16xf32> to vector<16xf32>
        %swap3A_439 = vector.shape_cast %max3A_430 : vector<16xf32> to vector<1x16xf32>
        tpu.vector_store %arg18[%swap3A_435, %swap3A_436], %swap3A_439 {strides = array<i32>} : memref<40x128xf32, #tpu.memory_space<vmem>>, vector<1x16xf32>,
        %mul3A_440 = arith.constant 2 : i32
        %mul3A_441 = arith.muli %mul3A_440, %scan3A_297 : i32
        %add3A_442 = arith.constant 0 : i32
        %add3A_443 = arith.addi %mul3A_441, %add3A_442 : i32
        %get3A_444 = arith.index_cast %add3A_443 : i32 to index
        %get3A_445 = arith.constant 80 : index
        %get3A_446 = tpu.vector_load %arg18[%get3A_444, %get3A_445] {strides = array<i32>} : memref<40x128xf32, #tpu.memory_space<vmem>>, vector<1x16xf32>,
        %get3A_447 = vector.shape_cast %get3A_446 : vector<1x16xf32> to vector<16xf32>
        %mul3A_448 = arith.constant 2 : i32
        %mul3A_449 = arith.muli %mul3A_448, %scan3A_297 : i32
        %add3A_450 = arith.constant 0 : i32
        %add3A_451 = arith.addi %mul3A_449, %add3A_450 : i32
        %get3A_452 = arith.index_cast %add3A_451 : i32 to index
        %get3A_453 = arith.constant 80 : index
        %get3A_454 = tpu.vector_load %arg22[%get3A_452, %get3A_453] {strides = array<i32>} : memref<40x128xf32, #tpu.memory_space<vmem>>, vector<1x16xf32>,
        %get3A_455 = vector.shape_cast %get3A_454 : vector<1x16xf32> to vector<16xf32>
        %add3A_456 = arith.addf %get3A_447, %get3A_455 : vector<16xf32>
        %max3A_457 = arith.constant 0.000000e+00 : f32
        %max3A_458 = vector.broadcast %max3A_457 : f32 to vector<16xf32>
        %max3A_459 = arith.maximumf %add3A_456, %max3A_458 : vector<16xf32>
        %mul3A_460 = arith.constant 2 : i32
        %mul3A_461 = arith.muli %mul3A_460, %scan3A_297 : i32
        %add3A_462 = arith.constant 0 : i32
        %add3A_463 = arith.addi %mul3A_461, %add3A_462 : i32
        %swap3A_464 = arith.index_cast %add3A_463 : i32 to index
        %swap3A_465 = arith.constant 80 : index
        %swap3A_466 = tpu.vector_load %arg18[%swap3A_464, %swap3A_465] {strides = array<i32>} : memref<40x128xf32, #tpu.memory_space<vmem>>, vector<1x16xf32>,
        %swap3A_467 = vector.shape_cast %swap3A_466 : vector<1x16xf32> to vector<16xf32>
        %swap3A_468 = vector.shape_cast %max3A_459 : vector<16xf32> to vector<1x16xf32>
        tpu.vector_store %arg18[%swap3A_464, %swap3A_465], %swap3A_468 {strides = array<i32>} : memref<40x128xf32, #tpu.memory_space<vmem>>, vector<1x16xf32>,
        %mul3A_469 = arith.constant 2 : i32
        %mul3A_470 = arith.muli %mul3A_469, %scan3A_297 : i32
        %add3A_471 = arith.constant 0 : i32
        %add3A_472 = arith.addi %mul3A_470, %add3A_471 : i32
        %get3A_473 = arith.index_cast %add3A_472 : i32 to index
        %get3A_474 = arith.constant 96 : index
        %get3A_475 = tpu.vector_load %arg18[%get3A_473, %get3A_474] {strides = array<i32>} : memref<40x128xf32, #tpu.memory_space<vmem>>, vector<1x16xf32>,
        %get3A_476 = vector.shape_cast %get3A_475 : vector<1x16xf32> to vector<16xf32>
        %mul3A_477 = arith.constant 2 : i32
        %mul3A_478 = arith.muli %mul3A_477, %scan3A_297 : i32
        %add3A_479 = arith.constant 0 : i32
        %add3A_480 = arith.addi %mul3A_478, %add3A_479 : i32
        %get3A_481 = arith.index_cast %add3A_480 : i32 to index
        %get3A_482 = arith.constant 96 : index
        %get3A_483 = tpu.vector_load %arg22[%get3A_481, %get3A_482] {strides = array<i32>} : memref<40x128xf32, #tpu.memory_space<vmem>>, vector<1x16xf32>,
        %get3A_484 = vector.shape_cast %get3A_483 : vector<1x16xf32> to vector<16xf32>
        %add3A_485 = arith.addf %get3A_476, %get3A_484 : vector<16xf32>
        %max3A_486 = arith.constant 0.000000e+00 : f32
        %max3A_487 = vector.broadcast %max3A_486 : f32 to vector<16xf32>
        %max3A_488 = arith.maximumf %add3A_485, %max3A_487 : vector<16xf32>
        %mul3A_489 = arith.constant 2 : i32
        %mul3A_490 = arith.muli %mul3A_489, %scan3A_297 : i32
        %add3A_491 = arith.constant 0 : i32
        %add3A_492 = arith.addi %mul3A_490, %add3A_491 : i32
        %swap3A_493 = arith.index_cast %add3A_492 : i32 to index
        %swap3A_494 = arith.constant 96 : index
        %swap3A_495 = tpu.vector_load %arg18[%swap3A_493, %swap3A_494] {strides = array<i32>} : memref<40x128xf32, #tpu.memory_space<vmem>>, vector<1x16xf32>,
        %swap3A_496 = vector.shape_cast %swap3A_495 : vector<1x16xf32> to vector<16xf32>
        %swap3A_497 = vector.shape_cast %max3A_488 : vector<16xf32> to vector<1x16xf32>
        tpu.vector_store %arg18[%swap3A_493, %swap3A_494], %swap3A_497 {strides = array<i32>} : memref<40x128xf32, #tpu.memory_space<vmem>>, vector<1x16xf32>,
        %mul3A_498 = arith.constant 2 : i32
        %mul3A_499 = arith.muli %mul3A_498, %scan3A_297 : i32
        %add3A_500 = arith.constant 0 : i32
        %add3A_501 = arith.addi %mul3A_499, %add3A_500 : i32
        %get3A_502 = arith.index_cast %add3A_501 : i32 to index
        %get3A_503 = arith.constant 112 : index
        %get3A_504 = tpu.vector_load %arg18[%get3A_502, %get3A_503] {strides = array<i32>} : memref<40x128xf32, #tpu.memory_space<vmem>>, vector<1x16xf32>,
        %get3A_505 = vector.shape_cast %get3A_504 : vector<1x16xf32> to vector<16xf32>
        %mul3A_506 = arith.constant 2 : i32
        %mul3A_507 = arith.muli %mul3A_506, %scan3A_297 : i32
        %add3A_508 = arith.constant 0 : i32
        %add3A_509 = arith.addi %mul3A_507, %add3A_508 : i32
        %get3A_510 = arith.index_cast %add3A_509 : i32 to index
        %get3A_511 = arith.constant 112 : index
        %get3A_512 = tpu.vector_load %arg22[%get3A_510, %get3A_511] {strides = array<i32>} : memref<40x128xf32, #tpu.memory_space<vmem>>, vector<1x16xf32>,
        %get3A_513 = vector.shape_cast %get3A_512 : vector<1x16xf32> to vector<16xf32>
        %add3A_514 = arith.addf %get3A_505, %get3A_513 : vector<16xf32>
        %max3A_515 = arith.constant 0.000000e+00 : f32
        %max3A_516 = vector.broadcast %max3A_515 : f32 to vector<16xf32>
        %max3A_517 = arith.maximumf %add3A_514, %max3A_516 : vector<16xf32>
        %mul3A_518 = arith.constant 2 : i32
        %mul3A_519 = arith.muli %mul3A_518, %scan3A_297 : i32
        %add3A_520 = arith.constant 0 : i32
        %add3A_521 = arith.addi %mul3A_519, %add3A_520 : i32
        %swap3A_522 = arith.index_cast %add3A_521 : i32 to index
        %swap3A_523 = arith.constant 112 : index
        %swap3A_524 = tpu.vector_load %arg18[%swap3A_522, %swap3A_523] {strides = array<i32>} : memref<40x128xf32, #tpu.memory_space<vmem>>, vector<1x16xf32>,
        %swap3A_525 = vector.shape_cast %swap3A_524 : vector<1x16xf32> to vector<16xf32>
        %swap3A_526 = vector.shape_cast %max3A_517 : vector<16xf32> to vector<1x16xf32>
        tpu.vector_store %arg18[%swap3A_522, %swap3A_523], %swap3A_526 {strides = array<i32>} : memref<40x128xf32, #tpu.memory_space<vmem>>, vector<1x16xf32>,
        %mul3A_527 = arith.constant 2 : i32
        %mul3A_528 = arith.muli %mul3A_527, %scan3A_297 : i32
        %add3A_529 = arith.constant 1 : i32
        %add3A_530 = arith.addi %mul3A_528, %add3A_529 : i32
        %get3A_531 = arith.index_cast %add3A_530 : i32 to index
        %get3A_532 = arith.constant 0 : index
        %get3A_533 = tpu.vector_load %arg18[%get3A_531, %get3A_532] {strides = array<i32>} : memref<40x128xf32, #tpu.memory_space<vmem>>, vector<1x16xf32>,
        %get3A_534 = vector.shape_cast %get3A_533 : vector<1x16xf32> to vector<16xf32>
        %mul3A_535 = arith.constant 2 : i32
        %mul3A_536 = arith.muli %mul3A_535, %scan3A_297 : i32
        %add3A_537 = arith.constant 1 : i32
        %add3A_538 = arith.addi %mul3A_536, %add3A_537 : i32
        %get3A_539 = arith.index_cast %add3A_538 : i32 to index
        %get3A_540 = arith.constant 0 : index
        %get3A_541 = tpu.vector_load %arg22[%get3A_539, %get3A_540] {strides = array<i32>} : memref<40x128xf32, #tpu.memory_space<vmem>>, vector<1x16xf32>,
        %get3A_542 = vector.shape_cast %get3A_541 : vector<1x16xf32> to vector<16xf32>
        %add3A_543 = arith.addf %get3A_534, %get3A_542 : vector<16xf32>
        %max3A_544 = arith.constant 0.000000e+00 : f32
        %max3A_545 = vector.broadcast %max3A_544 : f32 to vector<16xf32>
        %max3A_546 = arith.maximumf %add3A_543, %max3A_545 : vector<16xf32>
        %mul3A_547 = arith.constant 2 : i32
        %mul3A_548 = arith.muli %mul3A_547, %scan3A_297 : i32
        %add3A_549 = arith.constant 1 : i32
        %add3A_550 = arith.addi %mul3A_548, %add3A_549 : i32
        %swap3A_551 = arith.index_cast %add3A_550 : i32 to index
        %swap3A_552 = arith.constant 0 : index
        %swap3A_553 = tpu.vector_load %arg18[%swap3A_551, %swap3A_552] {strides = array<i32>} : memref<40x128xf32, #tpu.memory_space<vmem>>, vector<1x16xf32>,
        %swap3A_554 = vector.shape_cast %swap3A_553 : vector<1x16xf32> to vector<16xf32>
        %swap3A_555 = vector.shape_cast %max3A_546 : vector<16xf32> to vector<1x16xf32>
        tpu.vector_store %arg18[%swap3A_551, %swap3A_552], %swap3A_555 {strides = array<i32>} : memref<40x128xf32, #tpu.memory_space<vmem>>, vector<1x16xf32>,
        %mul3A_556 = arith.constant 2 : i32
        %mul3A_557 = arith.muli %mul3A_556, %scan3A_297 : i32
        %add3A_558 = arith.constant 1 : i32
        %add3A_559 = arith.addi %mul3A_557, %add3A_558 : i32
        %get3A_560 = arith.index_cast %add3A_559 : i32 to index
        %get3A_561 = arith.constant 16 : index
        %get3A_562 = tpu.vector_load %arg18[%get3A_560, %get3A_561] {strides = array<i32>} : memref<40x128xf32, #tpu.memory_space<vmem>>, vector<1x16xf32>,
        %get3A_563 = vector.shape_cast %get3A_562 : vector<1x16xf32> to vector<16xf32>
        %mul3A_564 = arith.constant 2 : i32
        %mul3A_565 = arith.muli %mul3A_564, %scan3A_297 : i32
        %add3A_566 = arith.constant 1 : i32
        %add3A_567 = arith.addi %mul3A_565, %add3A_566 : i32
        %get3A_568 = arith.index_cast %add3A_567 : i32 to index
        %get3A_569 = arith.constant 16 : index
        %get3A_570 = tpu.vector_load %arg22[%get3A_568, %get3A_569] {strides = array<i32>} : memref<40x128xf32, #tpu.memory_space<vmem>>, vector<1x16xf32>,
        %get3A_571 = vector.shape_cast %get3A_570 : vector<1x16xf32> to vector<16xf32>
        %add3A_572 = arith.addf %get3A_563, %get3A_571 : vector<16xf32>
        %max3A_573 = arith.constant 0.000000e+00 : f32
        %max3A_574 = vector.broadcast %max3A_573 : f32 to vector<16xf32>
        %max3A_575 = arith.maximumf %add3A_572, %max3A_574 : vector<16xf32>
        %mul3A_576 = arith.constant 2 : i32
        %mul3A_577 = arith.muli %mul3A_576, %scan3A_297 : i32
        %add3A_578 = arith.constant 1 : i32
        %add3A_579 = arith.addi %mul3A_577, %add3A_578 : i32
        %swap3A_580 = arith.index_cast %add3A_579 : i32 to index
        %swap3A_581 = arith.constant 16 : index
        %swap3A_582 = tpu.vector_load %arg18[%swap3A_580, %swap3A_581] {strides = array<i32>} : memref<40x128xf32, #tpu.memory_space<vmem>>, vector<1x16xf32>,
        %swap3A_583 = vector.shape_cast %swap3A_582 : vector<1x16xf32> to vector<16xf32>
        %swap3A_584 = vector.shape_cast %max3A_575 : vector<16xf32> to vector<1x16xf32>
        tpu.vector_store %arg18[%swap3A_580, %swap3A_581], %swap3A_584 {strides = array<i32>} : memref<40x128xf32, #tpu.memory_space<vmem>>, vector<1x16xf32>,
        %mul3A_585 = arith.constant 2 : i32
        %mul3A_586 = arith.muli %mul3A_585, %scan3A_297 : i32
        %add3A_587 = arith.constant 1 : i32
        %add3A_588 = arith.addi %mul3A_586, %add3A_587 : i32
        %get3A_589 = arith.index_cast %add3A_588 : i32 to index
        %get3A_590 = arith.constant 32 : index
        %get3A_591 = tpu.vector_load %arg18[%get3A_589, %get3A_590] {strides = array<i32>} : memref<40x128xf32, #tpu.memory_space<vmem>>, vector<1x16xf32>,
        %get3A_592 = vector.shape_cast %get3A_591 : vector<1x16xf32> to vector<16xf32>
        %mul3A_593 = arith.constant 2 : i32
        %mul3A_594 = arith.muli %mul3A_593, %scan3A_297 : i32
        %add3A_595 = arith.constant 1 : i32
        %add3A_596 = arith.addi %mul3A_594, %add3A_595 : i32
        %get3A_597 = arith.index_cast %add3A_596 : i32 to index
        %get3A_598 = arith.constant 32 : index
        %get3A_599 = tpu.vector_load %arg22[%get3A_597, %get3A_598] {strides = array<i32>} : memref<40x128xf32, #tpu.memory_space<vmem>>, vector<1x16xf32>,
        %get3A_600 = vector.shape_cast %get3A_599 : vector<1x16xf32> to vector<16xf32>
        %add3A_601 = arith.addf %get3A_592, %get3A_600 : vector<16xf32>
        %max3A_602 = arith.constant 0.000000e+00 : f32
        %max3A_603 = vector.broadcast %max3A_602 : f32 to vector<16xf32>
        %max3A_604 = arith.maximumf %add3A_601, %max3A_603 : vector<16xf32>
        %mul3A_605 = arith.constant 2 : i32
        %mul3A_606 = arith.muli %mul3A_605, %scan3A_297 : i32
        %add3A_607 = arith.constant 1 : i32
        %add3A_608 = arith.addi %mul3A_606, %add3A_607 : i32
        %swap3A_609 = arith.index_cast %add3A_608 : i32 to index
        %swap3A_610 = arith.constant 32 : index
        %swap3A_611 = tpu.vector_load %arg18[%swap3A_609, %swap3A_610] {strides = array<i32>} : memref<40x128xf32, #tpu.memory_space<vmem>>, vector<1x16xf32>,
        %swap3A_612 = vector.shape_cast %swap3A_611 : vector<1x16xf32> to vector<16xf32>
        %swap3A_613 = vector.shape_cast %max3A_604 : vector<16xf32> to vector<1x16xf32>
        tpu.vector_store %arg18[%swap3A_609, %swap3A_610], %swap3A_613 {strides = array<i32>} : memref<40x128xf32, #tpu.memory_space<vmem>>, vector<1x16xf32>,
        %mul3A_614 = arith.constant 2 : i32
        %mul3A_615 = arith.muli %mul3A_614, %scan3A_297 : i32
        %add3A_616 = arith.constant 1 : i32
        %add3A_617 = arith.addi %mul3A_615, %add3A_616 : i32
        %get3A_618 = arith.index_cast %add3A_617 : i32 to index
        %get3A_619 = arith.constant 48 : index
        %get3A_620 = tpu.vector_load %arg18[%get3A_618, %get3A_619] {strides = array<i32>} : memref<40x128xf32, #tpu.memory_space<vmem>>, vector<1x16xf32>,
        %get3A_621 = vector.shape_cast %get3A_620 : vector<1x16xf32> to vector<16xf32>
        %mul3A_622 = arith.constant 2 : i32
        %mul3A_623 = arith.muli %mul3A_622, %scan3A_297 : i32
        %add3A_624 = arith.constant 1 : i32
        %add3A_625 = arith.addi %mul3A_623, %add3A_624 : i32
        %get3A_626 = arith.index_cast %add3A_625 : i32 to index
        %get3A_627 = arith.constant 48 : index
        %get3A_628 = tpu.vector_load %arg22[%get3A_626, %get3A_627] {strides = array<i32>} : memref<40x128xf32, #tpu.memory_space<vmem>>, vector<1x16xf32>,
        %get3A_629 = vector.shape_cast %get3A_628 : vector<1x16xf32> to vector<16xf32>
        %add3A_630 = arith.addf %get3A_621, %get3A_629 : vector<16xf32>
        %max3A_631 = arith.constant 0.000000e+00 : f32
        %max3A_632 = vector.broadcast %max3A_631 : f32 to vector<16xf32>
        %max3A_633 = arith.maximumf %add3A_630, %max3A_632 : vector<16xf32>
        %mul3A_634 = arith.constant 2 : i32
        %mul3A_635 = arith.muli %mul3A_634, %scan3A_297 : i32
        %add3A_636 = arith.constant 1 : i32
        %add3A_637 = arith.addi %mul3A_635, %add3A_636 : i32
        %swap3A_638 = arith.index_cast %add3A_637 : i32 to index
        %swap3A_639 = arith.constant 48 : index
        %swap3A_640 = tpu.vector_load %arg18[%swap3A_638, %swap3A_639] {strides = array<i32>} : memref<40x128xf32, #tpu.memory_space<vmem>>, vector<1x16xf32>,
        %swap3A_641 = vector.shape_cast %swap3A_640 : vector<1x16xf32> to vector<16xf32>
        %swap3A_642 = vector.shape_cast %max3A_633 : vector<16xf32> to vector<1x16xf32>
        tpu.vector_store %arg18[%swap3A_638, %swap3A_639], %swap3A_642 {strides = array<i32>} : memref<40x128xf32, #tpu.memory_space<vmem>>, vector<1x16xf32>,
        %mul3A_643 = arith.constant 2 : i32
        %mul3A_644 = arith.muli %mul3A_643, %scan3A_297 : i32
        %add3A_645 = arith.constant 1 : i32
        %add3A_646 = arith.addi %mul3A_644, %add3A_645 : i32
        %get3A_647 = arith.index_cast %add3A_646 : i32 to index
        %get3A_648 = arith.constant 64 : index
        %get3A_649 = tpu.vector_load %arg18[%get3A_647, %get3A_648] {strides = array<i32>} : memref<40x128xf32, #tpu.memory_space<vmem>>, vector<1x16xf32>,
        %get3A_650 = vector.shape_cast %get3A_649 : vector<1x16xf32> to vector<16xf32>
        %mul3A_651 = arith.constant 2 : i32
        %mul3A_652 = arith.muli %mul3A_651, %scan3A_297 : i32
        %add3A_653 = arith.constant 1 : i32
        %add3A_654 = arith.addi %mul3A_652, %add3A_653 : i32
        %get3A_655 = arith.index_cast %add3A_654 : i32 to index
        %get3A_656 = arith.constant 64 : index
        %get3A_657 = tpu.vector_load %arg22[%get3A_655, %get3A_656] {strides = array<i32>} : memref<40x128xf32, #tpu.memory_space<vmem>>, vector<1x16xf32>,
        %get3A_658 = vector.shape_cast %get3A_657 : vector<1x16xf32> to vector<16xf32>
        %add3A_659 = arith.addf %get3A_650, %get3A_658 : vector<16xf32>
        %max3A_660 = arith.constant 0.000000e+00 : f32
        %max3A_661 = vector.broadcast %max3A_660 : f32 to vector<16xf32>
        %max3A_662 = arith.maximumf %add3A_659, %max3A_661 : vector<16xf32>
        %mul3A_663 = arith.constant 2 : i32
        %mul3A_664 = arith.muli %mul3A_663, %scan3A_297 : i32
        %add3A_665 = arith.constant 1 : i32
        %add3A_666 = arith.addi %mul3A_664, %add3A_665 : i32
        %swap3A_667 = arith.index_cast %add3A_666 : i32 to index
        %swap3A_668 = arith.constant 64 : index
        %swap3A_669 = tpu.vector_load %arg18[%swap3A_667, %swap3A_668] {strides = array<i32>} : memref<40x128xf32, #tpu.memory_space<vmem>>, vector<1x16xf32>,
        %swap3A_670 = vector.shape_cast %swap3A_669 : vector<1x16xf32> to vector<16xf32>
        %swap3A_671 = vector.shape_cast %max3A_662 : vector<16xf32> to vector<1x16xf32>
        tpu.vector_store %arg18[%swap3A_667, %swap3A_668], %swap3A_671 {strides = array<i32>} : memref<40x128xf32, #tpu.memory_space<vmem>>, vector<1x16xf32>,
        %mul3A_672 = arith.constant 2 : i32
        %mul3A_673 = arith.muli %mul3A_672, %scan3A_297 : i32
        %add3A_674 = arith.constant 1 : i32
        %add3A_675 = arith.addi %mul3A_673, %add3A_674 : i32
        %get3A_676 = arith.index_cast %add3A_675 : i32 to index
        %get3A_677 = arith.constant 80 : index
        %get3A_678 = tpu.vector_load %arg18[%get3A_676, %get3A_677] {strides = array<i32>} : memref<40x128xf32, #tpu.memory_space<vmem>>, vector<1x16xf32>,
        %get3A_679 = vector.shape_cast %get3A_678 : vector<1x16xf32> to vector<16xf32>
        %mul3A_680 = arith.constant 2 : i32
        %mul3A_681 = arith.muli %mul3A_680, %scan3A_297 : i32
        %add3A_682 = arith.constant 1 : i32
        %add3A_683 = arith.addi %mul3A_681, %add3A_682 : i32
        %get3A_684 = arith.index_cast %add3A_683 : i32 to index
        %get3A_685 = arith.constant 80 : index
        %get3A_686 = tpu.vector_load %arg22[%get3A_684, %get3A_685] {strides = array<i32>} : memref<40x128xf32, #tpu.memory_space<vmem>>, vector<1x16xf32>,
        %get3A_687 = vector.shape_cast %get3A_686 : vector<1x16xf32> to vector<16xf32>
        %add3A_688 = arith.addf %get3A_679, %get3A_687 : vector<16xf32>
        %max3A_689 = arith.constant 0.000000e+00 : f32
        %max3A_690 = vector.broadcast %max3A_689 : f32 to vector<16xf32>
        %max3A_691 = arith.maximumf %add3A_688, %max3A_690 : vector<16xf32>
        %mul3A_692 = arith.constant 2 : i32
        %mul3A_693 = arith.muli %mul3A_692, %scan3A_297 : i32
        %add3A_694 = arith.constant 1 : i32
        %add3A_695 = arith.addi %mul3A_693, %add3A_694 : i32
        %swap3A_696 = arith.index_cast %add3A_695 : i32 to index
        %swap3A_697 = arith.constant 80 : index
        %swap3A_698 = tpu.vector_load %arg18[%swap3A_696, %swap3A_697] {strides = array<i32>} : memref<40x128xf32, #tpu.memory_space<vmem>>, vector<1x16xf32>,
        %swap3A_699 = vector.shape_cast %swap3A_698 : vector<1x16xf32> to vector<16xf32>
        %swap3A_700 = vector.shape_cast %max3A_691 : vector<16xf32> to vector<1x16xf32>
        tpu.vector_store %arg18[%swap3A_696, %swap3A_697], %swap3A_700 {strides = array<i32>} : memref<40x128xf32, #tpu.memory_space<vmem>>, vector<1x16xf32>,
        %mul3A_701 = arith.constant 2 : i32
        %mul3A_702 = arith.muli %mul3A_701, %scan3A_297 : i32
        %add3A_703 = arith.constant 1 : i32
        %add3A_704 = arith.addi %mul3A_702, %add3A_703 : i32
        %get3A_705 = arith.index_cast %add3A_704 : i32 to index
        %get3A_706 = arith.constant 96 : index
        %get3A_707 = tpu.vector_load %arg18[%get3A_705, %get3A_706] {strides = array<i32>} : memref<40x128xf32, #tpu.memory_space<vmem>>, vector<1x16xf32>,
        %get3A_708 = vector.shape_cast %get3A_707 : vector<1x16xf32> to vector<16xf32>
        %mul3A_709 = arith.constant 2 : i32
        %mul3A_710 = arith.muli %mul3A_709, %scan3A_297 : i32
        %add3A_711 = arith.constant 1 : i32
        %add3A_712 = arith.addi %mul3A_710, %add3A_711 : i32
        %get3A_713 = arith.index_cast %add3A_712 : i32 to index
        %get3A_714 = arith.constant 96 : index
        %get3A_715 = tpu.vector_load %arg22[%get3A_713, %get3A_714] {strides = array<i32>} : memref<40x128xf32, #tpu.memory_space<vmem>>, vector<1x16xf32>,
        %get3A_716 = vector.shape_cast %get3A_715 : vector<1x16xf32> to vector<16xf32>
        %add3A_717 = arith.addf %get3A_708, %get3A_716 : vector<16xf32>
        %max3A_718 = arith.constant 0.000000e+00 : f32
        %max3A_719 = vector.broadcast %max3A_718 : f32 to vector<16xf32>
        %max3A_720 = arith.maximumf %add3A_717, %max3A_719 : vector<16xf32>
        %mul3A_721 = arith.constant 2 : i32
        %mul3A_722 = arith.muli %mul3A_721, %scan3A_297 : i32
        %add3A_723 = arith.constant 1 : i32
        %add3A_724 = arith.addi %mul3A_722, %add3A_723 : i32
        %swap3A_725 = arith.index_cast %add3A_724 : i32 to index
        %swap3A_726 = arith.constant 96 : index
        %swap3A_727 = tpu.vector_load %arg18[%swap3A_725, %swap3A_726] {strides = array<i32>} : memref<40x128xf32, #tpu.memory_space<vmem>>, vector<1x16xf32>,
        %swap3A_728 = vector.shape_cast %swap3A_727 : vector<1x16xf32> to vector<16xf32>
        %swap3A_729 = vector.shape_cast %max3A_720 : vector<16xf32> to vector<1x16xf32>
        tpu.vector_store %arg18[%swap3A_725, %swap3A_726], %swap3A_729 {strides = array<i32>} : memref<40x128xf32, #tpu.memory_space<vmem>>, vector<1x16xf32>,
        %mul3A_730 = arith.constant 2 : i32
        %mul3A_731 = arith.muli %mul3A_730, %scan3A_297 : i32
        %add3A_732 = arith.constant 1 : i32
        %add3A_733 = arith.addi %mul3A_731, %add3A_732 : i32
        %get3A_734 = arith.index_cast %add3A_733 : i32 to index
        %get3A_735 = arith.constant 112 : index
        %get3A_736 = tpu.vector_load %arg18[%get3A_734, %get3A_735] {strides = array<i32>} : memref<40x128xf32, #tpu.memory_space<vmem>>, vector<1x16xf32>,
        %get3A_737 = vector.shape_cast %get3A_736 : vector<1x16xf32> to vector<16xf32>
        %mul3A_738 = arith.constant 2 : i32
        %mul3A_739 = arith.muli %mul3A_738, %scan3A_297 : i32
        %add3A_740 = arith.constant 1 : i32
        %add3A_741 = arith.addi %mul3A_739, %add3A_740 : i32
        %get3A_742 = arith.index_cast %add3A_741 : i32 to index
        %get3A_743 = arith.constant 112 : index
        %get3A_744 = tpu.vector_load %arg22[%get3A_742, %get3A_743] {strides = array<i32>} : memref<40x128xf32, #tpu.memory_space<vmem>>, vector<1x16xf32>,
        %get3A_745 = vector.shape_cast %get3A_744 : vector<1x16xf32> to vector<16xf32>
        %add3A_746 = arith.addf %get3A_737, %get3A_745 : vector<16xf32>
        %max3A_747 = arith.constant 0.000000e+00 : f32
        %max3A_748 = vector.broadcast %max3A_747 : f32 to vector<16xf32>
        %max3A_749 = arith.maximumf %add3A_746, %max3A_748 : vector<16xf32>
        %mul3A_750 = arith.constant 2 : i32
        %mul3A_751 = arith.muli %mul3A_750, %scan3A_297 : i32
        %add3A_752 = arith.constant 1 : i32
        %add3A_753 = arith.addi %mul3A_751, %add3A_752 : i32
        %swap3A_754 = arith.index_cast %add3A_753 : i32 to index
        %swap3A_755 = arith.constant 112 : index
        %swap3A_756 = tpu.vector_load %arg18[%swap3A_754, %swap3A_755] {strides = array<i32>} : memref<40x128xf32, #tpu.memory_space<vmem>>, vector<1x16xf32>,
        %swap3A_757 = vector.shape_cast %swap3A_756 : vector<1x16xf32> to vector<16xf32>
        %swap3A_758 = vector.shape_cast %max3A_749 : vector<16xf32> to vector<1x16xf32>
        tpu.vector_store %arg18[%swap3A_754, %swap3A_755], %swap3A_758 {strides = array<i32>} : memref<40x128xf32, #tpu.memory_space<vmem>>, vector<1x16xf32>,
      }
      %scan3A_237 = arith.constant 20 : i32
      %ge3A_238 = arith.constant 2 : i32
      %ge3A_239 = arith.cmpi sge, %add3A_224, %ge3A_238 : i32
      %convert_element_type3A_240 = arith.extui %ge3A_239 : i1 to i32
      %cond3A_241 = arith.constant 0 : i32
      %cond3A_242 = arith.cmpi ne, %convert_element_type3A_240, %cond3A_241 : i32
      scf.if %cond3A_242 {
        %mul3A_297 = arith.constant 40 : i32
        %mul3A_298 = arith.muli %add3A_224, %mul3A_297 : i32
        %add3A_299 = arith.addi %mul3A_2, %mul3A_298 : i32
        %dma_wait3A_300 = tpu.memref_slice %arg3[%add3A_299] : memref<160000xi32, #tpu.memory_space<hbm>> -> memref<40xi32, #tpu.memory_space<hbm>>
        %dma_wait3A_301 = tpu.memref_slice %arg3[%add3A_299] : memref<160000xi32, #tpu.memory_space<hbm>> -> memref<40xi32, #tpu.memory_space<hbm>>
        tpu.wait_dma2 semaphore(%arg39 : memref<!tpu.dma_semaphore, #tpu.memory_space<semaphore_mem>>) src(%dma_wait3A_301 : memref<40xi32, #tpu.memory_space<hbm>>) dst(%arg14 : memref<40xi32, #tpu.memory_space<vmem>>)
      } else {
      }
      %dma_start3A_243 = arith.constant 0 : i32
      %dma_start3A_244 = arith.constant 0 : i32
      %dma_start3A_245 = tpu.memref_slice %arg24[%dma_start3A_243, %dma_start3A_244] : memref<10240x128xf32, #tpu.memory_space<vmem_shared>> -> memref<10240x128xf32, #tpu.memory_space<vmem_shared>>
      tpu.enqueue_indirect_dma source(%arg18 : memref<40x128xf32, #tpu.memory_space<vmem>>) target(%dma_start3A_245 : memref<10240x128xf32, #tpu.memory_space<vmem_shared>>) offsets(%arg14 : memref<40xi32, #tpu.memory_space<vmem>>) semaphore(%arg43 : memref<!tpu.dma_semaphore, #tpu.memory_space<semaphore_mem>>) {add = true}
      %add3A_246 = arith.constant 2 : i32
      %add3A_247 = arith.addi %add3A_224, %add3A_246 : i32
      %lt3A_248 = arith.constant 250 : i32
      %lt3A_249 = arith.cmpi slt, %add3A_247, %lt3A_248 : i32
      %convert_element_type3A_250 = arith.extui %lt3A_249 : i1 to i32
      %cond3A_251 = arith.constant 0 : i32
      %cond3A_252 = arith.cmpi ne, %convert_element_type3A_250, %cond3A_251 : i32
      scf.if %cond3A_252 {
        %ge3A_297 = arith.constant 2 : i32
        %ge3A_298 = arith.cmpi sge, %add3A_224, %ge3A_297 : i32
        %convert_element_type3A_299 = arith.extui %ge3A_298 : i1 to i32
        %cond3A_300 = arith.constant 0 : i32
        %cond3A_301 = arith.cmpi ne, %convert_element_type3A_299, %cond3A_300 : i32
        scf.if %cond3A_301 {
          %dma_wait3A_325 = arith.constant 0 : i32
          %dma_wait3A_326 = arith.constant 0 : i32
          %dma_wait3A_327 = tpu.memref_slice %arg24[%dma_wait3A_325, %dma_wait3A_326] : memref<10240x128xf32, #tpu.memory_space<vmem_shared>> -> memref<10240x128xf32, #tpu.memory_space<vmem_shared>>
          tpu.wait_indirect_dma semaphore(%arg41 : memref<!tpu.dma_semaphore, #tpu.memory_space<semaphore_mem>>) src(%arg16 : memref<40x128xf32, #tpu.memory_space<vmem>>) dst(%dma_wait3A_327 : memref<10240x128xf32, #tpu.memory_space<vmem_shared>>)
        } else {
        }
        %add3A_302 = arith.constant 2 : i32
        %add3A_303 = arith.addi %add3A_224, %add3A_302 : i32
        %mul3A_304 = arith.constant 40 : i32
        %mul3A_305 = arith.muli %add3A_303, %mul3A_304 : i32
        %add3A_306 = arith.addi %mul3A_2, %mul3A_305 : i32
        %dma_start3A_307 = tpu.memref_slice %arg3[%add3A_306] : memref<160000xi32, #tpu.memory_space<hbm>> -> memref<40xi32, #tpu.memory_space<hbm>>
        %dma_start3A_308 = tpu.memref_slice %arg3[%add3A_306] : memref<160000xi32, #tpu.memory_space<hbm>> -> memref<40xi32, #tpu.memory_space<hbm>>
        tpu.enqueue_dma source(%dma_start3A_308 : memref<40xi32, #tpu.memory_space<hbm>>) target(%arg12 : memref<40xi32, #tpu.memory_space<vmem>>) target_semaphore(%arg37 : memref<!tpu.dma_semaphore, #tpu.memory_space<semaphore_mem>>)
        %add3A_309 = arith.constant 2 : i32
        %add3A_310 = arith.addi %add3A_224, %add3A_309 : i32
        %mul3A_311 = arith.constant 40 : i32
        %mul3A_312 = arith.muli %add3A_310, %mul3A_311 : i32
        %add3A_313 = arith.addi %mul3A_2, %mul3A_312 : i32
        %dma_wait3A_314 = tpu.memref_slice %arg2[%add3A_313] : memref<160000xi32, #tpu.memory_space<hbm>> -> memref<40xi32, #tpu.memory_space<hbm>>
        %dma_wait3A_315 = tpu.memref_slice %arg2[%add3A_313] : memref<160000xi32, #tpu.memory_space<hbm>> -> memref<40xi32, #tpu.memory_space<hbm>>
        tpu.wait_dma2 semaphore(%arg33 : memref<!tpu.dma_semaphore, #tpu.memory_space<semaphore_mem>>) src(%dma_wait3A_315 : memref<40xi32, #tpu.memory_space<hbm>>) dst(%arg8 : memref<40xi32, #tpu.memory_space<vmem>>)
        %add3A_316 = arith.constant 2 : i32
        %add3A_317 = arith.addi %add3A_224, %add3A_316 : i32
        %mul3A_318 = arith.constant 40 : i32
        %mul3A_319 = arith.muli %add3A_317, %mul3A_318 : i32
        %add3A_320 = arith.addi %mul3A_2, %mul3A_319 : i32
        %dma_start3A_321 = arith.constant 0 : i32
        %dma_start3A_322 = tpu.memref_slice %arg4[%dma_start3A_321, %multiple_of3A] : memref<10000x256xf32, #tpu.memory_space<hbm>> -> memref<10000x128xf32, #tpu.memory_space<hbm>>
        tpu.enqueue_indirect_dma source(%dma_start3A_322 : memref<10000x128xf32, #tpu.memory_space<hbm>>) target(%arg16 : memref<40x128xf32, #tpu.memory_space<vmem>>) offsets(%arg8 : memref<40xi32, #tpu.memory_space<vmem>>) semaphore(%arg25 : memref<!tpu.dma_semaphore, #tpu.memory_space<semaphore_mem>>)
        %dma_start3A_323 = tpu.memref_slice %arg5[%add3A_320, %multiple_of3A] : memref<160000x256xf32, #tpu.memory_space<hbm>> -> memref<40x128xf32, #tpu.memory_space<hbm>>
        %dma_start3A_324 = tpu.memref_slice %arg5[%add3A_320, %multiple_of3A] : memref<160000x256xf32, #tpu.memory_space<hbm>> -> memref<40x128xf32, #tpu.memory_space<hbm>>
        tpu.enqueue_dma source(%dma_start3A_324 : memref<40x128xf32, #tpu.memory_space<hbm>>) target(%arg20 : memref<40x128xf32, #tpu.memory_space<vmem>>) target_semaphore(%arg29 : memref<!tpu.dma_semaphore, #tpu.memory_space<semaphore_mem>>)
      } else {
      }
      %add3A_253 = arith.constant 4 : i32
      %add3A_254 = arith.addi %add3A_224, %add3A_253 : i32
      %lt3A_255 = arith.constant 250 : i32
      %lt3A_256 = arith.cmpi slt, %add3A_254, %lt3A_255 : i32
      %convert_element_type3A_257 = arith.extui %lt3A_256 : i1 to i32
      %cond3A_258 = arith.constant 0 : i32
      %cond3A_259 = arith.cmpi ne, %convert_element_type3A_257, %cond3A_258 : i32
      scf.if %cond3A_259 {
        %add3A_297 = arith.constant 4 : i32
        %add3A_298 = arith.addi %add3A_224, %add3A_297 : i32
        %mul3A_299 = arith.constant 40 : i32
        %mul3A_300 = arith.muli %add3A_298, %mul3A_299 : i32
        %add3A_301 = arith.addi %mul3A_2, %mul3A_300 : i32
        %dma_start3A_302 = tpu.memref_slice %arg2[%add3A_301] : memref<160000xi32, #tpu.memory_space<hbm>> -> memref<40xi32, #tpu.memory_space<hbm>>
        %dma_start3A_303 = tpu.memref_slice %arg2[%add3A_301] : memref<160000xi32, #tpu.memory_space<hbm>> -> memref<40xi32, #tpu.memory_space<hbm>>
        tpu.enqueue_dma source(%dma_start3A_303 : memref<40xi32, #tpu.memory_space<hbm>>) target(%arg10 : memref<40xi32, #tpu.memory_space<vmem>>) target_semaphore(%arg35 : memref<!tpu.dma_semaphore, #tpu.memory_space<semaphore_mem>>)
      } else {
      }
      %add3A_260 = arith.constant 3 : i32
      %add3A_261 = arith.addi %mul3A_154, %add3A_260 : i32
      %mul3A_262 = arith.constant 40 : i32
      %mul3A_263 = arith.muli %add3A_261, %mul3A_262 : i32
      %add3A_264 = arith.addi %mul3A_2, %mul3A_263 : i32
      %dma_wait3A_265 = arith.constant 0 : i32
      %dma_wait3A_266 = tpu.memref_slice %arg4[%dma_wait3A_265, %multiple_of3A] : memref<10000x256xf32, #tpu.memory_space<hbm>> -> memref<10000x128xf32, #tpu.memory_space<hbm>>
      tpu.wait_indirect_dma semaphore(%arg28 : memref<!tpu.dma_semaphore, #tpu.memory_space<semaphore_mem>>) src(%dma_wait3A_266 : memref<10000x128xf32, #tpu.memory_space<hbm>>) dst(%arg19 : memref<40x128xf32, #tpu.memory_space<vmem>>)
      %dma_wait3A_267 = tpu.memref_slice %arg5[%add3A_264, %multiple_of3A] : memref<160000x256xf32, #tpu.memory_space<hbm>> -> memref<40x128xf32, #tpu.memory_space<hbm>>
      %dma_wait3A_268 = tpu.memref_slice %arg5[%add3A_264, %multiple_of3A] : memref<160000x256xf32, #tpu.memory_space<hbm>> -> memref<40x128xf32, #tpu.memory_space<hbm>>
      tpu.wait_dma2 semaphore(%arg32 : memref<!tpu.dma_semaphore, #tpu.memory_space<semaphore_mem>>) src(%dma_wait3A_268 : memref<40x128xf32, #tpu.memory_space<hbm>>) dst(%arg23 : memref<40x128xf32, #tpu.memory_space<vmem>>)
      %scan3A_269 = arith.constant 0 : i32
      %scan3A_270 = arith.constant 0 : i32
      %scan3A_271 = arith.constant 20 : i32
      %scan3A_272 = arith.addi %scan3A_270, %scan3A_271 : i32
      %scan3A_273 = arith.constant 1 : i32
      scf.for %scan3A_297 = %scan3A_270 to %scan3A_272 step %scan3A_273  : i32 {
        %mul3A_298 = arith.constant 2 : i32
        %mul3A_299 = arith.muli %mul3A_298, %scan3A_297 : i32
        %add3A_300 = arith.constant 0 : i32
        %add3A_301 = arith.addi %mul3A_299, %add3A_300 : i32
        %get3A = arith.index_cast %add3A_301 : i32 to index
        %get3A_302 = arith.constant 0 : index
        %get3A_303 = tpu.vector_load %arg19[%get3A, %get3A_302] {strides = array<i32>} : memref<40x128xf32, #tpu.memory_space<vmem>>, vector<1x16xf32>,
        %get3A_304 = vector.shape_cast %get3A_303 : vector<1x16xf32> to vector<16xf32>
        %mul3A_305 = arith.constant 2 : i32
        %mul3A_306 = arith.muli %mul3A_305, %scan3A_297 : i32
        %add3A_307 = arith.constant 0 : i32
        %add3A_308 = arith.addi %mul3A_306, %add3A_307 : i32
        %get3A_309 = arith.index_cast %add3A_308 : i32 to index
        %get3A_310 = arith.constant 0 : index
        %get3A_311 = tpu.vector_load %arg23[%get3A_309, %get3A_310] {strides = array<i32>} : memref<40x128xf32, #tpu.memory_space<vmem>>, vector<1x16xf32>,
        %get3A_312 = vector.shape_cast %get3A_311 : vector<1x16xf32> to vector<16xf32>
        %add3A_313 = arith.addf %get3A_304, %get3A_312 : vector<16xf32>
        %max3A = arith.constant 0.000000e+00 : f32
        %max3A_314 = vector.broadcast %max3A : f32 to vector<16xf32>
        %max3A_315 = arith.maximumf %add3A_313, %max3A_314 : vector<16xf32>
        %mul3A_316 = arith.constant 2 : i32
        %mul3A_317 = arith.muli %mul3A_316, %scan3A_297 : i32
        %add3A_318 = arith.constant 0 : i32
        %add3A_319 = arith.addi %mul3A_317, %add3A_318 : i32
        %swap3A = arith.index_cast %add3A_319 : i32 to index
        %swap3A_320 = arith.constant 0 : index
        %swap3A_321 = tpu.vector_load %arg19[%swap3A, %swap3A_320] {strides = array<i32>} : memref<40x128xf32, #tpu.memory_space<vmem>>, vector<1x16xf32>,
        %swap3A_322 = vector.shape_cast %swap3A_321 : vector<1x16xf32> to vector<16xf32>
        %swap3A_323 = vector.shape_cast %max3A_315 : vector<16xf32> to vector<1x16xf32>
        tpu.vector_store %arg19[%swap3A, %swap3A_320], %swap3A_323 {strides = array<i32>} : memref<40x128xf32, #tpu.memory_space<vmem>>, vector<1x16xf32>,
        %mul3A_324 = arith.constant 2 : i32
        %mul3A_325 = arith.muli %mul3A_324, %scan3A_297 : i32
        %add3A_326 = arith.constant 0 : i32
        %add3A_327 = arith.addi %mul3A_325, %add3A_326 : i32
        %get3A_328 = arith.index_cast %add3A_327 : i32 to index
        %get3A_329 = arith.constant 16 : index
        %get3A_330 = tpu.vector_load %arg19[%get3A_328, %get3A_329] {strides = array<i32>} : memref<40x128xf32, #tpu.memory_space<vmem>>, vector<1x16xf32>,
        %get3A_331 = vector.shape_cast %get3A_330 : vector<1x16xf32> to vector<16xf32>
        %mul3A_332 = arith.constant 2 : i32
        %mul3A_333 = arith.muli %mul3A_332, %scan3A_297 : i32
        %add3A_334 = arith.constant 0 : i32
        %add3A_335 = arith.addi %mul3A_333, %add3A_334 : i32
        %get3A_336 = arith.index_cast %add3A_335 : i32 to index
        %get3A_337 = arith.constant 16 : index
        %get3A_338 = tpu.vector_load %arg23[%get3A_336, %get3A_337] {strides = array<i32>} : memref<40x128xf32, #tpu.memory_space<vmem>>, vector<1x16xf32>,
        %get3A_339 = vector.shape_cast %get3A_338 : vector<1x16xf32> to vector<16xf32>
        %add3A_340 = arith.addf %get3A_331, %get3A_339 : vector<16xf32>
        %max3A_341 = arith.constant 0.000000e+00 : f32
        %max3A_342 = vector.broadcast %max3A_341 : f32 to vector<16xf32>
        %max3A_343 = arith.maximumf %add3A_340, %max3A_342 : vector<16xf32>
        %mul3A_344 = arith.constant 2 : i32
        %mul3A_345 = arith.muli %mul3A_344, %scan3A_297 : i32
        %add3A_346 = arith.constant 0 : i32
        %add3A_347 = arith.addi %mul3A_345, %add3A_346 : i32
        %swap3A_348 = arith.index_cast %add3A_347 : i32 to index
        %swap3A_349 = arith.constant 16 : index
        %swap3A_350 = tpu.vector_load %arg19[%swap3A_348, %swap3A_349] {strides = array<i32>} : memref<40x128xf32, #tpu.memory_space<vmem>>, vector<1x16xf32>,
        %swap3A_351 = vector.shape_cast %swap3A_350 : vector<1x16xf32> to vector<16xf32>
        %swap3A_352 = vector.shape_cast %max3A_343 : vector<16xf32> to vector<1x16xf32>
        tpu.vector_store %arg19[%swap3A_348, %swap3A_349], %swap3A_352 {strides = array<i32>} : memref<40x128xf32, #tpu.memory_space<vmem>>, vector<1x16xf32>,
        %mul3A_353 = arith.constant 2 : i32
        %mul3A_354 = arith.muli %mul3A_353, %scan3A_297 : i32
        %add3A_355 = arith.constant 0 : i32
        %add3A_356 = arith.addi %mul3A_354, %add3A_355 : i32
        %get3A_357 = arith.index_cast %add3A_356 : i32 to index
        %get3A_358 = arith.constant 32 : index
        %get3A_359 = tpu.vector_load %arg19[%get3A_357, %get3A_358] {strides = array<i32>} : memref<40x128xf32, #tpu.memory_space<vmem>>, vector<1x16xf32>,
        %get3A_360 = vector.shape_cast %get3A_359 : vector<1x16xf32> to vector<16xf32>
        %mul3A_361 = arith.constant 2 : i32
        %mul3A_362 = arith.muli %mul3A_361, %scan3A_297 : i32
        %add3A_363 = arith.constant 0 : i32
        %add3A_364 = arith.addi %mul3A_362, %add3A_363 : i32
        %get3A_365 = arith.index_cast %add3A_364 : i32 to index
        %get3A_366 = arith.constant 32 : index
        %get3A_367 = tpu.vector_load %arg23[%get3A_365, %get3A_366] {strides = array<i32>} : memref<40x128xf32, #tpu.memory_space<vmem>>, vector<1x16xf32>,
        %get3A_368 = vector.shape_cast %get3A_367 : vector<1x16xf32> to vector<16xf32>
        %add3A_369 = arith.addf %get3A_360, %get3A_368 : vector<16xf32>
        %max3A_370 = arith.constant 0.000000e+00 : f32
        %max3A_371 = vector.broadcast %max3A_370 : f32 to vector<16xf32>
        %max3A_372 = arith.maximumf %add3A_369, %max3A_371 : vector<16xf32>
        %mul3A_373 = arith.constant 2 : i32
        %mul3A_374 = arith.muli %mul3A_373, %scan3A_297 : i32
        %add3A_375 = arith.constant 0 : i32
        %add3A_376 = arith.addi %mul3A_374, %add3A_375 : i32
        %swap3A_377 = arith.index_cast %add3A_376 : i32 to index
        %swap3A_378 = arith.constant 32 : index
        %swap3A_379 = tpu.vector_load %arg19[%swap3A_377, %swap3A_378] {strides = array<i32>} : memref<40x128xf32, #tpu.memory_space<vmem>>, vector<1x16xf32>,
        %swap3A_380 = vector.shape_cast %swap3A_379 : vector<1x16xf32> to vector<16xf32>
        %swap3A_381 = vector.shape_cast %max3A_372 : vector<16xf32> to vector<1x16xf32>
        tpu.vector_store %arg19[%swap3A_377, %swap3A_378], %swap3A_381 {strides = array<i32>} : memref<40x128xf32, #tpu.memory_space<vmem>>, vector<1x16xf32>,
        %mul3A_382 = arith.constant 2 : i32
        %mul3A_383 = arith.muli %mul3A_382, %scan3A_297 : i32
        %add3A_384 = arith.constant 0 : i32
        %add3A_385 = arith.addi %mul3A_383, %add3A_384 : i32
        %get3A_386 = arith.index_cast %add3A_385 : i32 to index
        %get3A_387 = arith.constant 48 : index
        %get3A_388 = tpu.vector_load %arg19[%get3A_386, %get3A_387] {strides = array<i32>} : memref<40x128xf32, #tpu.memory_space<vmem>>, vector<1x16xf32>,
        %get3A_389 = vector.shape_cast %get3A_388 : vector<1x16xf32> to vector<16xf32>
        %mul3A_390 = arith.constant 2 : i32
        %mul3A_391 = arith.muli %mul3A_390, %scan3A_297 : i32
        %add3A_392 = arith.constant 0 : i32
        %add3A_393 = arith.addi %mul3A_391, %add3A_392 : i32
        %get3A_394 = arith.index_cast %add3A_393 : i32 to index
        %get3A_395 = arith.constant 48 : index
        %get3A_396 = tpu.vector_load %arg23[%get3A_394, %get3A_395] {strides = array<i32>} : memref<40x128xf32, #tpu.memory_space<vmem>>, vector<1x16xf32>,
        %get3A_397 = vector.shape_cast %get3A_396 : vector<1x16xf32> to vector<16xf32>
        %add3A_398 = arith.addf %get3A_389, %get3A_397 : vector<16xf32>
        %max3A_399 = arith.constant 0.000000e+00 : f32
        %max3A_400 = vector.broadcast %max3A_399 : f32 to vector<16xf32>
        %max3A_401 = arith.maximumf %add3A_398, %max3A_400 : vector<16xf32>
        %mul3A_402 = arith.constant 2 : i32
        %mul3A_403 = arith.muli %mul3A_402, %scan3A_297 : i32
        %add3A_404 = arith.constant 0 : i32
        %add3A_405 = arith.addi %mul3A_403, %add3A_404 : i32
        %swap3A_406 = arith.index_cast %add3A_405 : i32 to index
        %swap3A_407 = arith.constant 48 : index
        %swap3A_408 = tpu.vector_load %arg19[%swap3A_406, %swap3A_407] {strides = array<i32>} : memref<40x128xf32, #tpu.memory_space<vmem>>, vector<1x16xf32>,
        %swap3A_409 = vector.shape_cast %swap3A_408 : vector<1x16xf32> to vector<16xf32>
        %swap3A_410 = vector.shape_cast %max3A_401 : vector<16xf32> to vector<1x16xf32>
        tpu.vector_store %arg19[%swap3A_406, %swap3A_407], %swap3A_410 {strides = array<i32>} : memref<40x128xf32, #tpu.memory_space<vmem>>, vector<1x16xf32>,
        %mul3A_411 = arith.constant 2 : i32
        %mul3A_412 = arith.muli %mul3A_411, %scan3A_297 : i32
        %add3A_413 = arith.constant 0 : i32
        %add3A_414 = arith.addi %mul3A_412, %add3A_413 : i32
        %get3A_415 = arith.index_cast %add3A_414 : i32 to index
        %get3A_416 = arith.constant 64 : index
        %get3A_417 = tpu.vector_load %arg19[%get3A_415, %get3A_416] {strides = array<i32>} : memref<40x128xf32, #tpu.memory_space<vmem>>, vector<1x16xf32>,
        %get3A_418 = vector.shape_cast %get3A_417 : vector<1x16xf32> to vector<16xf32>
        %mul3A_419 = arith.constant 2 : i32
        %mul3A_420 = arith.muli %mul3A_419, %scan3A_297 : i32
        %add3A_421 = arith.constant 0 : i32
        %add3A_422 = arith.addi %mul3A_420, %add3A_421 : i32
        %get3A_423 = arith.index_cast %add3A_422 : i32 to index
        %get3A_424 = arith.constant 64 : index
        %get3A_425 = tpu.vector_load %arg23[%get3A_423, %get3A_424] {strides = array<i32>} : memref<40x128xf32, #tpu.memory_space<vmem>>, vector<1x16xf32>,
        %get3A_426 = vector.shape_cast %get3A_425 : vector<1x16xf32> to vector<16xf32>
        %add3A_427 = arith.addf %get3A_418, %get3A_426 : vector<16xf32>
        %max3A_428 = arith.constant 0.000000e+00 : f32
        %max3A_429 = vector.broadcast %max3A_428 : f32 to vector<16xf32>
        %max3A_430 = arith.maximumf %add3A_427, %max3A_429 : vector<16xf32>
        %mul3A_431 = arith.constant 2 : i32
        %mul3A_432 = arith.muli %mul3A_431, %scan3A_297 : i32
        %add3A_433 = arith.constant 0 : i32
        %add3A_434 = arith.addi %mul3A_432, %add3A_433 : i32
        %swap3A_435 = arith.index_cast %add3A_434 : i32 to index
        %swap3A_436 = arith.constant 64 : index
        %swap3A_437 = tpu.vector_load %arg19[%swap3A_435, %swap3A_436] {strides = array<i32>} : memref<40x128xf32, #tpu.memory_space<vmem>>, vector<1x16xf32>,
        %swap3A_438 = vector.shape_cast %swap3A_437 : vector<1x16xf32> to vector<16xf32>
        %swap3A_439 = vector.shape_cast %max3A_430 : vector<16xf32> to vector<1x16xf32>
        tpu.vector_store %arg19[%swap3A_435, %swap3A_436], %swap3A_439 {strides = array<i32>} : memref<40x128xf32, #tpu.memory_space<vmem>>, vector<1x16xf32>,
        %mul3A_440 = arith.constant 2 : i32
        %mul3A_441 = arith.muli %mul3A_440, %scan3A_297 : i32
        %add3A_442 = arith.constant 0 : i32
        %add3A_443 = arith.addi %mul3A_441, %add3A_442 : i32
        %get3A_444 = arith.index_cast %add3A_443 : i32 to index
        %get3A_445 = arith.constant 80 : index
        %get3A_446 = tpu.vector_load %arg19[%get3A_444, %get3A_445] {strides = array<i32>} : memref<40x128xf32, #tpu.memory_space<vmem>>, vector<1x16xf32>,
        %get3A_447 = vector.shape_cast %get3A_446 : vector<1x16xf32> to vector<16xf32>
        %mul3A_448 = arith.constant 2 : i32
        %mul3A_449 = arith.muli %mul3A_448, %scan3A_297 : i32
        %add3A_450 = arith.constant 0 : i32
        %add3A_451 = arith.addi %mul3A_449, %add3A_450 : i32
        %get3A_452 = arith.index_cast %add3A_451 : i32 to index
        %get3A_453 = arith.constant 80 : index
        %get3A_454 = tpu.vector_load %arg23[%get3A_452, %get3A_453] {strides = array<i32>} : memref<40x128xf32, #tpu.memory_space<vmem>>, vector<1x16xf32>,
        %get3A_455 = vector.shape_cast %get3A_454 : vector<1x16xf32> to vector<16xf32>
        %add3A_456 = arith.addf %get3A_447, %get3A_455 : vector<16xf32>
        %max3A_457 = arith.constant 0.000000e+00 : f32
        %max3A_458 = vector.broadcast %max3A_457 : f32 to vector<16xf32>
        %max3A_459 = arith.maximumf %add3A_456, %max3A_458 : vector<16xf32>
        %mul3A_460 = arith.constant 2 : i32
        %mul3A_461 = arith.muli %mul3A_460, %scan3A_297 : i32
        %add3A_462 = arith.constant 0 : i32
        %add3A_463 = arith.addi %mul3A_461, %add3A_462 : i32
        %swap3A_464 = arith.index_cast %add3A_463 : i32 to index
        %swap3A_465 = arith.constant 80 : index
        %swap3A_466 = tpu.vector_load %arg19[%swap3A_464, %swap3A_465] {strides = array<i32>} : memref<40x128xf32, #tpu.memory_space<vmem>>, vector<1x16xf32>,
        %swap3A_467 = vector.shape_cast %swap3A_466 : vector<1x16xf32> to vector<16xf32>
        %swap3A_468 = vector.shape_cast %max3A_459 : vector<16xf32> to vector<1x16xf32>
        tpu.vector_store %arg19[%swap3A_464, %swap3A_465], %swap3A_468 {strides = array<i32>} : memref<40x128xf32, #tpu.memory_space<vmem>>, vector<1x16xf32>,
        %mul3A_469 = arith.constant 2 : i32
        %mul3A_470 = arith.muli %mul3A_469, %scan3A_297 : i32
        %add3A_471 = arith.constant 0 : i32
        %add3A_472 = arith.addi %mul3A_470, %add3A_471 : i32
        %get3A_473 = arith.index_cast %add3A_472 : i32 to index
        %get3A_474 = arith.constant 96 : index
        %get3A_475 = tpu.vector_load %arg19[%get3A_473, %get3A_474] {strides = array<i32>} : memref<40x128xf32, #tpu.memory_space<vmem>>, vector<1x16xf32>,
        %get3A_476 = vector.shape_cast %get3A_475 : vector<1x16xf32> to vector<16xf32>
        %mul3A_477 = arith.constant 2 : i32
        %mul3A_478 = arith.muli %mul3A_477, %scan3A_297 : i32
        %add3A_479 = arith.constant 0 : i32
        %add3A_480 = arith.addi %mul3A_478, %add3A_479 : i32
        %get3A_481 = arith.index_cast %add3A_480 : i32 to index
        %get3A_482 = arith.constant 96 : index
        %get3A_483 = tpu.vector_load %arg23[%get3A_481, %get3A_482] {strides = array<i32>} : memref<40x128xf32, #tpu.memory_space<vmem>>, vector<1x16xf32>,
        %get3A_484 = vector.shape_cast %get3A_483 : vector<1x16xf32> to vector<16xf32>
        %add3A_485 = arith.addf %get3A_476, %get3A_484 : vector<16xf32>
        %max3A_486 = arith.constant 0.000000e+00 : f32
        %max3A_487 = vector.broadcast %max3A_486 : f32 to vector<16xf32>
        %max3A_488 = arith.maximumf %add3A_485, %max3A_487 : vector<16xf32>
        %mul3A_489 = arith.constant 2 : i32
        %mul3A_490 = arith.muli %mul3A_489, %scan3A_297 : i32
        %add3A_491 = arith.constant 0 : i32
        %add3A_492 = arith.addi %mul3A_490, %add3A_491 : i32
        %swap3A_493 = arith.index_cast %add3A_492 : i32 to index
        %swap3A_494 = arith.constant 96 : index
        %swap3A_495 = tpu.vector_load %arg19[%swap3A_493, %swap3A_494] {strides = array<i32>} : memref<40x128xf32, #tpu.memory_space<vmem>>, vector<1x16xf32>,
        %swap3A_496 = vector.shape_cast %swap3A_495 : vector<1x16xf32> to vector<16xf32>
        %swap3A_497 = vector.shape_cast %max3A_488 : vector<16xf32> to vector<1x16xf32>
        tpu.vector_store %arg19[%swap3A_493, %swap3A_494], %swap3A_497 {strides = array<i32>} : memref<40x128xf32, #tpu.memory_space<vmem>>, vector<1x16xf32>,
        %mul3A_498 = arith.constant 2 : i32
        %mul3A_499 = arith.muli %mul3A_498, %scan3A_297 : i32
        %add3A_500 = arith.constant 0 : i32
        %add3A_501 = arith.addi %mul3A_499, %add3A_500 : i32
        %get3A_502 = arith.index_cast %add3A_501 : i32 to index
        %get3A_503 = arith.constant 112 : index
        %get3A_504 = tpu.vector_load %arg19[%get3A_502, %get3A_503] {strides = array<i32>} : memref<40x128xf32, #tpu.memory_space<vmem>>, vector<1x16xf32>,
        %get3A_505 = vector.shape_cast %get3A_504 : vector<1x16xf32> to vector<16xf32>
        %mul3A_506 = arith.constant 2 : i32
        %mul3A_507 = arith.muli %mul3A_506, %scan3A_297 : i32
        %add3A_508 = arith.constant 0 : i32
        %add3A_509 = arith.addi %mul3A_507, %add3A_508 : i32
        %get3A_510 = arith.index_cast %add3A_509 : i32 to index
        %get3A_511 = arith.constant 112 : index
        %get3A_512 = tpu.vector_load %arg23[%get3A_510, %get3A_511] {strides = array<i32>} : memref<40x128xf32, #tpu.memory_space<vmem>>, vector<1x16xf32>,
        %get3A_513 = vector.shape_cast %get3A_512 : vector<1x16xf32> to vector<16xf32>
        %add3A_514 = arith.addf %get3A_505, %get3A_513 : vector<16xf32>
        %max3A_515 = arith.constant 0.000000e+00 : f32
        %max3A_516 = vector.broadcast %max3A_515 : f32 to vector<16xf32>
        %max3A_517 = arith.maximumf %add3A_514, %max3A_516 : vector<16xf32>
        %mul3A_518 = arith.constant 2 : i32
        %mul3A_519 = arith.muli %mul3A_518, %scan3A_297 : i32
        %add3A_520 = arith.constant 0 : i32
        %add3A_521 = arith.addi %mul3A_519, %add3A_520 : i32
        %swap3A_522 = arith.index_cast %add3A_521 : i32 to index
        %swap3A_523 = arith.constant 112 : index
        %swap3A_524 = tpu.vector_load %arg19[%swap3A_522, %swap3A_523] {strides = array<i32>} : memref<40x128xf32, #tpu.memory_space<vmem>>, vector<1x16xf32>,
        %swap3A_525 = vector.shape_cast %swap3A_524 : vector<1x16xf32> to vector<16xf32>
        %swap3A_526 = vector.shape_cast %max3A_517 : vector<16xf32> to vector<1x16xf32>
        tpu.vector_store %arg19[%swap3A_522, %swap3A_523], %swap3A_526 {strides = array<i32>} : memref<40x128xf32, #tpu.memory_space<vmem>>, vector<1x16xf32>,
        %mul3A_527 = arith.constant 2 : i32
        %mul3A_528 = arith.muli %mul3A_527, %scan3A_297 : i32
        %add3A_529 = arith.constant 1 : i32
        %add3A_530 = arith.addi %mul3A_528, %add3A_529 : i32
        %get3A_531 = arith.index_cast %add3A_530 : i32 to index
        %get3A_532 = arith.constant 0 : index
        %get3A_533 = tpu.vector_load %arg19[%get3A_531, %get3A_532] {strides = array<i32>} : memref<40x128xf32, #tpu.memory_space<vmem>>, vector<1x16xf32>,
        %get3A_534 = vector.shape_cast %get3A_533 : vector<1x16xf32> to vector<16xf32>
        %mul3A_535 = arith.constant 2 : i32
        %mul3A_536 = arith.muli %mul3A_535, %scan3A_297 : i32
        %add3A_537 = arith.constant 1 : i32
        %add3A_538 = arith.addi %mul3A_536, %add3A_537 : i32
        %get3A_539 = arith.index_cast %add3A_538 : i32 to index
        %get3A_540 = arith.constant 0 : index
        %get3A_541 = tpu.vector_load %arg23[%get3A_539, %get3A_540] {strides = array<i32>} : memref<40x128xf32, #tpu.memory_space<vmem>>, vector<1x16xf32>,
        %get3A_542 = vector.shape_cast %get3A_541 : vector<1x16xf32> to vector<16xf32>
        %add3A_543 = arith.addf %get3A_534, %get3A_542 : vector<16xf32>
        %max3A_544 = arith.constant 0.000000e+00 : f32
        %max3A_545 = vector.broadcast %max3A_544 : f32 to vector<16xf32>
        %max3A_546 = arith.maximumf %add3A_543, %max3A_545 : vector<16xf32>
        %mul3A_547 = arith.constant 2 : i32
        %mul3A_548 = arith.muli %mul3A_547, %scan3A_297 : i32
        %add3A_549 = arith.constant 1 : i32
        %add3A_550 = arith.addi %mul3A_548, %add3A_549 : i32
        %swap3A_551 = arith.index_cast %add3A_550 : i32 to index
        %swap3A_552 = arith.constant 0 : index
        %swap3A_553 = tpu.vector_load %arg19[%swap3A_551, %swap3A_552] {strides = array<i32>} : memref<40x128xf32, #tpu.memory_space<vmem>>, vector<1x16xf32>,
        %swap3A_554 = vector.shape_cast %swap3A_553 : vector<1x16xf32> to vector<16xf32>
        %swap3A_555 = vector.shape_cast %max3A_546 : vector<16xf32> to vector<1x16xf32>
        tpu.vector_store %arg19[%swap3A_551, %swap3A_552], %swap3A_555 {strides = array<i32>} : memref<40x128xf32, #tpu.memory_space<vmem>>, vector<1x16xf32>,
        %mul3A_556 = arith.constant 2 : i32
        %mul3A_557 = arith.muli %mul3A_556, %scan3A_297 : i32
        %add3A_558 = arith.constant 1 : i32
        %add3A_559 = arith.addi %mul3A_557, %add3A_558 : i32
        %get3A_560 = arith.index_cast %add3A_559 : i32 to index
        %get3A_561 = arith.constant 16 : index
        %get3A_562 = tpu.vector_load %arg19[%get3A_560, %get3A_561] {strides = array<i32>} : memref<40x128xf32, #tpu.memory_space<vmem>>, vector<1x16xf32>,
        %get3A_563 = vector.shape_cast %get3A_562 : vector<1x16xf32> to vector<16xf32>
        %mul3A_564 = arith.constant 2 : i32
        %mul3A_565 = arith.muli %mul3A_564, %scan3A_297 : i32
        %add3A_566 = arith.constant 1 : i32
        %add3A_567 = arith.addi %mul3A_565, %add3A_566 : i32
        %get3A_568 = arith.index_cast %add3A_567 : i32 to index
        %get3A_569 = arith.constant 16 : index
        %get3A_570 = tpu.vector_load %arg23[%get3A_568, %get3A_569] {strides = array<i32>} : memref<40x128xf32, #tpu.memory_space<vmem>>, vector<1x16xf32>,
        %get3A_571 = vector.shape_cast %get3A_570 : vector<1x16xf32> to vector<16xf32>
        %add3A_572 = arith.addf %get3A_563, %get3A_571 : vector<16xf32>
        %max3A_573 = arith.constant 0.000000e+00 : f32
        %max3A_574 = vector.broadcast %max3A_573 : f32 to vector<16xf32>
        %max3A_575 = arith.maximumf %add3A_572, %max3A_574 : vector<16xf32>
        %mul3A_576 = arith.constant 2 : i32
        %mul3A_577 = arith.muli %mul3A_576, %scan3A_297 : i32
        %add3A_578 = arith.constant 1 : i32
        %add3A_579 = arith.addi %mul3A_577, %add3A_578 : i32
        %swap3A_580 = arith.index_cast %add3A_579 : i32 to index
        %swap3A_581 = arith.constant 16 : index
        %swap3A_582 = tpu.vector_load %arg19[%swap3A_580, %swap3A_581] {strides = array<i32>} : memref<40x128xf32, #tpu.memory_space<vmem>>, vector<1x16xf32>,
        %swap3A_583 = vector.shape_cast %swap3A_582 : vector<1x16xf32> to vector<16xf32>
        %swap3A_584 = vector.shape_cast %max3A_575 : vector<16xf32> to vector<1x16xf32>
        tpu.vector_store %arg19[%swap3A_580, %swap3A_581], %swap3A_584 {strides = array<i32>} : memref<40x128xf32, #tpu.memory_space<vmem>>, vector<1x16xf32>,
        %mul3A_585 = arith.constant 2 : i32
        %mul3A_586 = arith.muli %mul3A_585, %scan3A_297 : i32
        %add3A_587 = arith.constant 1 : i32
        %add3A_588 = arith.addi %mul3A_586, %add3A_587 : i32
        %get3A_589 = arith.index_cast %add3A_588 : i32 to index
        %get3A_590 = arith.constant 32 : index
        %get3A_591 = tpu.vector_load %arg19[%get3A_589, %get3A_590] {strides = array<i32>} : memref<40x128xf32, #tpu.memory_space<vmem>>, vector<1x16xf32>,
        %get3A_592 = vector.shape_cast %get3A_591 : vector<1x16xf32> to vector<16xf32>
        %mul3A_593 = arith.constant 2 : i32
        %mul3A_594 = arith.muli %mul3A_593, %scan3A_297 : i32
        %add3A_595 = arith.constant 1 : i32
        %add3A_596 = arith.addi %mul3A_594, %add3A_595 : i32
        %get3A_597 = arith.index_cast %add3A_596 : i32 to index
        %get3A_598 = arith.constant 32 : index
        %get3A_599 = tpu.vector_load %arg23[%get3A_597, %get3A_598] {strides = array<i32>} : memref<40x128xf32, #tpu.memory_space<vmem>>, vector<1x16xf32>,
        %get3A_600 = vector.shape_cast %get3A_599 : vector<1x16xf32> to vector<16xf32>
        %add3A_601 = arith.addf %get3A_592, %get3A_600 : vector<16xf32>
        %max3A_602 = arith.constant 0.000000e+00 : f32
        %max3A_603 = vector.broadcast %max3A_602 : f32 to vector<16xf32>
        %max3A_604 = arith.maximumf %add3A_601, %max3A_603 : vector<16xf32>
        %mul3A_605 = arith.constant 2 : i32
        %mul3A_606 = arith.muli %mul3A_605, %scan3A_297 : i32
        %add3A_607 = arith.constant 1 : i32
        %add3A_608 = arith.addi %mul3A_606, %add3A_607 : i32
        %swap3A_609 = arith.index_cast %add3A_608 : i32 to index
        %swap3A_610 = arith.constant 32 : index
        %swap3A_611 = tpu.vector_load %arg19[%swap3A_609, %swap3A_610] {strides = array<i32>} : memref<40x128xf32, #tpu.memory_space<vmem>>, vector<1x16xf32>,
        %swap3A_612 = vector.shape_cast %swap3A_611 : vector<1x16xf32> to vector<16xf32>
        %swap3A_613 = vector.shape_cast %max3A_604 : vector<16xf32> to vector<1x16xf32>
        tpu.vector_store %arg19[%swap3A_609, %swap3A_610], %swap3A_613 {strides = array<i32>} : memref<40x128xf32, #tpu.memory_space<vmem>>, vector<1x16xf32>,
        %mul3A_614 = arith.constant 2 : i32
        %mul3A_615 = arith.muli %mul3A_614, %scan3A_297 : i32
        %add3A_616 = arith.constant 1 : i32
        %add3A_617 = arith.addi %mul3A_615, %add3A_616 : i32
        %get3A_618 = arith.index_cast %add3A_617 : i32 to index
        %get3A_619 = arith.constant 48 : index
        %get3A_620 = tpu.vector_load %arg19[%get3A_618, %get3A_619] {strides = array<i32>} : memref<40x128xf32, #tpu.memory_space<vmem>>, vector<1x16xf32>,
        %get3A_621 = vector.shape_cast %get3A_620 : vector<1x16xf32> to vector<16xf32>
        %mul3A_622 = arith.constant 2 : i32
        %mul3A_623 = arith.muli %mul3A_622, %scan3A_297 : i32
        %add3A_624 = arith.constant 1 : i32
        %add3A_625 = arith.addi %mul3A_623, %add3A_624 : i32
        %get3A_626 = arith.index_cast %add3A_625 : i32 to index
        %get3A_627 = arith.constant 48 : index
        %get3A_628 = tpu.vector_load %arg23[%get3A_626, %get3A_627] {strides = array<i32>} : memref<40x128xf32, #tpu.memory_space<vmem>>, vector<1x16xf32>,
        %get3A_629 = vector.shape_cast %get3A_628 : vector<1x16xf32> to vector<16xf32>
        %add3A_630 = arith.addf %get3A_621, %get3A_629 : vector<16xf32>
        %max3A_631 = arith.constant 0.000000e+00 : f32
        %max3A_632 = vector.broadcast %max3A_631 : f32 to vector<16xf32>
        %max3A_633 = arith.maximumf %add3A_630, %max3A_632 : vector<16xf32>
        %mul3A_634 = arith.constant 2 : i32
        %mul3A_635 = arith.muli %mul3A_634, %scan3A_297 : i32
        %add3A_636 = arith.constant 1 : i32
        %add3A_637 = arith.addi %mul3A_635, %add3A_636 : i32
        %swap3A_638 = arith.index_cast %add3A_637 : i32 to index
        %swap3A_639 = arith.constant 48 : index
        %swap3A_640 = tpu.vector_load %arg19[%swap3A_638, %swap3A_639] {strides = array<i32>} : memref<40x128xf32, #tpu.memory_space<vmem>>, vector<1x16xf32>,
        %swap3A_641 = vector.shape_cast %swap3A_640 : vector<1x16xf32> to vector<16xf32>
        %swap3A_642 = vector.shape_cast %max3A_633 : vector<16xf32> to vector<1x16xf32>
        tpu.vector_store %arg19[%swap3A_638, %swap3A_639], %swap3A_642 {strides = array<i32>} : memref<40x128xf32, #tpu.memory_space<vmem>>, vector<1x16xf32>,
        %mul3A_643 = arith.constant 2 : i32
        %mul3A_644 = arith.muli %mul3A_643, %scan3A_297 : i32
        %add3A_645 = arith.constant 1 : i32
        %add3A_646 = arith.addi %mul3A_644, %add3A_645 : i32
        %get3A_647 = arith.index_cast %add3A_646 : i32 to index
        %get3A_648 = arith.constant 64 : index
        %get3A_649 = tpu.vector_load %arg19[%get3A_647, %get3A_648] {strides = array<i32>} : memref<40x128xf32, #tpu.memory_space<vmem>>, vector<1x16xf32>,
        %get3A_650 = vector.shape_cast %get3A_649 : vector<1x16xf32> to vector<16xf32>
        %mul3A_651 = arith.constant 2 : i32
        %mul3A_652 = arith.muli %mul3A_651, %scan3A_297 : i32
        %add3A_653 = arith.constant 1 : i32
        %add3A_654 = arith.addi %mul3A_652, %add3A_653 : i32
        %get3A_655 = arith.index_cast %add3A_654 : i32 to index
        %get3A_656 = arith.constant 64 : index
        %get3A_657 = tpu.vector_load %arg23[%get3A_655, %get3A_656] {strides = array<i32>} : memref<40x128xf32, #tpu.memory_space<vmem>>, vector<1x16xf32>,
        %get3A_658 = vector.shape_cast %get3A_657 : vector<1x16xf32> to vector<16xf32>
        %add3A_659 = arith.addf %get3A_650, %get3A_658 : vector<16xf32>
        %max3A_660 = arith.constant 0.000000e+00 : f32
        %max3A_661 = vector.broadcast %max3A_660 : f32 to vector<16xf32>
        %max3A_662 = arith.maximumf %add3A_659, %max3A_661 : vector<16xf32>
        %mul3A_663 = arith.constant 2 : i32
        %mul3A_664 = arith.muli %mul3A_663, %scan3A_297 : i32
        %add3A_665 = arith.constant 1 : i32
        %add3A_666 = arith.addi %mul3A_664, %add3A_665 : i32
        %swap3A_667 = arith.index_cast %add3A_666 : i32 to index
        %swap3A_668 = arith.constant 64 : index
        %swap3A_669 = tpu.vector_load %arg19[%swap3A_667, %swap3A_668] {strides = array<i32>} : memref<40x128xf32, #tpu.memory_space<vmem>>, vector<1x16xf32>,
        %swap3A_670 = vector.shape_cast %swap3A_669 : vector<1x16xf32> to vector<16xf32>
        %swap3A_671 = vector.shape_cast %max3A_662 : vector<16xf32> to vector<1x16xf32>
        tpu.vector_store %arg19[%swap3A_667, %swap3A_668], %swap3A_671 {strides = array<i32>} : memref<40x128xf32, #tpu.memory_space<vmem>>, vector<1x16xf32>,
        %mul3A_672 = arith.constant 2 : i32
        %mul3A_673 = arith.muli %mul3A_672, %scan3A_297 : i32
        %add3A_674 = arith.constant 1 : i32
        %add3A_675 = arith.addi %mul3A_673, %add3A_674 : i32
        %get3A_676 = arith.index_cast %add3A_675 : i32 to index
        %get3A_677 = arith.constant 80 : index
        %get3A_678 = tpu.vector_load %arg19[%get3A_676, %get3A_677] {strides = array<i32>} : memref<40x128xf32, #tpu.memory_space<vmem>>, vector<1x16xf32>,
        %get3A_679 = vector.shape_cast %get3A_678 : vector<1x16xf32> to vector<16xf32>
        %mul3A_680 = arith.constant 2 : i32
        %mul3A_681 = arith.muli %mul3A_680, %scan3A_297 : i32
        %add3A_682 = arith.constant 1 : i32
        %add3A_683 = arith.addi %mul3A_681, %add3A_682 : i32
        %get3A_684 = arith.index_cast %add3A_683 : i32 to index
        %get3A_685 = arith.constant 80 : index
        %get3A_686 = tpu.vector_load %arg23[%get3A_684, %get3A_685] {strides = array<i32>} : memref<40x128xf32, #tpu.memory_space<vmem>>, vector<1x16xf32>,
        %get3A_687 = vector.shape_cast %get3A_686 : vector<1x16xf32> to vector<16xf32>
        %add3A_688 = arith.addf %get3A_679, %get3A_687 : vector<16xf32>
        %max3A_689 = arith.constant 0.000000e+00 : f32
        %max3A_690 = vector.broadcast %max3A_689 : f32 to vector<16xf32>
        %max3A_691 = arith.maximumf %add3A_688, %max3A_690 : vector<16xf32>
        %mul3A_692 = arith.constant 2 : i32
        %mul3A_693 = arith.muli %mul3A_692, %scan3A_297 : i32
        %add3A_694 = arith.constant 1 : i32
        %add3A_695 = arith.addi %mul3A_693, %add3A_694 : i32
        %swap3A_696 = arith.index_cast %add3A_695 : i32 to index
        %swap3A_697 = arith.constant 80 : index
        %swap3A_698 = tpu.vector_load %arg19[%swap3A_696, %swap3A_697] {strides = array<i32>} : memref<40x128xf32, #tpu.memory_space<vmem>>, vector<1x16xf32>,
        %swap3A_699 = vector.shape_cast %swap3A_698 : vector<1x16xf32> to vector<16xf32>
        %swap3A_700 = vector.shape_cast %max3A_691 : vector<16xf32> to vector<1x16xf32>
        tpu.vector_store %arg19[%swap3A_696, %swap3A_697], %swap3A_700 {strides = array<i32>} : memref<40x128xf32, #tpu.memory_space<vmem>>, vector<1x16xf32>,
        %mul3A_701 = arith.constant 2 : i32
        %mul3A_702 = arith.muli %mul3A_701, %scan3A_297 : i32
        %add3A_703 = arith.constant 1 : i32
        %add3A_704 = arith.addi %mul3A_702, %add3A_703 : i32
        %get3A_705 = arith.index_cast %add3A_704 : i32 to index
        %get3A_706 = arith.constant 96 : index
        %get3A_707 = tpu.vector_load %arg19[%get3A_705, %get3A_706] {strides = array<i32>} : memref<40x128xf32, #tpu.memory_space<vmem>>, vector<1x16xf32>,
        %get3A_708 = vector.shape_cast %get3A_707 : vector<1x16xf32> to vector<16xf32>
        %mul3A_709 = arith.constant 2 : i32
        %mul3A_710 = arith.muli %mul3A_709, %scan3A_297 : i32
        %add3A_711 = arith.constant 1 : i32
        %add3A_712 = arith.addi %mul3A_710, %add3A_711 : i32
        %get3A_713 = arith.index_cast %add3A_712 : i32 to index
        %get3A_714 = arith.constant 96 : index
        %get3A_715 = tpu.vector_load %arg23[%get3A_713, %get3A_714] {strides = array<i32>} : memref<40x128xf32, #tpu.memory_space<vmem>>, vector<1x16xf32>,
        %get3A_716 = vector.shape_cast %get3A_715 : vector<1x16xf32> to vector<16xf32>
        %add3A_717 = arith.addf %get3A_708, %get3A_716 : vector<16xf32>
        %max3A_718 = arith.constant 0.000000e+00 : f32
        %max3A_719 = vector.broadcast %max3A_718 : f32 to vector<16xf32>
        %max3A_720 = arith.maximumf %add3A_717, %max3A_719 : vector<16xf32>
        %mul3A_721 = arith.constant 2 : i32
        %mul3A_722 = arith.muli %mul3A_721, %scan3A_297 : i32
        %add3A_723 = arith.constant 1 : i32
        %add3A_724 = arith.addi %mul3A_722, %add3A_723 : i32
        %swap3A_725 = arith.index_cast %add3A_724 : i32 to index
        %swap3A_726 = arith.constant 96 : index
        %swap3A_727 = tpu.vector_load %arg19[%swap3A_725, %swap3A_726] {strides = array<i32>} : memref<40x128xf32, #tpu.memory_space<vmem>>, vector<1x16xf32>,
        %swap3A_728 = vector.shape_cast %swap3A_727 : vector<1x16xf32> to vector<16xf32>
        %swap3A_729 = vector.shape_cast %max3A_720 : vector<16xf32> to vector<1x16xf32>
        tpu.vector_store %arg19[%swap3A_725, %swap3A_726], %swap3A_729 {strides = array<i32>} : memref<40x128xf32, #tpu.memory_space<vmem>>, vector<1x16xf32>,
        %mul3A_730 = arith.constant 2 : i32
        %mul3A_731 = arith.muli %mul3A_730, %scan3A_297 : i32
        %add3A_732 = arith.constant 1 : i32
        %add3A_733 = arith.addi %mul3A_731, %add3A_732 : i32
        %get3A_734 = arith.index_cast %add3A_733 : i32 to index
        %get3A_735 = arith.constant 112 : index
        %get3A_736 = tpu.vector_load %arg19[%get3A_734, %get3A_735] {strides = array<i32>} : memref<40x128xf32, #tpu.memory_space<vmem>>, vector<1x16xf32>,
        %get3A_737 = vector.shape_cast %get3A_736 : vector<1x16xf32> to vector<16xf32>
        %mul3A_738 = arith.constant 2 : i32
        %mul3A_739 = arith.muli %mul3A_738, %scan3A_297 : i32
        %add3A_740 = arith.constant 1 : i32
        %add3A_741 = arith.addi %mul3A_739, %add3A_740 : i32
        %get3A_742 = arith.index_cast %add3A_741 : i32 to index
        %get3A_743 = arith.constant 112 : index
        %get3A_744 = tpu.vector_load %arg23[%get3A_742, %get3A_743] {strides = array<i32>} : memref<40x128xf32, #tpu.memory_space<vmem>>, vector<1x16xf32>,
        %get3A_745 = vector.shape_cast %get3A_744 : vector<1x16xf32> to vector<16xf32>
        %add3A_746 = arith.addf %get3A_737, %get3A_745 : vector<16xf32>
        %max3A_747 = arith.constant 0.000000e+00 : f32
        %max3A_748 = vector.broadcast %max3A_747 : f32 to vector<16xf32>
        %max3A_749 = arith.maximumf %add3A_746, %max3A_748 : vector<16xf32>
        %mul3A_750 = arith.constant 2 : i32
        %mul3A_751 = arith.muli %mul3A_750, %scan3A_297 : i32
        %add3A_752 = arith.constant 1 : i32
        %add3A_753 = arith.addi %mul3A_751, %add3A_752 : i32
        %swap3A_754 = arith.index_cast %add3A_753 : i32 to index
        %swap3A_755 = arith.constant 112 : index
        %swap3A_756 = tpu.vector_load %arg19[%swap3A_754, %swap3A_755] {strides = array<i32>} : memref<40x128xf32, #tpu.memory_space<vmem>>, vector<1x16xf32>,
        %swap3A_757 = vector.shape_cast %swap3A_756 : vector<1x16xf32> to vector<16xf32>
        %swap3A_758 = vector.shape_cast %max3A_749 : vector<16xf32> to vector<1x16xf32>
        tpu.vector_store %arg19[%swap3A_754, %swap3A_755], %swap3A_758 {strides = array<i32>} : memref<40x128xf32, #tpu.memory_space<vmem>>, vector<1x16xf32>,
      }
      %scan3A_274 = arith.constant 20 : i32
      %ge3A_275 = arith.constant 2 : i32
      %ge3A_276 = arith.cmpi sge, %add3A_261, %ge3A_275 : i32
      %convert_element_type3A_277 = arith.extui %ge3A_276 : i1 to i32
      %cond3A_278 = arith.constant 0 : i32
      %cond3A_279 = arith.cmpi ne, %convert_element_type3A_277, %cond3A_278 : i32
      scf.if %cond3A_279 {
        %mul3A_297 = arith.constant 40 : i32
        %mul3A_298 = arith.muli %add3A_261, %mul3A_297 : i32
        %add3A_299 = arith.addi %mul3A_2, %mul3A_298 : i32
        %dma_wait3A_300 = tpu.memref_slice %arg3[%add3A_299] : memref<160000xi32, #tpu.memory_space<hbm>> -> memref<40xi32, #tpu.memory_space<hbm>>
        %dma_wait3A_301 = tpu.memref_slice %arg3[%add3A_299] : memref<160000xi32, #tpu.memory_space<hbm>> -> memref<40xi32, #tpu.memory_space<hbm>>
        tpu.wait_dma2 semaphore(%arg40 : memref<!tpu.dma_semaphore, #tpu.memory_space<semaphore_mem>>) src(%dma_wait3A_301 : memref<40xi32, #tpu.memory_space<hbm>>) dst(%arg15 : memref<40xi32, #tpu.memory_space<vmem>>)
      } else {
      }
      %dma_start3A_280 = arith.constant 0 : i32
      %dma_start3A_281 = arith.constant 0 : i32
      %dma_start3A_282 = tpu.memref_slice %arg24[%dma_start3A_280, %dma_start3A_281] : memref<10240x128xf32, #tpu.memory_space<vmem_shared>> -> memref<10240x128xf32, #tpu.memory_space<vmem_shared>>
      tpu.enqueue_indirect_dma source(%arg19 : memref<40x128xf32, #tpu.memory_space<vmem>>) target(%dma_start3A_282 : memref<10240x128xf32, #tpu.memory_space<vmem_shared>>) offsets(%arg15 : memref<40xi32, #tpu.memory_space<vmem>>) semaphore(%arg44 : memref<!tpu.dma_semaphore, #tpu.memory_space<semaphore_mem>>) {add = true}
      %add3A_283 = arith.constant 2 : i32
      %add3A_284 = arith.addi %add3A_261, %add3A_283 : i32
      %lt3A_285 = arith.constant 250 : i32
      %lt3A_286 = arith.cmpi slt, %add3A_284, %lt3A_285 : i32
      %convert_element_type3A_287 = arith.extui %lt3A_286 : i1 to i32
      %cond3A_288 = arith.constant 0 : i32
      %cond3A_289 = arith.cmpi ne, %convert_element_type3A_287, %cond3A_288 : i32
      scf.if %cond3A_289 {
        %ge3A_297 = arith.constant 2 : i32
        %ge3A_298 = arith.cmpi sge, %add3A_261, %ge3A_297 : i32
        %convert_element_type3A_299 = arith.extui %ge3A_298 : i1 to i32
        %cond3A_300 = arith.constant 0 : i32
        %cond3A_301 = arith.cmpi ne, %convert_element_type3A_299, %cond3A_300 : i32
        scf.if %cond3A_301 {
          %dma_wait3A_325 = arith.constant 0 : i32
          %dma_wait3A_326 = arith.constant 0 : i32
          %dma_wait3A_327 = tpu.memref_slice %arg24[%dma_wait3A_325, %dma_wait3A_326] : memref<10240x128xf32, #tpu.memory_space<vmem_shared>> -> memref<10240x128xf32, #tpu.memory_space<vmem_shared>>
          tpu.wait_indirect_dma semaphore(%arg42 : memref<!tpu.dma_semaphore, #tpu.memory_space<semaphore_mem>>) src(%arg17 : memref<40x128xf32, #tpu.memory_space<vmem>>) dst(%dma_wait3A_327 : memref<10240x128xf32, #tpu.memory_space<vmem_shared>>)
        } else {
        }
        %add3A_302 = arith.constant 2 : i32
        %add3A_303 = arith.addi %add3A_261, %add3A_302 : i32
        %mul3A_304 = arith.constant 40 : i32
        %mul3A_305 = arith.muli %add3A_303, %mul3A_304 : i32
        %add3A_306 = arith.addi %mul3A_2, %mul3A_305 : i32
        %dma_start3A_307 = tpu.memref_slice %arg3[%add3A_306] : memref<160000xi32, #tpu.memory_space<hbm>> -> memref<40xi32, #tpu.memory_space<hbm>>
        %dma_start3A_308 = tpu.memref_slice %arg3[%add3A_306] : memref<160000xi32, #tpu.memory_space<hbm>> -> memref<40xi32, #tpu.memory_space<hbm>>
        tpu.enqueue_dma source(%dma_start3A_308 : memref<40xi32, #tpu.memory_space<hbm>>) target(%arg13 : memref<40xi32, #tpu.memory_space<vmem>>) target_semaphore(%arg38 : memref<!tpu.dma_semaphore, #tpu.memory_space<semaphore_mem>>)
        %add3A_309 = arith.constant 2 : i32
        %add3A_310 = arith.addi %add3A_261, %add3A_309 : i32
        %mul3A_311 = arith.constant 40 : i32
        %mul3A_312 = arith.muli %add3A_310, %mul3A_311 : i32
        %add3A_313 = arith.addi %mul3A_2, %mul3A_312 : i32
        %dma_wait3A_314 = tpu.memref_slice %arg2[%add3A_313] : memref<160000xi32, #tpu.memory_space<hbm>> -> memref<40xi32, #tpu.memory_space<hbm>>
        %dma_wait3A_315 = tpu.memref_slice %arg2[%add3A_313] : memref<160000xi32, #tpu.memory_space<hbm>> -> memref<40xi32, #tpu.memory_space<hbm>>
        tpu.wait_dma2 semaphore(%arg34 : memref<!tpu.dma_semaphore, #tpu.memory_space<semaphore_mem>>) src(%dma_wait3A_315 : memref<40xi32, #tpu.memory_space<hbm>>) dst(%arg9 : memref<40xi32, #tpu.memory_space<vmem>>)
        %add3A_316 = arith.constant 2 : i32
        %add3A_317 = arith.addi %add3A_261, %add3A_316 : i32
        %mul3A_318 = arith.constant 40 : i32
        %mul3A_319 = arith.muli %add3A_317, %mul3A_318 : i32
        %add3A_320 = arith.addi %mul3A_2, %mul3A_319 : i32
        %dma_start3A_321 = arith.constant 0 : i32
        %dma_start3A_322 = tpu.memref_slice %arg4[%dma_start3A_321, %multiple_of3A] : memref<10000x256xf32, #tpu.memory_space<hbm>> -> memref<10000x128xf32, #tpu.memory_space<hbm>>
        tpu.enqueue_indirect_dma source(%dma_start3A_322 : memref<10000x128xf32, #tpu.memory_space<hbm>>) target(%arg17 : memref<40x128xf32, #tpu.memory_space<vmem>>) offsets(%arg9 : memref<40xi32, #tpu.memory_space<vmem>>) semaphore(%arg26 : memref<!tpu.dma_semaphore, #tpu.memory_space<semaphore_mem>>)
        %dma_start3A_323 = tpu.memref_slice %arg5[%add3A_320, %multiple_of3A] : memref<160000x256xf32, #tpu.memory_space<hbm>> -> memref<40x128xf32, #tpu.memory_space<hbm>>
        %dma_start3A_324 = tpu.memref_slice %arg5[%add3A_320, %multiple_of3A] : memref<160000x256xf32, #tpu.memory_space<hbm>> -> memref<40x128xf32, #tpu.memory_space<hbm>>
        tpu.enqueue_dma source(%dma_start3A_324 : memref<40x128xf32, #tpu.memory_space<hbm>>) target(%arg21 : memref<40x128xf32, #tpu.memory_space<vmem>>) target_semaphore(%arg30 : memref<!tpu.dma_semaphore, #tpu.memory_space<semaphore_mem>>)
      } else {
      }
      %add3A_290 = arith.constant 4 : i32
      %add3A_291 = arith.addi %add3A_261, %add3A_290 : i32
      %lt3A_292 = arith.constant 250 : i32
      %lt3A_293 = arith.cmpi slt, %add3A_291, %lt3A_292 : i32
      %convert_element_type3A_294 = arith.extui %lt3A_293 : i1 to i32
      %cond3A_295 = arith.constant 0 : i32
      %cond3A_296 = arith.cmpi ne, %convert_element_type3A_294, %cond3A_295 : i32
      scf.if %cond3A_296 {
        %add3A_297 = arith.constant 4 : i32
        %add3A_298 = arith.addi %add3A_261, %add3A_297 : i32
        %mul3A_299 = arith.constant 40 : i32
        %mul3A_300 = arith.muli %add3A_298, %mul3A_299 : i32
        %add3A_301 = arith.addi %mul3A_2, %mul3A_300 : i32
        %dma_start3A_302 = tpu.memref_slice %arg2[%add3A_301] : memref<160000xi32, #tpu.memory_space<hbm>> -> memref<40xi32, #tpu.memory_space<hbm>>
        %dma_start3A_303 = tpu.memref_slice %arg2[%add3A_301] : memref<160000xi32, #tpu.memory_space<hbm>> -> memref<40xi32, #tpu.memory_space<hbm>>
        tpu.enqueue_dma source(%dma_start3A_303 : memref<40xi32, #tpu.memory_space<hbm>>) target(%arg11 : memref<40xi32, #tpu.memory_space<vmem>>) target_semaphore(%arg36 : memref<!tpu.dma_semaphore, #tpu.memory_space<semaphore_mem>>)
      } else {
      }
    }
    %scan3A_41 = arith.constant 62 : i32
    %add3A_42 = arith.constant 9920 : i32
    %add3A_43 = arith.addi %mul3A_2, %add3A_42 : i32
    %dma_wait3A = arith.constant 0 : i32
    %dma_wait3A_44 = tpu.memref_slice %arg4[%dma_wait3A, %multiple_of3A] : memref<10000x256xf32, #tpu.memory_space<hbm>> -> memref<10000x128xf32, #tpu.memory_space<hbm>>
    tpu.wait_indirect_dma semaphore(%arg25 : memref<!tpu.dma_semaphore, #tpu.memory_space<semaphore_mem>>) src(%dma_wait3A_44 : memref<10000x128xf32, #tpu.memory_space<hbm>>) dst(%arg16 : memref<40x128xf32, #tpu.memory_space<vmem>>)
    %dma_wait3A_45 = tpu.memref_slice %arg5[%add3A_43, %multiple_of3A] : memref<160000x256xf32, #tpu.memory_space<hbm>> -> memref<40x128xf32, #tpu.memory_space<hbm>>
    %dma_wait3A_46 = tpu.memref_slice %arg5[%add3A_43, %multiple_of3A] : memref<160000x256xf32, #tpu.memory_space<hbm>> -> memref<40x128xf32, #tpu.memory_space<hbm>>
    tpu.wait_dma2 semaphore(%arg29 : memref<!tpu.dma_semaphore, #tpu.memory_space<semaphore_mem>>) src(%dma_wait3A_46 : memref<40x128xf32, #tpu.memory_space<hbm>>) dst(%arg20 : memref<40x128xf32, #tpu.memory_space<vmem>>)
    %scan3A_47 = arith.constant 0 : i32
    %scan3A_48 = arith.constant 0 : i32
    %scan3A_49 = arith.constant 20 : i32
    %scan3A_50 = arith.addi %scan3A_48, %scan3A_49 : i32
    %scan3A_51 = arith.constant 1 : i32
    scf.for %scan3A_152 = %scan3A_48 to %scan3A_50 step %scan3A_51  : i32 {
      %mul3A_153 = arith.constant 2 : i32
      %mul3A_154 = arith.muli %mul3A_153, %scan3A_152 : i32
      %add3A_155 = arith.constant 0 : i32
      %add3A_156 = arith.addi %mul3A_154, %add3A_155 : i32
      %get3A = arith.index_cast %add3A_156 : i32 to index
      %get3A_157 = arith.constant 0 : index
      %get3A_158 = tpu.vector_load %arg16[%get3A, %get3A_157] {strides = array<i32>} : memref<40x128xf32, #tpu.memory_space<vmem>>, vector<1x16xf32>,
      %get3A_159 = vector.shape_cast %get3A_158 : vector<1x16xf32> to vector<16xf32>
      %mul3A_160 = arith.constant 2 : i32
      %mul3A_161 = arith.muli %mul3A_160, %scan3A_152 : i32
      %add3A_162 = arith.constant 0 : i32
      %add3A_163 = arith.addi %mul3A_161, %add3A_162 : i32
      %get3A_164 = arith.index_cast %add3A_163 : i32 to index
      %get3A_165 = arith.constant 0 : index
      %get3A_166 = tpu.vector_load %arg20[%get3A_164, %get3A_165] {strides = array<i32>} : memref<40x128xf32, #tpu.memory_space<vmem>>, vector<1x16xf32>,
      %get3A_167 = vector.shape_cast %get3A_166 : vector<1x16xf32> to vector<16xf32>
      %add3A_168 = arith.addf %get3A_159, %get3A_167 : vector<16xf32>
      %max3A = arith.constant 0.000000e+00 : f32
      %max3A_169 = vector.broadcast %max3A : f32 to vector<16xf32>
      %max3A_170 = arith.maximumf %add3A_168, %max3A_169 : vector<16xf32>
      %mul3A_171 = arith.constant 2 : i32
      %mul3A_172 = arith.muli %mul3A_171, %scan3A_152 : i32
      %add3A_173 = arith.constant 0 : i32
      %add3A_174 = arith.addi %mul3A_172, %add3A_173 : i32
      %swap3A = arith.index_cast %add3A_174 : i32 to index
      %swap3A_175 = arith.constant 0 : index
      %swap3A_176 = tpu.vector_load %arg16[%swap3A, %swap3A_175] {strides = array<i32>} : memref<40x128xf32, #tpu.memory_space<vmem>>, vector<1x16xf32>,
      %swap3A_177 = vector.shape_cast %swap3A_176 : vector<1x16xf32> to vector<16xf32>
      %swap3A_178 = vector.shape_cast %max3A_170 : vector<16xf32> to vector<1x16xf32>
      tpu.vector_store %arg16[%swap3A, %swap3A_175], %swap3A_178 {strides = array<i32>} : memref<40x128xf32, #tpu.memory_space<vmem>>, vector<1x16xf32>,
      %mul3A_179 = arith.constant 2 : i32
      %mul3A_180 = arith.muli %mul3A_179, %scan3A_152 : i32
      %add3A_181 = arith.constant 0 : i32
      %add3A_182 = arith.addi %mul3A_180, %add3A_181 : i32
      %get3A_183 = arith.index_cast %add3A_182 : i32 to index
      %get3A_184 = arith.constant 16 : index
      %get3A_185 = tpu.vector_load %arg16[%get3A_183, %get3A_184] {strides = array<i32>} : memref<40x128xf32, #tpu.memory_space<vmem>>, vector<1x16xf32>,
      %get3A_186 = vector.shape_cast %get3A_185 : vector<1x16xf32> to vector<16xf32>
      %mul3A_187 = arith.constant 2 : i32
      %mul3A_188 = arith.muli %mul3A_187, %scan3A_152 : i32
      %add3A_189 = arith.constant 0 : i32
      %add3A_190 = arith.addi %mul3A_188, %add3A_189 : i32
      %get3A_191 = arith.index_cast %add3A_190 : i32 to index
      %get3A_192 = arith.constant 16 : index
      %get3A_193 = tpu.vector_load %arg20[%get3A_191, %get3A_192] {strides = array<i32>} : memref<40x128xf32, #tpu.memory_space<vmem>>, vector<1x16xf32>,
      %get3A_194 = vector.shape_cast %get3A_193 : vector<1x16xf32> to vector<16xf32>
      %add3A_195 = arith.addf %get3A_186, %get3A_194 : vector<16xf32>
      %max3A_196 = arith.constant 0.000000e+00 : f32
      %max3A_197 = vector.broadcast %max3A_196 : f32 to vector<16xf32>
      %max3A_198 = arith.maximumf %add3A_195, %max3A_197 : vector<16xf32>
      %mul3A_199 = arith.constant 2 : i32
      %mul3A_200 = arith.muli %mul3A_199, %scan3A_152 : i32
      %add3A_201 = arith.constant 0 : i32
      %add3A_202 = arith.addi %mul3A_200, %add3A_201 : i32
      %swap3A_203 = arith.index_cast %add3A_202 : i32 to index
      %swap3A_204 = arith.constant 16 : index
      %swap3A_205 = tpu.vector_load %arg16[%swap3A_203, %swap3A_204] {strides = array<i32>} : memref<40x128xf32, #tpu.memory_space<vmem>>, vector<1x16xf32>,
      %swap3A_206 = vector.shape_cast %swap3A_205 : vector<1x16xf32> to vector<16xf32>
      %swap3A_207 = vector.shape_cast %max3A_198 : vector<16xf32> to vector<1x16xf32>
      tpu.vector_store %arg16[%swap3A_203, %swap3A_204], %swap3A_207 {strides = array<i32>} : memref<40x128xf32, #tpu.memory_space<vmem>>, vector<1x16xf32>,
      %mul3A_208 = arith.constant 2 : i32
      %mul3A_209 = arith.muli %mul3A_208, %scan3A_152 : i32
      %add3A_210 = arith.constant 0 : i32
      %add3A_211 = arith.addi %mul3A_209, %add3A_210 : i32
      %get3A_212 = arith.index_cast %add3A_211 : i32 to index
      %get3A_213 = arith.constant 32 : index
      %get3A_214 = tpu.vector_load %arg16[%get3A_212, %get3A_213] {strides = array<i32>} : memref<40x128xf32, #tpu.memory_space<vmem>>, vector<1x16xf32>,
      %get3A_215 = vector.shape_cast %get3A_214 : vector<1x16xf32> to vector<16xf32>
      %mul3A_216 = arith.constant 2 : i32
      %mul3A_217 = arith.muli %mul3A_216, %scan3A_152 : i32
      %add3A_218 = arith.constant 0 : i32
      %add3A_219 = arith.addi %mul3A_217, %add3A_218 : i32
      %get3A_220 = arith.index_cast %add3A_219 : i32 to index
      %get3A_221 = arith.constant 32 : index
      %get3A_222 = tpu.vector_load %arg20[%get3A_220, %get3A_221] {strides = array<i32>} : memref<40x128xf32, #tpu.memory_space<vmem>>, vector<1x16xf32>,
      %get3A_223 = vector.shape_cast %get3A_222 : vector<1x16xf32> to vector<16xf32>
      %add3A_224 = arith.addf %get3A_215, %get3A_223 : vector<16xf32>
      %max3A_225 = arith.constant 0.000000e+00 : f32
      %max3A_226 = vector.broadcast %max3A_225 : f32 to vector<16xf32>
      %max3A_227 = arith.maximumf %add3A_224, %max3A_226 : vector<16xf32>
      %mul3A_228 = arith.constant 2 : i32
      %mul3A_229 = arith.muli %mul3A_228, %scan3A_152 : i32
      %add3A_230 = arith.constant 0 : i32
      %add3A_231 = arith.addi %mul3A_229, %add3A_230 : i32
      %swap3A_232 = arith.index_cast %add3A_231 : i32 to index
      %swap3A_233 = arith.constant 32 : index
      %swap3A_234 = tpu.vector_load %arg16[%swap3A_232, %swap3A_233] {strides = array<i32>} : memref<40x128xf32, #tpu.memory_space<vmem>>, vector<1x16xf32>,
      %swap3A_235 = vector.shape_cast %swap3A_234 : vector<1x16xf32> to vector<16xf32>
      %swap3A_236 = vector.shape_cast %max3A_227 : vector<16xf32> to vector<1x16xf32>
      tpu.vector_store %arg16[%swap3A_232, %swap3A_233], %swap3A_236 {strides = array<i32>} : memref<40x128xf32, #tpu.memory_space<vmem>>, vector<1x16xf32>,
      %mul3A_237 = arith.constant 2 : i32
      %mul3A_238 = arith.muli %mul3A_237, %scan3A_152 : i32
      %add3A_239 = arith.constant 0 : i32
      %add3A_240 = arith.addi %mul3A_238, %add3A_239 : i32
      %get3A_241 = arith.index_cast %add3A_240 : i32 to index
      %get3A_242 = arith.constant 48 : index
      %get3A_243 = tpu.vector_load %arg16[%get3A_241, %get3A_242] {strides = array<i32>} : memref<40x128xf32, #tpu.memory_space<vmem>>, vector<1x16xf32>,
      %get3A_244 = vector.shape_cast %get3A_243 : vector<1x16xf32> to vector<16xf32>
      %mul3A_245 = arith.constant 2 : i32
      %mul3A_246 = arith.muli %mul3A_245, %scan3A_152 : i32
      %add3A_247 = arith.constant 0 : i32
      %add3A_248 = arith.addi %mul3A_246, %add3A_247 : i32
      %get3A_249 = arith.index_cast %add3A_248 : i32 to index
      %get3A_250 = arith.constant 48 : index
      %get3A_251 = tpu.vector_load %arg20[%get3A_249, %get3A_250] {strides = array<i32>} : memref<40x128xf32, #tpu.memory_space<vmem>>, vector<1x16xf32>,
      %get3A_252 = vector.shape_cast %get3A_251 : vector<1x16xf32> to vector<16xf32>
      %add3A_253 = arith.addf %get3A_244, %get3A_252 : vector<16xf32>
      %max3A_254 = arith.constant 0.000000e+00 : f32
      %max3A_255 = vector.broadcast %max3A_254 : f32 to vector<16xf32>
      %max3A_256 = arith.maximumf %add3A_253, %max3A_255 : vector<16xf32>
      %mul3A_257 = arith.constant 2 : i32
      %mul3A_258 = arith.muli %mul3A_257, %scan3A_152 : i32
      %add3A_259 = arith.constant 0 : i32
      %add3A_260 = arith.addi %mul3A_258, %add3A_259 : i32
      %swap3A_261 = arith.index_cast %add3A_260 : i32 to index
      %swap3A_262 = arith.constant 48 : index
      %swap3A_263 = tpu.vector_load %arg16[%swap3A_261, %swap3A_262] {strides = array<i32>} : memref<40x128xf32, #tpu.memory_space<vmem>>, vector<1x16xf32>,
      %swap3A_264 = vector.shape_cast %swap3A_263 : vector<1x16xf32> to vector<16xf32>
      %swap3A_265 = vector.shape_cast %max3A_256 : vector<16xf32> to vector<1x16xf32>
      tpu.vector_store %arg16[%swap3A_261, %swap3A_262], %swap3A_265 {strides = array<i32>} : memref<40x128xf32, #tpu.memory_space<vmem>>, vector<1x16xf32>,
      %mul3A_266 = arith.constant 2 : i32
      %mul3A_267 = arith.muli %mul3A_266, %scan3A_152 : i32
      %add3A_268 = arith.constant 0 : i32
      %add3A_269 = arith.addi %mul3A_267, %add3A_268 : i32
      %get3A_270 = arith.index_cast %add3A_269 : i32 to index
      %get3A_271 = arith.constant 64 : index
      %get3A_272 = tpu.vector_load %arg16[%get3A_270, %get3A_271] {strides = array<i32>} : memref<40x128xf32, #tpu.memory_space<vmem>>, vector<1x16xf32>,
      %get3A_273 = vector.shape_cast %get3A_272 : vector<1x16xf32> to vector<16xf32>
      %mul3A_274 = arith.constant 2 : i32
      %mul3A_275 = arith.muli %mul3A_274, %scan3A_152 : i32
      %add3A_276 = arith.constant 0 : i32
      %add3A_277 = arith.addi %mul3A_275, %add3A_276 : i32
      %get3A_278 = arith.index_cast %add3A_277 : i32 to index
      %get3A_279 = arith.constant 64 : index
      %get3A_280 = tpu.vector_load %arg20[%get3A_278, %get3A_279] {strides = array<i32>} : memref<40x128xf32, #tpu.memory_space<vmem>>, vector<1x16xf32>,
      %get3A_281 = vector.shape_cast %get3A_280 : vector<1x16xf32> to vector<16xf32>
      %add3A_282 = arith.addf %get3A_273, %get3A_281 : vector<16xf32>
      %max3A_283 = arith.constant 0.000000e+00 : f32
      %max3A_284 = vector.broadcast %max3A_283 : f32 to vector<16xf32>
      %max3A_285 = arith.maximumf %add3A_282, %max3A_284 : vector<16xf32>
      %mul3A_286 = arith.constant 2 : i32
      %mul3A_287 = arith.muli %mul3A_286, %scan3A_152 : i32
      %add3A_288 = arith.constant 0 : i32
      %add3A_289 = arith.addi %mul3A_287, %add3A_288 : i32
      %swap3A_290 = arith.index_cast %add3A_289 : i32 to index
      %swap3A_291 = arith.constant 64 : index
      %swap3A_292 = tpu.vector_load %arg16[%swap3A_290, %swap3A_291] {strides = array<i32>} : memref<40x128xf32, #tpu.memory_space<vmem>>, vector<1x16xf32>,
      %swap3A_293 = vector.shape_cast %swap3A_292 : vector<1x16xf32> to vector<16xf32>
      %swap3A_294 = vector.shape_cast %max3A_285 : vector<16xf32> to vector<1x16xf32>
      tpu.vector_store %arg16[%swap3A_290, %swap3A_291], %swap3A_294 {strides = array<i32>} : memref<40x128xf32, #tpu.memory_space<vmem>>, vector<1x16xf32>,
      %mul3A_295 = arith.constant 2 : i32
      %mul3A_296 = arith.muli %mul3A_295, %scan3A_152 : i32
      %add3A_297 = arith.constant 0 : i32
      %add3A_298 = arith.addi %mul3A_296, %add3A_297 : i32
      %get3A_299 = arith.index_cast %add3A_298 : i32 to index
      %get3A_300 = arith.constant 80 : index
      %get3A_301 = tpu.vector_load %arg16[%get3A_299, %get3A_300] {strides = array<i32>} : memref<40x128xf32, #tpu.memory_space<vmem>>, vector<1x16xf32>,
      %get3A_302 = vector.shape_cast %get3A_301 : vector<1x16xf32> to vector<16xf32>
      %mul3A_303 = arith.constant 2 : i32
      %mul3A_304 = arith.muli %mul3A_303, %scan3A_152 : i32
      %add3A_305 = arith.constant 0 : i32
      %add3A_306 = arith.addi %mul3A_304, %add3A_305 : i32
      %get3A_307 = arith.index_cast %add3A_306 : i32 to index
      %get3A_308 = arith.constant 80 : index
      %get3A_309 = tpu.vector_load %arg20[%get3A_307, %get3A_308] {strides = array<i32>} : memref<40x128xf32, #tpu.memory_space<vmem>>, vector<1x16xf32>,
      %get3A_310 = vector.shape_cast %get3A_309 : vector<1x16xf32> to vector<16xf32>
      %add3A_311 = arith.addf %get3A_302, %get3A_310 : vector<16xf32>
      %max3A_312 = arith.constant 0.000000e+00 : f32
      %max3A_313 = vector.broadcast %max3A_312 : f32 to vector<16xf32>
      %max3A_314 = arith.maximumf %add3A_311, %max3A_313 : vector<16xf32>
      %mul3A_315 = arith.constant 2 : i32
      %mul3A_316 = arith.muli %mul3A_315, %scan3A_152 : i32
      %add3A_317 = arith.constant 0 : i32
      %add3A_318 = arith.addi %mul3A_316, %add3A_317 : i32
      %swap3A_319 = arith.index_cast %add3A_318 : i32 to index
      %swap3A_320 = arith.constant 80 : index
      %swap3A_321 = tpu.vector_load %arg16[%swap3A_319, %swap3A_320] {strides = array<i32>} : memref<40x128xf32, #tpu.memory_space<vmem>>, vector<1x16xf32>,
      %swap3A_322 = vector.shape_cast %swap3A_321 : vector<1x16xf32> to vector<16xf32>
      %swap3A_323 = vector.shape_cast %max3A_314 : vector<16xf32> to vector<1x16xf32>
      tpu.vector_store %arg16[%swap3A_319, %swap3A_320], %swap3A_323 {strides = array<i32>} : memref<40x128xf32, #tpu.memory_space<vmem>>, vector<1x16xf32>,
      %mul3A_324 = arith.constant 2 : i32
      %mul3A_325 = arith.muli %mul3A_324, %scan3A_152 : i32
      %add3A_326 = arith.constant 0 : i32
      %add3A_327 = arith.addi %mul3A_325, %add3A_326 : i32
      %get3A_328 = arith.index_cast %add3A_327 : i32 to index
      %get3A_329 = arith.constant 96 : index
      %get3A_330 = tpu.vector_load %arg16[%get3A_328, %get3A_329] {strides = array<i32>} : memref<40x128xf32, #tpu.memory_space<vmem>>, vector<1x16xf32>,
      %get3A_331 = vector.shape_cast %get3A_330 : vector<1x16xf32> to vector<16xf32>
      %mul3A_332 = arith.constant 2 : i32
      %mul3A_333 = arith.muli %mul3A_332, %scan3A_152 : i32
      %add3A_334 = arith.constant 0 : i32
      %add3A_335 = arith.addi %mul3A_333, %add3A_334 : i32
      %get3A_336 = arith.index_cast %add3A_335 : i32 to index
      %get3A_337 = arith.constant 96 : index
      %get3A_338 = tpu.vector_load %arg20[%get3A_336, %get3A_337] {strides = array<i32>} : memref<40x128xf32, #tpu.memory_space<vmem>>, vector<1x16xf32>,
      %get3A_339 = vector.shape_cast %get3A_338 : vector<1x16xf32> to vector<16xf32>
      %add3A_340 = arith.addf %get3A_331, %get3A_339 : vector<16xf32>
      %max3A_341 = arith.constant 0.000000e+00 : f32
      %max3A_342 = vector.broadcast %max3A_341 : f32 to vector<16xf32>
      %max3A_343 = arith.maximumf %add3A_340, %max3A_342 : vector<16xf32>
      %mul3A_344 = arith.constant 2 : i32
      %mul3A_345 = arith.muli %mul3A_344, %scan3A_152 : i32
      %add3A_346 = arith.constant 0 : i32
      %add3A_347 = arith.addi %mul3A_345, %add3A_346 : i32
      %swap3A_348 = arith.index_cast %add3A_347 : i32 to index
      %swap3A_349 = arith.constant 96 : index
      %swap3A_350 = tpu.vector_load %arg16[%swap3A_348, %swap3A_349] {strides = array<i32>} : memref<40x128xf32, #tpu.memory_space<vmem>>, vector<1x16xf32>,
      %swap3A_351 = vector.shape_cast %swap3A_350 : vector<1x16xf32> to vector<16xf32>
      %swap3A_352 = vector.shape_cast %max3A_343 : vector<16xf32> to vector<1x16xf32>
      tpu.vector_store %arg16[%swap3A_348, %swap3A_349], %swap3A_352 {strides = array<i32>} : memref<40x128xf32, #tpu.memory_space<vmem>>, vector<1x16xf32>,
      %mul3A_353 = arith.constant 2 : i32
      %mul3A_354 = arith.muli %mul3A_353, %scan3A_152 : i32
      %add3A_355 = arith.constant 0 : i32
      %add3A_356 = arith.addi %mul3A_354, %add3A_355 : i32
      %get3A_357 = arith.index_cast %add3A_356 : i32 to index
      %get3A_358 = arith.constant 112 : index
      %get3A_359 = tpu.vector_load %arg16[%get3A_357, %get3A_358] {strides = array<i32>} : memref<40x128xf32, #tpu.memory_space<vmem>>, vector<1x16xf32>,
      %get3A_360 = vector.shape_cast %get3A_359 : vector<1x16xf32> to vector<16xf32>
      %mul3A_361 = arith.constant 2 : i32
      %mul3A_362 = arith.muli %mul3A_361, %scan3A_152 : i32
      %add3A_363 = arith.constant 0 : i32
      %add3A_364 = arith.addi %mul3A_362, %add3A_363 : i32
      %get3A_365 = arith.index_cast %add3A_364 : i32 to index
      %get3A_366 = arith.constant 112 : index
      %get3A_367 = tpu.vector_load %arg20[%get3A_365, %get3A_366] {strides = array<i32>} : memref<40x128xf32, #tpu.memory_space<vmem>>, vector<1x16xf32>,
      %get3A_368 = vector.shape_cast %get3A_367 : vector<1x16xf32> to vector<16xf32>
      %add3A_369 = arith.addf %get3A_360, %get3A_368 : vector<16xf32>
      %max3A_370 = arith.constant 0.000000e+00 : f32
      %max3A_371 = vector.broadcast %max3A_370 : f32 to vector<16xf32>
      %max3A_372 = arith.maximumf %add3A_369, %max3A_371 : vector<16xf32>
      %mul3A_373 = arith.constant 2 : i32
      %mul3A_374 = arith.muli %mul3A_373, %scan3A_152 : i32
      %add3A_375 = arith.constant 0 : i32
      %add3A_376 = arith.addi %mul3A_374, %add3A_375 : i32
      %swap3A_377 = arith.index_cast %add3A_376 : i32 to index
      %swap3A_378 = arith.constant 112 : index
      %swap3A_379 = tpu.vector_load %arg16[%swap3A_377, %swap3A_378] {strides = array<i32>} : memref<40x128xf32, #tpu.memory_space<vmem>>, vector<1x16xf32>,
      %swap3A_380 = vector.shape_cast %swap3A_379 : vector<1x16xf32> to vector<16xf32>
      %swap3A_381 = vector.shape_cast %max3A_372 : vector<16xf32> to vector<1x16xf32>
      tpu.vector_store %arg16[%swap3A_377, %swap3A_378], %swap3A_381 {strides = array<i32>} : memref<40x128xf32, #tpu.memory_space<vmem>>, vector<1x16xf32>,
      %mul3A_382 = arith.constant 2 : i32
      %mul3A_383 = arith.muli %mul3A_382, %scan3A_152 : i32
      %add3A_384 = arith.constant 1 : i32
      %add3A_385 = arith.addi %mul3A_383, %add3A_384 : i32
      %get3A_386 = arith.index_cast %add3A_385 : i32 to index
      %get3A_387 = arith.constant 0 : index
      %get3A_388 = tpu.vector_load %arg16[%get3A_386, %get3A_387] {strides = array<i32>} : memref<40x128xf32, #tpu.memory_space<vmem>>, vector<1x16xf32>,
      %get3A_389 = vector.shape_cast %get3A_388 : vector<1x16xf32> to vector<16xf32>
      %mul3A_390 = arith.constant 2 : i32
      %mul3A_391 = arith.muli %mul3A_390, %scan3A_152 : i32
      %add3A_392 = arith.constant 1 : i32
      %add3A_393 = arith.addi %mul3A_391, %add3A_392 : i32
      %get3A_394 = arith.index_cast %add3A_393 : i32 to index
      %get3A_395 = arith.constant 0 : index
      %get3A_396 = tpu.vector_load %arg20[%get3A_394, %get3A_395] {strides = array<i32>} : memref<40x128xf32, #tpu.memory_space<vmem>>, vector<1x16xf32>,
      %get3A_397 = vector.shape_cast %get3A_396 : vector<1x16xf32> to vector<16xf32>
      %add3A_398 = arith.addf %get3A_389, %get3A_397 : vector<16xf32>
      %max3A_399 = arith.constant 0.000000e+00 : f32
      %max3A_400 = vector.broadcast %max3A_399 : f32 to vector<16xf32>
      %max3A_401 = arith.maximumf %add3A_398, %max3A_400 : vector<16xf32>
      %mul3A_402 = arith.constant 2 : i32
      %mul3A_403 = arith.muli %mul3A_402, %scan3A_152 : i32
      %add3A_404 = arith.constant 1 : i32
      %add3A_405 = arith.addi %mul3A_403, %add3A_404 : i32
      %swap3A_406 = arith.index_cast %add3A_405 : i32 to index
      %swap3A_407 = arith.constant 0 : index
      %swap3A_408 = tpu.vector_load %arg16[%swap3A_406, %swap3A_407] {strides = array<i32>} : memref<40x128xf32, #tpu.memory_space<vmem>>, vector<1x16xf32>,
      %swap3A_409 = vector.shape_cast %swap3A_408 : vector<1x16xf32> to vector<16xf32>
      %swap3A_410 = vector.shape_cast %max3A_401 : vector<16xf32> to vector<1x16xf32>
      tpu.vector_store %arg16[%swap3A_406, %swap3A_407], %swap3A_410 {strides = array<i32>} : memref<40x128xf32, #tpu.memory_space<vmem>>, vector<1x16xf32>,
      %mul3A_411 = arith.constant 2 : i32
      %mul3A_412 = arith.muli %mul3A_411, %scan3A_152 : i32
      %add3A_413 = arith.constant 1 : i32
      %add3A_414 = arith.addi %mul3A_412, %add3A_413 : i32
      %get3A_415 = arith.index_cast %add3A_414 : i32 to index
      %get3A_416 = arith.constant 16 : index
      %get3A_417 = tpu.vector_load %arg16[%get3A_415, %get3A_416] {strides = array<i32>} : memref<40x128xf32, #tpu.memory_space<vmem>>, vector<1x16xf32>,
      %get3A_418 = vector.shape_cast %get3A_417 : vector<1x16xf32> to vector<16xf32>
      %mul3A_419 = arith.constant 2 : i32
      %mul3A_420 = arith.muli %mul3A_419, %scan3A_152 : i32
      %add3A_421 = arith.constant 1 : i32
      %add3A_422 = arith.addi %mul3A_420, %add3A_421 : i32
      %get3A_423 = arith.index_cast %add3A_422 : i32 to index
      %get3A_424 = arith.constant 16 : index
      %get3A_425 = tpu.vector_load %arg20[%get3A_423, %get3A_424] {strides = array<i32>} : memref<40x128xf32, #tpu.memory_space<vmem>>, vector<1x16xf32>,
      %get3A_426 = vector.shape_cast %get3A_425 : vector<1x16xf32> to vector<16xf32>
      %add3A_427 = arith.addf %get3A_418, %get3A_426 : vector<16xf32>
      %max3A_428 = arith.constant 0.000000e+00 : f32
      %max3A_429 = vector.broadcast %max3A_428 : f32 to vector<16xf32>
      %max3A_430 = arith.maximumf %add3A_427, %max3A_429 : vector<16xf32>
      %mul3A_431 = arith.constant 2 : i32
      %mul3A_432 = arith.muli %mul3A_431, %scan3A_152 : i32
      %add3A_433 = arith.constant 1 : i32
      %add3A_434 = arith.addi %mul3A_432, %add3A_433 : i32
      %swap3A_435 = arith.index_cast %add3A_434 : i32 to index
      %swap3A_436 = arith.constant 16 : index
      %swap3A_437 = tpu.vector_load %arg16[%swap3A_435, %swap3A_436] {strides = array<i32>} : memref<40x128xf32, #tpu.memory_space<vmem>>, vector<1x16xf32>,
      %swap3A_438 = vector.shape_cast %swap3A_437 : vector<1x16xf32> to vector<16xf32>
      %swap3A_439 = vector.shape_cast %max3A_430 : vector<16xf32> to vector<1x16xf32>
      tpu.vector_store %arg16[%swap3A_435, %swap3A_436], %swap3A_439 {strides = array<i32>} : memref<40x128xf32, #tpu.memory_space<vmem>>, vector<1x16xf32>,
      %mul3A_440 = arith.constant 2 : i32
      %mul3A_441 = arith.muli %mul3A_440, %scan3A_152 : i32
      %add3A_442 = arith.constant 1 : i32
      %add3A_443 = arith.addi %mul3A_441, %add3A_442 : i32
      %get3A_444 = arith.index_cast %add3A_443 : i32 to index
      %get3A_445 = arith.constant 32 : index
      %get3A_446 = tpu.vector_load %arg16[%get3A_444, %get3A_445] {strides = array<i32>} : memref<40x128xf32, #tpu.memory_space<vmem>>, vector<1x16xf32>,
      %get3A_447 = vector.shape_cast %get3A_446 : vector<1x16xf32> to vector<16xf32>
      %mul3A_448 = arith.constant 2 : i32
      %mul3A_449 = arith.muli %mul3A_448, %scan3A_152 : i32
      %add3A_450 = arith.constant 1 : i32
      %add3A_451 = arith.addi %mul3A_449, %add3A_450 : i32
      %get3A_452 = arith.index_cast %add3A_451 : i32 to index
      %get3A_453 = arith.constant 32 : index
      %get3A_454 = tpu.vector_load %arg20[%get3A_452, %get3A_453] {strides = array<i32>} : memref<40x128xf32, #tpu.memory_space<vmem>>, vector<1x16xf32>,
      %get3A_455 = vector.shape_cast %get3A_454 : vector<1x16xf32> to vector<16xf32>
      %add3A_456 = arith.addf %get3A_447, %get3A_455 : vector<16xf32>
      %max3A_457 = arith.constant 0.000000e+00 : f32
      %max3A_458 = vector.broadcast %max3A_457 : f32 to vector<16xf32>
      %max3A_459 = arith.maximumf %add3A_456, %max3A_458 : vector<16xf32>
      %mul3A_460 = arith.constant 2 : i32
      %mul3A_461 = arith.muli %mul3A_460, %scan3A_152 : i32
      %add3A_462 = arith.constant 1 : i32
      %add3A_463 = arith.addi %mul3A_461, %add3A_462 : i32
      %swap3A_464 = arith.index_cast %add3A_463 : i32 to index
      %swap3A_465 = arith.constant 32 : index
      %swap3A_466 = tpu.vector_load %arg16[%swap3A_464, %swap3A_465] {strides = array<i32>} : memref<40x128xf32, #tpu.memory_space<vmem>>, vector<1x16xf32>,
      %swap3A_467 = vector.shape_cast %swap3A_466 : vector<1x16xf32> to vector<16xf32>
      %swap3A_468 = vector.shape_cast %max3A_459 : vector<16xf32> to vector<1x16xf32>
      tpu.vector_store %arg16[%swap3A_464, %swap3A_465], %swap3A_468 {strides = array<i32>} : memref<40x128xf32, #tpu.memory_space<vmem>>, vector<1x16xf32>,
      %mul3A_469 = arith.constant 2 : i32
      %mul3A_470 = arith.muli %mul3A_469, %scan3A_152 : i32
      %add3A_471 = arith.constant 1 : i32
      %add3A_472 = arith.addi %mul3A_470, %add3A_471 : i32
      %get3A_473 = arith.index_cast %add3A_472 : i32 to index
      %get3A_474 = arith.constant 48 : index
      %get3A_475 = tpu.vector_load %arg16[%get3A_473, %get3A_474] {strides = array<i32>} : memref<40x128xf32, #tpu.memory_space<vmem>>, vector<1x16xf32>,
      %get3A_476 = vector.shape_cast %get3A_475 : vector<1x16xf32> to vector<16xf32>
      %mul3A_477 = arith.constant 2 : i32
      %mul3A_478 = arith.muli %mul3A_477, %scan3A_152 : i32
      %add3A_479 = arith.constant 1 : i32
      %add3A_480 = arith.addi %mul3A_478, %add3A_479 : i32
      %get3A_481 = arith.index_cast %add3A_480 : i32 to index
      %get3A_482 = arith.constant 48 : index
      %get3A_483 = tpu.vector_load %arg20[%get3A_481, %get3A_482] {strides = array<i32>} : memref<40x128xf32, #tpu.memory_space<vmem>>, vector<1x16xf32>,
      %get3A_484 = vector.shape_cast %get3A_483 : vector<1x16xf32> to vector<16xf32>
      %add3A_485 = arith.addf %get3A_476, %get3A_484 : vector<16xf32>
      %max3A_486 = arith.constant 0.000000e+00 : f32
      %max3A_487 = vector.broadcast %max3A_486 : f32 to vector<16xf32>
      %max3A_488 = arith.maximumf %add3A_485, %max3A_487 : vector<16xf32>
      %mul3A_489 = arith.constant 2 : i32
      %mul3A_490 = arith.muli %mul3A_489, %scan3A_152 : i32
      %add3A_491 = arith.constant 1 : i32
      %add3A_492 = arith.addi %mul3A_490, %add3A_491 : i32
      %swap3A_493 = arith.index_cast %add3A_492 : i32 to index
      %swap3A_494 = arith.constant 48 : index
      %swap3A_495 = tpu.vector_load %arg16[%swap3A_493, %swap3A_494] {strides = array<i32>} : memref<40x128xf32, #tpu.memory_space<vmem>>, vector<1x16xf32>,
      %swap3A_496 = vector.shape_cast %swap3A_495 : vector<1x16xf32> to vector<16xf32>
      %swap3A_497 = vector.shape_cast %max3A_488 : vector<16xf32> to vector<1x16xf32>
      tpu.vector_store %arg16[%swap3A_493, %swap3A_494], %swap3A_497 {strides = array<i32>} : memref<40x128xf32, #tpu.memory_space<vmem>>, vector<1x16xf32>,
      %mul3A_498 = arith.constant 2 : i32
      %mul3A_499 = arith.muli %mul3A_498, %scan3A_152 : i32
      %add3A_500 = arith.constant 1 : i32
      %add3A_501 = arith.addi %mul3A_499, %add3A_500 : i32
      %get3A_502 = arith.index_cast %add3A_501 : i32 to index
      %get3A_503 = arith.constant 64 : index
      %get3A_504 = tpu.vector_load %arg16[%get3A_502, %get3A_503] {strides = array<i32>} : memref<40x128xf32, #tpu.memory_space<vmem>>, vector<1x16xf32>,
      %get3A_505 = vector.shape_cast %get3A_504 : vector<1x16xf32> to vector<16xf32>
      %mul3A_506 = arith.constant 2 : i32
      %mul3A_507 = arith.muli %mul3A_506, %scan3A_152 : i32
      %add3A_508 = arith.constant 1 : i32
      %add3A_509 = arith.addi %mul3A_507, %add3A_508 : i32
      %get3A_510 = arith.index_cast %add3A_509 : i32 to index
      %get3A_511 = arith.constant 64 : index
      %get3A_512 = tpu.vector_load %arg20[%get3A_510, %get3A_511] {strides = array<i32>} : memref<40x128xf32, #tpu.memory_space<vmem>>, vector<1x16xf32>,
      %get3A_513 = vector.shape_cast %get3A_512 : vector<1x16xf32> to vector<16xf32>
      %add3A_514 = arith.addf %get3A_505, %get3A_513 : vector<16xf32>
      %max3A_515 = arith.constant 0.000000e+00 : f32
      %max3A_516 = vector.broadcast %max3A_515 : f32 to vector<16xf32>
      %max3A_517 = arith.maximumf %add3A_514, %max3A_516 : vector<16xf32>
      %mul3A_518 = arith.constant 2 : i32
      %mul3A_519 = arith.muli %mul3A_518, %scan3A_152 : i32
      %add3A_520 = arith.constant 1 : i32
      %add3A_521 = arith.addi %mul3A_519, %add3A_520 : i32
      %swap3A_522 = arith.index_cast %add3A_521 : i32 to index
      %swap3A_523 = arith.constant 64 : index
      %swap3A_524 = tpu.vector_load %arg16[%swap3A_522, %swap3A_523] {strides = array<i32>} : memref<40x128xf32, #tpu.memory_space<vmem>>, vector<1x16xf32>,
      %swap3A_525 = vector.shape_cast %swap3A_524 : vector<1x16xf32> to vector<16xf32>
      %swap3A_526 = vector.shape_cast %max3A_517 : vector<16xf32> to vector<1x16xf32>
      tpu.vector_store %arg16[%swap3A_522, %swap3A_523], %swap3A_526 {strides = array<i32>} : memref<40x128xf32, #tpu.memory_space<vmem>>, vector<1x16xf32>,
      %mul3A_527 = arith.constant 2 : i32
      %mul3A_528 = arith.muli %mul3A_527, %scan3A_152 : i32
      %add3A_529 = arith.constant 1 : i32
      %add3A_530 = arith.addi %mul3A_528, %add3A_529 : i32
      %get3A_531 = arith.index_cast %add3A_530 : i32 to index
      %get3A_532 = arith.constant 80 : index
      %get3A_533 = tpu.vector_load %arg16[%get3A_531, %get3A_532] {strides = array<i32>} : memref<40x128xf32, #tpu.memory_space<vmem>>, vector<1x16xf32>,
      %get3A_534 = vector.shape_cast %get3A_533 : vector<1x16xf32> to vector<16xf32>
      %mul3A_535 = arith.constant 2 : i32
      %mul3A_536 = arith.muli %mul3A_535, %scan3A_152 : i32
      %add3A_537 = arith.constant 1 : i32
      %add3A_538 = arith.addi %mul3A_536, %add3A_537 : i32
      %get3A_539 = arith.index_cast %add3A_538 : i32 to index
      %get3A_540 = arith.constant 80 : index
      %get3A_541 = tpu.vector_load %arg20[%get3A_539, %get3A_540] {strides = array<i32>} : memref<40x128xf32, #tpu.memory_space<vmem>>, vector<1x16xf32>,
      %get3A_542 = vector.shape_cast %get3A_541 : vector<1x16xf32> to vector<16xf32>
      %add3A_543 = arith.addf %get3A_534, %get3A_542 : vector<16xf32>
      %max3A_544 = arith.constant 0.000000e+00 : f32
      %max3A_545 = vector.broadcast %max3A_544 : f32 to vector<16xf32>
      %max3A_546 = arith.maximumf %add3A_543, %max3A_545 : vector<16xf32>
      %mul3A_547 = arith.constant 2 : i32
      %mul3A_548 = arith.muli %mul3A_547, %scan3A_152 : i32
      %add3A_549 = arith.constant 1 : i32
      %add3A_550 = arith.addi %mul3A_548, %add3A_549 : i32
      %swap3A_551 = arith.index_cast %add3A_550 : i32 to index
      %swap3A_552 = arith.constant 80 : index
      %swap3A_553 = tpu.vector_load %arg16[%swap3A_551, %swap3A_552] {strides = array<i32>} : memref<40x128xf32, #tpu.memory_space<vmem>>, vector<1x16xf32>,
      %swap3A_554 = vector.shape_cast %swap3A_553 : vector<1x16xf32> to vector<16xf32>
      %swap3A_555 = vector.shape_cast %max3A_546 : vector<16xf32> to vector<1x16xf32>
      tpu.vector_store %arg16[%swap3A_551, %swap3A_552], %swap3A_555 {strides = array<i32>} : memref<40x128xf32, #tpu.memory_space<vmem>>, vector<1x16xf32>,
      %mul3A_556 = arith.constant 2 : i32
      %mul3A_557 = arith.muli %mul3A_556, %scan3A_152 : i32
      %add3A_558 = arith.constant 1 : i32
      %add3A_559 = arith.addi %mul3A_557, %add3A_558 : i32
      %get3A_560 = arith.index_cast %add3A_559 : i32 to index
      %get3A_561 = arith.constant 96 : index
      %get3A_562 = tpu.vector_load %arg16[%get3A_560, %get3A_561] {strides = array<i32>} : memref<40x128xf32, #tpu.memory_space<vmem>>, vector<1x16xf32>,
      %get3A_563 = vector.shape_cast %get3A_562 : vector<1x16xf32> to vector<16xf32>
      %mul3A_564 = arith.constant 2 : i32
      %mul3A_565 = arith.muli %mul3A_564, %scan3A_152 : i32
      %add3A_566 = arith.constant 1 : i32
      %add3A_567 = arith.addi %mul3A_565, %add3A_566 : i32
      %get3A_568 = arith.index_cast %add3A_567 : i32 to index
      %get3A_569 = arith.constant 96 : index
      %get3A_570 = tpu.vector_load %arg20[%get3A_568, %get3A_569] {strides = array<i32>} : memref<40x128xf32, #tpu.memory_space<vmem>>, vector<1x16xf32>,
      %get3A_571 = vector.shape_cast %get3A_570 : vector<1x16xf32> to vector<16xf32>
      %add3A_572 = arith.addf %get3A_563, %get3A_571 : vector<16xf32>
      %max3A_573 = arith.constant 0.000000e+00 : f32
      %max3A_574 = vector.broadcast %max3A_573 : f32 to vector<16xf32>
      %max3A_575 = arith.maximumf %add3A_572, %max3A_574 : vector<16xf32>
      %mul3A_576 = arith.constant 2 : i32
      %mul3A_577 = arith.muli %mul3A_576, %scan3A_152 : i32
      %add3A_578 = arith.constant 1 : i32
      %add3A_579 = arith.addi %mul3A_577, %add3A_578 : i32
      %swap3A_580 = arith.index_cast %add3A_579 : i32 to index
      %swap3A_581 = arith.constant 96 : index
      %swap3A_582 = tpu.vector_load %arg16[%swap3A_580, %swap3A_581] {strides = array<i32>} : memref<40x128xf32, #tpu.memory_space<vmem>>, vector<1x16xf32>,
      %swap3A_583 = vector.shape_cast %swap3A_582 : vector<1x16xf32> to vector<16xf32>
      %swap3A_584 = vector.shape_cast %max3A_575 : vector<16xf32> to vector<1x16xf32>
      tpu.vector_store %arg16[%swap3A_580, %swap3A_581], %swap3A_584 {strides = array<i32>} : memref<40x128xf32, #tpu.memory_space<vmem>>, vector<1x16xf32>,
      %mul3A_585 = arith.constant 2 : i32
      %mul3A_586 = arith.muli %mul3A_585, %scan3A_152 : i32
      %add3A_587 = arith.constant 1 : i32
      %add3A_588 = arith.addi %mul3A_586, %add3A_587 : i32
      %get3A_589 = arith.index_cast %add3A_588 : i32 to index
      %get3A_590 = arith.constant 112 : index
      %get3A_591 = tpu.vector_load %arg16[%get3A_589, %get3A_590] {strides = array<i32>} : memref<40x128xf32, #tpu.memory_space<vmem>>, vector<1x16xf32>,
      %get3A_592 = vector.shape_cast %get3A_591 : vector<1x16xf32> to vector<16xf32>
      %mul3A_593 = arith.constant 2 : i32
      %mul3A_594 = arith.muli %mul3A_593, %scan3A_152 : i32
      %add3A_595 = arith.constant 1 : i32
      %add3A_596 = arith.addi %mul3A_594, %add3A_595 : i32
      %get3A_597 = arith.index_cast %add3A_596 : i32 to index
      %get3A_598 = arith.constant 112 : index
      %get3A_599 = tpu.vector_load %arg20[%get3A_597, %get3A_598] {strides = array<i32>} : memref<40x128xf32, #tpu.memory_space<vmem>>, vector<1x16xf32>,
      %get3A_600 = vector.shape_cast %get3A_599 : vector<1x16xf32> to vector<16xf32>
      %add3A_601 = arith.addf %get3A_592, %get3A_600 : vector<16xf32>
      %max3A_602 = arith.constant 0.000000e+00 : f32
      %max3A_603 = vector.broadcast %max3A_602 : f32 to vector<16xf32>
      %max3A_604 = arith.maximumf %add3A_601, %max3A_603 : vector<16xf32>
      %mul3A_605 = arith.constant 2 : i32
      %mul3A_606 = arith.muli %mul3A_605, %scan3A_152 : i32
      %add3A_607 = arith.constant 1 : i32
      %add3A_608 = arith.addi %mul3A_606, %add3A_607 : i32
      %swap3A_609 = arith.index_cast %add3A_608 : i32 to index
      %swap3A_610 = arith.constant 112 : index
      %swap3A_611 = tpu.vector_load %arg16[%swap3A_609, %swap3A_610] {strides = array<i32>} : memref<40x128xf32, #tpu.memory_space<vmem>>, vector<1x16xf32>,
      %swap3A_612 = vector.shape_cast %swap3A_611 : vector<1x16xf32> to vector<16xf32>
      %swap3A_613 = vector.shape_cast %max3A_604 : vector<16xf32> to vector<1x16xf32>
      tpu.vector_store %arg16[%swap3A_609, %swap3A_610], %swap3A_613 {strides = array<i32>} : memref<40x128xf32, #tpu.memory_space<vmem>>, vector<1x16xf32>,
    }
    %scan3A_52 = arith.constant 20 : i32
    %add3A_53 = arith.constant 9920 : i32
    %add3A_54 = arith.addi %mul3A_2, %add3A_53 : i32
    %dma_wait3A_55 = tpu.memref_slice %arg3[%add3A_54] : memref<160000xi32, #tpu.memory_space<hbm>> -> memref<40xi32, #tpu.memory_space<hbm>>
    %dma_wait3A_56 = tpu.memref_slice %arg3[%add3A_54] : memref<160000xi32, #tpu.memory_space<hbm>> -> memref<40xi32, #tpu.memory_space<hbm>>
    tpu.wait_dma2 semaphore(%arg37 : memref<!tpu.dma_semaphore, #tpu.memory_space<semaphore_mem>>) src(%dma_wait3A_56 : memref<40xi32, #tpu.memory_space<hbm>>) dst(%arg12 : memref<40xi32, #tpu.memory_space<vmem>>)
    %dma_start3A_57 = arith.constant 0 : i32
    %dma_start3A_58 = arith.constant 0 : i32
    %dma_start3A_59 = tpu.memref_slice %arg24[%dma_start3A_57, %dma_start3A_58] : memref<10240x128xf32, #tpu.memory_space<vmem_shared>> -> memref<10240x128xf32, #tpu.memory_space<vmem_shared>>
    tpu.enqueue_indirect_dma source(%arg16 : memref<40x128xf32, #tpu.memory_space<vmem>>) target(%dma_start3A_59 : memref<10240x128xf32, #tpu.memory_space<vmem_shared>>) offsets(%arg12 : memref<40xi32, #tpu.memory_space<vmem>>) semaphore(%arg41 : memref<!tpu.dma_semaphore, #tpu.memory_space<semaphore_mem>>) {add = true}
    %add3A_60 = arith.constant 9960 : i32
    %add3A_61 = arith.addi %mul3A_2, %add3A_60 : i32
    %dma_wait3A_62 = arith.constant 0 : i32
    %dma_wait3A_63 = tpu.memref_slice %arg4[%dma_wait3A_62, %multiple_of3A] : memref<10000x256xf32, #tpu.memory_space<hbm>> -> memref<10000x128xf32, #tpu.memory_space<hbm>>
    tpu.wait_indirect_dma semaphore(%arg26 : memref<!tpu.dma_semaphore, #tpu.memory_space<semaphore_mem>>) src(%dma_wait3A_63 : memref<10000x128xf32, #tpu.memory_space<hbm>>) dst(%arg17 : memref<40x128xf32, #tpu.memory_space<vmem>>)
    %dma_wait3A_64 = tpu.memref_slice %arg5[%add3A_61, %multiple_of3A] : memref<160000x256xf32, #tpu.memory_space<hbm>> -> memref<40x128xf32, #tpu.memory_space<hbm>>
    %dma_wait3A_65 = tpu.memref_slice %arg5[%add3A_61, %multiple_of3A] : memref<160000x256xf32, #tpu.memory_space<hbm>> -> memref<40x128xf32, #tpu.memory_space<hbm>>
    tpu.wait_dma2 semaphore(%arg30 : memref<!tpu.dma_semaphore, #tpu.memory_space<semaphore_mem>>) src(%dma_wait3A_65 : memref<40x128xf32, #tpu.memory_space<hbm>>) dst(%arg21 : memref<40x128xf32, #tpu.memory_space<vmem>>)
    %scan3A_66 = arith.constant 0 : i32
    %scan3A_67 = arith.constant 0 : i32
    %scan3A_68 = arith.constant 20 : i32
    %scan3A_69 = arith.addi %scan3A_67, %scan3A_68 : i32
    %scan3A_70 = arith.constant 1 : i32
    scf.for %scan3A_152 = %scan3A_67 to %scan3A_69 step %scan3A_70  : i32 {
      %mul3A_153 = arith.constant 2 : i32
      %mul3A_154 = arith.muli %mul3A_153, %scan3A_152 : i32
      %add3A_155 = arith.constant 0 : i32
      %add3A_156 = arith.addi %mul3A_154, %add3A_155 : i32
      %get3A = arith.index_cast %add3A_156 : i32 to index
      %get3A_157 = arith.constant 0 : index
      %get3A_158 = tpu.vector_load %arg17[%get3A, %get3A_157] {strides = array<i32>} : memref<40x128xf32, #tpu.memory_space<vmem>>, vector<1x16xf32>,
      %get3A_159 = vector.shape_cast %get3A_158 : vector<1x16xf32> to vector<16xf32>
      %mul3A_160 = arith.constant 2 : i32
      %mul3A_161 = arith.muli %mul3A_160, %scan3A_152 : i32
      %add3A_162 = arith.constant 0 : i32
      %add3A_163 = arith.addi %mul3A_161, %add3A_162 : i32
      %get3A_164 = arith.index_cast %add3A_163 : i32 to index
      %get3A_165 = arith.constant 0 : index
      %get3A_166 = tpu.vector_load %arg21[%get3A_164, %get3A_165] {strides = array<i32>} : memref<40x128xf32, #tpu.memory_space<vmem>>, vector<1x16xf32>,
      %get3A_167 = vector.shape_cast %get3A_166 : vector<1x16xf32> to vector<16xf32>
      %add3A_168 = arith.addf %get3A_159, %get3A_167 : vector<16xf32>
      %max3A = arith.constant 0.000000e+00 : f32
      %max3A_169 = vector.broadcast %max3A : f32 to vector<16xf32>
      %max3A_170 = arith.maximumf %add3A_168, %max3A_169 : vector<16xf32>
      %mul3A_171 = arith.constant 2 : i32
      %mul3A_172 = arith.muli %mul3A_171, %scan3A_152 : i32
      %add3A_173 = arith.constant 0 : i32
      %add3A_174 = arith.addi %mul3A_172, %add3A_173 : i32
      %swap3A = arith.index_cast %add3A_174 : i32 to index
      %swap3A_175 = arith.constant 0 : index
      %swap3A_176 = tpu.vector_load %arg17[%swap3A, %swap3A_175] {strides = array<i32>} : memref<40x128xf32, #tpu.memory_space<vmem>>, vector<1x16xf32>,
      %swap3A_177 = vector.shape_cast %swap3A_176 : vector<1x16xf32> to vector<16xf32>
      %swap3A_178 = vector.shape_cast %max3A_170 : vector<16xf32> to vector<1x16xf32>
      tpu.vector_store %arg17[%swap3A, %swap3A_175], %swap3A_178 {strides = array<i32>} : memref<40x128xf32, #tpu.memory_space<vmem>>, vector<1x16xf32>,
      %mul3A_179 = arith.constant 2 : i32
      %mul3A_180 = arith.muli %mul3A_179, %scan3A_152 : i32
      %add3A_181 = arith.constant 0 : i32
      %add3A_182 = arith.addi %mul3A_180, %add3A_181 : i32
      %get3A_183 = arith.index_cast %add3A_182 : i32 to index
      %get3A_184 = arith.constant 16 : index
      %get3A_185 = tpu.vector_load %arg17[%get3A_183, %get3A_184] {strides = array<i32>} : memref<40x128xf32, #tpu.memory_space<vmem>>, vector<1x16xf32>,
      %get3A_186 = vector.shape_cast %get3A_185 : vector<1x16xf32> to vector<16xf32>
      %mul3A_187 = arith.constant 2 : i32
      %mul3A_188 = arith.muli %mul3A_187, %scan3A_152 : i32
      %add3A_189 = arith.constant 0 : i32
      %add3A_190 = arith.addi %mul3A_188, %add3A_189 : i32
      %get3A_191 = arith.index_cast %add3A_190 : i32 to index
      %get3A_192 = arith.constant 16 : index
      %get3A_193 = tpu.vector_load %arg21[%get3A_191, %get3A_192] {strides = array<i32>} : memref<40x128xf32, #tpu.memory_space<vmem>>, vector<1x16xf32>,
      %get3A_194 = vector.shape_cast %get3A_193 : vector<1x16xf32> to vector<16xf32>
      %add3A_195 = arith.addf %get3A_186, %get3A_194 : vector<16xf32>
      %max3A_196 = arith.constant 0.000000e+00 : f32
      %max3A_197 = vector.broadcast %max3A_196 : f32 to vector<16xf32>
      %max3A_198 = arith.maximumf %add3A_195, %max3A_197 : vector<16xf32>
      %mul3A_199 = arith.constant 2 : i32
      %mul3A_200 = arith.muli %mul3A_199, %scan3A_152 : i32
      %add3A_201 = arith.constant 0 : i32
      %add3A_202 = arith.addi %mul3A_200, %add3A_201 : i32
      %swap3A_203 = arith.index_cast %add3A_202 : i32 to index
      %swap3A_204 = arith.constant 16 : index
      %swap3A_205 = tpu.vector_load %arg17[%swap3A_203, %swap3A_204] {strides = array<i32>} : memref<40x128xf32, #tpu.memory_space<vmem>>, vector<1x16xf32>,
      %swap3A_206 = vector.shape_cast %swap3A_205 : vector<1x16xf32> to vector<16xf32>
      %swap3A_207 = vector.shape_cast %max3A_198 : vector<16xf32> to vector<1x16xf32>
      tpu.vector_store %arg17[%swap3A_203, %swap3A_204], %swap3A_207 {strides = array<i32>} : memref<40x128xf32, #tpu.memory_space<vmem>>, vector<1x16xf32>,
      %mul3A_208 = arith.constant 2 : i32
      %mul3A_209 = arith.muli %mul3A_208, %scan3A_152 : i32
      %add3A_210 = arith.constant 0 : i32
      %add3A_211 = arith.addi %mul3A_209, %add3A_210 : i32
      %get3A_212 = arith.index_cast %add3A_211 : i32 to index
      %get3A_213 = arith.constant 32 : index
      %get3A_214 = tpu.vector_load %arg17[%get3A_212, %get3A_213] {strides = array<i32>} : memref<40x128xf32, #tpu.memory_space<vmem>>, vector<1x16xf32>,
      %get3A_215 = vector.shape_cast %get3A_214 : vector<1x16xf32> to vector<16xf32>
      %mul3A_216 = arith.constant 2 : i32
      %mul3A_217 = arith.muli %mul3A_216, %scan3A_152 : i32
      %add3A_218 = arith.constant 0 : i32
      %add3A_219 = arith.addi %mul3A_217, %add3A_218 : i32
      %get3A_220 = arith.index_cast %add3A_219 : i32 to index
      %get3A_221 = arith.constant 32 : index
      %get3A_222 = tpu.vector_load %arg21[%get3A_220, %get3A_221] {strides = array<i32>} : memref<40x128xf32, #tpu.memory_space<vmem>>, vector<1x16xf32>,
      %get3A_223 = vector.shape_cast %get3A_222 : vector<1x16xf32> to vector<16xf32>
      %add3A_224 = arith.addf %get3A_215, %get3A_223 : vector<16xf32>
      %max3A_225 = arith.constant 0.000000e+00 : f32
      %max3A_226 = vector.broadcast %max3A_225 : f32 to vector<16xf32>
      %max3A_227 = arith.maximumf %add3A_224, %max3A_226 : vector<16xf32>
      %mul3A_228 = arith.constant 2 : i32
      %mul3A_229 = arith.muli %mul3A_228, %scan3A_152 : i32
      %add3A_230 = arith.constant 0 : i32
      %add3A_231 = arith.addi %mul3A_229, %add3A_230 : i32
      %swap3A_232 = arith.index_cast %add3A_231 : i32 to index
      %swap3A_233 = arith.constant 32 : index
      %swap3A_234 = tpu.vector_load %arg17[%swap3A_232, %swap3A_233] {strides = array<i32>} : memref<40x128xf32, #tpu.memory_space<vmem>>, vector<1x16xf32>,
      %swap3A_235 = vector.shape_cast %swap3A_234 : vector<1x16xf32> to vector<16xf32>
      %swap3A_236 = vector.shape_cast %max3A_227 : vector<16xf32> to vector<1x16xf32>
      tpu.vector_store %arg17[%swap3A_232, %swap3A_233], %swap3A_236 {strides = array<i32>} : memref<40x128xf32, #tpu.memory_space<vmem>>, vector<1x16xf32>,
      %mul3A_237 = arith.constant 2 : i32
      %mul3A_238 = arith.muli %mul3A_237, %scan3A_152 : i32
      %add3A_239 = arith.constant 0 : i32
      %add3A_240 = arith.addi %mul3A_238, %add3A_239 : i32
      %get3A_241 = arith.index_cast %add3A_240 : i32 to index
      %get3A_242 = arith.constant 48 : index
      %get3A_243 = tpu.vector_load %arg17[%get3A_241, %get3A_242] {strides = array<i32>} : memref<40x128xf32, #tpu.memory_space<vmem>>, vector<1x16xf32>,
      %get3A_244 = vector.shape_cast %get3A_243 : vector<1x16xf32> to vector<16xf32>
      %mul3A_245 = arith.constant 2 : i32
      %mul3A_246 = arith.muli %mul3A_245, %scan3A_152 : i32
      %add3A_247 = arith.constant 0 : i32
      %add3A_248 = arith.addi %mul3A_246, %add3A_247 : i32
      %get3A_249 = arith.index_cast %add3A_248 : i32 to index
      %get3A_250 = arith.constant 48 : index
      %get3A_251 = tpu.vector_load %arg21[%get3A_249, %get3A_250] {strides = array<i32>} : memref<40x128xf32, #tpu.memory_space<vmem>>, vector<1x16xf32>,
      %get3A_252 = vector.shape_cast %get3A_251 : vector<1x16xf32> to vector<16xf32>
      %add3A_253 = arith.addf %get3A_244, %get3A_252 : vector<16xf32>
      %max3A_254 = arith.constant 0.000000e+00 : f32
      %max3A_255 = vector.broadcast %max3A_254 : f32 to vector<16xf32>
      %max3A_256 = arith.maximumf %add3A_253, %max3A_255 : vector<16xf32>
      %mul3A_257 = arith.constant 2 : i32
      %mul3A_258 = arith.muli %mul3A_257, %scan3A_152 : i32
      %add3A_259 = arith.constant 0 : i32
      %add3A_260 = arith.addi %mul3A_258, %add3A_259 : i32
      %swap3A_261 = arith.index_cast %add3A_260 : i32 to index
      %swap3A_262 = arith.constant 48 : index
      %swap3A_263 = tpu.vector_load %arg17[%swap3A_261, %swap3A_262] {strides = array<i32>} : memref<40x128xf32, #tpu.memory_space<vmem>>, vector<1x16xf32>,
      %swap3A_264 = vector.shape_cast %swap3A_263 : vector<1x16xf32> to vector<16xf32>
      %swap3A_265 = vector.shape_cast %max3A_256 : vector<16xf32> to vector<1x16xf32>
      tpu.vector_store %arg17[%swap3A_261, %swap3A_262], %swap3A_265 {strides = array<i32>} : memref<40x128xf32, #tpu.memory_space<vmem>>, vector<1x16xf32>,
      %mul3A_266 = arith.constant 2 : i32
      %mul3A_267 = arith.muli %mul3A_266, %scan3A_152 : i32
      %add3A_268 = arith.constant 0 : i32
      %add3A_269 = arith.addi %mul3A_267, %add3A_268 : i32
      %get3A_270 = arith.index_cast %add3A_269 : i32 to index
      %get3A_271 = arith.constant 64 : index
      %get3A_272 = tpu.vector_load %arg17[%get3A_270, %get3A_271] {strides = array<i32>} : memref<40x128xf32, #tpu.memory_space<vmem>>, vector<1x16xf32>,
      %get3A_273 = vector.shape_cast %get3A_272 : vector<1x16xf32> to vector<16xf32>
      %mul3A_274 = arith.constant 2 : i32
      %mul3A_275 = arith.muli %mul3A_274, %scan3A_152 : i32
      %add3A_276 = arith.constant 0 : i32
      %add3A_277 = arith.addi %mul3A_275, %add3A_276 : i32
      %get3A_278 = arith.index_cast %add3A_277 : i32 to index
      %get3A_279 = arith.constant 64 : index
      %get3A_280 = tpu.vector_load %arg21[%get3A_278, %get3A_279] {strides = array<i32>} : memref<40x128xf32, #tpu.memory_space<vmem>>, vector<1x16xf32>,
      %get3A_281 = vector.shape_cast %get3A_280 : vector<1x16xf32> to vector<16xf32>
      %add3A_282 = arith.addf %get3A_273, %get3A_281 : vector<16xf32>
      %max3A_283 = arith.constant 0.000000e+00 : f32
      %max3A_284 = vector.broadcast %max3A_283 : f32 to vector<16xf32>
      %max3A_285 = arith.maximumf %add3A_282, %max3A_284 : vector<16xf32>
      %mul3A_286 = arith.constant 2 : i32
      %mul3A_287 = arith.muli %mul3A_286, %scan3A_152 : i32
      %add3A_288 = arith.constant 0 : i32
      %add3A_289 = arith.addi %mul3A_287, %add3A_288 : i32
      %swap3A_290 = arith.index_cast %add3A_289 : i32 to index
      %swap3A_291 = arith.constant 64 : index
      %swap3A_292 = tpu.vector_load %arg17[%swap3A_290, %swap3A_291] {strides = array<i32>} : memref<40x128xf32, #tpu.memory_space<vmem>>, vector<1x16xf32>,
      %swap3A_293 = vector.shape_cast %swap3A_292 : vector<1x16xf32> to vector<16xf32>
      %swap3A_294 = vector.shape_cast %max3A_285 : vector<16xf32> to vector<1x16xf32>
      tpu.vector_store %arg17[%swap3A_290, %swap3A_291], %swap3A_294 {strides = array<i32>} : memref<40x128xf32, #tpu.memory_space<vmem>>, vector<1x16xf32>,
      %mul3A_295 = arith.constant 2 : i32
      %mul3A_296 = arith.muli %mul3A_295, %scan3A_152 : i32
      %add3A_297 = arith.constant 0 : i32
      %add3A_298 = arith.addi %mul3A_296, %add3A_297 : i32
      %get3A_299 = arith.index_cast %add3A_298 : i32 to index
      %get3A_300 = arith.constant 80 : index
      %get3A_301 = tpu.vector_load %arg17[%get3A_299, %get3A_300] {strides = array<i32>} : memref<40x128xf32, #tpu.memory_space<vmem>>, vector<1x16xf32>,
      %get3A_302 = vector.shape_cast %get3A_301 : vector<1x16xf32> to vector<16xf32>
      %mul3A_303 = arith.constant 2 : i32
      %mul3A_304 = arith.muli %mul3A_303, %scan3A_152 : i32
      %add3A_305 = arith.constant 0 : i32
      %add3A_306 = arith.addi %mul3A_304, %add3A_305 : i32
      %get3A_307 = arith.index_cast %add3A_306 : i32 to index
      %get3A_308 = arith.constant 80 : index
      %get3A_309 = tpu.vector_load %arg21[%get3A_307, %get3A_308] {strides = array<i32>} : memref<40x128xf32, #tpu.memory_space<vmem>>, vector<1x16xf32>,
      %get3A_310 = vector.shape_cast %get3A_309 : vector<1x16xf32> to vector<16xf32>
      %add3A_311 = arith.addf %get3A_302, %get3A_310 : vector<16xf32>
      %max3A_312 = arith.constant 0.000000e+00 : f32
      %max3A_313 = vector.broadcast %max3A_312 : f32 to vector<16xf32>
      %max3A_314 = arith.maximumf %add3A_311, %max3A_313 : vector<16xf32>
      %mul3A_315 = arith.constant 2 : i32
      %mul3A_316 = arith.muli %mul3A_315, %scan3A_152 : i32
      %add3A_317 = arith.constant 0 : i32
      %add3A_318 = arith.addi %mul3A_316, %add3A_317 : i32
      %swap3A_319 = arith.index_cast %add3A_318 : i32 to index
      %swap3A_320 = arith.constant 80 : index
      %swap3A_321 = tpu.vector_load %arg17[%swap3A_319, %swap3A_320] {strides = array<i32>} : memref<40x128xf32, #tpu.memory_space<vmem>>, vector<1x16xf32>,
      %swap3A_322 = vector.shape_cast %swap3A_321 : vector<1x16xf32> to vector<16xf32>
      %swap3A_323 = vector.shape_cast %max3A_314 : vector<16xf32> to vector<1x16xf32>
      tpu.vector_store %arg17[%swap3A_319, %swap3A_320], %swap3A_323 {strides = array<i32>} : memref<40x128xf32, #tpu.memory_space<vmem>>, vector<1x16xf32>,
      %mul3A_324 = arith.constant 2 : i32
      %mul3A_325 = arith.muli %mul3A_324, %scan3A_152 : i32
      %add3A_326 = arith.constant 0 : i32
      %add3A_327 = arith.addi %mul3A_325, %add3A_326 : i32
      %get3A_328 = arith.index_cast %add3A_327 : i32 to index
      %get3A_329 = arith.constant 96 : index
      %get3A_330 = tpu.vector_load %arg17[%get3A_328, %get3A_329] {strides = array<i32>} : memref<40x128xf32, #tpu.memory_space<vmem>>, vector<1x16xf32>,
      %get3A_331 = vector.shape_cast %get3A_330 : vector<1x16xf32> to vector<16xf32>
      %mul3A_332 = arith.constant 2 : i32
      %mul3A_333 = arith.muli %mul3A_332, %scan3A_152 : i32
      %add3A_334 = arith.constant 0 : i32
      %add3A_335 = arith.addi %mul3A_333, %add3A_334 : i32
      %get3A_336 = arith.index_cast %add3A_335 : i32 to index
      %get3A_337 = arith.constant 96 : index
      %get3A_338 = tpu.vector_load %arg21[%get3A_336, %get3A_337] {strides = array<i32>} : memref<40x128xf32, #tpu.memory_space<vmem>>, vector<1x16xf32>,
      %get3A_339 = vector.shape_cast %get3A_338 : vector<1x16xf32> to vector<16xf32>
      %add3A_340 = arith.addf %get3A_331, %get3A_339 : vector<16xf32>
      %max3A_341 = arith.constant 0.000000e+00 : f32
      %max3A_342 = vector.broadcast %max3A_341 : f32 to vector<16xf32>
      %max3A_343 = arith.maximumf %add3A_340, %max3A_342 : vector<16xf32>
      %mul3A_344 = arith.constant 2 : i32
      %mul3A_345 = arith.muli %mul3A_344, %scan3A_152 : i32
      %add3A_346 = arith.constant 0 : i32
      %add3A_347 = arith.addi %mul3A_345, %add3A_346 : i32
      %swap3A_348 = arith.index_cast %add3A_347 : i32 to index
      %swap3A_349 = arith.constant 96 : index
      %swap3A_350 = tpu.vector_load %arg17[%swap3A_348, %swap3A_349] {strides = array<i32>} : memref<40x128xf32, #tpu.memory_space<vmem>>, vector<1x16xf32>,
      %swap3A_351 = vector.shape_cast %swap3A_350 : vector<1x16xf32> to vector<16xf32>
      %swap3A_352 = vector.shape_cast %max3A_343 : vector<16xf32> to vector<1x16xf32>
      tpu.vector_store %arg17[%swap3A_348, %swap3A_349], %swap3A_352 {strides = array<i32>} : memref<40x128xf32, #tpu.memory_space<vmem>>, vector<1x16xf32>,
      %mul3A_353 = arith.constant 2 : i32
      %mul3A_354 = arith.muli %mul3A_353, %scan3A_152 : i32
      %add3A_355 = arith.constant 0 : i32
      %add3A_356 = arith.addi %mul3A_354, %add3A_355 : i32
      %get3A_357 = arith.index_cast %add3A_356 : i32 to index
      %get3A_358 = arith.constant 112 : index
      %get3A_359 = tpu.vector_load %arg17[%get3A_357, %get3A_358] {strides = array<i32>} : memref<40x128xf32, #tpu.memory_space<vmem>>, vector<1x16xf32>,
      %get3A_360 = vector.shape_cast %get3A_359 : vector<1x16xf32> to vector<16xf32>
      %mul3A_361 = arith.constant 2 : i32
      %mul3A_362 = arith.muli %mul3A_361, %scan3A_152 : i32
      %add3A_363 = arith.constant 0 : i32
      %add3A_364 = arith.addi %mul3A_362, %add3A_363 : i32
      %get3A_365 = arith.index_cast %add3A_364 : i32 to index
      %get3A_366 = arith.constant 112 : index
      %get3A_367 = tpu.vector_load %arg21[%get3A_365, %get3A_366] {strides = array<i32>} : memref<40x128xf32, #tpu.memory_space<vmem>>, vector<1x16xf32>,
      %get3A_368 = vector.shape_cast %get3A_367 : vector<1x16xf32> to vector<16xf32>
      %add3A_369 = arith.addf %get3A_360, %get3A_368 : vector<16xf32>
      %max3A_370 = arith.constant 0.000000e+00 : f32
      %max3A_371 = vector.broadcast %max3A_370 : f32 to vector<16xf32>
      %max3A_372 = arith.maximumf %add3A_369, %max3A_371 : vector<16xf32>
      %mul3A_373 = arith.constant 2 : i32
      %mul3A_374 = arith.muli %mul3A_373, %scan3A_152 : i32
      %add3A_375 = arith.constant 0 : i32
      %add3A_376 = arith.addi %mul3A_374, %add3A_375 : i32
      %swap3A_377 = arith.index_cast %add3A_376 : i32 to index
      %swap3A_378 = arith.constant 112 : index
      %swap3A_379 = tpu.vector_load %arg17[%swap3A_377, %swap3A_378] {strides = array<i32>} : memref<40x128xf32, #tpu.memory_space<vmem>>, vector<1x16xf32>,
      %swap3A_380 = vector.shape_cast %swap3A_379 : vector<1x16xf32> to vector<16xf32>
      %swap3A_381 = vector.shape_cast %max3A_372 : vector<16xf32> to vector<1x16xf32>
      tpu.vector_store %arg17[%swap3A_377, %swap3A_378], %swap3A_381 {strides = array<i32>} : memref<40x128xf32, #tpu.memory_space<vmem>>, vector<1x16xf32>,
      %mul3A_382 = arith.constant 2 : i32
      %mul3A_383 = arith.muli %mul3A_382, %scan3A_152 : i32
      %add3A_384 = arith.constant 1 : i32
      %add3A_385 = arith.addi %mul3A_383, %add3A_384 : i32
      %get3A_386 = arith.index_cast %add3A_385 : i32 to index
      %get3A_387 = arith.constant 0 : index
      %get3A_388 = tpu.vector_load %arg17[%get3A_386, %get3A_387] {strides = array<i32>} : memref<40x128xf32, #tpu.memory_space<vmem>>, vector<1x16xf32>,
      %get3A_389 = vector.shape_cast %get3A_388 : vector<1x16xf32> to vector<16xf32>
      %mul3A_390 = arith.constant 2 : i32
      %mul3A_391 = arith.muli %mul3A_390, %scan3A_152 : i32
      %add3A_392 = arith.constant 1 : i32
      %add3A_393 = arith.addi %mul3A_391, %add3A_392 : i32
      %get3A_394 = arith.index_cast %add3A_393 : i32 to index
      %get3A_395 = arith.constant 0 : index
      %get3A_396 = tpu.vector_load %arg21[%get3A_394, %get3A_395] {strides = array<i32>} : memref<40x128xf32, #tpu.memory_space<vmem>>, vector<1x16xf32>,
      %get3A_397 = vector.shape_cast %get3A_396 : vector<1x16xf32> to vector<16xf32>
      %add3A_398 = arith.addf %get3A_389, %get3A_397 : vector<16xf32>
      %max3A_399 = arith.constant 0.000000e+00 : f32
      %max3A_400 = vector.broadcast %max3A_399 : f32 to vector<16xf32>
      %max3A_401 = arith.maximumf %add3A_398, %max3A_400 : vector<16xf32>
      %mul3A_402 = arith.constant 2 : i32
      %mul3A_403 = arith.muli %mul3A_402, %scan3A_152 : i32
      %add3A_404 = arith.constant 1 : i32
      %add3A_405 = arith.addi %mul3A_403, %add3A_404 : i32
      %swap3A_406 = arith.index_cast %add3A_405 : i32 to index
      %swap3A_407 = arith.constant 0 : index
      %swap3A_408 = tpu.vector_load %arg17[%swap3A_406, %swap3A_407] {strides = array<i32>} : memref<40x128xf32, #tpu.memory_space<vmem>>, vector<1x16xf32>,
      %swap3A_409 = vector.shape_cast %swap3A_408 : vector<1x16xf32> to vector<16xf32>
      %swap3A_410 = vector.shape_cast %max3A_401 : vector<16xf32> to vector<1x16xf32>
      tpu.vector_store %arg17[%swap3A_406, %swap3A_407], %swap3A_410 {strides = array<i32>} : memref<40x128xf32, #tpu.memory_space<vmem>>, vector<1x16xf32>,
      %mul3A_411 = arith.constant 2 : i32
      %mul3A_412 = arith.muli %mul3A_411, %scan3A_152 : i32
      %add3A_413 = arith.constant 1 : i32
      %add3A_414 = arith.addi %mul3A_412, %add3A_413 : i32
      %get3A_415 = arith.index_cast %add3A_414 : i32 to index
      %get3A_416 = arith.constant 16 : index
      %get3A_417 = tpu.vector_load %arg17[%get3A_415, %get3A_416] {strides = array<i32>} : memref<40x128xf32, #tpu.memory_space<vmem>>, vector<1x16xf32>,
      %get3A_418 = vector.shape_cast %get3A_417 : vector<1x16xf32> to vector<16xf32>
      %mul3A_419 = arith.constant 2 : i32
      %mul3A_420 = arith.muli %mul3A_419, %scan3A_152 : i32
      %add3A_421 = arith.constant 1 : i32
      %add3A_422 = arith.addi %mul3A_420, %add3A_421 : i32
      %get3A_423 = arith.index_cast %add3A_422 : i32 to index
      %get3A_424 = arith.constant 16 : index
      %get3A_425 = tpu.vector_load %arg21[%get3A_423, %get3A_424] {strides = array<i32>} : memref<40x128xf32, #tpu.memory_space<vmem>>, vector<1x16xf32>,
      %get3A_426 = vector.shape_cast %get3A_425 : vector<1x16xf32> to vector<16xf32>
      %add3A_427 = arith.addf %get3A_418, %get3A_426 : vector<16xf32>
      %max3A_428 = arith.constant 0.000000e+00 : f32
      %max3A_429 = vector.broadcast %max3A_428 : f32 to vector<16xf32>
      %max3A_430 = arith.maximumf %add3A_427, %max3A_429 : vector<16xf32>
      %mul3A_431 = arith.constant 2 : i32
      %mul3A_432 = arith.muli %mul3A_431, %scan3A_152 : i32
      %add3A_433 = arith.constant 1 : i32
      %add3A_434 = arith.addi %mul3A_432, %add3A_433 : i32
      %swap3A_435 = arith.index_cast %add3A_434 : i32 to index
      %swap3A_436 = arith.constant 16 : index
      %swap3A_437 = tpu.vector_load %arg17[%swap3A_435, %swap3A_436] {strides = array<i32>} : memref<40x128xf32, #tpu.memory_space<vmem>>, vector<1x16xf32>,
      %swap3A_438 = vector.shape_cast %swap3A_437 : vector<1x16xf32> to vector<16xf32>
      %swap3A_439 = vector.shape_cast %max3A_430 : vector<16xf32> to vector<1x16xf32>
      tpu.vector_store %arg17[%swap3A_435, %swap3A_436], %swap3A_439 {strides = array<i32>} : memref<40x128xf32, #tpu.memory_space<vmem>>, vector<1x16xf32>,
      %mul3A_440 = arith.constant 2 : i32
      %mul3A_441 = arith.muli %mul3A_440, %scan3A_152 : i32
      %add3A_442 = arith.constant 1 : i32
      %add3A_443 = arith.addi %mul3A_441, %add3A_442 : i32
      %get3A_444 = arith.index_cast %add3A_443 : i32 to index
      %get3A_445 = arith.constant 32 : index
      %get3A_446 = tpu.vector_load %arg17[%get3A_444, %get3A_445] {strides = array<i32>} : memref<40x128xf32, #tpu.memory_space<vmem>>, vector<1x16xf32>,
      %get3A_447 = vector.shape_cast %get3A_446 : vector<1x16xf32> to vector<16xf32>
      %mul3A_448 = arith.constant 2 : i32
      %mul3A_449 = arith.muli %mul3A_448, %scan3A_152 : i32
      %add3A_450 = arith.constant 1 : i32
      %add3A_451 = arith.addi %mul3A_449, %add3A_450 : i32
      %get3A_452 = arith.index_cast %add3A_451 : i32 to index
      %get3A_453 = arith.constant 32 : index
      %get3A_454 = tpu.vector_load %arg21[%get3A_452, %get3A_453] {strides = array<i32>} : memref<40x128xf32, #tpu.memory_space<vmem>>, vector<1x16xf32>,
      %get3A_455 = vector.shape_cast %get3A_454 : vector<1x16xf32> to vector<16xf32>
      %add3A_456 = arith.addf %get3A_447, %get3A_455 : vector<16xf32>
      %max3A_457 = arith.constant 0.000000e+00 : f32
      %max3A_458 = vector.broadcast %max3A_457 : f32 to vector<16xf32>
      %max3A_459 = arith.maximumf %add3A_456, %max3A_458 : vector<16xf32>
      %mul3A_460 = arith.constant 2 : i32
      %mul3A_461 = arith.muli %mul3A_460, %scan3A_152 : i32
      %add3A_462 = arith.constant 1 : i32
      %add3A_463 = arith.addi %mul3A_461, %add3A_462 : i32
      %swap3A_464 = arith.index_cast %add3A_463 : i32 to index
      %swap3A_465 = arith.constant 32 : index
      %swap3A_466 = tpu.vector_load %arg17[%swap3A_464, %swap3A_465] {strides = array<i32>} : memref<40x128xf32, #tpu.memory_space<vmem>>, vector<1x16xf32>,
      %swap3A_467 = vector.shape_cast %swap3A_466 : vector<1x16xf32> to vector<16xf32>
      %swap3A_468 = vector.shape_cast %max3A_459 : vector<16xf32> to vector<1x16xf32>
      tpu.vector_store %arg17[%swap3A_464, %swap3A_465], %swap3A_468 {strides = array<i32>} : memref<40x128xf32, #tpu.memory_space<vmem>>, vector<1x16xf32>,
      %mul3A_469 = arith.constant 2 : i32
      %mul3A_470 = arith.muli %mul3A_469, %scan3A_152 : i32
      %add3A_471 = arith.constant 1 : i32
      %add3A_472 = arith.addi %mul3A_470, %add3A_471 : i32
      %get3A_473 = arith.index_cast %add3A_472 : i32 to index
      %get3A_474 = arith.constant 48 : index
      %get3A_475 = tpu.vector_load %arg17[%get3A_473, %get3A_474] {strides = array<i32>} : memref<40x128xf32, #tpu.memory_space<vmem>>, vector<1x16xf32>,
      %get3A_476 = vector.shape_cast %get3A_475 : vector<1x16xf32> to vector<16xf32>
      %mul3A_477 = arith.constant 2 : i32
      %mul3A_478 = arith.muli %mul3A_477, %scan3A_152 : i32
      %add3A_479 = arith.constant 1 : i32
      %add3A_480 = arith.addi %mul3A_478, %add3A_479 : i32
      %get3A_481 = arith.index_cast %add3A_480 : i32 to index
      %get3A_482 = arith.constant 48 : index
      %get3A_483 = tpu.vector_load %arg21[%get3A_481, %get3A_482] {strides = array<i32>} : memref<40x128xf32, #tpu.memory_space<vmem>>, vector<1x16xf32>,
      %get3A_484 = vector.shape_cast %get3A_483 : vector<1x16xf32> to vector<16xf32>
      %add3A_485 = arith.addf %get3A_476, %get3A_484 : vector<16xf32>
      %max3A_486 = arith.constant 0.000000e+00 : f32
      %max3A_487 = vector.broadcast %max3A_486 : f32 to vector<16xf32>
      %max3A_488 = arith.maximumf %add3A_485, %max3A_487 : vector<16xf32>
      %mul3A_489 = arith.constant 2 : i32
      %mul3A_490 = arith.muli %mul3A_489, %scan3A_152 : i32
      %add3A_491 = arith.constant 1 : i32
      %add3A_492 = arith.addi %mul3A_490, %add3A_491 : i32
      %swap3A_493 = arith.index_cast %add3A_492 : i32 to index
      %swap3A_494 = arith.constant 48 : index
      %swap3A_495 = tpu.vector_load %arg17[%swap3A_493, %swap3A_494] {strides = array<i32>} : memref<40x128xf32, #tpu.memory_space<vmem>>, vector<1x16xf32>,
      %swap3A_496 = vector.shape_cast %swap3A_495 : vector<1x16xf32> to vector<16xf32>
      %swap3A_497 = vector.shape_cast %max3A_488 : vector<16xf32> to vector<1x16xf32>
      tpu.vector_store %arg17[%swap3A_493, %swap3A_494], %swap3A_497 {strides = array<i32>} : memref<40x128xf32, #tpu.memory_space<vmem>>, vector<1x16xf32>,
      %mul3A_498 = arith.constant 2 : i32
      %mul3A_499 = arith.muli %mul3A_498, %scan3A_152 : i32
      %add3A_500 = arith.constant 1 : i32
      %add3A_501 = arith.addi %mul3A_499, %add3A_500 : i32
      %get3A_502 = arith.index_cast %add3A_501 : i32 to index
      %get3A_503 = arith.constant 64 : index
      %get3A_504 = tpu.vector_load %arg17[%get3A_502, %get3A_503] {strides = array<i32>} : memref<40x128xf32, #tpu.memory_space<vmem>>, vector<1x16xf32>,
      %get3A_505 = vector.shape_cast %get3A_504 : vector<1x16xf32> to vector<16xf32>
      %mul3A_506 = arith.constant 2 : i32
      %mul3A_507 = arith.muli %mul3A_506, %scan3A_152 : i32
      %add3A_508 = arith.constant 1 : i32
      %add3A_509 = arith.addi %mul3A_507, %add3A_508 : i32
      %get3A_510 = arith.index_cast %add3A_509 : i32 to index
      %get3A_511 = arith.constant 64 : index
      %get3A_512 = tpu.vector_load %arg21[%get3A_510, %get3A_511] {strides = array<i32>} : memref<40x128xf32, #tpu.memory_space<vmem>>, vector<1x16xf32>,
      %get3A_513 = vector.shape_cast %get3A_512 : vector<1x16xf32> to vector<16xf32>
      %add3A_514 = arith.addf %get3A_505, %get3A_513 : vector<16xf32>
      %max3A_515 = arith.constant 0.000000e+00 : f32
      %max3A_516 = vector.broadcast %max3A_515 : f32 to vector<16xf32>
      %max3A_517 = arith.maximumf %add3A_514, %max3A_516 : vector<16xf32>
      %mul3A_518 = arith.constant 2 : i32
      %mul3A_519 = arith.muli %mul3A_518, %scan3A_152 : i32
      %add3A_520 = arith.constant 1 : i32
      %add3A_521 = arith.addi %mul3A_519, %add3A_520 : i32
      %swap3A_522 = arith.index_cast %add3A_521 : i32 to index
      %swap3A_523 = arith.constant 64 : index
      %swap3A_524 = tpu.vector_load %arg17[%swap3A_522, %swap3A_523] {strides = array<i32>} : memref<40x128xf32, #tpu.memory_space<vmem>>, vector<1x16xf32>,
      %swap3A_525 = vector.shape_cast %swap3A_524 : vector<1x16xf32> to vector<16xf32>
      %swap3A_526 = vector.shape_cast %max3A_517 : vector<16xf32> to vector<1x16xf32>
      tpu.vector_store %arg17[%swap3A_522, %swap3A_523], %swap3A_526 {strides = array<i32>} : memref<40x128xf32, #tpu.memory_space<vmem>>, vector<1x16xf32>,
      %mul3A_527 = arith.constant 2 : i32
      %mul3A_528 = arith.muli %mul3A_527, %scan3A_152 : i32
      %add3A_529 = arith.constant 1 : i32
      %add3A_530 = arith.addi %mul3A_528, %add3A_529 : i32
      %get3A_531 = arith.index_cast %add3A_530 : i32 to index
      %get3A_532 = arith.constant 80 : index
      %get3A_533 = tpu.vector_load %arg17[%get3A_531, %get3A_532] {strides = array<i32>} : memref<40x128xf32, #tpu.memory_space<vmem>>, vector<1x16xf32>,
      %get3A_534 = vector.shape_cast %get3A_533 : vector<1x16xf32> to vector<16xf32>
      %mul3A_535 = arith.constant 2 : i32
      %mul3A_536 = arith.muli %mul3A_535, %scan3A_152 : i32
      %add3A_537 = arith.constant 1 : i32
      %add3A_538 = arith.addi %mul3A_536, %add3A_537 : i32
      %get3A_539 = arith.index_cast %add3A_538 : i32 to index
      %get3A_540 = arith.constant 80 : index
      %get3A_541 = tpu.vector_load %arg21[%get3A_539, %get3A_540] {strides = array<i32>} : memref<40x128xf32, #tpu.memory_space<vmem>>, vector<1x16xf32>,
      %get3A_542 = vector.shape_cast %get3A_541 : vector<1x16xf32> to vector<16xf32>
      %add3A_543 = arith.addf %get3A_534, %get3A_542 : vector<16xf32>
      %max3A_544 = arith.constant 0.000000e+00 : f32
      %max3A_545 = vector.broadcast %max3A_544 : f32 to vector<16xf32>
      %max3A_546 = arith.maximumf %add3A_543, %max3A_545 : vector<16xf32>
      %mul3A_547 = arith.constant 2 : i32
      %mul3A_548 = arith.muli %mul3A_547, %scan3A_152 : i32
      %add3A_549 = arith.constant 1 : i32
      %add3A_550 = arith.addi %mul3A_548, %add3A_549 : i32
      %swap3A_551 = arith.index_cast %add3A_550 : i32 to index
      %swap3A_552 = arith.constant 80 : index
      %swap3A_553 = tpu.vector_load %arg17[%swap3A_551, %swap3A_552] {strides = array<i32>} : memref<40x128xf32, #tpu.memory_space<vmem>>, vector<1x16xf32>,
      %swap3A_554 = vector.shape_cast %swap3A_553 : vector<1x16xf32> to vector<16xf32>
      %swap3A_555 = vector.shape_cast %max3A_546 : vector<16xf32> to vector<1x16xf32>
      tpu.vector_store %arg17[%swap3A_551, %swap3A_552], %swap3A_555 {strides = array<i32>} : memref<40x128xf32, #tpu.memory_space<vmem>>, vector<1x16xf32>,
      %mul3A_556 = arith.constant 2 : i32
      %mul3A_557 = arith.muli %mul3A_556, %scan3A_152 : i32
      %add3A_558 = arith.constant 1 : i32
      %add3A_559 = arith.addi %mul3A_557, %add3A_558 : i32
      %get3A_560 = arith.index_cast %add3A_559 : i32 to index
      %get3A_561 = arith.constant 96 : index
      %get3A_562 = tpu.vector_load %arg17[%get3A_560, %get3A_561] {strides = array<i32>} : memref<40x128xf32, #tpu.memory_space<vmem>>, vector<1x16xf32>,
      %get3A_563 = vector.shape_cast %get3A_562 : vector<1x16xf32> to vector<16xf32>
      %mul3A_564 = arith.constant 2 : i32
      %mul3A_565 = arith.muli %mul3A_564, %scan3A_152 : i32
      %add3A_566 = arith.constant 1 : i32
      %add3A_567 = arith.addi %mul3A_565, %add3A_566 : i32
      %get3A_568 = arith.index_cast %add3A_567 : i32 to index
      %get3A_569 = arith.constant 96 : index
      %get3A_570 = tpu.vector_load %arg21[%get3A_568, %get3A_569] {strides = array<i32>} : memref<40x128xf32, #tpu.memory_space<vmem>>, vector<1x16xf32>,
      %get3A_571 = vector.shape_cast %get3A_570 : vector<1x16xf32> to vector<16xf32>
      %add3A_572 = arith.addf %get3A_563, %get3A_571 : vector<16xf32>
      %max3A_573 = arith.constant 0.000000e+00 : f32
      %max3A_574 = vector.broadcast %max3A_573 : f32 to vector<16xf32>
      %max3A_575 = arith.maximumf %add3A_572, %max3A_574 : vector<16xf32>
      %mul3A_576 = arith.constant 2 : i32
      %mul3A_577 = arith.muli %mul3A_576, %scan3A_152 : i32
      %add3A_578 = arith.constant 1 : i32
      %add3A_579 = arith.addi %mul3A_577, %add3A_578 : i32
      %swap3A_580 = arith.index_cast %add3A_579 : i32 to index
      %swap3A_581 = arith.constant 96 : index
      %swap3A_582 = tpu.vector_load %arg17[%swap3A_580, %swap3A_581] {strides = array<i32>} : memref<40x128xf32, #tpu.memory_space<vmem>>, vector<1x16xf32>,
      %swap3A_583 = vector.shape_cast %swap3A_582 : vector<1x16xf32> to vector<16xf32>
      %swap3A_584 = vector.shape_cast %max3A_575 : vector<16xf32> to vector<1x16xf32>
      tpu.vector_store %arg17[%swap3A_580, %swap3A_581], %swap3A_584 {strides = array<i32>} : memref<40x128xf32, #tpu.memory_space<vmem>>, vector<1x16xf32>,
      %mul3A_585 = arith.constant 2 : i32
      %mul3A_586 = arith.muli %mul3A_585, %scan3A_152 : i32
      %add3A_587 = arith.constant 1 : i32
      %add3A_588 = arith.addi %mul3A_586, %add3A_587 : i32
      %get3A_589 = arith.index_cast %add3A_588 : i32 to index
      %get3A_590 = arith.constant 112 : index
      %get3A_591 = tpu.vector_load %arg17[%get3A_589, %get3A_590] {strides = array<i32>} : memref<40x128xf32, #tpu.memory_space<vmem>>, vector<1x16xf32>,
      %get3A_592 = vector.shape_cast %get3A_591 : vector<1x16xf32> to vector<16xf32>
      %mul3A_593 = arith.constant 2 : i32
      %mul3A_594 = arith.muli %mul3A_593, %scan3A_152 : i32
      %add3A_595 = arith.constant 1 : i32
      %add3A_596 = arith.addi %mul3A_594, %add3A_595 : i32
      %get3A_597 = arith.index_cast %add3A_596 : i32 to index
      %get3A_598 = arith.constant 112 : index
      %get3A_599 = tpu.vector_load %arg21[%get3A_597, %get3A_598] {strides = array<i32>} : memref<40x128xf32, #tpu.memory_space<vmem>>, vector<1x16xf32>,
      %get3A_600 = vector.shape_cast %get3A_599 : vector<1x16xf32> to vector<16xf32>
      %add3A_601 = arith.addf %get3A_592, %get3A_600 : vector<16xf32>
      %max3A_602 = arith.constant 0.000000e+00 : f32
      %max3A_603 = vector.broadcast %max3A_602 : f32 to vector<16xf32>
      %max3A_604 = arith.maximumf %add3A_601, %max3A_603 : vector<16xf32>
      %mul3A_605 = arith.constant 2 : i32
      %mul3A_606 = arith.muli %mul3A_605, %scan3A_152 : i32
      %add3A_607 = arith.constant 1 : i32
      %add3A_608 = arith.addi %mul3A_606, %add3A_607 : i32
      %swap3A_609 = arith.index_cast %add3A_608 : i32 to index
      %swap3A_610 = arith.constant 112 : index
      %swap3A_611 = tpu.vector_load %arg17[%swap3A_609, %swap3A_610] {strides = array<i32>} : memref<40x128xf32, #tpu.memory_space<vmem>>, vector<1x16xf32>,
      %swap3A_612 = vector.shape_cast %swap3A_611 : vector<1x16xf32> to vector<16xf32>
      %swap3A_613 = vector.shape_cast %max3A_604 : vector<16xf32> to vector<1x16xf32>
      tpu.vector_store %arg17[%swap3A_609, %swap3A_610], %swap3A_613 {strides = array<i32>} : memref<40x128xf32, #tpu.memory_space<vmem>>, vector<1x16xf32>,
    }
    %scan3A_71 = arith.constant 20 : i32
    %add3A_72 = arith.constant 9960 : i32
    %add3A_73 = arith.addi %mul3A_2, %add3A_72 : i32
    %dma_wait3A_74 = tpu.memref_slice %arg3[%add3A_73] : memref<160000xi32, #tpu.memory_space<hbm>> -> memref<40xi32, #tpu.memory_space<hbm>>
    %dma_wait3A_75 = tpu.memref_slice %arg3[%add3A_73] : memref<160000xi32, #tpu.memory_space<hbm>> -> memref<40xi32, #tpu.memory_space<hbm>>
    tpu.wait_dma2 semaphore(%arg38 : memref<!tpu.dma_semaphore, #tpu.memory_space<semaphore_mem>>) src(%dma_wait3A_75 : memref<40xi32, #tpu.memory_space<hbm>>) dst(%arg13 : memref<40xi32, #tpu.memory_space<vmem>>)
    %dma_start3A_76 = arith.constant 0 : i32
    %dma_start3A_77 = arith.constant 0 : i32
    %dma_start3A_78 = tpu.memref_slice %arg24[%dma_start3A_76, %dma_start3A_77] : memref<10240x128xf32, #tpu.memory_space<vmem_shared>> -> memref<10240x128xf32, #tpu.memory_space<vmem_shared>>
    tpu.enqueue_indirect_dma source(%arg17 : memref<40x128xf32, #tpu.memory_space<vmem>>) target(%dma_start3A_78 : memref<10240x128xf32, #tpu.memory_space<vmem_shared>>) offsets(%arg13 : memref<40xi32, #tpu.memory_space<vmem>>) semaphore(%arg42 : memref<!tpu.dma_semaphore, #tpu.memory_space<semaphore_mem>>) {add = true}
    %dma_wait3A_79 = arith.constant 0 : i32
    %dma_wait3A_80 = arith.constant 0 : i32
    %dma_wait3A_81 = tpu.memref_slice %arg24[%dma_wait3A_79, %dma_wait3A_80] : memref<10240x128xf32, #tpu.memory_space<vmem_shared>> -> memref<10240x128xf32, #tpu.memory_space<vmem_shared>>
    tpu.wait_indirect_dma semaphore(%arg41 : memref<!tpu.dma_semaphore, #tpu.memory_space<semaphore_mem>>) src(%arg16 : memref<40x128xf32, #tpu.memory_space<vmem>>) dst(%dma_wait3A_81 : memref<10240x128xf32, #tpu.memory_space<vmem_shared>>)
    %dma_wait3A_82 = arith.constant 0 : i32
    %dma_wait3A_83 = arith.constant 0 : i32
    %dma_wait3A_84 = tpu.memref_slice %arg24[%dma_wait3A_82, %dma_wait3A_83] : memref<10240x128xf32, #tpu.memory_space<vmem_shared>> -> memref<10240x128xf32, #tpu.memory_space<vmem_shared>>
    tpu.wait_indirect_dma semaphore(%arg42 : memref<!tpu.dma_semaphore, #tpu.memory_space<semaphore_mem>>) src(%arg17 : memref<40x128xf32, #tpu.memory_space<vmem>>) dst(%dma_wait3A_84 : memref<10240x128xf32, #tpu.memory_space<vmem_shared>>)
    %dma_wait3A_85 = arith.constant 0 : i32
    %dma_wait3A_86 = arith.constant 0 : i32
    %dma_wait3A_87 = tpu.memref_slice %arg24[%dma_wait3A_85, %dma_wait3A_86] : memref<10240x128xf32, #tpu.memory_space<vmem_shared>> -> memref<10240x128xf32, #tpu.memory_space<vmem_shared>>
    tpu.wait_indirect_dma semaphore(%arg43 : memref<!tpu.dma_semaphore, #tpu.memory_space<semaphore_mem>>) src(%arg18 : memref<40x128xf32, #tpu.memory_space<vmem>>) dst(%dma_wait3A_87 : memref<10240x128xf32, #tpu.memory_space<vmem_shared>>)
    %dma_wait3A_88 = arith.constant 0 : i32
    %dma_wait3A_89 = arith.constant 0 : i32
    %dma_wait3A_90 = tpu.memref_slice %arg24[%dma_wait3A_88, %dma_wait3A_89] : memref<10240x128xf32, #tpu.memory_space<vmem_shared>> -> memref<10240x128xf32, #tpu.memory_space<vmem_shared>>
    tpu.wait_indirect_dma semaphore(%arg44 : memref<!tpu.dma_semaphore, #tpu.memory_space<semaphore_mem>>) src(%arg19 : memref<40x128xf32, #tpu.memory_space<vmem>>) dst(%dma_wait3A_90 : memref<10240x128xf32, #tpu.memory_space<vmem_shared>>)
    %barrier3A_91 = arith.constant 0 : index
    tpu.barrier barrier_id(%barrier3A_91)
    %add3A_92 = arith.constant 0 : i32
    %add3A_93 = arith.addi %mul3A_0, %add3A_92 : i32
    %add3A_94 = arith.constant 128 : i32
    %add3A_95 = arith.addi %mul3A_0, %add3A_94 : i32
    %add3A_96 = arith.constant 256 : i32
    %add3A_97 = arith.addi %mul3A_0, %add3A_96 : i32
    %add3A_98 = arith.constant 384 : i32
    %add3A_99 = arith.addi %mul3A_0, %add3A_98 : i32
    %add3A_100 = arith.constant 512 : i32
    %add3A_101 = arith.addi %mul3A_0, %add3A_100 : i32
    %dma_start3A_102 = arith.constant 0 : i32
    %dma_start3A_103 = tpu.memref_slice %arg7[%arg0, %add3A_93, %dma_start3A_102] : memref<2x10240x128xf32, #tpu.memory_space<hbm>> -> memref<1x128x128xf32, #tpu.memory_space<hbm>>
    %dma_start3A_104 = tpu.memref_squeeze %dma_start3A_103 : memref<1x128x128xf32, #tpu.memory_space<hbm>> -> memref<128x128xf32, #tpu.memory_space<hbm>>
    %dma_start3A_105 = arith.constant 0 : i32
    %dma_start3A_106 = tpu.memref_slice %arg24[%add3A_93, %dma_start3A_105] : memref<10240x128xf32, #tpu.memory_space<vmem_shared>> -> memref<128x128xf32, #tpu.memory_space<vmem_shared>>
    tpu.enqueue_dma source(%dma_start3A_106 : memref<128x128xf32, #tpu.memory_space<vmem_shared>>) target(%dma_start3A_104 : memref<128x128xf32, #tpu.memory_space<hbm>>) target_semaphore(%arg41 : memref<!tpu.dma_semaphore, #tpu.memory_space<semaphore_mem>>)
    %dma_start3A_107 = arith.constant 0 : i32
    %dma_start3A_108 = tpu.memref_slice %arg7[%arg0, %add3A_95, %dma_start3A_107] : memref<2x10240x128xf32, #tpu.memory_space<hbm>> -> memref<1x128x128xf32, #tpu.memory_space<hbm>>
    %dma_start3A_109 = tpu.memref_squeeze %dma_start3A_108 : memref<1x128x128xf32, #tpu.memory_space<hbm>> -> memref<128x128xf32, #tpu.memory_space<hbm>>
    %dma_start3A_110 = arith.constant 0 : i32
    %dma_start3A_111 = tpu.memref_slice %arg24[%add3A_95, %dma_start3A_110] : memref<10240x128xf32, #tpu.memory_space<vmem_shared>> -> memref<128x128xf32, #tpu.memory_space<vmem_shared>>
    tpu.enqueue_dma source(%dma_start3A_111 : memref<128x128xf32, #tpu.memory_space<vmem_shared>>) target(%dma_start3A_109 : memref<128x128xf32, #tpu.memory_space<hbm>>) target_semaphore(%arg41 : memref<!tpu.dma_semaphore, #tpu.memory_space<semaphore_mem>>)
    %dma_start3A_112 = arith.constant 0 : i32
    %dma_start3A_113 = tpu.memref_slice %arg7[%arg0, %add3A_97, %dma_start3A_112] : memref<2x10240x128xf32, #tpu.memory_space<hbm>> -> memref<1x128x128xf32, #tpu.memory_space<hbm>>
    %dma_start3A_114 = tpu.memref_squeeze %dma_start3A_113 : memref<1x128x128xf32, #tpu.memory_space<hbm>> -> memref<128x128xf32, #tpu.memory_space<hbm>>
    %dma_start3A_115 = arith.constant 0 : i32
    %dma_start3A_116 = tpu.memref_slice %arg24[%add3A_97, %dma_start3A_115] : memref<10240x128xf32, #tpu.memory_space<vmem_shared>> -> memref<128x128xf32, #tpu.memory_space<vmem_shared>>
    tpu.enqueue_dma source(%dma_start3A_116 : memref<128x128xf32, #tpu.memory_space<vmem_shared>>) target(%dma_start3A_114 : memref<128x128xf32, #tpu.memory_space<hbm>>) target_semaphore(%arg41 : memref<!tpu.dma_semaphore, #tpu.memory_space<semaphore_mem>>)
    %dma_start3A_117 = arith.constant 0 : i32
    %dma_start3A_118 = tpu.memref_slice %arg7[%arg0, %add3A_99, %dma_start3A_117] : memref<2x10240x128xf32, #tpu.memory_space<hbm>> -> memref<1x128x128xf32, #tpu.memory_space<hbm>>
    %dma_start3A_119 = tpu.memref_squeeze %dma_start3A_118 : memref<1x128x128xf32, #tpu.memory_space<hbm>> -> memref<128x128xf32, #tpu.memory_space<hbm>>
    %dma_start3A_120 = arith.constant 0 : i32
    %dma_start3A_121 = tpu.memref_slice %arg24[%add3A_99, %dma_start3A_120] : memref<10240x128xf32, #tpu.memory_space<vmem_shared>> -> memref<128x128xf32, #tpu.memory_space<vmem_shared>>
    tpu.enqueue_dma source(%dma_start3A_121 : memref<128x128xf32, #tpu.memory_space<vmem_shared>>) target(%dma_start3A_119 : memref<128x128xf32, #tpu.memory_space<hbm>>) target_semaphore(%arg41 : memref<!tpu.dma_semaphore, #tpu.memory_space<semaphore_mem>>)
    %dma_start3A_122 = arith.constant 0 : i32
    %dma_start3A_123 = tpu.memref_slice %arg7[%arg0, %add3A_101, %dma_start3A_122] : memref<2x10240x128xf32, #tpu.memory_space<hbm>> -> memref<1x128x128xf32, #tpu.memory_space<hbm>>
    %dma_start3A_124 = tpu.memref_squeeze %dma_start3A_123 : memref<1x128x128xf32, #tpu.memory_space<hbm>> -> memref<128x128xf32, #tpu.memory_space<hbm>>
    %dma_start3A_125 = arith.constant 0 : i32
    %dma_start3A_126 = tpu.memref_slice %arg24[%add3A_101, %dma_start3A_125] : memref<10240x128xf32, #tpu.memory_space<vmem_shared>> -> memref<128x128xf32, #tpu.memory_space<vmem_shared>>
    tpu.enqueue_dma source(%dma_start3A_126 : memref<128x128xf32, #tpu.memory_space<vmem_shared>>) target(%dma_start3A_124 : memref<128x128xf32, #tpu.memory_space<hbm>>) target_semaphore(%arg41 : memref<!tpu.dma_semaphore, #tpu.memory_space<semaphore_mem>>)
    %dma_wait3A_127 = arith.constant 0 : i32
    %dma_wait3A_128 = tpu.memref_slice %arg7[%arg0, %add3A_93, %dma_wait3A_127] : memref<2x10240x128xf32, #tpu.memory_space<hbm>> -> memref<1x128x128xf32, #tpu.memory_space<hbm>>
    %dma_wait3A_129 = tpu.memref_squeeze %dma_wait3A_128 : memref<1x128x128xf32, #tpu.memory_space<hbm>> -> memref<128x128xf32, #tpu.memory_space<hbm>>
    %dma_wait3A_130 = arith.constant 0 : i32
    %dma_wait3A_131 = tpu.memref_slice %arg24[%add3A_93, %dma_wait3A_130] : memref<10240x128xf32, #tpu.memory_space<vmem_shared>> -> memref<128x128xf32, #tpu.memory_space<vmem_shared>>
    tpu.wait_dma2 semaphore(%arg41 : memref<!tpu.dma_semaphore, #tpu.memory_space<semaphore_mem>>) src(%dma_wait3A_131 : memref<128x128xf32, #tpu.memory_space<vmem_shared>>) dst(%dma_wait3A_129 : memref<128x128xf32, #tpu.memory_space<hbm>>)
    %dma_wait3A_132 = arith.constant 0 : i32
    %dma_wait3A_133 = tpu.memref_slice %arg7[%arg0, %add3A_95, %dma_wait3A_132] : memref<2x10240x128xf32, #tpu.memory_space<hbm>> -> memref<1x128x128xf32, #tpu.memory_space<hbm>>
    %dma_wait3A_134 = tpu.memref_squeeze %dma_wait3A_133 : memref<1x128x128xf32, #tpu.memory_space<hbm>> -> memref<128x128xf32, #tpu.memory_space<hbm>>
    %dma_wait3A_135 = arith.constant 0 : i32
    %dma_wait3A_136 = tpu.memref_slice %arg24[%add3A_95, %dma_wait3A_135] : memref<10240x128xf32, #tpu.memory_space<vmem_shared>> -> memref<128x128xf32, #tpu.memory_space<vmem_shared>>
    tpu.wait_dma2 semaphore(%arg41 : memref<!tpu.dma_semaphore, #tpu.memory_space<semaphore_mem>>) src(%dma_wait3A_136 : memref<128x128xf32, #tpu.memory_space<vmem_shared>>) dst(%dma_wait3A_134 : memref<128x128xf32, #tpu.memory_space<hbm>>)
    %dma_wait3A_137 = arith.constant 0 : i32
    %dma_wait3A_138 = tpu.memref_slice %arg7[%arg0, %add3A_97, %dma_wait3A_137] : memref<2x10240x128xf32, #tpu.memory_space<hbm>> -> memref<1x128x128xf32, #tpu.memory_space<hbm>>
    %dma_wait3A_139 = tpu.memref_squeeze %dma_wait3A_138 : memref<1x128x128xf32, #tpu.memory_space<hbm>> -> memref<128x128xf32, #tpu.memory_space<hbm>>
    %dma_wait3A_140 = arith.constant 0 : i32
    %dma_wait3A_141 = tpu.memref_slice %arg24[%add3A_97, %dma_wait3A_140] : memref<10240x128xf32, #tpu.memory_space<vmem_shared>> -> memref<128x128xf32, #tpu.memory_space<vmem_shared>>
    tpu.wait_dma2 semaphore(%arg41 : memref<!tpu.dma_semaphore, #tpu.memory_space<semaphore_mem>>) src(%dma_wait3A_141 : memref<128x128xf32, #tpu.memory_space<vmem_shared>>) dst(%dma_wait3A_139 : memref<128x128xf32, #tpu.memory_space<hbm>>)
    %dma_wait3A_142 = arith.constant 0 : i32
    %dma_wait3A_143 = tpu.memref_slice %arg7[%arg0, %add3A_99, %dma_wait3A_142] : memref<2x10240x128xf32, #tpu.memory_space<hbm>> -> memref<1x128x128xf32, #tpu.memory_space<hbm>>
    %dma_wait3A_144 = tpu.memref_squeeze %dma_wait3A_143 : memref<1x128x128xf32, #tpu.memory_space<hbm>> -> memref<128x128xf32, #tpu.memory_space<hbm>>
    %dma_wait3A_145 = arith.constant 0 : i32
    %dma_wait3A_146 = tpu.memref_slice %arg24[%add3A_99, %dma_wait3A_145] : memref<10240x128xf32, #tpu.memory_space<vmem_shared>> -> memref<128x128xf32, #tpu.memory_space<vmem_shared>>
    tpu.wait_dma2 semaphore(%arg41 : memref<!tpu.dma_semaphore, #tpu.memory_space<semaphore_mem>>) src(%dma_wait3A_146 : memref<128x128xf32, #tpu.memory_space<vmem_shared>>) dst(%dma_wait3A_144 : memref<128x128xf32, #tpu.memory_space<hbm>>)
    %dma_wait3A_147 = arith.constant 0 : i32
    %dma_wait3A_148 = tpu.memref_slice %arg7[%arg0, %add3A_101, %dma_wait3A_147] : memref<2x10240x128xf32, #tpu.memory_space<hbm>> -> memref<1x128x128xf32, #tpu.memory_space<hbm>>
    %dma_wait3A_149 = tpu.memref_squeeze %dma_wait3A_148 : memref<1x128x128xf32, #tpu.memory_space<hbm>> -> memref<128x128xf32, #tpu.memory_space<hbm>>
    %dma_wait3A_150 = arith.constant 0 : i32
    %dma_wait3A_151 = tpu.memref_slice %arg24[%add3A_101, %dma_wait3A_150] : memref<10240x128xf32, #tpu.memory_space<vmem_shared>> -> memref<128x128xf32, #tpu.memory_space<vmem_shared>>
    tpu.wait_dma2 semaphore(%arg41 : memref<!tpu.dma_semaphore, #tpu.memory_space<semaphore_mem>>) src(%dma_wait3A_151 : memref<128x128xf32, #tpu.memory_space<vmem_shared>>) dst(%dma_wait3A_149 : memref<128x128xf32, #tpu.memory_space<hbm>>)
    return
  }
}

module attributes {stable_mosaic.version = 14 : i64} {
  func.func @_fused_tc_kernel(%arg0: i32, %arg1: i32, %arg2: memref<2000x256xf32, #tpu.memory_space<vmem>>, %arg3: memref<2x2000x128xf32, #tpu.memory_space<vmem>>, %arg4: memref<1x1x2000xi32, #tpu.memory_space<vmem>>, %arg5: memref<256x512xf32, #tpu.memory_space<vmem>>, %arg6: memref<512xf32, #tpu.memory_space<vmem>>, %arg7: memref<512xf32, #tpu.memory_space<vmem>>, %arg8: memref<512xf32, #tpu.memory_space<vmem>>, %arg9: memref<512xf32, #tpu.memory_space<vmem>>, %arg10: memref<512xf32, #tpu.memory_space<vmem>>, %arg11: memref<512x256xf32, #tpu.memory_space<vmem>>, %arg12: memref<256xf32, #tpu.memory_space<vmem>>, %arg13: memref<256xf32, #tpu.memory_space<vmem>>, %arg14: memref<256xf32, #tpu.memory_space<vmem>>, %arg15: memref<256xf32, #tpu.memory_space<vmem>>, %arg16: memref<256xf32, #tpu.memory_space<vmem>>, %arg17: memref<256xf32, #tpu.memory_space<vmem>>, %arg18: memref<2000x256xf32, #tpu.memory_space<vmem>>, %arg19: memref<10000x256xf32, #tpu.memory_space<vmem>>, %arg20: memref<3x64x256xf32, #tpu.memory_space<vmem>>) attributes {dimension_semantics = [#tpu.dimension_semantics<arbitrary>, #tpu.dimension_semantics<arbitrary>], iteration_bounds = array<i64: 2, 5>, scalar_prefetch = 0 : i64, scratch_operands = 2 : i64, tpu.core_type = #tpu.core_type<tc>, window_params = [{transform_indices = @transform_0, window_bounds = array<i64: 2000, 256>}, {transform_indices = @transform_1, window_bounds = array<i64: 2, 2000, 128>}, {transform_indices = @transform_2, window_bounds = array<i64: 1, 1, 2000>}, {pipeline_mode = #tpu.pipeline_mode<synchronous>, transform_indices = @transform_3, window_bounds = array<i64: 256, 512>}, {pipeline_mode = #tpu.pipeline_mode<synchronous>, transform_indices = @transform_4, window_bounds = array<i64: 512>}, {pipeline_mode = #tpu.pipeline_mode<synchronous>, transform_indices = @transform_5, window_bounds = array<i64: 512>}, {pipeline_mode = #tpu.pipeline_mode<synchronous>, transform_indices = @transform_6, window_bounds = array<i64: 512>}, {pipeline_mode = #tpu.pipeline_mode<synchronous>, transform_indices = @transform_7, window_bounds = array<i64: 512>}, {pipeline_mode = #tpu.pipeline_mode<synchronous>, transform_indices = @transform_8, window_bounds = array<i64: 512>}, {pipeline_mode = #tpu.pipeline_mode<synchronous>, transform_indices = @transform_9, window_bounds = array<i64: 512, 256>}, {pipeline_mode = #tpu.pipeline_mode<synchronous>, transform_indices = @transform_10, window_bounds = array<i64: 256>}, {pipeline_mode = #tpu.pipeline_mode<synchronous>, transform_indices = @transform_11, window_bounds = array<i64: 256>}, {pipeline_mode = #tpu.pipeline_mode<synchronous>, transform_indices = @transform_12, window_bounds = array<i64: 256>}, {pipeline_mode = #tpu.pipeline_mode<synchronous>, transform_indices = @transform_13, window_bounds = array<i64: 256>}, {pipeline_mode = #tpu.pipeline_mode<synchronous>, transform_indices = @transform_14, window_bounds = array<i64: 256>}, {pipeline_mode = #tpu.pipeline_mode<synchronous>, transform_indices = @transform_15, window_bounds = array<i64: 256>}, {transform_indices = @transform_16, window_bounds = array<i64: 2000, 256>}]} {
    %get3A = arith.constant 0 : index
    %get3A_0 = arith.constant 0 : index
    %get3A_1 = arith.constant 0 : index
    %get3A_2 = vector.load %arg4[%get3A, %get3A_0, %get3A_1] : memref<1x1x2000xi32, #tpu.memory_space<vmem>>, vector<1x1x2000xi32>
    %get3A_3 = vector.shape_cast %get3A_2 : vector<1x1x2000xi32> to vector<2000xi32>
    %reshape3A = vector.shape_cast %get3A_3 : vector<2000xi32> to vector<2000x1xi32>
    %iota3A = tpu.iota {dimensions = array<i32: 1>} : vector<2000x64xi32>
    %eq3A = vector.broadcast %reshape3A : vector<2000x1xi32> to vector<2000x64xi32>
    %eq3A_4 = arith.cmpi eq, %eq3A, %iota3A : vector<2000x64xi32>
    %convert_element_type3A = arith.extui %eq3A_4 : vector<2000x64xi1> to vector<2000x64xi32>
    %convert_element_type3A_5 = arith.sitofp %convert_element_type3A : vector<2000x64xi32> to vector<2000x64xf32>
    %mul3A = arith.constant 2000 : i32
    %mul3A_6 = arith.muli %arg1, %mul3A : i32
    %multiple_of3A = tpu.assume_multiple %mul3A_6, 2000 : i32
    %eq3A_7 = arith.constant 0 : i32
    %eq3A_8 = arith.cmpi eq, %arg0, %eq3A_7 : i32
    %convert_element_type3A_9 = arith.extui %eq3A_8 : i1 to i32
    %cond3A = arith.constant 0 : i32
    %cond3A_10 = arith.cmpi ne, %convert_element_type3A_9, %cond3A : i32
    scf.if %cond3A_10 {
      %get3A_16 = arith.constant 0 : index
      %get3A_17 = arith.constant 0 : index
      %get3A_18 = vector.load %arg2[%get3A_16, %get3A_17] : memref<2000x256xf32, #tpu.memory_space<vmem>>, vector<2000x256xf32>
      %get3A_19 = arith.constant 0 : index
      %get3A_20 = arith.constant 0 : index
      %get3A_21 = arith.constant 0 : index
      %get3A_22 = vector.load %arg3[%get3A_19, %get3A_20, %get3A_21] : memref<2x2000x128xf32, #tpu.memory_space<vmem>>, vector<1x2000x128xf32>
      %get3A_23 = vector.shape_cast %get3A_22 : vector<1x2000x128xf32> to vector<2000x128xf32>
      %get3A_24 = arith.constant 1 : index
      %get3A_25 = arith.constant 0 : index
      %get3A_26 = arith.constant 0 : index
      %get3A_27 = vector.load %arg3[%get3A_24, %get3A_25, %get3A_26] : memref<2x2000x128xf32, #tpu.memory_space<vmem>>, vector<1x2000x128xf32>
      %get3A_28 = vector.shape_cast %get3A_27 : vector<1x2000x128xf32> to vector<2000x128xf32>
      %concatenate3A = tpu.concatenate %get3A_23, %get3A_28 in 1 : vector<2000x128xf32>, vector<2000x128xf32> -> vector<2000x256xf32>
      %add3A = arith.addf %get3A_18, %concatenate3A : vector<2000x256xf32>
      %get3A_29 = arith.constant 0 : index
      %get3A_30 = arith.constant 0 : index
      %get3A_31 = vector.load %arg5[%get3A_29, %get3A_30] : memref<256x512xf32, #tpu.memory_space<vmem>>, vector<256x512xf32>
      %dot_general3A = arith.constant dense<0.000000e+00> : vector<2000x512xf32>
      %dot_general3A_32 = tpu.matmul %add3A, %get3A_31, %dot_general3A {dimension_numbers = #tpu.dot_dimension_numbers<[1], [0], [0], [1], [0, 0, 1, 1], [], []>, transpose_lhs_hint = false} : vector<2000x256xf32>, vector<256x512xf32>, vector<2000x512xf32> -> vector<2000x512xf32>
      %get3A_33 = arith.constant 0 : index
      %get3A_34 = vector.load %arg7[%get3A_33] : memref<512xf32, #tpu.memory_space<vmem>>, vector<512xf32>
      %get3A_35 = arith.constant 0 : index
      %get3A_36 = vector.load %arg10[%get3A_35] : memref<512xf32, #tpu.memory_space<vmem>>, vector<512xf32>
      %add3A_37 = arith.constant 9.99999974E-6 : f32
      %add3A_38 = vector.broadcast %add3A_37 : f32 to vector<512xf32>
      %add3A_39 = arith.addf %get3A_36, %add3A_38 : vector<512xf32>
      %rsqrt3A = math.rsqrt %add3A_39 : vector<512xf32>
      %mul3A_40 = arith.mulf %get3A_34, %rsqrt3A : vector<512xf32>
      %get3A_41 = arith.constant 0 : index
      %get3A_42 = vector.load %arg6[%get3A_41] : memref<512xf32, #tpu.memory_space<vmem>>, vector<512xf32>
      %broadcast_in_dim3A = vector.shape_cast %get3A_42 : vector<512xf32> to vector<1x512xf32>
      %add3A_43 = vector.broadcast %broadcast_in_dim3A : vector<1x512xf32> to vector<2000x512xf32>
      %add3A_44 = arith.addf %dot_general3A_32, %add3A_43 : vector<2000x512xf32>
      %get3A_45 = arith.constant 0 : index
      %get3A_46 = vector.load %arg9[%get3A_45] : memref<512xf32, #tpu.memory_space<vmem>>, vector<512xf32>
      %broadcast_in_dim3A_47 = vector.shape_cast %get3A_46 : vector<512xf32> to vector<1x512xf32>
      %sub3A = vector.broadcast %broadcast_in_dim3A_47 : vector<1x512xf32> to vector<2000x512xf32>
      %sub3A_48 = arith.subf %add3A_44, %sub3A : vector<2000x512xf32>
      %broadcast_in_dim3A_49 = vector.shape_cast %mul3A_40 : vector<512xf32> to vector<1x512xf32>
      %mul3A_50 = vector.broadcast %broadcast_in_dim3A_49 : vector<1x512xf32> to vector<2000x512xf32>
      %mul3A_51 = arith.mulf %sub3A_48, %mul3A_50 : vector<2000x512xf32>
      %get3A_52 = arith.constant 0 : index
      %get3A_53 = vector.load %arg8[%get3A_52] : memref<512xf32, #tpu.memory_space<vmem>>, vector<512xf32>
      %broadcast_in_dim3A_54 = vector.shape_cast %get3A_53 : vector<512xf32> to vector<1x512xf32>
      %add3A_55 = vector.broadcast %broadcast_in_dim3A_54 : vector<1x512xf32> to vector<2000x512xf32>
      %add3A_56 = arith.addf %mul3A_51, %add3A_55 : vector<2000x512xf32>
      %max3A = arith.constant 0.000000e+00 : f32
      %max3A_57 = vector.broadcast %max3A : f32 to vector<2000x512xf32>
      %max3A_58 = arith.maximumf %add3A_56, %max3A_57 : vector<2000x512xf32>
      %get3A_59 = arith.constant 0 : index
      %get3A_60 = arith.constant 0 : index
      %get3A_61 = vector.load %arg11[%get3A_59, %get3A_60] : memref<512x256xf32, #tpu.memory_space<vmem>>, vector<512x256xf32>
      %dot_general3A_62 = arith.constant dense<0.000000e+00> : vector<2000x256xf32>
      %dot_general3A_63 = tpu.matmul %max3A_58, %get3A_61, %dot_general3A_62 {dimension_numbers = #tpu.dot_dimension_numbers<[1], [0], [0], [1], [0, 0, 1, 1], [], []>, transpose_lhs_hint = false} : vector<2000x512xf32>, vector<512x256xf32>, vector<2000x256xf32> -> vector<2000x256xf32>
      %get3A_64 = arith.constant 0 : index
      %get3A_65 = vector.load %arg12[%get3A_64] : memref<256xf32, #tpu.memory_space<vmem>>, vector<256xf32>
      %broadcast_in_dim3A_66 = vector.shape_cast %get3A_65 : vector<256xf32> to vector<1x256xf32>
      %add3A_67 = vector.broadcast %broadcast_in_dim3A_66 : vector<1x256xf32> to vector<2000x256xf32>
      %add3A_68 = arith.addf %dot_general3A_63, %add3A_67 : vector<2000x256xf32>
      %swap3A = arith.index_cast %multiple_of3A : i32 to index
      %swap3A_69 = arith.constant 0 : index
      %swap3A_70 = vector.load %arg19[%swap3A, %swap3A_69] : memref<10000x256xf32, #tpu.memory_space<vmem>>, vector<2000x256xf32>
      tpu.vector_store %arg19[%swap3A, %swap3A_69], %add3A_68 {strides = array<i32>} : memref<10000x256xf32, #tpu.memory_space<vmem>>, vector<2000x256xf32>,
      %dot_general3A_71 = arith.constant dense<0.000000e+00> : vector<64x256xf32>
      %dot_general3A_72 = tpu.matmul %convert_element_type3A_5, %add3A_68, %dot_general3A_71 {dimension_numbers = #tpu.dot_dimension_numbers<[0], [0], [1], [1], [0, 1, 1, 1], [], []>, transpose_lhs_hint = false} : vector<2000x64xf32>, vector<2000x256xf32>, vector<64x256xf32> -> vector<64x256xf32>
      %mul3A_73 = arith.mulf %add3A_68, %add3A_68 : vector<2000x256xf32>
      %dot_general3A_74 = arith.constant dense<0.000000e+00> : vector<64x256xf32>
      %dot_general3A_75 = tpu.matmul %convert_element_type3A_5, %mul3A_73, %dot_general3A_74 {dimension_numbers = #tpu.dot_dimension_numbers<[0], [0], [1], [1], [0, 1, 1, 1], [], []>, transpose_lhs_hint = false} : vector<2000x64xf32>, vector<2000x256xf32>, vector<64x256xf32> -> vector<64x256xf32>
      %reduce_sum3A = arith.constant dense<0.000000e+00> : vector<64xf32>
      %reduce_sum3A_76 = vector.multi_reduction <add>, %convert_element_type3A_5, %reduce_sum3A [0] : vector<2000x64xf32> to vector<64xf32>
      %broadcast_in_dim3A_77 = vector.shape_cast %reduce_sum3A_76 : vector<64xf32> to vector<64x1xf32>
      %broadcast_in_dim3A_78 = vector.shape_cast %broadcast_in_dim3A_77 : vector<64x1xf32> to vector<64x1xf32>
      %broadcast_in_dim3A_79 = vector.broadcast %broadcast_in_dim3A_78 : vector<64x1xf32> to vector<64x256xf32>
      %stack3A = vector.shape_cast %dot_general3A_72 : vector<64x256xf32> to vector<1x64x256xf32>
      %stack3A_80 = vector.shape_cast %dot_general3A_75 : vector<64x256xf32> to vector<1x64x256xf32>
      %stack3A_81 = vector.shape_cast %broadcast_in_dim3A_79 : vector<64x256xf32> to vector<1x64x256xf32>
      %stack3A_82 = tpu.concatenate %stack3A, %stack3A_80, %stack3A_81 in 0 : vector<1x64x256xf32>, vector<1x64x256xf32>, vector<1x64x256xf32> -> vector<3x64x256xf32>
      %eq3A_83 = arith.constant 0 : i32
      %eq3A_84 = arith.cmpi eq, %arg1, %eq3A_83 : i32
      %convert_element_type3A_85 = arith.extui %eq3A_84 : i1 to i32
      %cond3A_86 = arith.constant 0 : i32
      %cond3A_87 = arith.cmpi ne, %convert_element_type3A_85, %cond3A_86 : i32
      scf.if %cond3A_87 {
        %swap3A_92 = arith.constant 0 : index
        %swap3A_93 = arith.constant 0 : index
        %swap3A_94 = arith.constant 0 : index
        %swap3A_95 = vector.load %arg20[%swap3A_92, %swap3A_93, %swap3A_94] : memref<3x64x256xf32, #tpu.memory_space<vmem>>, vector<3x64x256xf32>
        tpu.vector_store %arg20[%swap3A_92, %swap3A_93, %swap3A_94], %stack3A_82 {strides = array<i32>} : memref<3x64x256xf32, #tpu.memory_space<vmem>>, vector<3x64x256xf32>,
      } else {
      }
      %gt3A = arith.constant 0 : i32
      %gt3A_88 = arith.cmpi sgt, %arg1, %gt3A : i32
      %convert_element_type3A_89 = arith.extui %gt3A_88 : i1 to i32
      %cond3A_90 = arith.constant 0 : i32
      %cond3A_91 = arith.cmpi ne, %convert_element_type3A_89, %cond3A_90 : i32
      scf.if %cond3A_91 {
        %get3A_92 = arith.constant 0 : index
        %get3A_93 = arith.constant 0 : index
        %get3A_94 = arith.constant 0 : index
        %get3A_95 = vector.load %arg20[%get3A_92, %get3A_93, %get3A_94] : memref<3x64x256xf32, #tpu.memory_space<vmem>>, vector<3x64x256xf32>
        %add3A_96 = arith.addf %get3A_95, %stack3A_82 : vector<3x64x256xf32>
        %swap3A_97 = arith.constant 0 : index
        %swap3A_98 = arith.constant 0 : index
        %swap3A_99 = arith.constant 0 : index
        %swap3A_100 = vector.load %arg20[%swap3A_97, %swap3A_98, %swap3A_99] : memref<3x64x256xf32, #tpu.memory_space<vmem>>, vector<3x64x256xf32>
        tpu.vector_store %arg20[%swap3A_97, %swap3A_98, %swap3A_99], %add3A_96 {strides = array<i32>} : memref<3x64x256xf32, #tpu.memory_space<vmem>>, vector<3x64x256xf32>,
      } else {
      }
    } else {
    }
    %eq3A_11 = arith.constant 1 : i32
    %eq3A_12 = arith.cmpi eq, %arg0, %eq3A_11 : i32
    %convert_element_type3A_13 = arith.extui %eq3A_12 : i1 to i32
    %cond3A_14 = arith.constant 0 : i32
    %cond3A_15 = arith.cmpi ne, %convert_element_type3A_13, %cond3A_14 : i32
    scf.if %cond3A_15 {
      %get3A_16 = arith.constant 0 : index
      %get3A_17 = arith.constant 0 : index
      %get3A_18 = arith.constant 0 : index
      %get3A_19 = vector.load %arg20[%get3A_16, %get3A_17, %get3A_18] : memref<3x64x256xf32, #tpu.memory_space<vmem>>, vector<1x64x256xf32>
      %get3A_20 = vector.shape_cast %get3A_19 : vector<1x64x256xf32> to vector<64x256xf32>
      %get3A_21 = arith.constant 1 : index
      %get3A_22 = arith.constant 0 : index
      %get3A_23 = arith.constant 0 : index
      %get3A_24 = vector.load %arg20[%get3A_21, %get3A_22, %get3A_23] : memref<3x64x256xf32, #tpu.memory_space<vmem>>, vector<1x64x256xf32>
      %get3A_25 = vector.shape_cast %get3A_24 : vector<1x64x256xf32> to vector<64x256xf32>
      %get3A_26 = arith.constant 2 : index
      %get3A_27 = arith.constant 0 : index
      %get3A_28 = arith.constant 0 : index
      %get3A_29 = vector.load %arg20[%get3A_26, %get3A_27, %get3A_28] : memref<3x64x256xf32, #tpu.memory_space<vmem>>, vector<1x64x1xf32>
      %get3A_30 = vector.shape_cast %get3A_29 : vector<1x64x1xf32> to vector<64x1xf32>
      %max3A = arith.constant 1.000000e+00 : f32
      %max3A_31 = vector.broadcast %max3A : f32 to vector<64x1xf32>
      %max3A_32 = arith.maximumf %get3A_30, %max3A_31 : vector<64x1xf32>
      %mul3A_33 = arith.constant 2.560000e+02 : f32
      %mul3A_34 = vector.broadcast %mul3A_33 : f32 to vector<64x1xf32>
      %mul3A_35 = arith.mulf %max3A_32, %mul3A_34 : vector<64x1xf32>
      %reduce_sum3A = arith.constant dense<0.000000e+00> : vector<64xf32>
      %reduce_sum3A_36 = vector.multi_reduction <add>, %get3A_20, %reduce_sum3A [1] : vector<64x256xf32> to vector<64xf32>
      %broadcast_in_dim3A = vector.shape_cast %reduce_sum3A_36 : vector<64xf32> to vector<64x1xf32>
      %reduce_sum3A_37 = arith.constant dense<0.000000e+00> : vector<64xf32>
      %reduce_sum3A_38 = vector.multi_reduction <add>, %get3A_25, %reduce_sum3A_37 [1] : vector<64x256xf32> to vector<64xf32>
      %broadcast_in_dim3A_39 = vector.shape_cast %reduce_sum3A_38 : vector<64xf32> to vector<64x1xf32>
      %div3A = arith.divf %broadcast_in_dim3A, %mul3A_35 : vector<64x1xf32>
      %div3A_40 = arith.divf %broadcast_in_dim3A_39, %mul3A_35 : vector<64x1xf32>
      %mul3A_41 = arith.mulf %div3A, %div3A : vector<64x1xf32>
      %sub3A = arith.subf %div3A_40, %mul3A_41 : vector<64x1xf32>
      %add3A = arith.constant 9.99999974E-6 : f32
      %add3A_42 = vector.broadcast %add3A : f32 to vector<64x1xf32>
      %add3A_43 = arith.addf %sub3A, %add3A_42 : vector<64x1xf32>
      %rsqrt3A = math.rsqrt %add3A_43 : vector<64x1xf32>
      %get3A_44 = arith.constant 0 : index
      %get3A_45 = vector.load %arg13[%get3A_44] : memref<256xf32, #tpu.memory_space<vmem>>, vector<256xf32>
      %broadcast_in_dim3A_46 = vector.shape_cast %get3A_45 : vector<256xf32> to vector<1x256xf32>
      %get3A_47 = arith.constant 0 : index
      %get3A_48 = vector.load %arg17[%get3A_47] : memref<256xf32, #tpu.memory_space<vmem>>, vector<256xf32>
      %broadcast_in_dim3A_49 = vector.shape_cast %get3A_48 : vector<256xf32> to vector<1x256xf32>
      %get3A_50 = arith.constant 0 : index
      %get3A_51 = vector.load %arg15[%get3A_50] : memref<256xf32, #tpu.memory_space<vmem>>, vector<256xf32>
      %broadcast_in_dim3A_52 = vector.shape_cast %get3A_51 : vector<256xf32> to vector<1x256xf32>
      %mul3A_53 = vector.broadcast %broadcast_in_dim3A_46 : vector<1x256xf32> to vector<64x256xf32>
      %mul3A_54 = vector.broadcast %rsqrt3A : vector<64x1xf32> to vector<64x256xf32>
      %mul3A_55 = arith.mulf %mul3A_53, %mul3A_54 : vector<64x256xf32>
      %get3A_56 = arith.constant 0 : index
      %get3A_57 = vector.load %arg14[%get3A_56] : memref<256xf32, #tpu.memory_space<vmem>>, vector<256xf32>
      %broadcast_in_dim3A_58 = vector.shape_cast %get3A_57 : vector<256xf32> to vector<1x256xf32>
      %mul3A_59 = vector.broadcast %div3A : vector<64x1xf32> to vector<64x256xf32>
      %mul3A_60 = arith.mulf %mul3A_59, %mul3A_55 : vector<64x256xf32>
      %sub3A_61 = vector.broadcast %broadcast_in_dim3A_58 : vector<1x256xf32> to vector<64x256xf32>
      %sub3A_62 = arith.subf %sub3A_61, %mul3A_60 : vector<64x256xf32>
      %div3A_63 = vector.broadcast %max3A_32 : vector<64x1xf32> to vector<64x256xf32>
      %div3A_64 = arith.divf %get3A_20, %div3A_63 : vector<64x256xf32>
      %div3A_65 = vector.broadcast %max3A_32 : vector<64x1xf32> to vector<64x256xf32>
      %div3A_66 = arith.divf %get3A_25, %div3A_65 : vector<64x256xf32>
      %sub3A_67 = arith.constant 1.000000e+00 : f32
      %sub3A_68 = vector.broadcast %sub3A_67 : f32 to vector<1x256xf32>
      %sub3A_69 = arith.subf %sub3A_68, %broadcast_in_dim3A_49 : vector<1x256xf32>
      %mul3A_70 = vector.broadcast %sub3A_69 : vector<1x256xf32> to vector<64x256xf32>
      %mul3A_71 = arith.mulf %sub3A_62, %mul3A_70 : vector<64x256xf32>
      %mul3A_72 = arith.mulf %mul3A_55, %div3A_64 : vector<64x256xf32>
      %mul3A_73 = vector.broadcast %broadcast_in_dim3A_49 : vector<1x256xf32> to vector<64x256xf32>
      %mul3A_74 = arith.mulf %mul3A_72, %mul3A_73 : vector<64x256xf32>
      %sub3A_75 = arith.subf %mul3A_71, %mul3A_74 : vector<64x256xf32>
      %mul3A_76 = arith.mulf %mul3A_55, %mul3A_55 : vector<64x256xf32>
      %mul3A_77 = arith.mulf %mul3A_76, %div3A_66 : vector<64x256xf32>
      %mul3A_78 = arith.constant 2.000000e+00 : f32
      %mul3A_79 = vector.broadcast %mul3A_78 : f32 to vector<64x256xf32>
      %mul3A_80 = arith.mulf %mul3A_79, %mul3A_55 : vector<64x256xf32>
      %mul3A_81 = arith.mulf %mul3A_80, %sub3A_75 : vector<64x256xf32>
      %mul3A_82 = arith.mulf %mul3A_81, %div3A_64 : vector<64x256xf32>
      %add3A_83 = arith.addf %mul3A_77, %mul3A_82 : vector<64x256xf32>
      %mul3A_84 = arith.mulf %sub3A_75, %sub3A_75 : vector<64x256xf32>
      %add3A_85 = arith.addf %add3A_83, %mul3A_84 : vector<64x256xf32>
      %add3A_86 = arith.constant 9.99999974E-6 : f32
      %add3A_87 = vector.broadcast %add3A_86 : f32 to vector<64x256xf32>
      %add3A_88 = arith.addf %add3A_85, %add3A_87 : vector<64x256xf32>
      %rsqrt3A_89 = math.rsqrt %add3A_88 : vector<64x256xf32>
      %mul3A_90 = vector.broadcast %broadcast_in_dim3A_52 : vector<1x256xf32> to vector<64x256xf32>
      %mul3A_91 = arith.mulf %mul3A_90, %mul3A_55 : vector<64x256xf32>
      %mul3A_92 = arith.mulf %mul3A_91, %rsqrt3A_89 : vector<64x256xf32>
      %mul3A_93 = vector.broadcast %broadcast_in_dim3A_52 : vector<1x256xf32> to vector<64x256xf32>
      %mul3A_94 = arith.mulf %mul3A_93, %sub3A_75 : vector<64x256xf32>
      %mul3A_95 = arith.mulf %mul3A_94, %rsqrt3A_89 : vector<64x256xf32>
      %get3A_96 = arith.constant 0 : index
      %get3A_97 = vector.load %arg16[%get3A_96] : memref<256xf32, #tpu.memory_space<vmem>>, vector<256xf32>
      %broadcast_in_dim3A_98 = vector.shape_cast %get3A_97 : vector<256xf32> to vector<1x256xf32>
      %add3A_99 = vector.broadcast %broadcast_in_dim3A_98 : vector<1x256xf32> to vector<64x256xf32>
      %add3A_100 = arith.addf %mul3A_95, %add3A_99 : vector<64x256xf32>
      %dot_general3A = arith.constant dense<0.000000e+00> : vector<2000x256xf32>
      %dot_general3A_101 = tpu.matmul %convert_element_type3A_5, %mul3A_92, %dot_general3A {dimension_numbers = #tpu.dot_dimension_numbers<[1], [0], [0], [1], [0, 0, 1, 1], [], []>, transpose_lhs_hint = false} : vector<2000x64xf32>, vector<64x256xf32>, vector<2000x256xf32> -> vector<2000x256xf32>
      %dot_general3A_102 = arith.constant dense<0.000000e+00> : vector<2000x256xf32>
      %dot_general3A_103 = tpu.matmul %convert_element_type3A_5, %add3A_100, %dot_general3A_102 {dimension_numbers = #tpu.dot_dimension_numbers<[1], [0], [0], [1], [0, 0, 1, 1], [], []>, transpose_lhs_hint = false} : vector<2000x64xf32>, vector<64x256xf32>, vector<2000x256xf32> -> vector<2000x256xf32>
      %get3A_104 = arith.index_cast %multiple_of3A : i32 to index
      %get3A_105 = arith.constant 0 : index
      %get3A_106 = vector.load %arg19[%get3A_104, %get3A_105] : memref<10000x256xf32, #tpu.memory_space<vmem>>, vector<2000x256xf32>
      %get3A_107 = arith.constant 0 : index
      %get3A_108 = arith.constant 0 : index
      %get3A_109 = vector.load %arg2[%get3A_107, %get3A_108] : memref<2000x256xf32, #tpu.memory_space<vmem>>, vector<2000x256xf32>
      %mul3A_110 = arith.mulf %dot_general3A_101, %get3A_106 : vector<2000x256xf32>
      %add3A_111 = arith.addf %mul3A_110, %dot_general3A_103 : vector<2000x256xf32>
      %max3A_112 = arith.constant 0.000000e+00 : f32
      %max3A_113 = vector.broadcast %max3A_112 : f32 to vector<2000x256xf32>
      %max3A_114 = arith.maximumf %add3A_111, %max3A_113 : vector<2000x256xf32>
      %add3A_115 = arith.addf %get3A_109, %max3A_114 : vector<2000x256xf32>
      %swap3A = arith.constant 0 : index
      %swap3A_116 = arith.constant 0 : index
      %swap3A_117 = vector.load %arg18[%swap3A, %swap3A_116] : memref<2000x256xf32, #tpu.memory_space<vmem>>, vector<2000x256xf32>
      tpu.vector_store %arg18[%swap3A, %swap3A_116], %add3A_115 {strides = array<i32>} : memref<2000x256xf32, #tpu.memory_space<vmem>>, vector<2000x256xf32>,
    } else {
    }
    return
  }
  func.func @transform_0(%arg0: i32, %arg1: i32) -> (i32, i32) {
    %c0_i32 = arith.constant 0 : i32
    %c0_i32_0 = arith.constant 0 : i32
    return %arg1, %c0_i32 : i32, i32
  }
  func.func @transform_1(%arg0: i32, %arg1: i32) -> (i32, i32, i32) {
    %sub3A = arith.constant 1 : i32
    %sub3A_0 = arith.subi %sub3A, %arg0 : i32
    %mul3A = arith.muli %sub3A_0, %arg1 : i32
    %c0_i32 = arith.constant 0 : i32
    %c0_i32_1 = arith.constant 0 : i32
    %c0_i32_2 = arith.constant 0 : i32
    return %c0_i32, %mul3A, %c0_i32_1 : i32, i32, i32
  }
  func.func @transform_2(%arg0: i32, %arg1: i32) -> (i32, i32, i32) {
    %c0_i32 = arith.constant 0 : i32
    %c0_i32_0 = arith.constant 0 : i32
    %c0_i32_1 = arith.constant 0 : i32
    return %arg1, %c0_i32, %c0_i32_0 : i32, i32, i32
  }
  func.func @transform_3(%arg0: i32, %arg1: i32) -> (i32, i32) {
    %c0_i32 = arith.constant 0 : i32
    %c0_i32_0 = arith.constant 0 : i32
    %c0_i32_1 = arith.constant 0 : i32
    return %c0_i32, %c0_i32_0 : i32, i32
  }
  func.func @transform_4(%arg0: i32, %arg1: i32) -> i32 {
    %c0_i32 = arith.constant 0 : i32
    %c0_i32_0 = arith.constant 0 : i32
    return %c0_i32 : i32
  }
  func.func @transform_5(%arg0: i32, %arg1: i32) -> i32 {
    %c0_i32 = arith.constant 0 : i32
    %c0_i32_0 = arith.constant 0 : i32
    return %c0_i32 : i32
  }
  func.func @transform_6(%arg0: i32, %arg1: i32) -> i32 {
    %c0_i32 = arith.constant 0 : i32
    %c0_i32_0 = arith.constant 0 : i32
    return %c0_i32 : i32
  }
  func.func @transform_7(%arg0: i32, %arg1: i32) -> i32 {
    %c0_i32 = arith.constant 0 : i32
    %c0_i32_0 = arith.constant 0 : i32
    return %c0_i32 : i32
  }
  func.func @transform_8(%arg0: i32, %arg1: i32) -> i32 {
    %c0_i32 = arith.constant 0 : i32
    %c0_i32_0 = arith.constant 0 : i32
    return %c0_i32 : i32
  }
  func.func @transform_9(%arg0: i32, %arg1: i32) -> (i32, i32) {
    %c0_i32 = arith.constant 0 : i32
    %c0_i32_0 = arith.constant 0 : i32
    %c0_i32_1 = arith.constant 0 : i32
    return %c0_i32, %c0_i32_0 : i32, i32
  }
  func.func @transform_10(%arg0: i32, %arg1: i32) -> i32 {
    %c0_i32 = arith.constant 0 : i32
    %c0_i32_0 = arith.constant 0 : i32
    return %c0_i32 : i32
  }
  func.func @transform_11(%arg0: i32, %arg1: i32) -> i32 {
    %c0_i32 = arith.constant 0 : i32
    %c0_i32_0 = arith.constant 0 : i32
    return %c0_i32 : i32
  }
  func.func @transform_12(%arg0: i32, %arg1: i32) -> i32 {
    %c0_i32 = arith.constant 0 : i32
    %c0_i32_0 = arith.constant 0 : i32
    return %c0_i32 : i32
  }
  func.func @transform_13(%arg0: i32, %arg1: i32) -> i32 {
    %c0_i32 = arith.constant 0 : i32
    %c0_i32_0 = arith.constant 0 : i32
    return %c0_i32 : i32
  }
  func.func @transform_14(%arg0: i32, %arg1: i32) -> i32 {
    %c0_i32 = arith.constant 0 : i32
    %c0_i32_0 = arith.constant 0 : i32
    return %c0_i32 : i32
  }
  func.func @transform_15(%arg0: i32, %arg1: i32) -> i32 {
    %c0_i32 = arith.constant 0 : i32
    %c0_i32_0 = arith.constant 0 : i32
    return %c0_i32 : i32
  }
  func.func @transform_16(%arg0: i32, %arg1: i32) -> (i32, i32) {
    %mul3A = arith.muli %arg0, %arg1 : i32
    %c0_i32 = arith.constant 0 : i32
    %c0_i32_0 = arith.constant 0 : i32
    return %mul3A, %c0_i32 : i32, i32
  }
}

</mosaic_0001>

<sc_bundles>
// kernel: kernel.4.cloned.1.call-start
scs
__scs_entry_jumppad:
0x0: {  	(pc) =	sbr.rel $0x88, $3  }
0x1: {  	(tag) =	ssettag $0x0;
	lr =	simm.s32 $0x1  }
0x2: {  	[smem:$0x3F90] =	sst lr;
	_ =	strace $0xD0000000  }
0x3: {  	_ = 	snop  }
0x4: {  	_ = 	snop  }
0x5: {  	_ = 	snop  }
0x6: {  	_ = 	snop  }
0x7: {  	_ = 	snop  }
__scs_overlays_trampoline_lowered:
0x8: {  	[smem:$0x3F9F] =	sst s0  }
0x9: {  	[smem:$0x3FA0] =	sst s1  }
0xa: {  	[smem:$0x3FA1] =	sst s2  }
0xb: {  	[smem:$0x3FA2] =	sst s3  }
0xc: {  	[smem:$0x3FA3] =	sst s4  }
0xd: {  	[smem:$0x3FA4] =	sst s5  }
0xe: {  	[smem:$0x3FA5] =	sst s6  }
0xf: {  	[smem:$0x3FA6] =	sst s7  }
0x10: {  	[smem:$0x3FA7] =	sst s8  }
0x11: {  	[smem:$0x3FA8] =	sst s9;
	s0 =	simm.s32 @!p0 $0x0  }
0x12: {  	s1 =	sld [smem:$0x3F8E];
	s0 =	simm.s32 @p0 $0x1  }
0x13: {  	[smem:$0x3FA9] =	sst s0;
	s0 =	simm.s32 @!p1 $0x0  }
0x14: {  	s2 =	sld [smem:$0x3F8D];
	s0 =	simm.s32 @p1 $0x1  }
0x15: {  	[smem:$0x3FAA] =	sst s0;
	s0 =	simm.s32 @!p2 $0x0  }
0x16: {  	s3 =	sld [smem:$0x3FDB];
	s0 =	simm.s32 @p2 $0x1  }
0x17: {  	s4 =	simm.s32 $0x1BF5;
	[smem:$0x3FAC] =	sst s0  }
0x18: {  	s0 =	sld [smem:$0x3F8F];
	_ =	swait.ge [sflag:s4], $0x0  }
0x19: {  	s7 =	sld [smem:$0x3F90]  }
0x1a: {  	s8 =	sadd.s32 $0xFFFFE003, lr  }
0x1b: {  	s9 =	sadd.s32 $0xFFFFFEF7, lr;
	s5 =	simm.s32 $0xFFFFFFFF;
	p2 =	slt.u32 s8, $0xFFFFF086  }
0x1c: {  	p1 =	slt.u32 s9, $0xF7A;
	s5 =	simm.s32 @!p2 $0x0  }
0x1d: {  	s5 =	simm.s32 @p1 $0x1;
	p0 =	seq.s32 s7, s2  }
0x1e: {  	s7 =	smul.u32 @!p0 $0xF7A, s2;
	p2 =	seq.s32 @!p0 s5, $0x0  }
0x1f: {  	s9 =	smul.u32 $0xF7A, s1;
	s8 =	simm.s32 @!p0 $0x1BF5;
	p2 =	por !p2, p0  }
0x20: {  	[sflag:s8] =	ssyncset.s32 @!p0 $0xFFFFF086;
	s6 =	sadd.s32 @!p0 s3, s7;
	s7 =	simm.s32 @!p0 $0x108  }
0x21: {  	s3 =	sadd.s32 s3, s9;
	s6 =	sadd.s32 @!p0 $0x88, s6;
	s7 =	simm.s32 @p2 $0x1082  }
0x22: {  	[simem:s7], [sflag:s8] =	dma.local @!p0 [hbm:s6], $0xF7A  }
0x23: {  	s9 =	sor.u32 $0xD0000000, s2;
	s6 =	simm.s32 $0x108;
	_ =	swait.ge @!p0 [sflag:s8], $0x0  }
0x24: {  	s3 =	sadd.s32 $0x88, s3;
	s6 =	simm.s32 @!p1 $0x1082;
	[sflag:s4] =	ssyncset.s32 $0xFFFFF086  }
0x25: {  	[simem:s6], [sflag:s4] =	dma.local [hbm:s3], $0xF7A  }
0x26: {  	[smem:$0x3F90] =	sst s1;
	(tag) =	ssettag s2;
	_ =	strace s9  }
0x27: {  	s1 =	sld [smem:$0x3FA0]  }
0x28: {  	s2 =	sld [smem:$0x3FA1]  }
0x29: {  	s4 =	sld [smem:$0x3FA3]  }
0x2a: {  	p0 =	seq.s32 s5, $0x0;
	s5 =	sld [smem:$0x3FA4]  }
0x2b: {  	s6 =	sld [smem:$0x3FA5]  }
0x2c: {  	s7 =	sld [smem:$0x3FA6]  }
0x2d: {  	s3 =	simm.s32 $0x108;
	s8 =	sld [smem:$0x3FA7]  }
0x2e: {  	s3 =	simm.s32 @!p0 $0x1082;
	s9 =	sld [smem:$0x3FA8]  }
0x2f: {  	lr =	sadd.s32 s0, s3;
	s0 =	sld [smem:$0x3F9F]  }
0x30: {  	s3 =	sld [smem:$0x3FA2]  }
0x31: {  	[smem:$0x3FAB] =	sst s10  }
0x32: {  	s10 =	sld [smem:$0x3FA9];
	_ =	sdelay $0x3  }
0x33: {  	p0 =	seq.s32 s10, $0x1;
	s10 =	sld [smem:$0x3FAB];
	_ =	sdelay $0x3  }
0x34: {  	[smem:$0x3FAB] =	sst s10  }
0x35: {  	s10 =	sld [smem:$0x3FAA];
	_ =	sdelay $0x3  }
0x36: {  	p1 =	seq.s32 s10, $0x1;
	s10 =	sld [smem:$0x3FAB];
	_ =	sdelay $0x3  }
0x37: {  	[smem:$0x3FAB] =	sst s10  }
0x38: {  	s10 =	sld [smem:$0x3FAC]  }
0x39: {  	_ = 	snop;
	(pc) =	sbr.ind lr, $3  }
0x3a: {  	_ = 	snop  }
0x3b: {  	_ = 	snop  }
0x3c: {  	p2 =	seq.s32 s10, $0x1;
	s10 =	sld [smem:$0x3FAB]  }
0x3d: {  	_ =	shalt  }
0x3e: {  	_ =	shalt  }
0x3f: {  	_ =	shalt  }
0x40: {  	_ =	shalt  }
0x41: {  	_ =	shalt  }
0x42: {  	_ =	shalt  }
0x43: {  	_ =	shalt  }
0x44: {  	_ =	shalt  }
0x45: {  	_ =	shalt  }
0x46: {  	_ =	shalt  }
0x47: {  	_ =	shalt  }
0x48: {  	_ =	shalt  }
0x49: {  	_ =	shalt  }
0x4a: {  	_ =	shalt  }
0x4b: {  	_ =	shalt  }
0x4c: {  	_ =	shalt  }
0x4d: {  	_ =	shalt  }
0x4e: {  	_ =	shalt  }
0x4f: {  	_ =	shalt  }
0x50: {  	_ =	shalt  }
0x51: {  	_ =	shalt  }
0x52: {  	_ =	shalt  }
0x53: {  	_ =	shalt  }
0x54: {  	_ =	shalt  }
0x55: {  	_ =	shalt  }
0x56: {  	_ =	shalt  }
0x57: {  	_ =	shalt  }
0x58: {  	_ =	shalt  }
0x59: {  	_ =	shalt  }
0x5a: {  	_ =	shalt  }
0x5b: {  	_ =	shalt  }
0x5c: {  	_ =	shalt  }
0x5d: {  	_ =	shalt  }
0x5e: {  	_ =	shalt  }
0x5f: {  	_ =	shalt  }
0x60: {  	_ =	shalt  }
0x61: {  	_ =	shalt  }
0x62: {  	_ =	shalt  }
0x63: {  	_ =	shalt  }
0x64: {  	_ =	shalt  }
0x65: {  	_ =	shalt  }
0x66: {  	_ =	shalt  }
0x67: {  	_ =	shalt  }
0x68: {  	_ =	shalt  }
0x69: {  	_ =	shalt  }
0x6a: {  	_ =	shalt  }
0x6b: {  	_ =	shalt  }
0x6c: {  	_ =	shalt  }
0x6d: {  	_ =	shalt  }
0x6e: {  	_ =	shalt  }
0x6f: {  	_ =	shalt  }
0x70: {  	_ =	shalt  }
0x71: {  	_ =	shalt  }
0x72: {  	_ =	shalt  }
0x73: {  	_ =	shalt  }
0x74: {  	_ =	shalt  }
0x75: {  	_ =	shalt  }
0x76: {  	_ =	shalt  }
0x77: {  	_ =	shalt  }
0x78: {  	_ =	shalt  }
0x79: {  	_ =	shalt  }
0x7a: {  	_ =	shalt  }
0x7b: {  	_ =	shalt  }
0x7c: {  	_ =	shalt  }
0x7d: {  	_ =	shalt  }
0x7e: {  	_ =	shalt  }
0x7f: {  	_ =	shalt  }
0x80: {  	_ =	shalt  }
0x81: {  	_ =	shalt  }
0x82: {  	_ =	shalt  }
0x83: {  	_ =	shalt  }
0x84: {  	_ =	shalt  }
0x85: {  	_ =	shalt  }
0x86: {  	_ =	shalt  }
0x87: {  	_ =	shalt  }
.Lfunc_end0:
.L_simem_size_0:
called_computation_lowered:
.L_overlay_start_0:
0x88: {  	s2 =	sld [smem:$0x3FD9]  }
0x89: {  	s3 =	sld [smem:$0x3FFE];
	_ =	sdelay $0x1  }
0x8a: {  	s1 =	srdreg.scid  }
0x8b: {  	s0 =	sand.u32 $0x1, s1  }
0x8c: {  	s17 =	sshll.u32 s0, $0xA;
	s2 =	sadd.s32 s3, s2  }
0x8d: {  	s2 =	sadd.s32 s2, s17  }
0x8e: {  	[smem:$0x3FB7] =	sst s2  }
0x8f: {  	_ = 	snop  }
0x90: {  	s2 =	sld [smem:$0x3FC9]  }
0x91: {  	s18 =	sld [smem:$0x3FC7]  }
0x92: {  	s4 =	sld [smem:$0x3FD0];
	(tm) =	ssettm $0x1  }
0x93: {  	s5 =	sld [smem:$0x3FFB];
	_ =	sdelay $0x3  }
0x94: {  	_ =	strace s5  }
0x95: {  	s5 =	sld [smem:$0x3FFC];
	_ =	sdelay $0x3  }
0x96: {  	_ =	strace s5  }
0x97: {  	s5 =	sld [smem:$0x3FFD];
	_ =	sdelay $0x3  }
0x98: {  	_ =	strace s5  }
0x99: {  	_ =	strace $0x8FFFFFFF  }
0x9a: {  	s19 =	sld [smem:$0x3FDB];
	_ =	sdelay $0x1  }
0x9b: {  	s6 =	simm.s32 $_scs_section_size  }
0x9c: {  	s7 =	simm.s32 $_size__tile_overlayer_lowered;
	s8 =	simm.s32 $_tile_overlayer_lowered  }
0x9d: {  	s22 =	simm.s32 $0x1BFF;
	s21 =	sshll.u32 s8, $0x1;
	s5 =	sadd.s32 s6, s19  }
0x9e: {  	s9 =	simm.s32 $0x0;
	s20 =	sshll.u32 s7, $0x1;
	s7 =	sadd.s32 s21, s5  }
0x9f: {  	[timem:s9], [sflag:s22] =	dma.local [hbm:s7], s20  }
0xa0: {  	_ =	swait.ge [sflag:s22], s20  }
0xa1: {  	s6 =	ssub.s32 $0x0, s20;
	[sflag:s22] =	ssyncset.done $0x0  }
0xa2: {  	[sflag:s22] =	ssyncadd.s32 s6;
	_ =	sdelay $0x1  }
0xa3: {  	s23 =	simm.s32 $0x1B8B  }
0xa4: {  	_ =	swait.ge [sflag:s23], $0x1  }
0xa5: {  	[sflag:s23] =	ssyncset.done $0x0  }
0xa6: {  	s25 =	simm.s32 $0x1B8E;
	s24 =	sld [smem:$0x3FFE];
	[sflag:s23] =	ssyncadd.s32 $0xFFFFFFFF  }
0xa7: {  	s26 =	simm.s32 $execute0_lowered;
	[smem:$0x3FD2] =	sst s25  }
0xa8: {  	s7 =	sshll.u32 s26, $0x1;
	_ =	strace $0x80000046;
	[dreg:$0x1] =	wrdreg $0xFFFFFFFF  }
0xa9: {  	s28 =	simm.s32 $_size_execute0_lowered;
	s5 =	sadd.s32 s5, s7;
	[dreg:$0x0] =	wrdreg $0x0  }
0xaa: {  	s7 =	sshll.u32 s28, $0x1;
	[dreg:$0x2] =	wrdreg s5  }
0xab: {  	[dreg:$0x3] =	wrdreg s7  }
0xac: {  	[dreg:$0x4] =	wrdreg $0xC0  }
0xad: {  	_ =	task [dreg:s9], $0x5FFFF  }
0xae: {  	[dreg:$0x1] =	wrdreg $0xFFFFFFFF  }
0xaf: {  	[dreg:$0x0] =	wrdreg $0x60  }
0xb0: {  	[dreg:$0x2] =	wrdreg s24  }
0xb1: {  	[dreg:$0x3] =	wrdreg s4  }
0xb2: {  	[dreg:$0x4] =	wrdreg s2  }
0xb3: {  	[dreg:$0x5] =	wrdreg s18  }
0xb4: {  	[dreg:$0x6] =	wrdreg $0xA4000  }
0xb5: {  	[dreg:$0x7] =	wrdreg $0x9  }
0xb6: {  	_ =	task.clear_ibuf [dreg:s9], $0x8FFFF;
	_ =	strace $0x90000046  }
0xb7: {  	s29 =	simm.s32 $0x9;
	_ =	strace $0x80000048  }
0xb8: {  	_ =	swait.ge [sflag:s29], $0x1  }
0xb9: {  	[sflag:s29] =	ssyncadd.s32 $0xFFFFFFFF  }
0xba: {  	_ =	strace $0x90000048  }
0xbb: {  	_ =	sfence  }
0xbc: {  	s30 =	sld [smem:$0x0];
	_ =	sdelay $0x2  }
0xbd: {  	s31 =	sshll.u32 s1, $0xD;
	s1 =	sshrl.u32 s1, $0x2  }
0xbe: {  	s3 =	sand.u32 $0x4000, s31;
	s1 =	sadd.s32 s1, s30  }
0xbf: {  	s0 =	sor.u32 s3, s0;
	s1 =	sshll.u32 s1, $0x11  }
0xc0: {  	s0 =	sor.u32 s1, s0  }
0xc1: {  	s0 =	sadd.s32 $0x8F2B, s0  }
0xc2: {  	[sflag:s0] =	ssyncadd.remote.s32 $0x1  }
0xc3: {  	_ =	sfence.sel $0xFFFF  }
0xc4: {  	[dreg:$0x0] =	wrdreg $0xFFFFFFFF;
	(pc) =	sbr.abs _section_cstart, $3  }
0xc5: {  	[dreg:$0x1] =	wrdreg $0xFFFFFFFF  }
0xc6: {  	_ =	task.clear_ibuf [dreg:s9], $0x2FFFF;
	_ =	strace $0x9FFFFFFF  }
0xc7: {  	(tm) =	ssettm $0x7FFFFFFF  }
tec
execute0_lowered:
.L_overlay_start_1:
0x0: {  	(tag) =	ssettag $0x1  }
0x1: {  	s0 =	rddreg [dreg:$0x0]  }
0x2: {  	s1 =	rddreg [dreg:$0x1]  }
0x3: {  	s3 =	rddreg [dreg:$0x2]  }
0x4: {  	s2 =	rddreg [dreg:$0x3]  }
0x5: {  	s4 =	rddreg [dreg:$0x4];
	s5 =	simm.s32 $0x0  }
0x6: {  	s6 =	srdreg.scid;
	s19 =	stileid.u32;
	s29 =	simm.s32 $0x9  }
0x7: {  	s30 =	simm.s32 $0x4;
	s31 =	simm.s32 $0x8;
	[smem:$0x7FF] =	sst s5  }
0x8: {  	s7 =	sand.u32 $0x1, s6;
	s8 =	smul.u32 $0x2710, s19;
	s6 =	sadd.s32 $0x1C00, s0  }
0x9: {  	s10 =	sadd.s32 $0x6C00, s0;
	s0 =	sadd.s32 $0x7400, s0;
	s13 =	smul.u32 $0x14000, s19  }
0xa: {  	s23 =	smul.u32 $0x271000, s19;
	_ =	strace $0x80000047;
	s9 =	ssub.s32 $0x2, s7  }
0xb: {  	[dreg:$0x6] =	wrdreg s10;
	s10 =	sshll.u32 s7, $0xA;
	s22 =	sshll.u32 s7, $0x7  }
0xc: {  	s7 =	smul.u32 $0x140000, s7;
	s18 =	sshrl.u32 s9, $0x1;
	s11 =	sshrl.u32 s8, $0x3  }
0xd: {  	s12 =	sadd.s32 $0x28, s8;
	s14 =	sadd.s32 $0x4000, s13;
	s15 =	sadd.s32 $0x8000, s13  }
0xe: {  	s28 =	sadd.s32 $0x78, s8;
	s9 =	ssub.s32 s9, s18;
	s20 =	sadd.s32 s6, s11  }
0xf: {  	s21 =	sadd.s32 s1, s11;
	s11 =	sadd.s32 s3, s22;
	s16 =	sadd.s32 s13, s7  }
0x10: {  	s17 =	sadd.s32 s7, s14;
	s18 =	sadd.s32 $0xC000, s13;
	s13 =	sadd.s32 $0x10000, s13  }
0x11: {  	s25 =	sadd.s32 s7, s15;
	s3 =	sor.u32 s10, s23;
	[dreg:$0x7] =	wrdreg s20  }
0x12: {  	s22 =	sshll.u32 s12, $0x8;
	s14 =	sadd.s32 s14, s4;
	[dreg:$0x8] =	wrdreg s21  }
0x13: {  	s16 =	sshrl.u32 s16, $0x3;
	s17 =	sshrl.u32 s17, $0x3;
	s26 =	sadd.s32 s7, s18  }
0x14: {  	s7 =	sadd.s32 s7, s13;
	[dreg:$0x13] =	wrdreg s14;
	s16 =	sadd.s32 s0, s16  }
0x15: {  	s21 =	sshrl.u32 s12, $0x3;
	s24 =	sadd.s32 s0, s17;
	[dreg:$0x9] =	wrdreg s16  }
0x16: {  	s17 =	sshrl.u32 s26, $0x3;
	s23 =	sadd.s32 s6, s21;
	[dreg:$0xa] =	wrdreg s24  }
0x17: {  	s7 =	sshrl.u32 s7, $0x3;
	s20 =	sadd.s32 s0, s17;
	[dreg:$0xe] =	wrdreg s23  }
0x18: {  	s16 =	sshrl.u32 s25, $0x3;
	s17 =	sadd.s32 s18, s4;
	[dreg:$0xc] =	wrdreg s20  }
0x19: {  	s24 =	smul.u32 $0x50000, s19;
	s18 =	sadd.s32 s13, s4;
	[dreg:$0x15] =	wrdreg s17  }
0x1a: {  	s25 =	sshrl.u32 s3, $0x3;
	s19 =	sadd.s32 $0xA0, s8;
	[dreg:$0x16] =	wrdreg s18  }
0x1b: {  	s3 =	simm.s32 $0x10;
	s16 =	sadd.s32 s0, s16;
	[dreg:$0x17] =	wrdreg s19  }
0x1c: {  	s13 =	simm.s32 $0x0;
	s0 =	sadd.s32 s0, s7;
	[dreg:$0xb] =	wrdreg s16  }
0x1d: {  	s7 =	sor.u32 s10, s22;
	s20 =	sadd.s32 $0xC8, s8;
	[dreg:$0xd] =	wrdreg s0  }
0x1e: {  	s22 =	sadd.s32 $0x118, s8;
	s18 =	simm.s32 $0x280;
	[dreg:$0x18] =	wrdreg s20  }
0x1f: {  	s19 =	simm.s32 $0x400;
	s0 =	sadd.s32 s1, s21;
	[dreg:$0x1a] =	wrdreg s22  }
0x20: {  	s26 =	sshrl.u32 s7, $0x3;
	s16 =	sadd.s32 s15, s4;
	[dreg:$0xf] =	wrdreg s0  }
0x21: {  	s12 =	sshrl.u32 s24, $0x2;
	s21 =	sadd.s32 $0xF0, s8;
	[dreg:$0x14] =	wrdreg s16  }
0x22: {  	s24 =	smax.u32 s9, $0x1;
	s9 =	simm.s32 $0x800;
	[dreg:$0x19] =	wrdreg s21  }
0x23: {  	s20 =	simm.s32 $0x1800;
	s0 =	sadd.s32 s2, s25;
	[dreg:$0x1c] =	wrdreg s24  }
0x24: {  	v0 =	vimm.s32 $0x7;
	s22 =	simm.s32 $0x2;
	s7 =	sadd.s32 s2, s26;
	[dreg:$0x10] =	wrdreg s0  }
0x25: {  	v1 =	vimm.s32 $0x1;
	v2 =	vimm.s32 $0x0;
	v3 =	vlaneseq.u32;
	s15 =	simm.s32 $0x7;
	s25 =	sshrl.u32 s28, $0x3;
	[dreg:$0x11] =	wrdreg s7  }
0x26: {  	vm0 =	vmmov $0x1;
	v4 =	vimm.s32 $0x2;
	v5 =	vimm.s32 $0x3;
	s26 =	sadd.s32 $0x50, s8;
	s0 =	sadd.s32 s12, s4;
	[dreg:$0x1e] =	wrdreg s25  }
0x27: {  	v6 =	vimm.s32 $0x4;
	v7 =	vimm.s32 $0x5;
	v8 =	vimm.s32 $0x6;
	s24 =	simm.s32 $0x6;
	s23 =	sshrl.u32 s26, $0x3;
	[dreg:$0x12] =	wrdreg s0  }
0x28: {  	v9 =	vimm.s32 $0x8;
	v10 =	vimm.s32 $0x9;
	v11 =	vimm.s32 $0xA;
	s16 =	simm.s32 $0xA;
	[dreg:$0x1b] =	wrdreg s23;
	s0 =	sadd.s32 s6, s23  }
0x29: {  	v12 =	vimm.s32 $0xB;
	v13 =	vimm.s32 $0xC;
	v14 =	vimm.s32 $0xD;
	s7 =	simm.s32 $0xF;
	[dreg:$0x1d] =	wrdreg s0;
	s0 =	sadd.s32 s6, s25  }
0x2a: {  	v15 =	vimm.s32 $0xE;
	v16 =	vimm.s32 $0xF;
	v3 =	vmul.u32 $0x8, v3;
	s12 =	simm.s32 $0x12;
	[dreg:$0x1f] =	wrdreg s0;
	s0 =	simm.s32 $0x11  }
.LBB2_1:
0x2b: {  	[smem:$0x7F7] =	sst s13  }
0x2c: {  	s8 =	rddreg [dreg:$0x7];
	s17 =	simm.s32 $0x15  }
0x2d: {  	[tilespmem:s5], [sflag:$0x15] =	stream.linear.gather [hbm4b:s8+s5], $0x28, $0x38;
	[tilespmem:$0x1E400] =	vst v63  }
0x2e: {  	_ =	swait.ge [sflag:s17], $0x28  }
0x2f: {  	[sflag:s17] =	ssyncset.done $0x0  }
0x30: {  	s25 =	simm.s32 $0x200;
	s23 =	rddreg [dreg:$0x8];
	[sflag:s17] =	ssyncadd.s32 $0xFFFFFFD8  }
0x31: {  	[tilespmem:s25], [sflag:$0x15] =	stream.linear.gather [hbm4b:s23+s5], $0x28, $0x38;
	[tilespmem:$0x1E400] =	vst v63  }
0x32: {  	_ =	swait.ge [sflag:s17], $0x28  }
0x33: {  	[sflag:s17] =	ssyncset.done $0x0  }
0x34: {  	s14 =	simm.s32 $0x80;
	s13 =	rddreg [dreg:$0xe];
	[sflag:s17] =	ssyncadd.s32 $0xFFFFFFD8  }
0x35: {  	[tilespmem:s14], [sflag:$0x15] =	stream.linear.gather [hbm4b:s13+s5], $0x28, $0x38;
	[tilespmem:$0x1E400] =	vst v63  }
0x36: {  	_ =	swait.ge [sflag:s17], $0x28  }
0x37: {  	[sflag:s17] =	ssyncset.done $0x0  }
0x38: {  	s21 =	rddreg [dreg:$0xf];
	[sflag:s17] =	ssyncadd.s32 $0xFFFFFFD8  }
0x39: {  	[tilespmem:s18], [sflag:$0x15] =	stream.linear.gather [hbm4b:s21+s5], $0x28, $0x38;
	[tilespmem:$0x1E400] =	vst v63  }
0x3a: {  	_ =	swait.ge [sflag:s17], $0x28  }
0x3b: {  	[sflag:s17] =	ssyncset.done $0x0  }
0x3c: {  	s25 =	simm.s32 $0x100;
	s23 =	rddreg [dreg:$0x1d];
	[sflag:s17] =	ssyncadd.s32 $0xFFFFFFD8  }
0x3d: {  	[tilespmem:s25], [sflag:$0xB] =	stream.linear.gather [hbm4b:s23+s5], $0x28, $0x38;
	[tilespmem:$0x1E400] =	vst v63  }
0x3e: {  	s14 =	simm.s32 $0x180;
	s13 =	rddreg [dreg:$0x1f]  }
0x3f: {  	[tilespmem:s14], [sflag:$0xC] =	stream.linear.gather [hbm4b:s13+s5], $0x28, $0x38;
	[tilespmem:$0x1E400] =	vst v63  }
0x40: {  	v17 =	vld [tilespmem:$0x0];
	_ =	sdelay $0x4  }
0x41: {  	v18 =	vshll.u32 v17, $0x1  }
0x42: {  	v17 =	vand.u32 $0x7, v17;
	v18 =	vand.u32 $0xFFFFFFF0, v18  }
0x43: {  	v17 =	vor.u32 v17, v18  }
0x44: {  	v18 =	vperm.xlane v17, v2;
	_ =	sdelay $0x1  }
0x45: {  	v19 =	vperm.xlane v17, v1;
	v18 =	vadd.s32 v3, v18;
	_ =	sdelay $0x1  }
0x46: {  	v20 =	vperm.xlane v17, v4;
	v19 =	vadd.s32 v3, v19;
	_ =	sdelay $0x1  }
0x47: {  	v21 =	vperm.xlane v17, v5;
	v20 =	vadd.s32 v3, v20  }
0x48: {  	[tilespmem:s19], [sflag:$0x1] =	stream.indirect_vreg.gather [hbm4b:s11+s5], $0x80, v18, vm0, $0xb8;
	[tilespmem:$0x1E400] =	vst v63  }
0x49: {  	s18 =	simm.s32 $0x480;
	v26 =	vperm.xlane v17, v6;
	v18 =	vadd.s32 v3, v21  }
0x4a: {  	[tilespmem:s18], [sflag:$0x1] =	stream.indirect_vreg.gather [hbm4b:s11+s5], $0x80, v19, vm0, $0xb8;
	[tilespmem:$0x1E400] =	vst v63  }
0x4b: {  	s21 =	simm.s32 $0x500;
	v27 =	vperm.xlane v17, v7;
	v19 =	vadd.s32 v3, v26  }
0x4c: {  	[tilespmem:s21], [sflag:$0x1] =	stream.indirect_vreg.gather [hbm4b:s11+s5], $0x80, v20, vm0, $0xb8;
	[tilespmem:$0x1E400] =	vst v63  }
0x4d: {  	s23 =	simm.s32 $0x580;
	v29 =	vperm.xlane v17, v8;
	v28 =	vadd.s32 v3, v27  }
0x4e: {  	[tilespmem:s23], [sflag:$0x1] =	stream.indirect_vreg.gather [hbm4b:s11+s5], $0x80, v18, vm0, $0xb8;
	[tilespmem:$0x1E400] =	vst v63  }
0x4f: {  	s25 =	simm.s32 $0x600;
	v30 =	vperm.xlane v17, v0;
	v18 =	vadd.s32 v3, v29  }
0x50: {  	[tilespmem:s25], [sflag:$0x1] =	stream.indirect_vreg.gather [hbm4b:s11+s5], $0x80, v19, vm0, $0xb8;
	[tilespmem:$0x1E400] =	vst v63  }
0x51: {  	s13 =	simm.s32 $0x680;
	v31 =	vperm.xlane v17, v9;
	v19 =	vadd.s32 v3, v30  }
0x52: {  	[tilespmem:s13], [sflag:$0x1] =	stream.indirect_vreg.gather [hbm4b:s11+s5], $0x80, v28, vm0, $0xb8;
	[tilespmem:$0x1E400] =	vst v63  }
0x53: {  	s14 =	simm.s32 $0x700;
	v33 =	vperm.xlane v17, v10;
	v32 =	vadd.s32 v3, v31  }
0x54: {  	[tilespmem:s14], [sflag:$0x1] =	stream.indirect_vreg.gather [hbm4b:s11+s5], $0x80, v18, vm0, $0xb8;
	[tilespmem:$0x1E400] =	vst v63  }
0x55: {  	v34 =	vperm.xlane v17, v11;
	s18 =	simm.s32 $0x780;
	v18 =	vadd.s32 v3, v33  }
0x56: {  	[tilespmem:s18], [sflag:$0x1] =	stream.indirect_vreg.gather [hbm4b:s11+s5], $0x80, v19, vm0, $0xb8;
	[tilespmem:$0x1E400] =	vst v63  }
0x57: {  	v35 =	vperm.xlane v17, v12;
	v19 =	vadd.s32 v3, v34  }
0x58: {  	[tilespmem:s9], [sflag:$0x1] =	stream.indirect_vreg.gather [hbm4b:s11+s5], $0x80, v32, vm0, $0xb8;
	[tilespmem:$0x1E400] =	vst v63  }
0x59: {  	v37 =	vperm.xlane v17, v13;
	v36 =	vadd.s32 v3, v35;
	s21 =	simm.s32 $0x880  }
0x5a: {  	[tilespmem:s21], [sflag:$0x1] =	stream.indirect_vreg.gather [hbm4b:s11+s5], $0x80, v18, vm0, $0xb8;
	[tilespmem:$0x1E400] =	vst v63  }
0x5b: {  	v38 =	vperm.xlane v17, v14;
	s23 =	simm.s32 $0x900;
	v18 =	vadd.s32 v3, v37  }
0x5c: {  	[tilespmem:s23], [sflag:$0x1] =	stream.indirect_vreg.gather [hbm4b:s11+s5], $0x80, v19, vm0, $0xb8;
	[tilespmem:$0x1E400] =	vst v63  }
0x5d: {  	v39 =	vperm.xlane v17, v15;
	s25 =	simm.s32 $0x980;
	v19 =	vadd.s32 v3, v38  }
0x5e: {  	[tilespmem:s25], [sflag:$0x1] =	stream.indirect_vreg.gather [hbm4b:s11+s5], $0x80, v36, vm0, $0xb8;
	[tilespmem:$0x1E400] =	vst v63  }
0x5f: {  	v17 =	vperm.xlane v17, v16;
	v40 =	vadd.s32 v3, v39;
	s13 =	simm.s32 $0xA00  }
0x60: {  	[tilespmem:s13], [sflag:$0x1] =	stream.indirect_vreg.gather [hbm4b:s11+s5], $0x80, v18, vm0, $0xb8;
	[tilespmem:$0x1E400] =	vst v63  }
0x61: {  	v17 =	vadd.s32 v3, v17;
	s14 =	simm.s32 $0xA80  }
0x62: {  	[tilespmem:s14], [sflag:$0x1] =	stream.indirect_vreg.gather [hbm4b:s11+s5], $0x80, v19, vm0, $0xb8;
	[tilespmem:$0x1E400] =	vst v63  }
0x63: {  	s18 =	simm.s32 $0xB00  }
0x64: {  	[tilespmem:s18], [sflag:$0x1] =	stream.indirect_vreg.gather [hbm4b:s11+s5], $0x80, v40, vm0, $0xb8;
	[tilespmem:$0x1E400] =	vst v63  }
0x65: {  	s21 =	simm.s32 $0xB80  }
0x66: {  	[tilespmem:s21], [sflag:$0x1] =	stream.indirect_vreg.gather [hbm4b:s11+s5], $0x80, v17, vm0, $0xb8;
	[tilespmem:$0x1E400] =	vst v63  }
0x67: {  	v17 =	vld [tilespmem:$0x10];
	_ =	sdelay $0x4  }
0x68: {  	v18 =	vshll.u32 v17, $0x1  }
0x69: {  	v17 =	vand.u32 $0x7, v17;
	v18 =	vand.u32 $0xFFFFFFF0, v18  }
0x6a: {  	v17 =	vor.u32 v17, v18  }
0x6b: {  	v18 =	vperm.xlane v17, v2;
	_ =	sdelay $0x1  }
0x6c: {  	v19 =	vperm.xlane v17, v1;
	v18 =	vadd.s32 v3, v18;
	_ =	sdelay $0x1  }
0x6d: {  	v41 =	vperm.xlane v17, v4;
	v19 =	vadd.s32 v3, v19;
	_ =	sdelay $0x1  }
0x6e: {  	s23 =	simm.s32 $0xC00;
	v42 =	vperm.xlane v17, v5;
	v20 =	vadd.s32 v3, v41  }
0x6f: {  	[tilespmem:s23], [sflag:$0x1] =	stream.indirect_vreg.gather [hbm4b:s11+s5], $0x80, v18, vm0, $0xb8;
	[tilespmem:$0x1E400] =	vst v63  }
0x70: {  	s25 =	simm.s32 $0xC80;
	v43 =	vperm.xlane v17, v6;
	v18 =	vadd.s32 v3, v42  }
0x71: {  	[tilespmem:s25], [sflag:$0x1] =	stream.indirect_vreg.gather [hbm4b:s11+s5], $0x80, v19, vm0, $0xb8;
	[tilespmem:$0x1E400] =	vst v63  }
0x72: {  	s13 =	simm.s32 $0xD00;
	v44 =	vperm.xlane v17, v7;
	v19 =	vadd.s32 v3, v43  }
0x73: {  	[tilespmem:s13], [sflag:$0x1] =	stream.indirect_vreg.gather [hbm4b:s11+s5], $0x80, v20, vm0, $0xb8;
	[tilespmem:$0x1E400] =	vst v63  }
0x74: {  	s14 =	simm.s32 $0xD80;
	v46 =	vperm.xlane v17, v8;
	v45 =	vadd.s32 v3, v44  }
0x75: {  	[tilespmem:s14], [sflag:$0x1] =	stream.indirect_vreg.gather [hbm4b:s11+s5], $0x80, v18, vm0, $0xb8;
	[tilespmem:$0x1E400] =	vst v63  }
0x76: {  	s18 =	simm.s32 $0xE00;
	v47 =	vperm.xlane v17, v0;
	v18 =	vadd.s32 v3, v46  }
0x77: {  	[tilespmem:s18], [sflag:$0x1] =	stream.indirect_vreg.gather [hbm4b:s11+s5], $0x80, v19, vm0, $0xb8;
	[tilespmem:$0x1E400] =	vst v63  }
0x78: {  	s21 =	simm.s32 $0xE80;
	v48 =	vperm.xlane v17, v9;
	v19 =	vadd.s32 v3, v47  }
0x79: {  	[tilespmem:s21], [sflag:$0x1] =	stream.indirect_vreg.gather [hbm4b:s11+s5], $0x80, v45, vm0, $0xb8;
	[tilespmem:$0x1E400] =	vst v63  }
0x7a: {  	v50 =	vperm.xlane v17, v10;
	v49 =	vadd.s32 v3, v48;
	s23 =	simm.s32 $0xF00  }
0x7b: {  	[tilespmem:s23], [sflag:$0x1] =	stream.indirect_vreg.gather [hbm4b:s11+s5], $0x80, v18, vm0, $0xb8;
	[tilespmem:$0x1E400] =	vst v63  }
0x7c: {  	v51 =	vperm.xlane v17, v11;
	s25 =	simm.s32 $0xF80;
	v18 =	vadd.s32 v3, v50  }
0x7d: {  	[tilespmem:s25], [sflag:$0x1] =	stream.indirect_vreg.gather [hbm4b:s11+s5], $0x80, v19, vm0, $0xb8;
	[tilespmem:$0x1E400] =	vst v63  }
0x7e: {  	v52 =	vperm.xlane v17, v12;
	s13 =	simm.s32 $0x1000;
	v19 =	vadd.s32 v3, v51  }
0x7f: {  	[tilespmem:s13], [sflag:$0x1] =	stream.indirect_vreg.gather [hbm4b:s11+s5], $0x80, v49, vm0, $0xb8;
	[tilespmem:$0x1E400] =	vst v63  }
0x80: {  	v54 =	vperm.xlane v17, v13;
	v53 =	vadd.s32 v3, v52;
	s14 =	simm.s32 $0x1080  }
0x81: {  	[tilespmem:s14], [sflag:$0x1] =	stream.indirect_vreg.gather [hbm4b:s11+s5], $0x80, v18, vm0, $0xb8;
	[tilespmem:$0x1E400] =	vst v63  }
0x82: {  	v55 =	vperm.xlane v17, v14;
	s18 =	simm.s32 $0x1100;
	v18 =	vadd.s32 v3, v54  }
0x83: {  	[tilespmem:s18], [sflag:$0x1] =	stream.indirect_vreg.gather [hbm4b:s11+s5], $0x80, v19, vm0, $0xb8;
	[tilespmem:$0x1E400] =	vst v63  }
0x84: {  	v56 =	vperm.xlane v17, v15;
	s21 =	simm.s32 $0x1180;
	v19 =	vadd.s32 v3, v55  }
0x85: {  	[tilespmem:s21], [sflag:$0x1] =	stream.indirect_vreg.gather [hbm4b:s11+s5], $0x80, v53, vm0, $0xb8;
	[tilespmem:$0x1E400] =	vst v63  }
0x86: {  	v17 =	vperm.xlane v17, v16;
	v57 =	vadd.s32 v3, v56;
	s23 =	simm.s32 $0x1200  }
0x87: {  	[tilespmem:s23], [sflag:$0x1] =	stream.indirect_vreg.gather [hbm4b:s11+s5], $0x80, v18, vm0, $0xb8;
	[tilespmem:$0x1E400] =	vst v63  }
0x88: {  	v17 =	vadd.s32 v3, v17;
	s25 =	simm.s32 $0x1280  }
0x89: {  	[tilespmem:s25], [sflag:$0x1] =	stream.indirect_vreg.gather [hbm4b:s11+s5], $0x80, v19, vm0, $0xb8;
	[tilespmem:$0x1E400] =	vst v63  }
0x8a: {  	s13 =	simm.s32 $0x1300  }
0x8b: {  	[tilespmem:s13], [sflag:$0x1] =	stream.indirect_vreg.gather [hbm4b:s11+s5], $0x80, v57, vm0, $0xb8;
	[tilespmem:$0x1E400] =	vst v63  }
0x8c: {  	s14 =	simm.s32 $0x1380  }
0x8d: {  	[tilespmem:s14], [sflag:$0x1] =	stream.indirect_vreg.gather [hbm4b:s11+s5], $0x80, v17, vm0, $0xb8;
	[tilespmem:$0x1E400] =	vst v63  }
0x8e: {  	v17 =	vld.msk [tilespmem:$0x20], $0xff;
	_ =	sdelay $0x4  }
0x8f: {  	v18 =	vshll.u32 v17, $0x1  }
0x90: {  	v17 =	vand.u32 $0x7, v17;
	v18 =	vand.u32 $0xFFFFFFF0, v18  }
0x91: {  	v17 =	vor.u32 v17, v18  }
0x92: {  	v18 =	vperm.xlane v17, v2;
	_ =	sdelay $0x1  }
0x93: {  	v19 =	vperm.xlane v17, v1;
	v18 =	vadd.s32 v3, v18;
	_ =	sdelay $0x1  }
0x94: {  	v58 =	vperm.xlane v17, v4;
	v19 =	vadd.s32 v3, v19;
	_ =	sdelay $0x1  }
0x95: {  	s18 =	simm.s32 $0x1400;
	v59 =	vperm.xlane v17, v5;
	v20 =	vadd.s32 v3, v58  }
0x96: {  	[tilespmem:s18], [sflag:$0x1] =	stream.indirect_vreg.gather [hbm4b:s11+s5], $0x80, v18, vm0, $0xb8;
	[tilespmem:$0x1E400] =	vst v63  }
0x97: {  	s21 =	simm.s32 $0x1480;
	v60 =	vperm.xlane v17, v6;
	v18 =	vadd.s32 v3, v59  }
0x98: {  	[tilespmem:s21], [sflag:$0x1] =	stream.indirect_vreg.gather [hbm4b:s11+s5], $0x80, v19, vm0, $0xb8;
	[tilespmem:$0x1E400] =	vst v63  }
0x99: {  	s23 =	simm.s32 $0x1500;
	v61 =	vperm.xlane v17, v7;
	v19 =	vadd.s32 v3, v60  }
0x9a: {  	[tilespmem:s23], [sflag:$0x1] =	stream.indirect_vreg.gather [hbm4b:s11+s5], $0x80, v20, vm0, $0xb8;
	[tilespmem:$0x1E400] =	vst v63  }
0x9b: {  	s25 =	simm.s32 $0x1580;
	v63 =	vperm.xlane v17, v8;
	v62 =	vadd.s32 v3, v61  }
0x9c: {  	[tilespmem:s25], [sflag:$0x1] =	stream.indirect_vreg.gather [hbm4b:s11+s5], $0x80, v18, vm0, $0xb8;
	[tilespmem:$0x1E400] =	vst v63  }
0x9d: {  	s13 =	simm.s32 $0x1600;
	v17 =	vperm.xlane v17, v0;
	v18 =	vadd.s32 v3, v63  }
0x9e: {  	[tilespmem:s13], [sflag:$0x1] =	stream.indirect_vreg.gather [hbm4b:s11+s5], $0x80, v19, vm0, $0xb8;
	[tilespmem:$0x1E400] =	vst v63  }
0x9f: {  	s14 =	simm.s32 $0x1680;
	v17 =	vadd.s32 v3, v17  }
0xa0: {  	[tilespmem:s14], [sflag:$0x1] =	stream.indirect_vreg.gather [hbm4b:s11+s5], $0x80, v62, vm0, $0xb8;
	[tilespmem:$0x1E400] =	vst v63  }
0xa1: {  	s18 =	simm.s32 $0x1700  }
0xa2: {  	[tilespmem:s18], [sflag:$0x1] =	stream.indirect_vreg.gather [hbm4b:s11+s5], $0x80, v18, vm0, $0xb8;
	[tilespmem:$0x1E400] =	vst v63  }
0xa3: {  	s21 =	simm.s32 $0x1780  }
0xa4: {  	[tilespmem:s21], [sflag:$0x1] =	stream.indirect_vreg.gather [hbm4b:s11+s5], $0x80, v17, vm0, $0xb8;
	[tilespmem:$0x1E400] =	vst v63  }
0xa5: {  	s23 =	rddreg [dreg:$0x10];
	s25 =	simm.s32 $0x5400  }
0xa6: {  	[tilespmem:s25], [sflag:$0x5] =	stream.strided.gather [hbm4b:s23+s19], $0x1400, s9, s19, $0x38;
	[tilespmem:$0x1E400] =	vst v63  }
0xa7: {  	v17 =	vld [tilespmem:$0x80];
	_ =	sdelay $0x4  }
0xa8: {  	v18 =	vshll.u32 v17, $0x1  }
0xa9: {  	v17 =	vand.u32 $0x7, v17;
	v18 =	vand.u32 $0xFFFFFFF0, v18  }
0xaa: {  	v17 =	vor.u32 v17, v18  }
0xab: {  	v18 =	vperm.xlane v17, v2;
	_ =	sdelay $0x1  }
0xac: {  	v19 =	vperm.xlane v17, v1;
	v18 =	vadd.s32 v3, v18;
	_ =	sdelay $0x1  }
0xad: {  	v24 =	vperm.xlane v17, v4;
	v19 =	vadd.s32 v3, v19;
	_ =	sdelay $0x1  }
0xae: {  	v25 =	vperm.xlane v17, v5;
	v20 =	vadd.s32 v3, v24  }
0xaf: {  	[tilespmem:s20], [sflag:$0x2] =	stream.indirect_vreg.gather [hbm4b:s11+s5], $0x80, v18, vm0, $0xb8;
	[tilespmem:$0x1E400] =	vst v63  }
0xb0: {  	s14 =	simm.s32 $0x1880;
	v26 =	vperm.xlane v17, v6;
	v18 =	vadd.s32 v3, v25  }
0xb1: {  	[tilespmem:s14], [sflag:$0x2] =	stream.indirect_vreg.gather [hbm4b:s11+s5], $0x80, v19, vm0, $0xb8;
	[tilespmem:$0x1E400] =	vst v63  }
0xb2: {  	s18 =	simm.s32 $0x1900;
	v27 =	vperm.xlane v17, v7;
	v19 =	vadd.s32 v3, v26  }
0xb3: {  	[tilespmem:s18], [sflag:$0x2] =	stream.indirect_vreg.gather [hbm4b:s11+s5], $0x80, v20, vm0, $0xb8;
	[tilespmem:$0x1E400] =	vst v63  }
0xb4: {  	v29 =	vperm.xlane v17, v8;
	v28 =	vadd.s32 v3, v27;
	s20 =	simm.s32 $0x1980  }
0xb5: {  	[tilespmem:s20], [sflag:$0x2] =	stream.indirect_vreg.gather [hbm4b:s11+s5], $0x80, v18, vm0, $0xb8;
	[tilespmem:$0x1E400] =	vst v63  }
0xb6: {  	s21 =	simm.s32 $0x1A00;
	v30 =	vperm.xlane v17, v0;
	v18 =	vadd.s32 v3, v29  }
0xb7: {  	[tilespmem:s21], [sflag:$0x2] =	stream.indirect_vreg.gather [hbm4b:s11+s5], $0x80, v19, vm0, $0xb8;
	[tilespmem:$0x1E400] =	vst v63  }
0xb8: {  	s23 =	simm.s32 $0x1A80;
	v31 =	vperm.xlane v17, v9;
	v19 =	vadd.s32 v3, v30  }
0xb9: {  	[tilespmem:s23], [sflag:$0x2] =	stream.indirect_vreg.gather [hbm4b:s11+s5], $0x80, v28, vm0, $0xb8;
	[tilespmem:$0x1E400] =	vst v63  }
0xba: {  	s25 =	simm.s32 $0x1B00;
	v33 =	vperm.xlane v17, v10;
	v32 =	vadd.s32 v3, v31  }
0xbb: {  	[tilespmem:s25], [sflag:$0x2] =	stream.indirect_vreg.gather [hbm4b:s11+s5], $0x80, v18, vm0, $0xb8;
	[tilespmem:$0x1E400] =	vst v63  }
0xbc: {  	s13 =	simm.s32 $0x1B80;
	v34 =	vperm.xlane v17, v11;
	v18 =	vadd.s32 v3, v33  }
0xbd: {  	[tilespmem:s13], [sflag:$0x2] =	stream.indirect_vreg.gather [hbm4b:s11+s5], $0x80, v19, vm0, $0xb8;
	[tilespmem:$0x1E400] =	vst v63  }
0xbe: {  	v35 =	vperm.xlane v17, v12;
	s14 =	simm.s32 $0x1C00;
	v19 =	vadd.s32 v3, v34  }
0xbf: {  	[tilespmem:s14], [sflag:$0x2] =	stream.indirect_vreg.gather [hbm4b:s11+s5], $0x80, v32, vm0, $0xb8;
	[tilespmem:$0x1E400] =	vst v63  }
0xc0: {  	v37 =	vperm.xlane v17, v13;
	v36 =	vadd.s32 v3, v35;
	s18 =	simm.s32 $0x1C80  }
0xc1: {  	[tilespmem:s18], [sflag:$0x2] =	stream.indirect_vreg.gather [hbm4b:s11+s5], $0x80, v18, vm0, $0xb8;
	[tilespmem:$0x1E400] =	vst v63  }
0xc2: {  	v38 =	vperm.xlane v17, v14;
	s20 =	simm.s32 $0x1D00;
	v18 =	vadd.s32 v3, v37  }
0xc3: {  	[tilespmem:s20], [sflag:$0x2] =	stream.indirect_vreg.gather [hbm4b:s11+s5], $0x80, v19, vm0, $0xb8;
	[tilespmem:$0x1E400] =	vst v63  }
0xc4: {  	v39 =	vperm.xlane v17, v15;
	s21 =	simm.s32 $0x1D80;
	v19 =	vadd.s32 v3, v38  }
0xc5: {  	[tilespmem:s21], [sflag:$0x2] =	stream.indirect_vreg.gather [hbm4b:s11+s5], $0x80, v36, vm0, $0xb8;
	[tilespmem:$0x1E400] =	vst v63  }
0xc6: {  	v17 =	vperm.xlane v17, v16;
	v40 =	vadd.s32 v3, v39;
	s23 =	simm.s32 $0x1E00  }
0xc7: {  	[tilespmem:s23], [sflag:$0x2] =	stream.indirect_vreg.gather [hbm4b:s11+s5], $0x80, v18, vm0, $0xb8;
	[tilespmem:$0x1E400] =	vst v63  }
0xc8: {  	v17 =	vadd.s32 v3, v17;
	s25 =	simm.s32 $0x1E80  }
0xc9: {  	[tilespmem:s25], [sflag:$0x2] =	stream.indirect_vreg.gather [hbm4b:s11+s5], $0x80, v19, vm0, $0xb8;
	[tilespmem:$0x1E400] =	vst v63  }
0xca: {  	s13 =	simm.s32 $0x1F00  }
0xcb: {  	[tilespmem:s13], [sflag:$0x2] =	stream.indirect_vreg.gather [hbm4b:s11+s5], $0x80, v40, vm0, $0xb8;
	[tilespmem:$0x1E400] =	vst v63  }
0xcc: {  	s14 =	simm.s32 $0x1F80  }
0xcd: {  	[tilespmem:s14], [sflag:$0x2] =	stream.indirect_vreg.gather [hbm4b:s11+s5], $0x80, v17, vm0, $0xb8;
	[tilespmem:$0x1E400] =	vst v63  }
0xce: {  	v17 =	vld [tilespmem:$0x90];
	_ =	sdelay $0x4  }
0xcf: {  	v18 =	vshll.u32 v17, $0x1  }
0xd0: {  	v17 =	vand.u32 $0x7, v17;
	v18 =	vand.u32 $0xFFFFFFF0, v18  }
0xd1: {  	v17 =	vor.u32 v17, v18  }
0xd2: {  	v18 =	vperm.xlane v17, v2;
	_ =	sdelay $0x1  }
0xd3: {  	v19 =	vperm.xlane v17, v1;
	v18 =	vadd.s32 v3, v18;
	_ =	sdelay $0x1  }
0xd4: {  	v41 =	vperm.xlane v17, v4;
	v19 =	vadd.s32 v3, v19;
	_ =	sdelay $0x1  }
0xd5: {  	s18 =	simm.s32 $0x2000;
	v42 =	vperm.xlane v17, v5;
	v20 =	vadd.s32 v3, v41  }
0xd6: {  	[tilespmem:s18], [sflag:$0x2] =	stream.indirect_vreg.gather [hbm4b:s11+s5], $0x80, v18, vm0, $0xb8;
	[tilespmem:$0x1E400] =	vst v63  }
0xd7: {  	s20 =	simm.s32 $0x2080;
	v43 =	vperm.xlane v17, v6;
	v18 =	vadd.s32 v3, v42  }
0xd8: {  	[tilespmem:s20], [sflag:$0x2] =	stream.indirect_vreg.gather [hbm4b:s11+s5], $0x80, v19, vm0, $0xb8;
	[tilespmem:$0x1E400] =	vst v63  }
0xd9: {  	s21 =	simm.s32 $0x2100;
	v44 =	vperm.xlane v17, v7;
	v19 =	vadd.s32 v3, v43  }
0xda: {  	[tilespmem:s21], [sflag:$0x2] =	stream.indirect_vreg.gather [hbm4b:s11+s5], $0x80, v20, vm0, $0xb8;
	[tilespmem:$0x1E400] =	vst v63  }
0xdb: {  	s23 =	simm.s32 $0x2180;
	v46 =	vperm.xlane v17, v8;
	v45 =	vadd.s32 v3, v44  }
0xdc: {  	[tilespmem:s23], [sflag:$0x2] =	stream.indirect_vreg.gather [hbm4b:s11+s5], $0x80, v18, vm0, $0xb8;
	[tilespmem:$0x1E400] =	vst v63  }
0xdd: {  	s25 =	simm.s32 $0x2200;
	v47 =	vperm.xlane v17, v0;
	v18 =	vadd.s32 v3, v46  }
0xde: {  	[tilespmem:s25], [sflag:$0x2] =	stream.indirect_vreg.gather [hbm4b:s11+s5], $0x80, v19, vm0, $0xb8;
	[tilespmem:$0x1E400] =	vst v63  }
0xdf: {  	s13 =	simm.s32 $0x2280;
	v48 =	vperm.xlane v17, v9;
	v19 =	vadd.s32 v3, v47  }
0xe0: {  	[tilespmem:s13], [sflag:$0x2] =	stream.indirect_vreg.gather [hbm4b:s11+s5], $0x80, v45, vm0, $0xb8;
	[tilespmem:$0x1E400] =	vst v63  }
0xe1: {  	s14 =	simm.s32 $0x2300;
	v50 =	vperm.xlane v17, v10;
	v49 =	vadd.s32 v3, v48  }
0xe2: {  	[tilespmem:s14], [sflag:$0x2] =	stream.indirect_vreg.gather [hbm4b:s11+s5], $0x80, v18, vm0, $0xb8;
	[tilespmem:$0x1E400] =	vst v63  }
0xe3: {  	v51 =	vperm.xlane v17, v11;
	s18 =	simm.s32 $0x2380;
	v18 =	vadd.s32 v3, v50  }
0xe4: {  	[tilespmem:s18], [sflag:$0x2] =	stream.indirect_vreg.gather [hbm4b:s11+s5], $0x80, v19, vm0, $0xb8;
	[tilespmem:$0x1E400] =	vst v63  }
0xe5: {  	v52 =	vperm.xlane v17, v12;
	s20 =	simm.s32 $0x2400;
	v19 =	vadd.s32 v3, v51  }
0xe6: {  	[tilespmem:s20], [sflag:$0x2] =	stream.indirect_vreg.gather [hbm4b:s11+s5], $0x80, v49, vm0, $0xb8;
	[tilespmem:$0x1E400] =	vst v63  }
0xe7: {  	v54 =	vperm.xlane v17, v13;
	v53 =	vadd.s32 v3, v52;
	s21 =	simm.s32 $0x2480  }
0xe8: {  	[tilespmem:s21], [sflag:$0x2] =	stream.indirect_vreg.gather [hbm4b:s11+s5], $0x80, v18, vm0, $0xb8;
	[tilespmem:$0x1E400] =	vst v63  }
0xe9: {  	v55 =	vperm.xlane v17, v14;
	s23 =	simm.s32 $0x2500;
	v18 =	vadd.s32 v3, v54  }
0xea: {  	[tilespmem:s23], [sflag:$0x2] =	stream.indirect_vreg.gather [hbm4b:s11+s5], $0x80, v19, vm0, $0xb8;
	[tilespmem:$0x1E400] =	vst v63  }
0xeb: {  	v56 =	vperm.xlane v17, v15;
	s25 =	simm.s32 $0x2580;
	v19 =	vadd.s32 v3, v55  }
0xec: {  	[tilespmem:s25], [sflag:$0x2] =	stream.indirect_vreg.gather [hbm4b:s11+s5], $0x80, v53, vm0, $0xb8;
	[tilespmem:$0x1E400] =	vst v63  }
0xed: {  	v17 =	vperm.xlane v17, v16;
	v57 =	vadd.s32 v3, v56;
	s13 =	simm.s32 $0x2600  }
0xee: {  	[tilespmem:s13], [sflag:$0x2] =	stream.indirect_vreg.gather [hbm4b:s11+s5], $0x80, v18, vm0, $0xb8;
	[tilespmem:$0x1E400] =	vst v63  }
0xef: {  	v17 =	vadd.s32 v3, v17;
	s14 =	simm.s32 $0x2680  }
0xf0: {  	[tilespmem:s14], [sflag:$0x2] =	stream.indirect_vreg.gather [hbm4b:s11+s5], $0x80, v19, vm0, $0xb8;
	[tilespmem:$0x1E400] =	vst v63  }
0xf1: {  	s18 =	simm.s32 $0x2700  }
0xf2: {  	[tilespmem:s18], [sflag:$0x2] =	stream.indirect_vreg.gather [hbm4b:s11+s5], $0x80, v57, vm0, $0xb8;
	[tilespmem:$0x1E400] =	vst v63  }
0xf3: {  	s20 =	simm.s32 $0x2780  }
0xf4: {  	[tilespmem:s20], [sflag:$0x2] =	stream.indirect_vreg.gather [hbm4b:s11+s5], $0x80, v17, vm0, $0xb8;
	[tilespmem:$0x1E400] =	vst v63  }
0xf5: {  	v17 =	vld.msk [tilespmem:$0xA0], $0xff;
	_ =	sdelay $0x4  }
0xf6: {  	v18 =	vshll.u32 v17, $0x1  }
0xf7: {  	v17 =	vand.u32 $0x7, v17;
	v18 =	vand.u32 $0xFFFFFFF0, v18  }
0xf8: {  	v17 =	vor.u32 v17, v18  }
0xf9: {  	v18 =	vperm.xlane v17, v2;
	_ =	sdelay $0x1  }
0xfa: {  	v19 =	vperm.xlane v17, v1;
	v18 =	vadd.s32 v3, v18;
	_ =	sdelay $0x1  }
0xfb: {  	v58 =	vperm.xlane v17, v4;
	v19 =	vadd.s32 v3, v19;
	_ =	sdelay $0x1  }
0xfc: {  	s21 =	simm.s32 $0x2800;
	v59 =	vperm.xlane v17, v5;
	v20 =	vadd.s32 v3, v58  }
0xfd: {  	[tilespmem:s21], [sflag:$0x2] =	stream.indirect_vreg.gather [hbm4b:s11+s5], $0x80, v18, vm0, $0xb8;
	[tilespmem:$0x1E400] =	vst v63  }
0xfe: {  	s23 =	simm.s32 $0x2880;
	v18 =	vadd.s32 v3, v59  }
0xff: {  	v60 =	vperm.xlane v17, v6;
	[tilespmem:s23], [sflag:$0x2] =	stream.indirect_vreg.gather [hbm4b:s11+s5], $0x80, v19, vm0, $0xb8;
	[tilespmem:$0x1E400] =	vst v63  }
0x100: {  	s25 =	simm.s32 $0x2900  }
0x101: {  	v61 =	vperm.xlane v17, v7;
	v19 =	vadd.s32 v3, v60;
	[tilespmem:s25], [sflag:$0x2] =	stream.indirect_vreg.gather [hbm4b:s11+s5], $0x80, v20, vm0, $0xb8;
	[tilespmem:$0x1E400] =	vst v63  }
0x102: {  	s13 =	simm.s32 $0x2980  }
0x103: {  	v63 =	vperm.xlane v17, v8;
	v62 =	vadd.s32 v3, v61;
	[tilespmem:s13], [sflag:$0x2] =	stream.indirect_vreg.gather [hbm4b:s11+s5], $0x80, v18, vm0, $0xb8;
	[tilespmem:$0x1E400] =	vst v63  }
0x104: {  	s13 =	stileid.u32  }
0x105: {  	s14 =	simm.s32 $0x2A00;
	v17 =	vperm.xlane v17, v0;
	s23 =	rddreg [dreg:$0x11];
	v18 =	vadd.s32 v3, v63;
	s8 =	sshll.u32 s13, $0x6  }
0x106: {  	[tilespmem:s14], [sflag:$0x2] =	stream.indirect_vreg.gather [hbm4b:s11+s5], $0x80, v19, vm0, $0xb8;
	[tilespmem:$0x1E400] =	vst v63  }
0x107: {  	s18 =	simm.s32 $0x2A80;
	v17 =	vadd.s32 v3, v17;
	[smem:$0x7F8] =	sst s8  }
0x108: {  	[tilespmem:s18], [sflag:$0x2] =	stream.indirect_vreg.gather [hbm4b:s11+s5], $0x80, v62, vm0, $0xb8;
	[tilespmem:$0x1E400] =	vst v63  }
0x109: {  	s20 =	simm.s32 $0x2B00;
	s14 =	rddreg [dreg:$0x12]  }
0x10a: {  	[tilespmem:s20], [sflag:$0x2] =	stream.indirect_vreg.gather [hbm4b:s11+s5], $0x80, v18, vm0, $0xb8;
	[tilespmem:$0x1E400] =	vst v63  }
0x10b: {  	s21 =	simm.s32 $0x2B80;
	s14 =	sshrl.u32 s14, $0x3;
	s18 =	rddreg [dreg:$0x6]  }
0x10c: {  	[tilespmem:s21], [sflag:$0x2] =	stream.indirect_vreg.gather [hbm4b:s11+s5], $0x80, v17, vm0, $0xb8;
	[tilespmem:$0x1E400] =	vst v63  }
0x10d: {  	s25 =	simm.s32 $0x6800;
	s8 =	sor.u32 $0x1C15, s8;
	[smem:$0x7F9] =	sst s14  }
0x10e: {  	[tilespmem:s25], [sflag:$0x6] =	stream.strided.gather [hbm4b:s23+s19], $0x1400, s9, s19, $0x38;
	[tilespmem:$0x1E400] =	vst v63  }
0x10f: {  	[spmem:s14], [sflag:s8] =	dma.local [hbm:s18], $0x800  }
0x110: {  	_ =	swait.ge [sflag:s17], $0x800  }
0x111: {  	s20 =	rddreg [dreg:$0x13]  }
0x112: {  	[sflag:s17] =	ssyncset.done $0x0;
	s14 =	sshrl.u32 s20, $0x3  }
0x113: {  	[sflag:s17] =	ssyncadd.s32 $0xFFFFF800;
	[smem:$0x7FA] =	sst s14  }
0x114: {  	[spmem:s14], [sflag:s8] =	dma.local [hbm:s18], $0x800  }
0x115: {  	_ =	swait.ge [sflag:s17], $0x800  }
0x116: {  	s21 =	rddreg [dreg:$0x14]  }
0x117: {  	[sflag:s17] =	ssyncset.done $0x0;
	s14 =	sshrl.u32 s21, $0x3  }
0x118: {  	[sflag:s17] =	ssyncadd.s32 $0xFFFFF800;
	[smem:$0x7FB] =	sst s14  }
0x119: {  	[spmem:s14], [sflag:s8] =	dma.local [hbm:s18], $0x800  }
0x11a: {  	_ =	swait.ge [sflag:s17], $0x800  }
0x11b: {  	s23 =	rddreg [dreg:$0x15]  }
0x11c: {  	[sflag:s17] =	ssyncset.done $0x0;
	s14 =	sshrl.u32 s23, $0x3  }
0x11d: {  	[sflag:s17] =	ssyncadd.s32 $0xFFFFF800;
	[smem:$0x7FC] =	sst s14  }
0x11e: {  	[spmem:s14], [sflag:s8] =	dma.local [hbm:s18], $0x800  }
0x11f: {  	_ =	swait.ge [sflag:s17], $0x800  }
0x120: {  	s25 =	rddreg [dreg:$0x16]  }
0x121: {  	[sflag:s17] =	ssyncset.done $0x0;
	s14 =	sshrl.u32 s25, $0x3  }
0x122: {  	[sflag:s17] =	ssyncadd.s32 $0xFFFFF800;
	[smem:$0x7FD] =	sst s14  }
0x123: {  	[spmem:s14], [sflag:s8] =	dma.local [hbm:s18], $0x800  }
0x124: {  	_ =	swait.ge [sflag:s17], $0x800  }
0x125: {  	[sflag:s17] =	ssyncset.done $0x0  }
0x126: {  	[sflag:s17] =	ssyncadd.s32 $0xFFFFF800  }
0x127: {  	s21 =	simm.s32 $0x0;
	[bflag:$0x0] =	sbarrier.arrive $0xFFFF  }
.LBB2_2:
0x128: {  	s8 =	simm.s32 $0x1  }
0x129: {  	_ =	swait.ge [sflag:s8], $0x1400  }
0x12a: {  	[sflag:s8] =	ssyncset.done $0x0  }
0x12b: {  	s25 =	simm.s32 $0x5;
	[sflag:s8] =	ssyncadd.s32 $0xFFFFEC00  }
0x12c: {  	_ =	swait.ge [sflag:s25], $0x1400  }
0x12d: {  	[sflag:s25] =	ssyncset.done $0x0  }
0x12e: {  	s8 =	simm.s32 $0xF0;
	[sflag:s25] =	ssyncadd.s32 $0xFFFFEC00  }
0x12f: {  	v23 =	vld [tilespmem:s8+$0x5310]  }
0x130: {  	v24 =	vld [tilespmem:s8+$0x5320]  }
0x131: {  	v25 =	vld [tilespmem:s8+$0x5330]  }
0x132: {  	v26 =	vld [tilespmem:s8+$0x5340]  }
0x133: {  	v27 =	vld [tilespmem:s8+$0x5350]  }
0x134: {  	v28 =	vld [tilespmem:s8+$0x5360]  }
0x135: {  	v29 =	vld [tilespmem:s8+$0x5370]  }
0x136: {  	v30 =	vld [tilespmem:s8+$0x5380]  }
0x137: {  	v31 =	vld [tilespmem:s8+$0x5390]  }
0x138: {  	v32 =	vld [tilespmem:s8+$0x53A0]  }
0x139: {  	v22 =	vld [tilespmem:s8+$0x53B0]  }
0x13a: {  	v21 =	vld [tilespmem:s8+$0x53C0]  }
0x13b: {  	v20 =	vld [tilespmem:s8+$0x53D0]  }
0x13c: {  	v33 =	vld [tilespmem:s8+$0x310]  }
0x13d: {  	v34 =	vld [tilespmem:s8+$0x320]  }
0x13e: {  	v19 =	vld [tilespmem:s8+$0x53E0]  }
0x13f: {  	v35 =	vld [tilespmem:s8+$0x330]  }
0x140: {  	v36 =	vld [tilespmem:s8+$0x340]  }
0x141: {  	v18 =	vld [tilespmem:s8+$0x53F0];
	v23 =	vadd.f32 v23, v33  }
0x142: {  	v37 =	vld [tilespmem:s8+$0x350];
	v24 =	vadd.f32 v24, v34  }
0x143: {  	v60 =	vld [tilespmem:s8+$0x360];
	v23 =	vmax.f32 v23, $0.0e+00  }
0x144: {  	v17 =	vld [tilespmem:s8+$0x5400];
	v24 =	vmax.f32 v24, $0.0e+00;
	[tilespmem:s8+$0x310] =	vst v23;
	v23 =	vadd.f32 v25, v35  }
0x145: {  	v38 =	vld [tilespmem:s8+$0x370];
	[tilespmem:s8+$0x320] =	vst v24;
	v24 =	vadd.f32 v26, v36  }
0x146: {  	v61 =	vld [tilespmem:s8+$0x380];
	v23 =	vmax.f32 v23, $0.0e+00  }
0x147: {  	v62 =	vld [tilespmem:s8+$0x390];
	v25 =	vmax.f32 v24, $0.0e+00;
	[tilespmem:s8+$0x330] =	vst v23;
	v23 =	vadd.f32 v27, v37  }
0x148: {  	v63 =	vld [tilespmem:s8+$0x3A0];
	[tilespmem:s8+$0x340] =	vst v25;
	v25 =	vadd.f32 v28, v60  }
0x149: {  	v24 =	vld [tilespmem:s8+$0x3B0];
	v26 =	vmax.f32 v23, $0.0e+00  }
0x14a: {  	v23 =	vld [tilespmem:s8+$0x3C0];
	v27 =	vmax.f32 v25, $0.0e+00;
	[tilespmem:s8+$0x350] =	vst v26;
	v26 =	vadd.f32 v29, v38  }
0x14b: {  	v25 =	vld [tilespmem:s8+$0x3D0];
	[tilespmem:s8+$0x360] =	vst v27;
	v27 =	vadd.f32 v30, v61  }
0x14c: {  	v29 =	vadd.f32 v31, v62;
	v28 =	vmax.f32 v26, $0.0e+00;
	v26 =	vld [tilespmem:s8+$0x3E0]  }
0x14d: {  	s13 =	simm.s32 $0x7C0;
	v30 =	vmax.f32 v27, $0.0e+00;
	v27 =	vld [tilespmem:s8+$0x3F0];
	[tilespmem:s8+$0x370] =	vst v28;
	v28 =	vadd.f32 v32, v63  }
.LBB2_3:
0x14e: {  	s17 =	sshra.s32 s13, $0x2;
	p0 =	sne.s32 s13, $0x4FC0;
	[tilespmem:s8+$0x380] =	vst v30;
	v29 =	vmax.f32 v29, $0.0e+00;
	v22 =	vadd.f32 v22, v24;
	v24 =	vld [tilespmem:s8+$0x400]  }
0x14f: {  	v30 =	vld [tilespmem:s17+$0x5310];
	[tilespmem:s8+$0x390] =	vst v29;
	v28 =	vmax.f32 v28, $0.0e+00;
	v21 =	vadd.f32 v21, v23  }
0x150: {  	v23 =	vld [tilespmem:s17+$0x5320];
	[tilespmem:s8+$0x3A0] =	vst v28;
	v22 =	vmax.f32 v22, $0.0e+00;
	v20 =	vadd.f32 v20, v25  }
0x151: {  	v25 =	vld [tilespmem:s17+$0x5330];
	[tilespmem:s8+$0x3B0] =	vst v22;
	v21 =	vmax.f32 v21, $0.0e+00;
	v19 =	vadd.f32 v19, v26  }
0x152: {  	v26 =	vld [tilespmem:s17+$0x5340];
	[tilespmem:s8+$0x3C0] =	vst v21;
	v20 =	vmax.f32 v20, $0.0e+00;
	v18 =	vadd.f32 v18, v27  }
0x153: {  	v27 =	vld [tilespmem:s17+$0x5350];
	[tilespmem:s8+$0x3D0] =	vst v20;
	v19 =	vmax.f32 v19, $0.0e+00;
	v17 =	vadd.f32 v17, v24  }
0x154: {  	v24 =	vld [tilespmem:s17+$0x5360];
	[tilespmem:s8+$0x3E0] =	vst v19;
	v18 =	vmax.f32 v18, $0.0e+00  }
0x155: {  	v28 =	vld [tilespmem:s17+$0x5370];
	[tilespmem:s8+$0x3F0] =	vst v18;
	v17 =	vmax.f32 v17, $0.0e+00  }
0x156: {  	v29 =	vld [tilespmem:s17+$0x5380];
	[tilespmem:s8+$0x400] =	vst v17;
	s8 =	smov.u32 s17  }
0x157: {  	v31 =	vld [tilespmem:s8+$0x5390]  }
0x158: {  	v32 =	vld [tilespmem:s8+$0x53A0]  }
0x159: {  	v22 =	vld [tilespmem:s8+$0x53B0]  }
0x15a: {  	v21 =	vld [tilespmem:s8+$0x53C0]  }
0x15b: {  	v20 =	vld [tilespmem:s8+$0x53D0]  }
0x15c: {  	v19 =	vld [tilespmem:s8+$0x53E0]  }
0x15d: {  	v18 =	vld [tilespmem:s8+$0x53F0]  }
0x15e: {  	v17 =	vld [tilespmem:s8+$0x5400]  }
0x15f: {  	v33 =	vld [tilespmem:s8+$0x310]  }
0x160: {  	v34 =	vld [tilespmem:s8+$0x320]  }
0x161: {  	v35 =	vld [tilespmem:s8+$0x330]  }
0x162: {  	v36 =	vld [tilespmem:s8+$0x340]  }
0x163: {  	v37 =	vld [tilespmem:s8+$0x350]  }
0x164: {  	v30 =	vadd.f32 v30, v33;
	v33 =	vld [tilespmem:s8+$0x360]  }
0x165: {  	v23 =	vadd.f32 v23, v34;
	v34 =	vld [tilespmem:s8+$0x370]  }
0x166: {  	v30 =	vmax.f32 v30, $0.0e+00;
	v25 =	vadd.f32 v25, v35;
	v35 =	vld [tilespmem:s8+$0x380]  }
0x167: {  	[tilespmem:s8+$0x310] =	vst v30;
	v23 =	vmax.f32 v23, $0.0e+00;
	v26 =	vadd.f32 v26, v36;
	v30 =	vld [tilespmem:s8+$0x390]  }
0x168: {  	[tilespmem:s8+$0x320] =	vst v23;
	v23 =	vmax.f32 v25, $0.0e+00;
	v25 =	vadd.f32 v27, v37;
	v27 =	vld [tilespmem:s8+$0x3A0]  }
.Ltmp0:
0x169: {  	[tilespmem:s8+$0x330] =	vst v23;
	v23 =	vmax.f32 v26, $0.0e+00;
	v26 =	vadd.f32 v24, v33;
	v24 =	vld [tilespmem:s8+$0x3B0];
	(pc) =	sbr.rel @p0 .LBB2_3-.Ltmp0, $4  }
0x16a: {  	[tilespmem:s8+$0x340] =	vst v23;
	v25 =	vmax.f32 v25, $0.0e+00;
	v28 =	vadd.f32 v28, v34;
	v23 =	vld [tilespmem:s8+$0x3C0]  }
0x16b: {  	[tilespmem:s8+$0x350] =	vst v25;
	v26 =	vmax.f32 v26, $0.0e+00;
	v33 =	vadd.f32 v29, v35;
	v25 =	vld [tilespmem:s8+$0x3D0]  }
0x16c: {  	[tilespmem:s8+$0x360] =	vst v26;
	v28 =	vmax.f32 v28, $0.0e+00;
	v29 =	vadd.f32 v31, v30;
	v26 =	vld [tilespmem:s8+$0x3E0]  }
0x16d: {  	s13 =	sadd.s32 $0x400, s13;
	[tilespmem:s8+$0x370] =	vst v28;
	v30 =	vmax.f32 v33, $0.0e+00;
	v28 =	vadd.f32 v32, v27;
	v27 =	vld [tilespmem:s8+$0x3F0]  }
0x16e: {  	[tilespmem:s8+$0x380] =	vst v30;
	v29 =	vmax.f32 v29, $0.0e+00;
	v22 =	vadd.f32 v22, v24;
	v24 =	vld [tilespmem:s8+$0x400]  }
0x16f: {  	[tilespmem:s8+$0x390] =	vst v29;
	v28 =	vmax.f32 v28, $0.0e+00;
	v21 =	vadd.f32 v21, v23  }
0x170: {  	[tilespmem:s8+$0x3A0] =	vst v28;
	v22 =	vmax.f32 v22, $0.0e+00;
	v20 =	vadd.f32 v20, v25  }
0x171: {  	[tilespmem:s8+$0x3B0] =	vst v22;
	v21 =	vmax.f32 v21, $0.0e+00;
	v19 =	vadd.f32 v19, v26  }
0x172: {  	[tilespmem:s8+$0x3C0] =	vst v21;
	v20 =	vmax.f32 v20, $0.0e+00;
	v18 =	vadd.f32 v18, v27  }
0x173: {  	[tilespmem:s8+$0x3D0] =	vst v20;
	v19 =	vmax.f32 v19, $0.0e+00;
	v17 =	vadd.f32 v17, v24  }
0x174: {  	[tilespmem:s8+$0x3E0] =	vst v19;
	v18 =	vmax.f32 v18, $0.0e+00  }
0x175: {  	p0 =	sne.s32 s21, $0x0;
	[tilespmem:s8+$0x3F0] =	vst v18;
	v17 =	vmax.f32 v17, $0.0e+00  }
0x176: {  	[tilespmem:s8+$0x400] =	vst v17;
	s8 =	simm.s32 @p0 $0xD  }
0x177: {  	_ =	swait.ge @p0 [sflag:s8], $0x28  }
0x178: {  	s13 =	simm.s32 @p0 $0x200;
	[sflag:s8] =	ssyncset.done @p0 $0x0  }
0x179: {  	s17 =	simm.s32 @p0 $0x400;
	[sflag:s8] =	ssyncadd.s32 @p0 $0xFFFFFFD8;
	s8 =	simm.s32 @p0 $0x28  }
0x17a: {  	[spmem:s4] =	stream.indirect.scatter.add.f32 @p0 [tilespmem:s17], [sflag:$0x11], $0x80, s13, s8, $0xb8;
	[tilespmem:$0x1E400] =	vst v63  }
0x17b: {  	s8 =	simm.s32 @p0 $0x13  }
0x17c: {  	s25 =	smul.u32 @p0 $0xA0, s21;
	_ =	swait.ge @p0 [sflag:s8], $0x1400  }
0x17d: {  	s18 =	simm.s32 @!p0 $0x400;
	s13 =	simm.s32 @!p0 $0x28;
	[sflag:s8] =	ssyncset.done @p0 $0x0  }
0x17e: {  	s17 =	simm.s32 @!p0 $0x200;
	[sflag:s8] =	ssyncadd.s32 @p0 $0xFFFFEC00;
	s8 =	sadd.s32 @p0 s26, s25  }
0x17f: {  	[spmem:s4] =	stream.indirect.scatter.add.f32 @!p0 [tilespmem:s18], [sflag:$0x11], $0x80, s17, s13, $0xb8;
	[tilespmem:$0x1E400] =	vst v63  }
0x180: {  	s13 =	sshrl.u32 @p0 s8, $0x3;
	s17 =	rddreg [dreg:$0x1b]  }
0x181: {  	s17 =	smov.u32 @p0 s13  }
0x182: {  	s14 =	simm.s32 $0x300;
	s13 =	sadd.s32 s1, s17  }
0x183: {  	[tilespmem:s14], [sflag:$0xF] =	stream.linear.gather [hbm4b:s13+s5], $0x28, $0x38;
	[tilespmem:$0x1E400] =	vst v63  }
0x184: {  	s14 =	simm.s32 $0xB  }
0x185: {  	_ =	swait.ge [sflag:s14], $0x28  }
0x186: {  	[sflag:s14] =	ssyncset.done $0x0  }
0x187: {  	[sflag:s14] =	ssyncadd.s32 $0xFFFFFFD8  }
0x188: {  	v17 =	vld [tilespmem:$0x100];
	_ =	sdelay $0x4  }
0x189: {  	v18 =	vshll.u32 v17, $0x1  }
0x18a: {  	v17 =	vand.u32 $0x7, v17;
	v18 =	vand.u32 $0xFFFFFFF0, v18  }
0x18b: {  	v17 =	vor.u32 v17, v18  }
0x18c: {  	v18 =	vperm.xlane v17, v2;
	_ =	sdelay $0x1  }
0x18d: {  	v19 =	vperm.xlane v17, v1;
	v18 =	vadd.s32 v3, v18;
	_ =	sdelay $0x1  }
0x18e: {  	v20 =	vperm.xlane v17, v4;
	v19 =	vadd.s32 v3, v19;
	_ =	sdelay $0x1  }
0x18f: {  	s17 =	simm.s32 $0x2C00;
	v21 =	vperm.xlane v17, v5;
	v20 =	vadd.s32 v3, v20  }
0x190: {  	[tilespmem:s17], [sflag:$0x3] =	stream.indirect_vreg.gather [hbm4b:s11+s5], $0x80, v18, vm0, $0xb8;
	[tilespmem:$0x1E400] =	vst v63  }
0x191: {  	s18 =	simm.s32 $0x2C80;
	v18 =	vadd.s32 v3, v21;
	v21 =	vperm.xlane v17, v6  }
0x192: {  	[tilespmem:s18], [sflag:$0x3] =	stream.indirect_vreg.gather [hbm4b:s11+s5], $0x80, v19, vm0, $0xb8;
	[tilespmem:$0x1E400] =	vst v63  }
0x193: {  	s20 =	simm.s32 $0x2D00;
	v19 =	vadd.s32 v3, v21;
	v21 =	vperm.xlane v17, v7  }
0x194: {  	[tilespmem:s20], [sflag:$0x3] =	stream.indirect_vreg.gather [hbm4b:s11+s5], $0x80, v20, vm0, $0xb8;
	[tilespmem:$0x1E400] =	vst v63  }
0x195: {  	s23 =	simm.s32 $0x2D80;
	v20 =	vadd.s32 v3, v21;
	v21 =	vperm.xlane v17, v8  }
0x196: {  	[tilespmem:s23], [sflag:$0x3] =	stream.indirect_vreg.gather [hbm4b:s11+s5], $0x80, v18, vm0, $0xb8;
	[tilespmem:$0x1E400] =	vst v63  }
0x197: {  	s14 =	simm.s32 $0x2E00;
	v18 =	vadd.s32 v3, v21;
	v21 =	vperm.xlane v17, v0  }
0x198: {  	[tilespmem:s14], [sflag:$0x3] =	stream.indirect_vreg.gather [hbm4b:s11+s5], $0x80, v19, vm0, $0xb8;
	[tilespmem:$0x1E400] =	vst v63  }
0x199: {  	s17 =	simm.s32 $0x2E80;
	v19 =	vadd.s32 v3, v21;
	v21 =	vperm.xlane v17, v9  }
0x19a: {  	[tilespmem:s17], [sflag:$0x3] =	stream.indirect_vreg.gather [hbm4b:s11+s5], $0x80, v20, vm0, $0xb8;
	[tilespmem:$0x1E400] =	vst v63  }
0x19b: {  	s18 =	simm.s32 $0x2F00;
	v20 =	vadd.s32 v3, v21;
	v21 =	vperm.xlane v17, v10  }
0x19c: {  	[tilespmem:s18], [sflag:$0x3] =	stream.indirect_vreg.gather [hbm4b:s11+s5], $0x80, v18, vm0, $0xb8;
	[tilespmem:$0x1E400] =	vst v63  }
0x19d: {  	s20 =	simm.s32 $0x2F80;
	v18 =	vadd.s32 v3, v21;
	v21 =	vperm.xlane v17, v11  }
0x19e: {  	[tilespmem:s20], [sflag:$0x3] =	stream.indirect_vreg.gather [hbm4b:s11+s5], $0x80, v19, vm0, $0xb8;
	[tilespmem:$0x1E400] =	vst v63  }
0x19f: {  	s23 =	simm.s32 $0x3000;
	v19 =	vadd.s32 v3, v21;
	v21 =	vperm.xlane v17, v12  }
0x1a0: {  	[tilespmem:s23], [sflag:$0x3] =	stream.indirect_vreg.gather [hbm4b:s11+s5], $0x80, v20, vm0, $0xb8;
	[tilespmem:$0x1E400] =	vst v63  }
0x1a1: {  	s14 =	simm.s32 $0x3080;
	v20 =	vadd.s32 v3, v21;
	v21 =	vperm.xlane v17, v13  }
0x1a2: {  	[tilespmem:s14], [sflag:$0x3] =	stream.indirect_vreg.gather [hbm4b:s11+s5], $0x80, v18, vm0, $0xb8;
	[tilespmem:$0x1E400] =	vst v63  }
0x1a3: {  	s17 =	simm.s32 $0x3100;
	v18 =	vadd.s32 v3, v21;
	v21 =	vperm.xlane v17, v14  }
0x1a4: {  	[tilespmem:s17], [sflag:$0x3] =	stream.indirect_vreg.gather [hbm4b:s11+s5], $0x80, v19, vm0, $0xb8;
	[tilespmem:$0x1E400] =	vst v63  }
0x1a5: {  	s18 =	simm.s32 $0x3180;
	v19 =	vadd.s32 v3, v21;
	v21 =	vperm.xlane v17, v15  }
0x1a6: {  	[tilespmem:s18], [sflag:$0x3] =	stream.indirect_vreg.gather [hbm4b:s11+s5], $0x80, v20, vm0, $0xb8;
	[tilespmem:$0x1E400] =	vst v63  }
0x1a7: {  	s20 =	simm.s32 $0x3200;
	v17 =	vperm.xlane v17, v16;
	v20 =	vadd.s32 v3, v21  }
0x1a8: {  	[tilespmem:s20], [sflag:$0x3] =	stream.indirect_vreg.gather [hbm4b:s11+s5], $0x80, v18, vm0, $0xb8;
	[tilespmem:$0x1E400] =	vst v63  }
0x1a9: {  	s23 =	simm.s32 $0x3280;
	v17 =	vadd.s32 v3, v17  }
0x1aa: {  	[tilespmem:s23], [sflag:$0x3] =	stream.indirect_vreg.gather [hbm4b:s11+s5], $0x80, v19, vm0, $0xb8;
	[tilespmem:$0x1E400] =	vst v63  }
0x1ab: {  	s14 =	simm.s32 $0x3300  }
0x1ac: {  	[tilespmem:s14], [sflag:$0x3] =	stream.indirect_vreg.gather [hbm4b:s11+s5], $0x80, v20, vm0, $0xb8;
	[tilespmem:$0x1E400] =	vst v63  }
0x1ad: {  	s17 =	simm.s32 $0x3380  }
0x1ae: {  	[tilespmem:s17], [sflag:$0x3] =	stream.indirect_vreg.gather [hbm4b:s11+s5], $0x80, v17, vm0, $0xb8;
	[tilespmem:$0x1E400] =	vst v63  }
0x1af: {  	v17 =	vld [tilespmem:$0x110];
	_ =	sdelay $0x4  }
0x1b0: {  	v18 =	vshll.u32 v17, $0x1  }
0x1b1: {  	v17 =	vand.u32 $0x7, v17;
	v18 =	vand.u32 $0xFFFFFFF0, v18  }
0x1b2: {  	v17 =	vor.u32 v17, v18  }
0x1b3: {  	v18 =	vperm.xlane v17, v2;
	_ =	sdelay $0x1  }
0x1b4: {  	v19 =	vperm.xlane v17, v1;
	v18 =	vadd.s32 v3, v18;
	_ =	sdelay $0x1  }
0x1b5: {  	v20 =	vperm.xlane v17, v4;
	v19 =	vadd.s32 v3, v19;
	_ =	sdelay $0x1  }
0x1b6: {  	s18 =	simm.s32 $0x3400;
	v21 =	vperm.xlane v17, v5;
	v20 =	vadd.s32 v3, v20  }
0x1b7: {  	[tilespmem:s18], [sflag:$0x3] =	stream.indirect_vreg.gather [hbm4b:s11+s5], $0x80, v18, vm0, $0xb8;
	[tilespmem:$0x1E400] =	vst v63  }
0x1b8: {  	s20 =	simm.s32 $0x3480;
	v18 =	vadd.s32 v3, v21;
	v21 =	vperm.xlane v17, v6  }
0x1b9: {  	[tilespmem:s20], [sflag:$0x3] =	stream.indirect_vreg.gather [hbm4b:s11+s5], $0x80, v19, vm0, $0xb8;
	[tilespmem:$0x1E400] =	vst v63  }
0x1ba: {  	s23 =	simm.s32 $0x3500;
	v19 =	vadd.s32 v3, v21;
	v21 =	vperm.xlane v17, v7  }
0x1bb: {  	[tilespmem:s23], [sflag:$0x3] =	stream.indirect_vreg.gather [hbm4b:s11+s5], $0x80, v20, vm0, $0xb8;
	[tilespmem:$0x1E400] =	vst v63  }
0x1bc: {  	s14 =	simm.s32 $0x3580;
	v20 =	vadd.s32 v3, v21;
	v21 =	vperm.xlane v17, v8  }
0x1bd: {  	[tilespmem:s14], [sflag:$0x3] =	stream.indirect_vreg.gather [hbm4b:s11+s5], $0x80, v18, vm0, $0xb8;
	[tilespmem:$0x1E400] =	vst v63  }
0x1be: {  	s17 =	simm.s32 $0x3600;
	v18 =	vadd.s32 v3, v21;
	v21 =	vperm.xlane v17, v0  }
0x1bf: {  	[tilespmem:s17], [sflag:$0x3] =	stream.indirect_vreg.gather [hbm4b:s11+s5], $0x80, v19, vm0, $0xb8;
	[tilespmem:$0x1E400] =	vst v63  }
0x1c0: {  	s18 =	simm.s32 $0x3680;
	v19 =	vadd.s32 v3, v21;
	v21 =	vperm.xlane v17, v9  }
0x1c1: {  	[tilespmem:s18], [sflag:$0x3] =	stream.indirect_vreg.gather [hbm4b:s11+s5], $0x80, v20, vm0, $0xb8;
	[tilespmem:$0x1E400] =	vst v63  }
0x1c2: {  	s20 =	simm.s32 $0x3700;
	v20 =	vadd.s32 v3, v21;
	v21 =	vperm.xlane v17, v10  }
0x1c3: {  	[tilespmem:s20], [sflag:$0x3] =	stream.indirect_vreg.gather [hbm4b:s11+s5], $0x80, v18, vm0, $0xb8;
	[tilespmem:$0x1E400] =	vst v63  }
0x1c4: {  	s23 =	simm.s32 $0x3780;
	v18 =	vadd.s32 v3, v21;
	v21 =	vperm.xlane v17, v11  }
0x1c5: {  	[tilespmem:s23], [sflag:$0x3] =	stream.indirect_vreg.gather [hbm4b:s11+s5], $0x80, v19, vm0, $0xb8;
	[tilespmem:$0x1E400] =	vst v63  }
0x1c6: {  	s14 =	simm.s32 $0x3800;
	v19 =	vadd.s32 v3, v21;
	v21 =	vperm.xlane v17, v12  }
0x1c7: {  	[tilespmem:s14], [sflag:$0x3] =	stream.indirect_vreg.gather [hbm4b:s11+s5], $0x80, v20, vm0, $0xb8;
	[tilespmem:$0x1E400] =	vst v63  }
0x1c8: {  	s17 =	simm.s32 $0x3880;
	v20 =	vadd.s32 v3, v21;
	v21 =	vperm.xlane v17, v13  }
0x1c9: {  	[tilespmem:s17], [sflag:$0x3] =	stream.indirect_vreg.gather [hbm4b:s11+s5], $0x80, v18, vm0, $0xb8;
	[tilespmem:$0x1E400] =	vst v63  }
0x1ca: {  	s18 =	simm.s32 $0x3900;
	v18 =	vadd.s32 v3, v21;
	v21 =	vperm.xlane v17, v14  }
0x1cb: {  	[tilespmem:s18], [sflag:$0x3] =	stream.indirect_vreg.gather [hbm4b:s11+s5], $0x80, v19, vm0, $0xb8;
	[tilespmem:$0x1E400] =	vst v63  }
0x1cc: {  	s20 =	simm.s32 $0x3980;
	v19 =	vadd.s32 v3, v21;
	v21 =	vperm.xlane v17, v15  }
0x1cd: {  	[tilespmem:s20], [sflag:$0x3] =	stream.indirect_vreg.gather [hbm4b:s11+s5], $0x80, v20, vm0, $0xb8;
	[tilespmem:$0x1E400] =	vst v63  }
0x1ce: {  	s23 =	simm.s32 $0x3A00;
	v17 =	vperm.xlane v17, v16;
	v20 =	vadd.s32 v3, v21  }
0x1cf: {  	[tilespmem:s23], [sflag:$0x3] =	stream.indirect_vreg.gather [hbm4b:s11+s5], $0x80, v18, vm0, $0xb8;
	[tilespmem:$0x1E400] =	vst v63  }
0x1d0: {  	s14 =	simm.s32 $0x3A80;
	v17 =	vadd.s32 v3, v17  }
0x1d1: {  	[tilespmem:s14], [sflag:$0x3] =	stream.indirect_vreg.gather [hbm4b:s11+s5], $0x80, v19, vm0, $0xb8;
	[tilespmem:$0x1E400] =	vst v63  }
0x1d2: {  	s17 =	simm.s32 $0x3B00  }
0x1d3: {  	[tilespmem:s17], [sflag:$0x3] =	stream.indirect_vreg.gather [hbm4b:s11+s5], $0x80, v20, vm0, $0xb8;
	[tilespmem:$0x1E400] =	vst v63  }
0x1d4: {  	s18 =	simm.s32 $0x3B80  }
0x1d5: {  	[tilespmem:s18], [sflag:$0x3] =	stream.indirect_vreg.gather [hbm4b:s11+s5], $0x80, v17, vm0, $0xb8;
	[tilespmem:$0x1E400] =	vst v63  }
0x1d6: {  	v17 =	vld.msk [tilespmem:$0x120], $0xff;
	_ =	sdelay $0x4  }
0x1d7: {  	v18 =	vshll.u32 v17, $0x1  }
0x1d8: {  	v17 =	vand.u32 $0x7, v17;
	v18 =	vand.u32 $0xFFFFFFF0, v18  }
0x1d9: {  	v17 =	vor.u32 v17, v18  }
0x1da: {  	v18 =	vperm.xlane v17, v2;
	_ =	sdelay $0x1  }
0x1db: {  	v19 =	vperm.xlane v17, v1;
	v18 =	vadd.s32 v3, v18;
	_ =	sdelay $0x1  }
0x1dc: {  	v20 =	vperm.xlane v17, v4;
	v19 =	vadd.s32 v3, v19;
	_ =	sdelay $0x1  }
0x1dd: {  	s20 =	simm.s32 $0x3C00;
	v21 =	vperm.xlane v17, v5;
	v20 =	vadd.s32 v3, v20  }
0x1de: {  	[tilespmem:s20], [sflag:$0x3] =	stream.indirect_vreg.gather [hbm4b:s11+s5], $0x80, v18, vm0, $0xb8;
	[tilespmem:$0x1E400] =	vst v63  }
0x1df: {  	s23 =	simm.s32 $0x3C80;
	v18 =	vadd.s32 v3, v21;
	v21 =	vperm.xlane v17, v6  }
0x1e0: {  	[tilespmem:s23], [sflag:$0x3] =	stream.indirect_vreg.gather [hbm4b:s11+s5], $0x80, v19, vm0, $0xb8;
	[tilespmem:$0x1E400] =	vst v63  }
0x1e1: {  	s14 =	simm.s32 $0x3D00;
	v19 =	vadd.s32 v3, v21;
	v21 =	vperm.xlane v17, v7  }
0x1e2: {  	[tilespmem:s14], [sflag:$0x3] =	stream.indirect_vreg.gather [hbm4b:s11+s5], $0x80, v20, vm0, $0xb8;
	[tilespmem:$0x1E400] =	vst v63  }
0x1e3: {  	s13 =	smov.u32 s26;
	s17 =	simm.s32 $0x3D80;
	v20 =	vadd.s32 v3, v21;
	v21 =	vperm.xlane v17, v8  }
0x1e4: {  	[tilespmem:s17], [sflag:$0x3] =	stream.indirect_vreg.gather [hbm4b:s11+s5], $0x80, v18, vm0, $0xb8;
	[tilespmem:$0x1E400] =	vst v63  }
0x1e5: {  	s13 =	smov.u32 @p0 s8;
	s18 =	simm.s32 $0x3E00;
	v17 =	vperm.xlane v17, v0;
	v18 =	vadd.s32 v3, v21  }
0x1e6: {  	[tilespmem:s18], [sflag:$0x3] =	stream.indirect_vreg.gather [hbm4b:s11+s5], $0x80, v19, vm0, $0xb8;
	[tilespmem:$0x1E400] =	vst v63  }
0x1e7: {  	s25 =	simm.s32 @!p0 $0x0;
	s20 =	simm.s32 $0x3E80;
	v17 =	vadd.s32 v3, v17;
	s17 =	sshll.u32 s13, $0x8  }
0x1e8: {  	[tilespmem:s20], [sflag:$0x3] =	stream.indirect_vreg.gather [hbm4b:s11+s5], $0x80, v20, vm0, $0xb8;
	[tilespmem:$0x1E400] =	vst v63  }
0x1e9: {  	s23 =	simm.s32 $0x3F00;
	s8 =	sadd.s32 s10, s17;
	s20 =	rddreg [dreg:$0x17]  }
0x1ea: {  	[tilespmem:s23], [sflag:$0x3] =	stream.indirect_vreg.gather [hbm4b:s11+s5], $0x80, v18, vm0, $0xb8;
	[tilespmem:$0x1E400] =	vst v63  }
0x1eb: {  	s14 =	simm.s32 $0x3F80;
	s8 =	sshrl.u32 s8, $0x3;
	s13 =	sadd.s32 s25, s20  }
0x1ec: {  	[tilespmem:s14], [sflag:$0x3] =	stream.indirect_vreg.gather [hbm4b:s11+s5], $0x80, v17, vm0, $0xb8;
	[tilespmem:$0x1E400] =	vst v63  }
0x1ed: {  	s18 =	simm.s32 $0x7C00;
	s8 =	sadd.s32 s2, s8;
	s20 =	sshrl.u32 s13, $0x3  }
0x1ee: {  	[tilespmem:s18], [sflag:$0x7] =	stream.strided.gather [hbm4b:s8+s19], $0x1400, s9, s19, $0x38;
	[tilespmem:$0x1E400] =	vst v63  }
0x1ef: {  	s23 =	sadd.s32 s6, s20  }
0x1f0: {  	[tilespmem:s5], [sflag:$0x9] =	stream.linear.gather [hbm4b:s23+s5], $0x28, $0x38;
	[tilespmem:$0x1E400] =	vst v63  }
0x1f1: {  	_ =	swait.ge [sflag:s22], $0x1400  }
0x1f2: {  	[sflag:s22] =	ssyncset.done $0x0  }
0x1f3: {  	[sflag:s22] =	ssyncadd.s32 $0xFFFFEC00  }
0x1f4: {  	_ =	swait.ge [sflag:s24], $0x1400  }
0x1f5: {  	[sflag:s24] =	ssyncset.done $0x0  }
0x1f6: {  	s8 =	simm.s32 $0xF0;
	[sflag:s24] =	ssyncadd.s32 $0xFFFFEC00  }
0x1f7: {  	v23 =	vld [tilespmem:s8+$0x6710]  }
0x1f8: {  	v24 =	vld [tilespmem:s8+$0x6720]  }
0x1f9: {  	v25 =	vld [tilespmem:s8+$0x6730]  }
0x1fa: {  	v26 =	vld [tilespmem:s8+$0x6740]  }
0x1fb: {  	v27 =	vld [tilespmem:s8+$0x6750]  }
0x1fc: {  	v28 =	vld [tilespmem:s8+$0x6760]  }
0x1fd: {  	v29 =	vld [tilespmem:s8+$0x6770]  }
0x1fe: {  	v30 =	vld [tilespmem:s8+$0x6780]  }
0x1ff: {  	v31 =	vld [tilespmem:s8+$0x6790]  }
0x200: {  	v32 =	vld [tilespmem:s8+$0x67A0]  }
0x201: {  	v22 =	vld [tilespmem:s8+$0x67B0]  }
0x202: {  	v21 =	vld [tilespmem:s8+$0x67C0]  }
0x203: {  	v20 =	vld [tilespmem:s8+$0x67D0]  }
0x204: {  	v33 =	vld [tilespmem:s8+$0x1710]  }
0x205: {  	v34 =	vld [tilespmem:s8+$0x1720]  }
0x206: {  	v19 =	vld [tilespmem:s8+$0x67E0]  }
0x207: {  	v35 =	vld [tilespmem:s8+$0x1730]  }
0x208: {  	v36 =	vld [tilespmem:s8+$0x1740]  }
0x209: {  	v18 =	vld [tilespmem:s8+$0x67F0];
	v23 =	vadd.f32 v23, v33  }
0x20a: {  	v37 =	vld [tilespmem:s8+$0x1750];
	v24 =	vadd.f32 v24, v34  }
0x20b: {  	v60 =	vld [tilespmem:s8+$0x1760];
	v23 =	vmax.f32 v23, $0.0e+00  }
0x20c: {  	v17 =	vld [tilespmem:s8+$0x6800];
	v24 =	vmax.f32 v24, $0.0e+00;
	[tilespmem:s8+$0x1710] =	vst v23;
	v23 =	vadd.f32 v25, v35  }
0x20d: {  	v38 =	vld [tilespmem:s8+$0x1770];
	[tilespmem:s8+$0x1720] =	vst v24;
	v24 =	vadd.f32 v26, v36  }
0x20e: {  	v61 =	vld [tilespmem:s8+$0x1780];
	v23 =	vmax.f32 v23, $0.0e+00  }
0x20f: {  	v62 =	vld [tilespmem:s8+$0x1790];
	v25 =	vmax.f32 v24, $0.0e+00;
	[tilespmem:s8+$0x1730] =	vst v23;
	v23 =	vadd.f32 v27, v37  }
0x210: {  	v63 =	vld [tilespmem:s8+$0x17A0];
	[tilespmem:s8+$0x1740] =	vst v25;
	v25 =	vadd.f32 v28, v60  }
0x211: {  	v24 =	vld [tilespmem:s8+$0x17B0];
	v26 =	vmax.f32 v23, $0.0e+00  }
0x212: {  	v23 =	vld [tilespmem:s8+$0x17C0];
	v27 =	vmax.f32 v25, $0.0e+00;
	[tilespmem:s8+$0x1750] =	vst v26;
	v26 =	vadd.f32 v29, v38  }
0x213: {  	v25 =	vld [tilespmem:s8+$0x17D0];
	[tilespmem:s8+$0x1760] =	vst v27;
	v27 =	vadd.f32 v30, v61  }
0x214: {  	v29 =	vadd.f32 v31, v62;
	v28 =	vmax.f32 v26, $0.0e+00;
	v26 =	vld [tilespmem:s8+$0x17E0]  }
0x215: {  	s18 =	simm.s32 $0x7C0;
	v30 =	vmax.f32 v27, $0.0e+00;
	v27 =	vld [tilespmem:s8+$0x17F0];
	[tilespmem:s8+$0x1770] =	vst v28;
	v28 =	vadd.f32 v32, v63  }
.LBB2_5:
0x216: {  	s17 =	sshra.s32 s18, $0x2;
	p1 =	sne.s32 s18, $0x4FC0;
	[tilespmem:s8+$0x1780] =	vst v30;
	v29 =	vmax.f32 v29, $0.0e+00;
	v22 =	vadd.f32 v22, v24;
	v24 =	vld [tilespmem:s8+$0x1800]  }
0x217: {  	v30 =	vld [tilespmem:s17+$0x6710];
	[tilespmem:s8+$0x1790] =	vst v29;
	v28 =	vmax.f32 v28, $0.0e+00;
	v21 =	vadd.f32 v21, v23  }
0x218: {  	v23 =	vld [tilespmem:s17+$0x6720];
	[tilespmem:s8+$0x17A0] =	vst v28;
	v22 =	vmax.f32 v22, $0.0e+00;
	v20 =	vadd.f32 v20, v25  }
0x219: {  	v25 =	vld [tilespmem:s17+$0x6730];
	[tilespmem:s8+$0x17B0] =	vst v22;
	v21 =	vmax.f32 v21, $0.0e+00;
	v19 =	vadd.f32 v19, v26  }
0x21a: {  	v26 =	vld [tilespmem:s17+$0x6740];
	[tilespmem:s8+$0x17C0] =	vst v21;
	v20 =	vmax.f32 v20, $0.0e+00;
	v18 =	vadd.f32 v18, v27  }
0x21b: {  	v27 =	vld [tilespmem:s17+$0x6750];
	[tilespmem:s8+$0x17D0] =	vst v20;
	v19 =	vmax.f32 v19, $0.0e+00;
	v17 =	vadd.f32 v17, v24  }
0x21c: {  	v24 =	vld [tilespmem:s17+$0x6760];
	[tilespmem:s8+$0x17E0] =	vst v19;
	v18 =	vmax.f32 v18, $0.0e+00  }
0x21d: {  	v28 =	vld [tilespmem:s17+$0x6770];
	[tilespmem:s8+$0x17F0] =	vst v18;
	v17 =	vmax.f32 v17, $0.0e+00  }
0x21e: {  	v29 =	vld [tilespmem:s17+$0x6780];
	[tilespmem:s8+$0x1800] =	vst v17;
	s8 =	smov.u32 s17  }
0x21f: {  	v31 =	vld [tilespmem:s8+$0x6790]  }
0x220: {  	v32 =	vld [tilespmem:s8+$0x67A0]  }
0x221: {  	v22 =	vld [tilespmem:s8+$0x67B0]  }
0x222: {  	v21 =	vld [tilespmem:s8+$0x67C0]  }
0x223: {  	v20 =	vld [tilespmem:s8+$0x67D0]  }
0x224: {  	v19 =	vld [tilespmem:s8+$0x67E0]  }
0x225: {  	v18 =	vld [tilespmem:s8+$0x67F0]  }
0x226: {  	v17 =	vld [tilespmem:s8+$0x6800]  }
0x227: {  	v33 =	vld [tilespmem:s8+$0x1710]  }
0x228: {  	v34 =	vld [tilespmem:s8+$0x1720]  }
0x229: {  	v35 =	vld [tilespmem:s8+$0x1730]  }
0x22a: {  	v36 =	vld [tilespmem:s8+$0x1740]  }
0x22b: {  	v37 =	vld [tilespmem:s8+$0x1750]  }
0x22c: {  	v30 =	vadd.f32 v30, v33;
	v33 =	vld [tilespmem:s8+$0x1760]  }
0x22d: {  	v23 =	vadd.f32 v23, v34;
	v34 =	vld [tilespmem:s8+$0x1770]  }
0x22e: {  	v30 =	vmax.f32 v30, $0.0e+00;
	v25 =	vadd.f32 v25, v35;
	v35 =	vld [tilespmem:s8+$0x1780]  }
0x22f: {  	[tilespmem:s8+$0x1710] =	vst v30;
	v23 =	vmax.f32 v23, $0.0e+00;
	v26 =	vadd.f32 v26, v36;
	v30 =	vld [tilespmem:s8+$0x1790]  }
0x230: {  	[tilespmem:s8+$0x1720] =	vst v23;
	v23 =	vmax.f32 v25, $0.0e+00;
	v25 =	vadd.f32 v27, v37;
	v27 =	vld [tilespmem:s8+$0x17A0]  }
.Ltmp1:
0x231: {  	[tilespmem:s8+$0x1730] =	vst v23;
	v23 =	vmax.f32 v26, $0.0e+00;
	v26 =	vadd.f32 v24, v33;
	v24 =	vld [tilespmem:s8+$0x17B0];
	(pc) =	sbr.rel @p1 .LBB2_5-.Ltmp1, $4  }
0x232: {  	[tilespmem:s8+$0x1740] =	vst v23;
	v25 =	vmax.f32 v25, $0.0e+00;
	v28 =	vadd.f32 v28, v34;
	v23 =	vld [tilespmem:s8+$0x17C0]  }
0x233: {  	[tilespmem:s8+$0x1750] =	vst v25;
	v26 =	vmax.f32 v26, $0.0e+00;
	v33 =	vadd.f32 v29, v35;
	v25 =	vld [tilespmem:s8+$0x17D0]  }
0x234: {  	[tilespmem:s8+$0x1760] =	vst v26;
	v28 =	vmax.f32 v28, $0.0e+00;
	v29 =	vadd.f32 v31, v30;
	v26 =	vld [tilespmem:s8+$0x17E0]  }
0x235: {  	s18 =	sadd.s32 $0x400, s18;
	[tilespmem:s8+$0x1770] =	vst v28;
	v30 =	vmax.f32 v33, $0.0e+00;
	v28 =	vadd.f32 v32, v27;
	v27 =	vld [tilespmem:s8+$0x17F0]  }
0x236: {  	[tilespmem:s8+$0x1780] =	vst v30;
	v29 =	vmax.f32 v29, $0.0e+00;
	v22 =	vadd.f32 v22, v24;
	v24 =	vld [tilespmem:s8+$0x1800]  }
0x237: {  	[tilespmem:s8+$0x1790] =	vst v29;
	v28 =	vmax.f32 v28, $0.0e+00;
	v21 =	vadd.f32 v21, v23  }
0x238: {  	[tilespmem:s8+$0x17A0] =	vst v28;
	v22 =	vmax.f32 v22, $0.0e+00;
	v20 =	vadd.f32 v20, v25  }
0x239: {  	[tilespmem:s8+$0x17B0] =	vst v22;
	v21 =	vmax.f32 v21, $0.0e+00;
	v19 =	vadd.f32 v19, v26  }
0x23a: {  	[tilespmem:s8+$0x17C0] =	vst v21;
	v20 =	vmax.f32 v20, $0.0e+00;
	v18 =	vadd.f32 v18, v27  }
0x23b: {  	[tilespmem:s8+$0x17D0] =	vst v20;
	v19 =	vmax.f32 v19, $0.0e+00;
	v17 =	vadd.f32 v17, v24  }
0x23c: {  	[tilespmem:s8+$0x17E0] =	vst v19;
	v18 =	vmax.f32 v18, $0.0e+00  }
0x23d: {  	[tilespmem:s8+$0x17F0] =	vst v18;
	v17 =	vmax.f32 v17, $0.0e+00  }
0x23e: {  	[tilespmem:s8+$0x1800] =	vst v17;
	s8 =	simm.s32 @p0 $0xE  }
0x23f: {  	_ =	swait.ge @p0 [sflag:s8], $0x28  }
0x240: {  	s17 =	simm.s32 @p0 $0x280;
	[sflag:s8] =	ssyncset.done @p0 $0x0  }
0x241: {  	s18 =	simm.s32 @p0 $0x1800;
	[sflag:s8] =	ssyncadd.s32 @p0 $0xFFFFFFD8;
	s8 =	simm.s32 @p0 $0x28  }
0x242: {  	[spmem:s4] =	stream.indirect.scatter.add.f32 @p0 [tilespmem:s18], [sflag:$0x12], $0x80, s17, s8, $0xb8;
	[tilespmem:$0x1E400] =	vst v63  }
0x243: {  	s8 =	simm.s32 @p0 $0x14  }
0x244: {  	_ =	swait.ge @p0 [sflag:s8], $0x1400  }
0x245: {  	s23 =	simm.s32 @!p0 $0x1800;
	s17 =	simm.s32 @!p0 $0x28;
	[sflag:s8] =	ssyncset.done @p0 $0x0  }
0x246: {  	s18 =	simm.s32 @!p0 $0x280;
	[sflag:s8] =	ssyncadd.s32 @p0 $0xFFFFEC00;
	s8 =	sadd.s32 @p0 s28, s25  }
0x247: {  	[spmem:s4] =	stream.indirect.scatter.add.f32 @!p0 [tilespmem:s23], [sflag:$0x12], $0x80, s18, s17, $0xb8;
	[tilespmem:$0x1E400] =	vst v63  }
0x248: {  	s17 =	sshrl.u32 @p0 s8, $0x3;
	s18 =	rddreg [dreg:$0x1e]  }
0x249: {  	s18 =	smov.u32 @p0 s17  }
0x24a: {  	s14 =	simm.s32 $0x380;
	s23 =	simm.s32 $0xC;
	s17 =	sadd.s32 s1, s18  }
0x24b: {  	[tilespmem:s14], [sflag:$0x10] =	stream.linear.gather [hbm4b:s17+s5], $0x28, $0x38;
	[tilespmem:$0x1E400] =	vst v63  }
0x24c: {  	_ =	swait.ge [sflag:s23], $0x28  }
0x24d: {  	[sflag:s23] =	ssyncset.done $0x0  }
0x24e: {  	[sflag:s23] =	ssyncadd.s32 $0xFFFFFFD8  }
0x24f: {  	v17 =	vld [tilespmem:$0x180];
	_ =	sdelay $0x4  }
0x250: {  	v18 =	vshll.u32 v17, $0x1  }
0x251: {  	v17 =	vand.u32 $0x7, v17;
	v18 =	vand.u32 $0xFFFFFFF0, v18  }
0x252: {  	v17 =	vor.u32 v17, v18  }
0x253: {  	v18 =	vperm.xlane v17, v2;
	_ =	sdelay $0x1  }
0x254: {  	v19 =	vperm.xlane v17, v1;
	v18 =	vadd.s32 v3, v18;
	_ =	sdelay $0x1  }
0x255: {  	v20 =	vperm.xlane v17, v4;
	v19 =	vadd.s32 v3, v19;
	_ =	sdelay $0x1  }
0x256: {  	s17 =	simm.s32 $0x4000;
	v21 =	vperm.xlane v17, v5;
	v20 =	vadd.s32 v3, v20  }
0x257: {  	[tilespmem:s17], [sflag:$0x4] =	stream.indirect_vreg.gather [hbm4b:s11+s5], $0x80, v18, vm0, $0xb8;
	[tilespmem:$0x1E400] =	vst v63  }
0x258: {  	s18 =	simm.s32 $0x4080;
	v18 =	vadd.s32 v3, v21;
	v21 =	vperm.xlane v17, v6  }
0x259: {  	[tilespmem:s18], [sflag:$0x4] =	stream.indirect_vreg.gather [hbm4b:s11+s5], $0x80, v19, vm0, $0xb8;
	[tilespmem:$0x1E400] =	vst v63  }
0x25a: {  	s23 =	simm.s32 $0x4100;
	v19 =	vadd.s32 v3, v21;
	v21 =	vperm.xlane v17, v7  }
0x25b: {  	[tilespmem:s23], [sflag:$0x4] =	stream.indirect_vreg.gather [hbm4b:s11+s5], $0x80, v20, vm0, $0xb8;
	[tilespmem:$0x1E400] =	vst v63  }
0x25c: {  	s17 =	simm.s32 $0x4180;
	v20 =	vadd.s32 v3, v21;
	v21 =	vperm.xlane v17, v8  }
0x25d: {  	[tilespmem:s17], [sflag:$0x4] =	stream.indirect_vreg.gather [hbm4b:s11+s5], $0x80, v18, vm0, $0xb8;
	[tilespmem:$0x1E400] =	vst v63  }
0x25e: {  	s18 =	simm.s32 $0x4200;
	v18 =	vadd.s32 v3, v21;
	v21 =	vperm.xlane v17, v0  }
0x25f: {  	[tilespmem:s18], [sflag:$0x4] =	stream.indirect_vreg.gather [hbm4b:s11+s5], $0x80, v19, vm0, $0xb8;
	[tilespmem:$0x1E400] =	vst v63  }
0x260: {  	s23 =	simm.s32 $0x4280;
	v19 =	vadd.s32 v3, v21;
	v21 =	vperm.xlane v17, v9  }
0x261: {  	[tilespmem:s23], [sflag:$0x4] =	stream.indirect_vreg.gather [hbm4b:s11+s5], $0x80, v20, vm0, $0xb8;
	[tilespmem:$0x1E400] =	vst v63  }
0x262: {  	s17 =	simm.s32 $0x4300;
	v20 =	vadd.s32 v3, v21;
	v21 =	vperm.xlane v17, v10  }
0x263: {  	[tilespmem:s17], [sflag:$0x4] =	stream.indirect_vreg.gather [hbm4b:s11+s5], $0x80, v18, vm0, $0xb8;
	[tilespmem:$0x1E400] =	vst v63  }
0x264: {  	s18 =	simm.s32 $0x4380;
	v18 =	vadd.s32 v3, v21;
	v21 =	vperm.xlane v17, v11  }
0x265: {  	[tilespmem:s18], [sflag:$0x4] =	stream.indirect_vreg.gather [hbm4b:s11+s5], $0x80, v19, vm0, $0xb8;
	[tilespmem:$0x1E400] =	vst v63  }
0x266: {  	s23 =	simm.s32 $0x4400;
	v19 =	vadd.s32 v3, v21;
	v21 =	vperm.xlane v17, v12  }
0x267: {  	[tilespmem:s23], [sflag:$0x4] =	stream.indirect_vreg.gather [hbm4b:s11+s5], $0x80, v20, vm0, $0xb8;
	[tilespmem:$0x1E400] =	vst v63  }
0x268: {  	s17 =	simm.s32 $0x4480;
	v20 =	vadd.s32 v3, v21;
	v21 =	vperm.xlane v17, v13  }
0x269: {  	[tilespmem:s17], [sflag:$0x4] =	stream.indirect_vreg.gather [hbm4b:s11+s5], $0x80, v18, vm0, $0xb8;
	[tilespmem:$0x1E400] =	vst v63  }
0x26a: {  	s18 =	simm.s32 $0x4500;
	v18 =	vadd.s32 v3, v21;
	v21 =	vperm.xlane v17, v14  }
0x26b: {  	[tilespmem:s18], [sflag:$0x4] =	stream.indirect_vreg.gather [hbm4b:s11+s5], $0x80, v19, vm0, $0xb8;
	[tilespmem:$0x1E400] =	vst v63  }
0x26c: {  	s23 =	simm.s32 $0x4580;
	v19 =	vadd.s32 v3, v21;
	v21 =	vperm.xlane v17, v15  }
0x26d: {  	[tilespmem:s23], [sflag:$0x4] =	stream.indirect_vreg.gather [hbm4b:s11+s5], $0x80, v20, vm0, $0xb8;
	[tilespmem:$0x1E400] =	vst v63  }
0x26e: {  	s17 =	simm.s32 $0x4600;
	v17 =	vperm.xlane v17, v16;
	v20 =	vadd.s32 v3, v21  }
0x26f: {  	[tilespmem:s17], [sflag:$0x4] =	stream.indirect_vreg.gather [hbm4b:s11+s5], $0x80, v18, vm0, $0xb8;
	[tilespmem:$0x1E400] =	vst v63  }
0x270: {  	s18 =	simm.s32 $0x4680;
	v17 =	vadd.s32 v3, v17  }
0x271: {  	[tilespmem:s18], [sflag:$0x4] =	stream.indirect_vreg.gather [hbm4b:s11+s5], $0x80, v19, vm0, $0xb8;
	[tilespmem:$0x1E400] =	vst v63  }
0x272: {  	s23 =	simm.s32 $0x4700  }
0x273: {  	[tilespmem:s23], [sflag:$0x4] =	stream.indirect_vreg.gather [hbm4b:s11+s5], $0x80, v20, vm0, $0xb8;
	[tilespmem:$0x1E400] =	vst v63  }
0x274: {  	s17 =	simm.s32 $0x4780  }
0x275: {  	[tilespmem:s17], [sflag:$0x4] =	stream.indirect_vreg.gather [hbm4b:s11+s5], $0x80, v17, vm0, $0xb8;
	[tilespmem:$0x1E400] =	vst v63  }
0x276: {  	v17 =	vld [tilespmem:$0x190];
	_ =	sdelay $0x4  }
0x277: {  	v18 =	vshll.u32 v17, $0x1  }
0x278: {  	v17 =	vand.u32 $0x7, v17;
	v18 =	vand.u32 $0xFFFFFFF0, v18  }
0x279: {  	v17 =	vor.u32 v17, v18  }
0x27a: {  	v18 =	vperm.xlane v17, v2;
	_ =	sdelay $0x1  }
0x27b: {  	v19 =	vperm.xlane v17, v1;
	v18 =	vadd.s32 v3, v18;
	_ =	sdelay $0x1  }
0x27c: {  	v20 =	vperm.xlane v17, v4;
	v19 =	vadd.s32 v3, v19;
	_ =	sdelay $0x1  }
0x27d: {  	s18 =	simm.s32 $0x4800;
	v21 =	vperm.xlane v17, v5;
	v20 =	vadd.s32 v3, v20  }
0x27e: {  	[tilespmem:s18], [sflag:$0x4] =	stream.indirect_vreg.gather [hbm4b:s11+s5], $0x80, v18, vm0, $0xb8;
	[tilespmem:$0x1E400] =	vst v63  }
0x27f: {  	s23 =	simm.s32 $0x4880;
	v18 =	vadd.s32 v3, v21;
	v21 =	vperm.xlane v17, v6  }
0x280: {  	[tilespmem:s23], [sflag:$0x4] =	stream.indirect_vreg.gather [hbm4b:s11+s5], $0x80, v19, vm0, $0xb8;
	[tilespmem:$0x1E400] =	vst v63  }
0x281: {  	s17 =	simm.s32 $0x4900;
	v19 =	vadd.s32 v3, v21;
	v21 =	vperm.xlane v17, v7  }
0x282: {  	[tilespmem:s17], [sflag:$0x4] =	stream.indirect_vreg.gather [hbm4b:s11+s5], $0x80, v20, vm0, $0xb8;
	[tilespmem:$0x1E400] =	vst v63  }
0x283: {  	s18 =	simm.s32 $0x4980;
	v20 =	vadd.s32 v3, v21;
	v21 =	vperm.xlane v17, v8  }
0x284: {  	[tilespmem:s18], [sflag:$0x4] =	stream.indirect_vreg.gather [hbm4b:s11+s5], $0x80, v18, vm0, $0xb8;
	[tilespmem:$0x1E400] =	vst v63  }
0x285: {  	s23 =	simm.s32 $0x4A00;
	v18 =	vadd.s32 v3, v21;
	v21 =	vperm.xlane v17, v0  }
0x286: {  	[tilespmem:s23], [sflag:$0x4] =	stream.indirect_vreg.gather [hbm4b:s11+s5], $0x80, v19, vm0, $0xb8;
	[tilespmem:$0x1E400] =	vst v63  }
0x287: {  	s17 =	simm.s32 $0x4A80;
	v19 =	vadd.s32 v3, v21;
	v21 =	vperm.xlane v17, v9  }
0x288: {  	[tilespmem:s17], [sflag:$0x4] =	stream.indirect_vreg.gather [hbm4b:s11+s5], $0x80, v20, vm0, $0xb8;
	[tilespmem:$0x1E400] =	vst v63  }
0x289: {  	s18 =	simm.s32 $0x4B00;
	v20 =	vadd.s32 v3, v21;
	v21 =	vperm.xlane v17, v10  }
0x28a: {  	[tilespmem:s18], [sflag:$0x4] =	stream.indirect_vreg.gather [hbm4b:s11+s5], $0x80, v18, vm0, $0xb8;
	[tilespmem:$0x1E400] =	vst v63  }
0x28b: {  	s23 =	simm.s32 $0x4B80;
	v18 =	vadd.s32 v3, v21;
	v21 =	vperm.xlane v17, v11  }
0x28c: {  	[tilespmem:s23], [sflag:$0x4] =	stream.indirect_vreg.gather [hbm4b:s11+s5], $0x80, v19, vm0, $0xb8;
	[tilespmem:$0x1E400] =	vst v63  }
0x28d: {  	s17 =	simm.s32 $0x4C00;
	v19 =	vadd.s32 v3, v21;
	v21 =	vperm.xlane v17, v12  }
0x28e: {  	[tilespmem:s17], [sflag:$0x4] =	stream.indirect_vreg.gather [hbm4b:s11+s5], $0x80, v20, vm0, $0xb8;
	[tilespmem:$0x1E400] =	vst v63  }
0x28f: {  	s18 =	simm.s32 $0x4C80;
	v20 =	vadd.s32 v3, v21;
	v21 =	vperm.xlane v17, v13  }
0x290: {  	[tilespmem:s18], [sflag:$0x4] =	stream.indirect_vreg.gather [hbm4b:s11+s5], $0x80, v18, vm0, $0xb8;
	[tilespmem:$0x1E400] =	vst v63  }
0x291: {  	s23 =	simm.s32 $0x4D00;
	v18 =	vadd.s32 v3, v21;
	v21 =	vperm.xlane v17, v14  }
0x292: {  	[tilespmem:s23], [sflag:$0x4] =	stream.indirect_vreg.gather [hbm4b:s11+s5], $0x80, v19, vm0, $0xb8;
	[tilespmem:$0x1E400] =	vst v63  }
0x293: {  	s17 =	simm.s32 $0x4D80;
	v19 =	vadd.s32 v3, v21;
	v21 =	vperm.xlane v17, v15  }
0x294: {  	[tilespmem:s17], [sflag:$0x4] =	stream.indirect_vreg.gather [hbm4b:s11+s5], $0x80, v20, vm0, $0xb8;
	[tilespmem:$0x1E400] =	vst v63  }
0x295: {  	s18 =	simm.s32 $0x4E00;
	v17 =	vperm.xlane v17, v16;
	v20 =	vadd.s32 v3, v21  }
0x296: {  	[tilespmem:s18], [sflag:$0x4] =	stream.indirect_vreg.gather [hbm4b:s11+s5], $0x80, v18, vm0, $0xb8;
	[tilespmem:$0x1E400] =	vst v63  }
0x297: {  	s23 =	simm.s32 $0x4E80;
	v17 =	vadd.s32 v3, v17  }
0x298: {  	[tilespmem:s23], [sflag:$0x4] =	stream.indirect_vreg.gather [hbm4b:s11+s5], $0x80, v19, vm0, $0xb8;
	[tilespmem:$0x1E400] =	vst v63  }
0x299: {  	s17 =	simm.s32 $0x4F00  }
0x29a: {  	[tilespmem:s17], [sflag:$0x4] =	stream.indirect_vreg.gather [hbm4b:s11+s5], $0x80, v20, vm0, $0xb8;
	[tilespmem:$0x1E400] =	vst v63  }
0x29b: {  	s18 =	simm.s32 $0x4F80  }
0x29c: {  	[tilespmem:s18], [sflag:$0x4] =	stream.indirect_vreg.gather [hbm4b:s11+s5], $0x80, v17, vm0, $0xb8;
	[tilespmem:$0x1E400] =	vst v63  }
0x29d: {  	v17 =	vld.msk [tilespmem:$0x1A0], $0xff;
	_ =	sdelay $0x4  }
0x29e: {  	v18 =	vshll.u32 v17, $0x1  }
0x29f: {  	v17 =	vand.u32 $0x7, v17;
	v18 =	vand.u32 $0xFFFFFFF0, v18  }
0x2a0: {  	v17 =	vor.u32 v17, v18  }
0x2a1: {  	v18 =	vperm.xlane v17, v2;
	_ =	sdelay $0x1  }
0x2a2: {  	v19 =	vperm.xlane v17, v1;
	v18 =	vadd.s32 v3, v18;
	_ =	sdelay $0x1  }
0x2a3: {  	v20 =	vperm.xlane v17, v4;
	v19 =	vadd.s32 v3, v19;
	_ =	sdelay $0x1  }
0x2a4: {  	s23 =	simm.s32 $0x5000;
	v21 =	vperm.xlane v17, v5;
	v20 =	vadd.s32 v3, v20  }
0x2a5: {  	[tilespmem:s23], [sflag:$0x4] =	stream.indirect_vreg.gather [hbm4b:s11+s5], $0x80, v18, vm0, $0xb8;
	[tilespmem:$0x1E400] =	vst v63  }
0x2a6: {  	s17 =	simm.s32 $0x5080;
	v18 =	vadd.s32 v3, v21;
	v21 =	vperm.xlane v17, v6  }
0x2a7: {  	[tilespmem:s17], [sflag:$0x4] =	stream.indirect_vreg.gather [hbm4b:s11+s5], $0x80, v19, vm0, $0xb8;
	[tilespmem:$0x1E400] =	vst v63  }
0x2a8: {  	s18 =	simm.s32 $0x5100;
	v19 =	vadd.s32 v3, v21  }
0x2a9: {  	v21 =	vperm.xlane v17, v7;
	[tilespmem:s18], [sflag:$0x4] =	stream.indirect_vreg.gather [hbm4b:s11+s5], $0x80, v20, vm0, $0xb8;
	[tilespmem:$0x1E400] =	vst v63  }
0x2aa: {  	s23 =	simm.s32 $0x5180  }
0x2ab: {  	v20 =	vadd.s32 v3, v21;
	[tilespmem:s23], [sflag:$0x4] =	stream.indirect_vreg.gather [hbm4b:s11+s5], $0x80, v18, vm0, $0xb8;
	[tilespmem:$0x1E400] =	vst v63  }
0x2ac: {  	s17 =	simm.s32 $0x5200;
	v21 =	vperm.xlane v17, v8  }
0x2ad: {  	[tilespmem:s17], [sflag:$0x4] =	stream.indirect_vreg.gather [hbm4b:s11+s5], $0x80, v19, vm0, $0xb8;
	[tilespmem:$0x1E400] =	vst v63  }
0x2ae: {  	v17 =	vperm.xlane v17, v0;
	v18 =	vadd.s32 v3, v21;
	s17 =	smov.u32 s28  }
0x2af: {  	s18 =	simm.s32 $0x5280;
	s17 =	smov.u32 @p0 s8  }
0x2b0: {  	v17 =	vadd.s32 v3, v17;
	[tilespmem:s18], [sflag:$0x4] =	stream.indirect_vreg.gather [hbm4b:s11+s5], $0x80, v20, vm0, $0xb8;
	[tilespmem:$0x1E400] =	vst v63  }
0x2b1: {  	s17 =	sshll.u32 s17, $0x8  }
0x2b2: {  	s23 =	simm.s32 $0x5300;
	s8 =	sadd.s32 s10, s17  }
0x2b3: {  	[tilespmem:s23], [sflag:$0x4] =	stream.indirect_vreg.gather [hbm4b:s11+s5], $0x80, v18, vm0, $0xb8;
	[tilespmem:$0x1E400] =	vst v63  }
0x2b4: {  	s14 =	simm.s32 $0x5380;
	s8 =	sshrl.u32 s8, $0x3;
	s23 =	rddreg [dreg:$0x18]  }
0x2b5: {  	[tilespmem:s14], [sflag:$0x4] =	stream.indirect_vreg.gather [hbm4b:s11+s5], $0x80, v17, vm0, $0xb8;
	[tilespmem:$0x1E400] =	vst v63  }
0x2b6: {  	s18 =	simm.s32 $0x9000;
	s8 =	sadd.s32 s2, s8;
	s23 =	sadd.s32 s25, s23  }
0x2b7: {  	[tilespmem:s18], [sflag:$0x8] =	stream.strided.gather [hbm4b:s8+s19], $0x1400, s9, s19, $0x38;
	[tilespmem:$0x1E400] =	vst v63  }
0x2b8: {  	s8 =	sshrl.u32 s23, $0x3  }
0x2b9: {  	s18 =	simm.s32 $0x80;
	s14 =	sadd.s32 s6, s8  }
0x2ba: {  	[tilespmem:s18], [sflag:$0xA] =	stream.linear.gather [hbm4b:s14+s5], $0x28, $0x38;
	[tilespmem:$0x1E400] =	vst v63  }
0x2bb: {  	s18 =	simm.s32 $0x3  }
0x2bc: {  	_ =	swait.ge [sflag:s18], $0x1400  }
0x2bd: {  	[sflag:s18] =	ssyncset.done $0x0  }
0x2be: {  	[sflag:s18] =	ssyncadd.s32 $0xFFFFEC00  }
0x2bf: {  	_ =	swait.ge [sflag:s15], $0x1400  }
0x2c0: {  	[sflag:s15] =	ssyncset.done $0x0  }
0x2c1: {  	s18 =	simm.s32 $0xF0;
	[sflag:s15] =	ssyncadd.s32 $0xFFFFEC00  }
0x2c2: {  	v23 =	vld [tilespmem:s18+$0x7B10]  }
0x2c3: {  	v24 =	vld [tilespmem:s18+$0x7B20]  }
0x2c4: {  	v25 =	vld [tilespmem:s18+$0x7B30]  }
0x2c5: {  	v26 =	vld [tilespmem:s18+$0x7B40]  }
0x2c6: {  	v27 =	vld [tilespmem:s18+$0x7B50]  }
0x2c7: {  	v28 =	vld [tilespmem:s18+$0x7B60]  }
0x2c8: {  	v29 =	vld [tilespmem:s18+$0x7B70]  }
0x2c9: {  	v30 =	vld [tilespmem:s18+$0x7B80]  }
0x2ca: {  	v31 =	vld [tilespmem:s18+$0x7B90]  }
0x2cb: {  	v32 =	vld [tilespmem:s18+$0x7BA0]  }
0x2cc: {  	v22 =	vld [tilespmem:s18+$0x7BB0]  }
0x2cd: {  	v21 =	vld [tilespmem:s18+$0x7BC0]  }
0x2ce: {  	v20 =	vld [tilespmem:s18+$0x7BD0]  }
0x2cf: {  	v33 =	vld [tilespmem:s18+$0x2B10]  }
0x2d0: {  	v34 =	vld [tilespmem:s18+$0x2B20]  }
0x2d1: {  	v19 =	vld [tilespmem:s18+$0x7BE0]  }
0x2d2: {  	v35 =	vld [tilespmem:s18+$0x2B30]  }
0x2d3: {  	v36 =	vld [tilespmem:s18+$0x2B40]  }
0x2d4: {  	v18 =	vld [tilespmem:s18+$0x7BF0];
	v23 =	vadd.f32 v23, v33  }
0x2d5: {  	v37 =	vld [tilespmem:s18+$0x2B50];
	v24 =	vadd.f32 v24, v34  }
0x2d6: {  	v60 =	vld [tilespmem:s18+$0x2B60];
	v23 =	vmax.f32 v23, $0.0e+00  }
0x2d7: {  	v17 =	vld [tilespmem:s18+$0x7C00];
	v24 =	vmax.f32 v24, $0.0e+00;
	[tilespmem:s18+$0x2B10] =	vst v23;
	v23 =	vadd.f32 v25, v35  }
0x2d8: {  	v38 =	vld [tilespmem:s18+$0x2B70];
	[tilespmem:s18+$0x2B20] =	vst v24;
	v24 =	vadd.f32 v26, v36  }
0x2d9: {  	v61 =	vld [tilespmem:s18+$0x2B80];
	v23 =	vmax.f32 v23, $0.0e+00  }
0x2da: {  	v62 =	vld [tilespmem:s18+$0x2B90];
	v25 =	vmax.f32 v24, $0.0e+00;
	[tilespmem:s18+$0x2B30] =	vst v23;
	v23 =	vadd.f32 v27, v37  }
0x2db: {  	v63 =	vld [tilespmem:s18+$0x2BA0];
	[tilespmem:s18+$0x2B40] =	vst v25;
	v25 =	vadd.f32 v28, v60  }
0x2dc: {  	v24 =	vld [tilespmem:s18+$0x2BB0];
	v26 =	vmax.f32 v23, $0.0e+00  }
0x2dd: {  	v23 =	vld [tilespmem:s18+$0x2BC0];
	v27 =	vmax.f32 v25, $0.0e+00;
	[tilespmem:s18+$0x2B50] =	vst v26;
	v26 =	vadd.f32 v29, v38  }
0x2de: {  	v25 =	vld [tilespmem:s18+$0x2BD0];
	[tilespmem:s18+$0x2B60] =	vst v27;
	v27 =	vadd.f32 v30, v61  }
0x2df: {  	v29 =	vadd.f32 v31, v62;
	v28 =	vmax.f32 v26, $0.0e+00;
	v26 =	vld [tilespmem:s18+$0x2BE0]  }
0x2e0: {  	s17 =	simm.s32 $0x7C0;
	v30 =	vmax.f32 v27, $0.0e+00;
	v27 =	vld [tilespmem:s18+$0x2BF0];
	[tilespmem:s18+$0x2B70] =	vst v28;
	v28 =	vadd.f32 v32, v63  }
.LBB2_7:
0x2e1: {  	s14 =	sshra.s32 s17, $0x2;
	p0 =	sne.s32 s17, $0x4FC0;
	[tilespmem:s18+$0x2B80] =	vst v30;
	v29 =	vmax.f32 v29, $0.0e+00;
	v22 =	vadd.f32 v22, v24;
	v24 =	vld [tilespmem:s18+$0x2C00]  }
0x2e2: {  	v30 =	vld [tilespmem:s14+$0x7B10];
	[tilespmem:s18+$0x2B90] =	vst v29;
	v28 =	vmax.f32 v28, $0.0e+00;
	v21 =	vadd.f32 v21, v23  }
0x2e3: {  	v23 =	vld [tilespmem:s14+$0x7B20];
	[tilespmem:s18+$0x2BA0] =	vst v28;
	v22 =	vmax.f32 v22, $0.0e+00;
	v20 =	vadd.f32 v20, v25  }
0x2e4: {  	v25 =	vld [tilespmem:s14+$0x7B30];
	[tilespmem:s18+$0x2BB0] =	vst v22;
	v21 =	vmax.f32 v21, $0.0e+00;
	v19 =	vadd.f32 v19, v26  }
0x2e5: {  	v26 =	vld [tilespmem:s14+$0x7B40];
	[tilespmem:s18+$0x2BC0] =	vst v21;
	v20 =	vmax.f32 v20, $0.0e+00;
	v18 =	vadd.f32 v18, v27  }
0x2e6: {  	v27 =	vld [tilespmem:s14+$0x7B50];
	[tilespmem:s18+$0x2BD0] =	vst v20;
	v19 =	vmax.f32 v19, $0.0e+00;
	v17 =	vadd.f32 v17, v24  }
0x2e7: {  	v24 =	vld [tilespmem:s14+$0x7B60];
	[tilespmem:s18+$0x2BE0] =	vst v19;
	v18 =	vmax.f32 v18, $0.0e+00  }
0x2e8: {  	v28 =	vld [tilespmem:s14+$0x7B70];
	[tilespmem:s18+$0x2BF0] =	vst v18;
	v17 =	vmax.f32 v17, $0.0e+00  }
0x2e9: {  	v29 =	vld [tilespmem:s14+$0x7B80];
	[tilespmem:s18+$0x2C00] =	vst v17;
	s18 =	smov.u32 s14  }
0x2ea: {  	v31 =	vld [tilespmem:s18+$0x7B90]  }
0x2eb: {  	v32 =	vld [tilespmem:s18+$0x7BA0]  }
0x2ec: {  	v22 =	vld [tilespmem:s18+$0x7BB0]  }
0x2ed: {  	v21 =	vld [tilespmem:s18+$0x7BC0]  }
0x2ee: {  	v20 =	vld [tilespmem:s18+$0x7BD0]  }
0x2ef: {  	v19 =	vld [tilespmem:s18+$0x7BE0]  }
0x2f0: {  	v18 =	vld [tilespmem:s18+$0x7BF0]  }
0x2f1: {  	v17 =	vld [tilespmem:s18+$0x7C00]  }
0x2f2: {  	v33 =	vld [tilespmem:s18+$0x2B10]  }
0x2f3: {  	v34 =	vld [tilespmem:s18+$0x2B20]  }
0x2f4: {  	v35 =	vld [tilespmem:s18+$0x2B30]  }
0x2f5: {  	v36 =	vld [tilespmem:s18+$0x2B40]  }
0x2f6: {  	v37 =	vld [tilespmem:s18+$0x2B50]  }
0x2f7: {  	v30 =	vadd.f32 v30, v33;
	v33 =	vld [tilespmem:s18+$0x2B60]  }
0x2f8: {  	v23 =	vadd.f32 v23, v34;
	v34 =	vld [tilespmem:s18+$0x2B70]  }
0x2f9: {  	v30 =	vmax.f32 v30, $0.0e+00;
	v25 =	vadd.f32 v25, v35;
	v35 =	vld [tilespmem:s18+$0x2B80]  }
0x2fa: {  	[tilespmem:s18+$0x2B10] =	vst v30;
	v23 =	vmax.f32 v23, $0.0e+00;
	v26 =	vadd.f32 v26, v36;
	v30 =	vld [tilespmem:s18+$0x2B90]  }
0x2fb: {  	[tilespmem:s18+$0x2B20] =	vst v23;
	v23 =	vmax.f32 v25, $0.0e+00;
	v25 =	vadd.f32 v27, v37;
	v27 =	vld [tilespmem:s18+$0x2BA0]  }
.Ltmp2:
0x2fc: {  	[tilespmem:s18+$0x2B30] =	vst v23;
	v23 =	vmax.f32 v26, $0.0e+00;
	v26 =	vadd.f32 v24, v33;
	v24 =	vld [tilespmem:s18+$0x2BB0];
	(pc) =	sbr.rel @p0 .LBB2_7-.Ltmp2, $4  }
0x2fd: {  	[tilespmem:s18+$0x2B40] =	vst v23;
	v25 =	vmax.f32 v25, $0.0e+00;
	v28 =	vadd.f32 v28, v34;
	v23 =	vld [tilespmem:s18+$0x2BC0]  }
0x2fe: {  	[tilespmem:s18+$0x2B50] =	vst v25;
	v26 =	vmax.f32 v26, $0.0e+00;
	v33 =	vadd.f32 v29, v35;
	v25 =	vld [tilespmem:s18+$0x2BD0]  }
0x2ff: {  	[tilespmem:s18+$0x2B60] =	vst v26;
	v28 =	vmax.f32 v28, $0.0e+00;
	v29 =	vadd.f32 v31, v30;
	v26 =	vld [tilespmem:s18+$0x2BE0]  }
0x300: {  	s17 =	sadd.s32 $0x400, s17;
	[tilespmem:s18+$0x2B70] =	vst v28;
	v30 =	vmax.f32 v33, $0.0e+00;
	v28 =	vadd.f32 v32, v27;
	v27 =	vld [tilespmem:s18+$0x2BF0]  }
0x301: {  	[tilespmem:s18+$0x2B80] =	vst v30;
	v29 =	vmax.f32 v29, $0.0e+00;
	v22 =	vadd.f32 v22, v24;
	v24 =	vld [tilespmem:s18+$0x2C00]  }
0x302: {  	[tilespmem:s18+$0x2B90] =	vst v29;
	v28 =	vmax.f32 v28, $0.0e+00;
	v21 =	vadd.f32 v21, v23  }
0x303: {  	[tilespmem:s18+$0x2BA0] =	vst v28;
	v22 =	vmax.f32 v22, $0.0e+00;
	v20 =	vadd.f32 v20, v25  }
0x304: {  	[tilespmem:s18+$0x2BB0] =	vst v22;
	v21 =	vmax.f32 v21, $0.0e+00;
	v19 =	vadd.f32 v19, v26  }
0x305: {  	[tilespmem:s18+$0x2BC0] =	vst v21;
	v20 =	vmax.f32 v20, $0.0e+00;
	v18 =	vadd.f32 v18, v27  }
0x306: {  	[tilespmem:s18+$0x2BD0] =	vst v20;
	v19 =	vmax.f32 v19, $0.0e+00;
	v17 =	vadd.f32 v17, v24  }
0x307: {  	[tilespmem:s18+$0x2BE0] =	vst v19;
	v18 =	vmax.f32 v18, $0.0e+00  }
0x308: {  	[tilespmem:s18+$0x2BF0] =	vst v18;
	v17 =	vmax.f32 v17, $0.0e+00  }
0x309: {  	[tilespmem:s18+$0x2C00] =	vst v17  }
0x30a: {  	_ =	swait.ge [sflag:s7], $0x28  }
0x30b: {  	s14 =	simm.s32 $0x300;
	[sflag:s7] =	ssyncset.done $0x0  }
0x30c: {  	s17 =	simm.s32 $0x2C00;
	s18 =	simm.s32 $0x28;
	[sflag:s7] =	ssyncadd.s32 $0xFFFFFFD8  }
0x30d: {  	[spmem:s4] =	stream.indirect.scatter.add.f32 [tilespmem:s17], [sflag:$0x13], $0x80, s14, s18, $0xb8;
	[tilespmem:$0x1E400] =	vst v63  }
0x30e: {  	_ =	swait.ge [sflag:s0], $0x1400  }
0x30f: {  	[sflag:s0] =	ssyncset.done $0x0  }
0x310: {  	s18 =	sadd.s32 s1, s20;
	s20 =	simm.s32 $0x200;
	[sflag:s0] =	ssyncadd.s32 $0xFFFFEC00  }
0x311: {  	[tilespmem:s20], [sflag:$0xD] =	stream.linear.gather [hbm4b:s18+s5], $0x28, $0x38;
	[tilespmem:$0x1E400] =	vst v63  }
0x312: {  	_ =	swait.ge [sflag:s29], $0x28  }
0x313: {  	[sflag:s29] =	ssyncset.done $0x0  }
0x314: {  	[sflag:s29] =	ssyncadd.s32 $0xFFFFFFD8  }
0x315: {  	v17 =	vld [tilespmem:$0x0];
	_ =	sdelay $0x4  }
0x316: {  	v18 =	vshll.u32 v17, $0x1  }
0x317: {  	v17 =	vand.u32 $0x7, v17;
	v18 =	vand.u32 $0xFFFFFFF0, v18  }
0x318: {  	v17 =	vor.u32 v17, v18  }
0x319: {  	v18 =	vperm.xlane v17, v2;
	_ =	sdelay $0x1  }
0x31a: {  	v19 =	vperm.xlane v17, v1;
	v18 =	vadd.s32 v3, v18;
	_ =	sdelay $0x1  }
0x31b: {  	v20 =	vperm.xlane v17, v4;
	v19 =	vadd.s32 v3, v19;
	_ =	sdelay $0x1  }
0x31c: {  	v21 =	vperm.xlane v17, v5;
	v20 =	vadd.s32 v3, v20  }
0x31d: {  	[tilespmem:s19], [sflag:$0x1] =	stream.indirect_vreg.gather [hbm4b:s11+s5], $0x80, v18, vm0, $0xb8;
	[tilespmem:$0x1E400] =	vst v63  }
0x31e: {  	s17 =	simm.s32 $0x480;
	v18 =	vadd.s32 v3, v21;
	v21 =	vperm.xlane v17, v6  }
0x31f: {  	[tilespmem:s17], [sflag:$0x1] =	stream.indirect_vreg.gather [hbm4b:s11+s5], $0x80, v19, vm0, $0xb8;
	[tilespmem:$0x1E400] =	vst v63  }
0x320: {  	s18 =	simm.s32 $0x500;
	v19 =	vadd.s32 v3, v21;
	v21 =	vperm.xlane v17, v7  }
0x321: {  	[tilespmem:s18], [sflag:$0x1] =	stream.indirect_vreg.gather [hbm4b:s11+s5], $0x80, v20, vm0, $0xb8;
	[tilespmem:$0x1E400] =	vst v63  }
0x322: {  	s20 =	simm.s32 $0x580;
	v20 =	vadd.s32 v3, v21;
	v21 =	vperm.xlane v17, v8  }
0x323: {  	[tilespmem:s20], [sflag:$0x1] =	stream.indirect_vreg.gather [hbm4b:s11+s5], $0x80, v18, vm0, $0xb8;
	[tilespmem:$0x1E400] =	vst v63  }
0x324: {  	s17 =	simm.s32 $0x600;
	v18 =	vadd.s32 v3, v21;
	v21 =	vperm.xlane v17, v0  }
0x325: {  	[tilespmem:s17], [sflag:$0x1] =	stream.indirect_vreg.gather [hbm4b:s11+s5], $0x80, v19, vm0, $0xb8;
	[tilespmem:$0x1E400] =	vst v63  }
0x326: {  	s18 =	simm.s32 $0x680;
	v19 =	vadd.s32 v3, v21;
	v21 =	vperm.xlane v17, v9  }
0x327: {  	[tilespmem:s18], [sflag:$0x1] =	stream.indirect_vreg.gather [hbm4b:s11+s5], $0x80, v20, vm0, $0xb8;
	[tilespmem:$0x1E400] =	vst v63  }
0x328: {  	s20 =	simm.s32 $0x700;
	v20 =	vadd.s32 v3, v21;
	v21 =	vperm.xlane v17, v10  }
0x329: {  	[tilespmem:s20], [sflag:$0x1] =	stream.indirect_vreg.gather [hbm4b:s11+s5], $0x80, v18, vm0, $0xb8;
	[tilespmem:$0x1E400] =	vst v63  }
0x32a: {  	s17 =	simm.s32 $0x780;
	v18 =	vadd.s32 v3, v21;
	v21 =	vperm.xlane v17, v11  }
0x32b: {  	[tilespmem:s17], [sflag:$0x1] =	stream.indirect_vreg.gather [hbm4b:s11+s5], $0x80, v19, vm0, $0xb8;
	[tilespmem:$0x1E400] =	vst v63  }
0x32c: {  	v19 =	vadd.s32 v3, v21;
	v21 =	vperm.xlane v17, v12  }
0x32d: {  	[tilespmem:s9], [sflag:$0x1] =	stream.indirect_vreg.gather [hbm4b:s11+s5], $0x80, v20, vm0, $0xb8;
	[tilespmem:$0x1E400] =	vst v63  }
0x32e: {  	s18 =	simm.s32 $0x880;
	v20 =	vadd.s32 v3, v21;
	v21 =	vperm.xlane v17, v13  }
0x32f: {  	[tilespmem:s18], [sflag:$0x1] =	stream.indirect_vreg.gather [hbm4b:s11+s5], $0x80, v18, vm0, $0xb8;
	[tilespmem:$0x1E400] =	vst v63  }
0x330: {  	s20 =	simm.s32 $0x900;
	v18 =	vadd.s32 v3, v21;
	v21 =	vperm.xlane v17, v14  }
0x331: {  	[tilespmem:s20], [sflag:$0x1] =	stream.indirect_vreg.gather [hbm4b:s11+s5], $0x80, v19, vm0, $0xb8;
	[tilespmem:$0x1E400] =	vst v63  }
0x332: {  	s17 =	simm.s32 $0x980;
	v19 =	vadd.s32 v3, v21;
	v21 =	vperm.xlane v17, v15  }
0x333: {  	[tilespmem:s17], [sflag:$0x1] =	stream.indirect_vreg.gather [hbm4b:s11+s5], $0x80, v20, vm0, $0xb8;
	[tilespmem:$0x1E400] =	vst v63  }
0x334: {  	s18 =	simm.s32 $0xA00;
	v17 =	vperm.xlane v17, v16;
	v20 =	vadd.s32 v3, v21  }
0x335: {  	[tilespmem:s18], [sflag:$0x1] =	stream.indirect_vreg.gather [hbm4b:s11+s5], $0x80, v18, vm0, $0xb8;
	[tilespmem:$0x1E400] =	vst v63  }
0x336: {  	s20 =	simm.s32 $0xA80;
	v17 =	vadd.s32 v3, v17  }
0x337: {  	[tilespmem:s20], [sflag:$0x1] =	stream.indirect_vreg.gather [hbm4b:s11+s5], $0x80, v19, vm0, $0xb8;
	[tilespmem:$0x1E400] =	vst v63  }
0x338: {  	s17 =	simm.s32 $0xB00  }
0x339: {  	[tilespmem:s17], [sflag:$0x1] =	stream.indirect_vreg.gather [hbm4b:s11+s5], $0x80, v20, vm0, $0xb8;
	[tilespmem:$0x1E400] =	vst v63  }
0x33a: {  	s18 =	simm.s32 $0xB80  }
0x33b: {  	[tilespmem:s18], [sflag:$0x1] =	stream.indirect_vreg.gather [hbm4b:s11+s5], $0x80, v17, vm0, $0xb8;
	[tilespmem:$0x1E400] =	vst v63  }
0x33c: {  	v17 =	vld [tilespmem:$0x10];
	_ =	sdelay $0x4  }
0x33d: {  	v18 =	vshll.u32 v17, $0x1  }
0x33e: {  	v17 =	vand.u32 $0x7, v17;
	v18 =	vand.u32 $0xFFFFFFF0, v18  }
0x33f: {  	v17 =	vor.u32 v17, v18  }
0x340: {  	v18 =	vperm.xlane v17, v2;
	_ =	sdelay $0x1  }
0x341: {  	v19 =	vperm.xlane v17, v1;
	v18 =	vadd.s32 v3, v18;
	_ =	sdelay $0x1  }
0x342: {  	v20 =	vperm.xlane v17, v4;
	v19 =	vadd.s32 v3, v19;
	_ =	sdelay $0x1  }
0x343: {  	s20 =	simm.s32 $0xC00;
	v21 =	vperm.xlane v17, v5;
	v20 =	vadd.s32 v3, v20  }
0x344: {  	[tilespmem:s20], [sflag:$0x1] =	stream.indirect_vreg.gather [hbm4b:s11+s5], $0x80, v18, vm0, $0xb8;
	[tilespmem:$0x1E400] =	vst v63  }
0x345: {  	s17 =	simm.s32 $0xC80;
	v18 =	vadd.s32 v3, v21;
	v21 =	vperm.xlane v17, v6  }
0x346: {  	[tilespmem:s17], [sflag:$0x1] =	stream.indirect_vreg.gather [hbm4b:s11+s5], $0x80, v19, vm0, $0xb8;
	[tilespmem:$0x1E400] =	vst v63  }
0x347: {  	s18 =	simm.s32 $0xD00;
	v19 =	vadd.s32 v3, v21;
	v21 =	vperm.xlane v17, v7  }
0x348: {  	[tilespmem:s18], [sflag:$0x1] =	stream.indirect_vreg.gather [hbm4b:s11+s5], $0x80, v20, vm0, $0xb8;
	[tilespmem:$0x1E400] =	vst v63  }
0x349: {  	s20 =	simm.s32 $0xD80;
	v20 =	vadd.s32 v3, v21;
	v21 =	vperm.xlane v17, v8  }
0x34a: {  	[tilespmem:s20], [sflag:$0x1] =	stream.indirect_vreg.gather [hbm4b:s11+s5], $0x80, v18, vm0, $0xb8;
	[tilespmem:$0x1E400] =	vst v63  }
0x34b: {  	s17 =	simm.s32 $0xE00;
	v18 =	vadd.s32 v3, v21;
	v21 =	vperm.xlane v17, v0  }
0x34c: {  	[tilespmem:s17], [sflag:$0x1] =	stream.indirect_vreg.gather [hbm4b:s11+s5], $0x80, v19, vm0, $0xb8;
	[tilespmem:$0x1E400] =	vst v63  }
0x34d: {  	s18 =	simm.s32 $0xE80;
	v19 =	vadd.s32 v3, v21;
	v21 =	vperm.xlane v17, v9  }
0x34e: {  	[tilespmem:s18], [sflag:$0x1] =	stream.indirect_vreg.gather [hbm4b:s11+s5], $0x80, v20, vm0, $0xb8;
	[tilespmem:$0x1E400] =	vst v63  }
0x34f: {  	s20 =	simm.s32 $0xF00;
	v20 =	vadd.s32 v3, v21;
	v21 =	vperm.xlane v17, v10  }
0x350: {  	[tilespmem:s20], [sflag:$0x1] =	stream.indirect_vreg.gather [hbm4b:s11+s5], $0x80, v18, vm0, $0xb8;
	[tilespmem:$0x1E400] =	vst v63  }
0x351: {  	s17 =	simm.s32 $0xF80;
	v18 =	vadd.s32 v3, v21;
	v21 =	vperm.xlane v17, v11  }
0x352: {  	[tilespmem:s17], [sflag:$0x1] =	stream.indirect_vreg.gather [hbm4b:s11+s5], $0x80, v19, vm0, $0xb8;
	[tilespmem:$0x1E400] =	vst v63  }
0x353: {  	s18 =	simm.s32 $0x1000;
	v19 =	vadd.s32 v3, v21;
	v21 =	vperm.xlane v17, v12  }
0x354: {  	[tilespmem:s18], [sflag:$0x1] =	stream.indirect_vreg.gather [hbm4b:s11+s5], $0x80, v20, vm0, $0xb8;
	[tilespmem:$0x1E400] =	vst v63  }
0x355: {  	s20 =	simm.s32 $0x1080;
	v20 =	vadd.s32 v3, v21;
	v21 =	vperm.xlane v17, v13  }
0x356: {  	[tilespmem:s20], [sflag:$0x1] =	stream.indirect_vreg.gather [hbm4b:s11+s5], $0x80, v18, vm0, $0xb8;
	[tilespmem:$0x1E400] =	vst v63  }
0x357: {  	s17 =	simm.s32 $0x1100;
	v18 =	vadd.s32 v3, v21;
	v21 =	vperm.xlane v17, v14  }
0x358: {  	[tilespmem:s17], [sflag:$0x1] =	stream.indirect_vreg.gather [hbm4b:s11+s5], $0x80, v19, vm0, $0xb8;
	[tilespmem:$0x1E400] =	vst v63  }
0x359: {  	s18 =	simm.s32 $0x1180;
	v19 =	vadd.s32 v3, v21;
	v21 =	vperm.xlane v17, v15  }
0x35a: {  	[tilespmem:s18], [sflag:$0x1] =	stream.indirect_vreg.gather [hbm4b:s11+s5], $0x80, v20, vm0, $0xb8;
	[tilespmem:$0x1E400] =	vst v63  }
0x35b: {  	s20 =	simm.s32 $0x1200;
	v17 =	vperm.xlane v17, v16;
	v20 =	vadd.s32 v3, v21  }
0x35c: {  	[tilespmem:s20], [sflag:$0x1] =	stream.indirect_vreg.gather [hbm4b:s11+s5], $0x80, v18, vm0, $0xb8;
	[tilespmem:$0x1E400] =	vst v63  }
0x35d: {  	s17 =	simm.s32 $0x1280;
	v17 =	vadd.s32 v3, v17  }
0x35e: {  	[tilespmem:s17], [sflag:$0x1] =	stream.indirect_vreg.gather [hbm4b:s11+s5], $0x80, v19, vm0, $0xb8;
	[tilespmem:$0x1E400] =	vst v63  }
0x35f: {  	s18 =	simm.s32 $0x1300  }
0x360: {  	[tilespmem:s18], [sflag:$0x1] =	stream.indirect_vreg.gather [hbm4b:s11+s5], $0x80, v20, vm0, $0xb8;
	[tilespmem:$0x1E400] =	vst v63  }
0x361: {  	s20 =	simm.s32 $0x1380  }
0x362: {  	[tilespmem:s20], [sflag:$0x1] =	stream.indirect_vreg.gather [hbm4b:s11+s5], $0x80, v17, vm0, $0xb8;
	[tilespmem:$0x1E400] =	vst v63  }
0x363: {  	v17 =	vld.msk [tilespmem:$0x20], $0xff;
	_ =	sdelay $0x4  }
0x364: {  	v18 =	vshll.u32 v17, $0x1  }
0x365: {  	v17 =	vand.u32 $0x7, v17;
	v18 =	vand.u32 $0xFFFFFFF0, v18  }
0x366: {  	v17 =	vor.u32 v17, v18  }
0x367: {  	v18 =	vperm.xlane v17, v2;
	_ =	sdelay $0x1  }
0x368: {  	v19 =	vperm.xlane v17, v1;
	v18 =	vadd.s32 v3, v18;
	_ =	sdelay $0x1  }
0x369: {  	v20 =	vperm.xlane v17, v4;
	v19 =	vadd.s32 v3, v19;
	_ =	sdelay $0x1  }
0x36a: {  	s17 =	simm.s32 $0x1400;
	v21 =	vperm.xlane v17, v5;
	v20 =	vadd.s32 v3, v20  }
0x36b: {  	[tilespmem:s17], [sflag:$0x1] =	stream.indirect_vreg.gather [hbm4b:s11+s5], $0x80, v18, vm0, $0xb8;
	[tilespmem:$0x1E400] =	vst v63  }
0x36c: {  	s18 =	simm.s32 $0x1480;
	v18 =	vadd.s32 v3, v21;
	v21 =	vperm.xlane v17, v6  }
0x36d: {  	[tilespmem:s18], [sflag:$0x1] =	stream.indirect_vreg.gather [hbm4b:s11+s5], $0x80, v19, vm0, $0xb8;
	[tilespmem:$0x1E400] =	vst v63  }
0x36e: {  	s20 =	simm.s32 $0x1500;
	v19 =	vadd.s32 v3, v21;
	v21 =	vperm.xlane v17, v7  }
0x36f: {  	[tilespmem:s20], [sflag:$0x1] =	stream.indirect_vreg.gather [hbm4b:s11+s5], $0x80, v20, vm0, $0xb8;
	[tilespmem:$0x1E400] =	vst v63  }
0x370: {  	s17 =	simm.s32 $0x1580;
	v20 =	vadd.s32 v3, v21;
	v21 =	vperm.xlane v17, v8  }
0x371: {  	[tilespmem:s17], [sflag:$0x1] =	stream.indirect_vreg.gather [hbm4b:s11+s5], $0x80, v18, vm0, $0xb8;
	[tilespmem:$0x1E400] =	vst v63  }
0x372: {  	s18 =	simm.s32 $0x1600;
	v17 =	vperm.xlane v17, v0;
	v18 =	vadd.s32 v3, v21  }
0x373: {  	[tilespmem:s18], [sflag:$0x1] =	stream.indirect_vreg.gather [hbm4b:s11+s5], $0x80, v19, vm0, $0xb8;
	[tilespmem:$0x1E400] =	vst v63  }
0x374: {  	s13 =	sshll.u32 s13, $0x8;
	s20 =	simm.s32 $0x1680;
	v17 =	vadd.s32 v3, v17  }
0x375: {  	[tilespmem:s20], [sflag:$0x1] =	stream.indirect_vreg.gather [hbm4b:s11+s5], $0x80, v20, vm0, $0xb8;
	[tilespmem:$0x1E400] =	vst v63  }
0x376: {  	s13 =	sor.u32 s10, s13;
	s17 =	simm.s32 $0x1700  }
0x377: {  	[tilespmem:s17], [sflag:$0x1] =	stream.indirect_vreg.gather [hbm4b:s11+s5], $0x80, v18, vm0, $0xb8;
	[tilespmem:$0x1E400] =	vst v63  }
0x378: {  	s13 =	sshrl.u32 s13, $0x3;
	s18 =	simm.s32 $0x1780  }
0x379: {  	[tilespmem:s18], [sflag:$0x1] =	stream.indirect_vreg.gather [hbm4b:s11+s5], $0x80, v17, vm0, $0xb8;
	[tilespmem:$0x1E400] =	vst v63  }
0x37a: {  	s13 =	sadd.s32 s2, s13;
	s20 =	simm.s32 $0x5400  }
0x37b: {  	[tilespmem:s20], [sflag:$0x5] =	stream.strided.gather [hbm4b:s13+s19], $0x1400, s9, s19, $0x38;
	[tilespmem:$0x1E400] =	vst v63  }
0x37c: {  	p0 =	seq.s32 s21, $0x3D;
	s13 =	rddreg [dreg:$0x19]  }
0x37d: {  	s13 =	sadd.s32 @!p0 s25, s13  }
0x37e: {  	s13 =	sshrl.u32 @!p0 s13, $0x3  }
0x37f: {  	s14 =	simm.s32 @!p0 $0x0;
	s17 =	simm.s32 @!p0 $0x100;
	s13 =	sadd.s32 @!p0 s6, s13  }
0x380: {  	[tilespmem:s17], [sflag:$0xB] =	stream.linear.gather @!p0 [hbm4b:s13+s14], $0x28, $0x38;
	[tilespmem:$0x1E400] =	vst v63  }
0x381: {  	_ =	swait.ge [sflag:s30], $0x1400  }
0x382: {  	[sflag:s30] =	ssyncset.done $0x0  }
0x383: {  	[sflag:s30] =	ssyncadd.s32 $0xFFFFEC00  }
0x384: {  	_ =	swait.ge [sflag:s31], $0x1400  }
0x385: {  	[sflag:s31] =	ssyncset.done $0x0  }
0x386: {  	s13 =	simm.s32 $0xF0;
	[sflag:s31] =	ssyncadd.s32 $0xFFFFEC00  }
0x387: {  	v23 =	vld [tilespmem:s13+$0x8F10]  }
0x388: {  	v24 =	vld [tilespmem:s13+$0x8F20]  }
0x389: {  	v25 =	vld [tilespmem:s13+$0x8F30]  }
0x38a: {  	v26 =	vld [tilespmem:s13+$0x8F40]  }
0x38b: {  	v27 =	vld [tilespmem:s13+$0x8F50]  }
0x38c: {  	v28 =	vld [tilespmem:s13+$0x8F60]  }
0x38d: {  	v29 =	vld [tilespmem:s13+$0x8F70]  }
0x38e: {  	v30 =	vld [tilespmem:s13+$0x8F80]  }
0x38f: {  	v31 =	vld [tilespmem:s13+$0x8F90]  }
0x390: {  	v32 =	vld [tilespmem:s13+$0x8FA0]  }
0x391: {  	v22 =	vld [tilespmem:s13+$0x8FB0]  }
0x392: {  	v21 =	vld [tilespmem:s13+$0x8FC0]  }
0x393: {  	v20 =	vld [tilespmem:s13+$0x8FD0]  }
0x394: {  	v33 =	vld [tilespmem:s13+$0x3F10]  }
0x395: {  	v34 =	vld [tilespmem:s13+$0x3F20]  }
0x396: {  	v19 =	vld [tilespmem:s13+$0x8FE0]  }
0x397: {  	v35 =	vld [tilespmem:s13+$0x3F30]  }
0x398: {  	v36 =	vld [tilespmem:s13+$0x3F40]  }
0x399: {  	v18 =	vld [tilespmem:s13+$0x8FF0];
	v23 =	vadd.f32 v23, v33  }
0x39a: {  	v37 =	vld [tilespmem:s13+$0x3F50];
	v24 =	vadd.f32 v24, v34  }
0x39b: {  	v60 =	vld [tilespmem:s13+$0x3F60];
	v23 =	vmax.f32 v23, $0.0e+00  }
0x39c: {  	v17 =	vld [tilespmem:s13+$0x9000];
	v24 =	vmax.f32 v24, $0.0e+00;
	[tilespmem:s13+$0x3F10] =	vst v23;
	v23 =	vadd.f32 v25, v35  }
0x39d: {  	v38 =	vld [tilespmem:s13+$0x3F70];
	[tilespmem:s13+$0x3F20] =	vst v24;
	v24 =	vadd.f32 v26, v36  }
0x39e: {  	v61 =	vld [tilespmem:s13+$0x3F80];
	v23 =	vmax.f32 v23, $0.0e+00  }
0x39f: {  	v62 =	vld [tilespmem:s13+$0x3F90];
	v25 =	vmax.f32 v24, $0.0e+00;
	[tilespmem:s13+$0x3F30] =	vst v23;
	v23 =	vadd.f32 v27, v37  }
0x3a0: {  	v63 =	vld [tilespmem:s13+$0x3FA0];
	[tilespmem:s13+$0x3F40] =	vst v25;
	v25 =	vadd.f32 v28, v60  }
0x3a1: {  	v24 =	vld [tilespmem:s13+$0x3FB0];
	v26 =	vmax.f32 v23, $0.0e+00  }
0x3a2: {  	v23 =	vld [tilespmem:s13+$0x3FC0];
	v27 =	vmax.f32 v25, $0.0e+00;
	[tilespmem:s13+$0x3F50] =	vst v26;
	v26 =	vadd.f32 v29, v38  }
0x3a3: {  	v25 =	vld [tilespmem:s13+$0x3FD0];
	[tilespmem:s13+$0x3F60] =	vst v27;
	v27 =	vadd.f32 v30, v61  }
0x3a4: {  	v29 =	vadd.f32 v31, v62;
	v28 =	vmax.f32 v26, $0.0e+00;
	v26 =	vld [tilespmem:s13+$0x3FE0]  }
0x3a5: {  	s17 =	simm.s32 $0x7C0;
	v30 =	vmax.f32 v27, $0.0e+00;
	v27 =	vld [tilespmem:s13+$0x3FF0];
	[tilespmem:s13+$0x3F70] =	vst v28;
	v28 =	vadd.f32 v32, v63  }
.LBB2_9:
0x3a6: {  	s14 =	sshra.s32 s17, $0x2;
	p1 =	sne.s32 s17, $0x4FC0;
	[tilespmem:s13+$0x3F80] =	vst v30;
	v29 =	vmax.f32 v29, $0.0e+00;
	v22 =	vadd.f32 v22, v24;
	v24 =	vld [tilespmem:s13+$0x4000]  }
0x3a7: {  	v30 =	vld [tilespmem:s14+$0x8F10];
	[tilespmem:s13+$0x3F90] =	vst v29;
	v28 =	vmax.f32 v28, $0.0e+00;
	v21 =	vadd.f32 v21, v23  }
0x3a8: {  	v23 =	vld [tilespmem:s14+$0x8F20];
	[tilespmem:s13+$0x3FA0] =	vst v28;
	v22 =	vmax.f32 v22, $0.0e+00;
	v20 =	vadd.f32 v20, v25  }
0x3a9: {  	v25 =	vld [tilespmem:s14+$0x8F30];
	[tilespmem:s13+$0x3FB0] =	vst v22;
	v21 =	vmax.f32 v21, $0.0e+00;
	v19 =	vadd.f32 v19, v26  }
0x3aa: {  	v26 =	vld [tilespmem:s14+$0x8F40];
	[tilespmem:s13+$0x3FC0] =	vst v21;
	v20 =	vmax.f32 v20, $0.0e+00;
	v18 =	vadd.f32 v18, v27  }
0x3ab: {  	v27 =	vld [tilespmem:s14+$0x8F50];
	[tilespmem:s13+$0x3FD0] =	vst v20;
	v19 =	vmax.f32 v19, $0.0e+00;
	v17 =	vadd.f32 v17, v24  }
0x3ac: {  	v24 =	vld [tilespmem:s14+$0x8F60];
	[tilespmem:s13+$0x3FE0] =	vst v19;
	v18 =	vmax.f32 v18, $0.0e+00  }
0x3ad: {  	v28 =	vld [tilespmem:s14+$0x8F70];
	[tilespmem:s13+$0x3FF0] =	vst v18;
	v17 =	vmax.f32 v17, $0.0e+00  }
0x3ae: {  	v29 =	vld [tilespmem:s14+$0x8F80];
	[tilespmem:s13+$0x4000] =	vst v17;
	s13 =	smov.u32 s14  }
0x3af: {  	v31 =	vld [tilespmem:s13+$0x8F90]  }
0x3b0: {  	v32 =	vld [tilespmem:s13+$0x8FA0]  }
0x3b1: {  	v22 =	vld [tilespmem:s13+$0x8FB0]  }
0x3b2: {  	v21 =	vld [tilespmem:s13+$0x8FC0]  }
0x3b3: {  	v20 =	vld [tilespmem:s13+$0x8FD0]  }
0x3b4: {  	v19 =	vld [tilespmem:s13+$0x8FE0]  }
0x3b5: {  	v18 =	vld [tilespmem:s13+$0x8FF0]  }
0x3b6: {  	v17 =	vld [tilespmem:s13+$0x9000]  }
0x3b7: {  	v33 =	vld [tilespmem:s13+$0x3F10]  }
0x3b8: {  	v34 =	vld [tilespmem:s13+$0x3F20]  }
0x3b9: {  	v35 =	vld [tilespmem:s13+$0x3F30]  }
0x3ba: {  	v36 =	vld [tilespmem:s13+$0x3F40]  }
0x3bb: {  	v37 =	vld [tilespmem:s13+$0x3F50]  }
0x3bc: {  	v30 =	vadd.f32 v30, v33;
	v33 =	vld [tilespmem:s13+$0x3F60]  }
0x3bd: {  	v23 =	vadd.f32 v23, v34;
	v34 =	vld [tilespmem:s13+$0x3F70]  }
0x3be: {  	v30 =	vmax.f32 v30, $0.0e+00;
	v25 =	vadd.f32 v25, v35;
	v35 =	vld [tilespmem:s13+$0x3F80]  }
0x3bf: {  	[tilespmem:s13+$0x3F10] =	vst v30;
	v23 =	vmax.f32 v23, $0.0e+00;
	v26 =	vadd.f32 v26, v36;
	v30 =	vld [tilespmem:s13+$0x3F90]  }
0x3c0: {  	[tilespmem:s13+$0x3F20] =	vst v23;
	v23 =	vmax.f32 v25, $0.0e+00;
	v25 =	vadd.f32 v27, v37;
	v27 =	vld [tilespmem:s13+$0x3FA0]  }
.Ltmp3:
0x3c1: {  	[tilespmem:s13+$0x3F30] =	vst v23;
	v23 =	vmax.f32 v26, $0.0e+00;
	v26 =	vadd.f32 v24, v33;
	v24 =	vld [tilespmem:s13+$0x3FB0];
	(pc) =	sbr.rel @p1 .LBB2_9-.Ltmp3, $4  }
0x3c2: {  	[tilespmem:s13+$0x3F40] =	vst v23;
	v25 =	vmax.f32 v25, $0.0e+00;
	v28 =	vadd.f32 v28, v34;
	v23 =	vld [tilespmem:s13+$0x3FC0]  }
0x3c3: {  	[tilespmem:s13+$0x3F50] =	vst v25;
	v26 =	vmax.f32 v26, $0.0e+00;
	v33 =	vadd.f32 v29, v35;
	v25 =	vld [tilespmem:s13+$0x3FD0]  }
0x3c4: {  	[tilespmem:s13+$0x3F60] =	vst v26;
	v28 =	vmax.f32 v28, $0.0e+00;
	v29 =	vadd.f32 v31, v30;
	v26 =	vld [tilespmem:s13+$0x3FE0]  }
0x3c5: {  	s17 =	sadd.s32 $0x400, s17;
	[tilespmem:s13+$0x3F70] =	vst v28;
	v30 =	vmax.f32 v33, $0.0e+00;
	v28 =	vadd.f32 v32, v27;
	v27 =	vld [tilespmem:s13+$0x3FF0]  }
0x3c6: {  	[tilespmem:s13+$0x3F80] =	vst v30;
	v29 =	vmax.f32 v29, $0.0e+00;
	v22 =	vadd.f32 v22, v24;
	v63 =	vld [tilespmem:s13+$0x4000]  }
0x3c7: {  	[tilespmem:s13+$0x3F90] =	vst v29;
	v28 =	vmax.f32 v28, $0.0e+00;
	v21 =	vadd.f32 v21, v23  }
0x3c8: {  	[tilespmem:s13+$0x3FA0] =	vst v28;
	v22 =	vmax.f32 v22, $0.0e+00;
	v20 =	vadd.f32 v20, v25  }
0x3c9: {  	[tilespmem:s13+$0x3FB0] =	vst v22;
	v21 =	vmax.f32 v21, $0.0e+00;
	v19 =	vadd.f32 v19, v26  }
0x3ca: {  	[tilespmem:s13+$0x3FC0] =	vst v21;
	v20 =	vmax.f32 v20, $0.0e+00;
	v18 =	vadd.f32 v18, v27  }
0x3cb: {  	[tilespmem:s13+$0x3FD0] =	vst v20;
	v19 =	vmax.f32 v19, $0.0e+00;
	v17 =	vadd.f32 v17, v63  }
0x3cc: {  	[tilespmem:s13+$0x3FE0] =	vst v19;
	v18 =	vmax.f32 v18, $0.0e+00  }
0x3cd: {  	[tilespmem:s13+$0x3FF0] =	vst v18;
	v17 =	vmax.f32 v17, $0.0e+00  }
0x3ce: {  	[tilespmem:s13+$0x4000] =	vst v17  }
0x3cf: {  	_ =	swait.ge [sflag:s3], $0x28  }
0x3d0: {  	s20 =	simm.s32 $0x380;
	[sflag:s3] =	ssyncset.done $0x0  }
0x3d1: {  	s14 =	simm.s32 $0x4000;
	s17 =	simm.s32 $0x28;
	[sflag:s3] =	ssyncadd.s32 $0xFFFFFFD8  }
0x3d2: {  	[spmem:s4] =	stream.indirect.scatter.add.f32 [tilespmem:s14], [sflag:$0x14], $0x80, s20, s17, $0xb8;
	[tilespmem:$0x1E400] =	vst v63  }
0x3d3: {  	_ =	swait.ge [sflag:s12], $0x1400  }
0x3d4: {  	[sflag:s12] =	ssyncset.done $0x0  }
0x3d5: {  	s8 =	sadd.s32 s1, s8;
	s18 =	simm.s32 $0x280;
	[sflag:s12] =	ssyncadd.s32 $0xFFFFEC00  }
0x3d6: {  	[tilespmem:s18], [sflag:$0xE] =	stream.linear.gather [hbm4b:s8+s5], $0x28, $0x38;
	[tilespmem:$0x1E400] =	vst v63  }
0x3d7: {  	_ =	swait.ge [sflag:s16], $0x28  }
0x3d8: {  	[sflag:s16] =	ssyncset.done $0x0  }
0x3d9: {  	[sflag:s16] =	ssyncadd.s32 $0xFFFFFFD8  }
0x3da: {  	v17 =	vld [tilespmem:$0x80];
	_ =	sdelay $0x4  }
0x3db: {  	v18 =	vshll.u32 v17, $0x1  }
0x3dc: {  	v17 =	vand.u32 $0x7, v17;
	v18 =	vand.u32 $0xFFFFFFF0, v18  }
0x3dd: {  	v17 =	vor.u32 v17, v18  }
0x3de: {  	v18 =	vperm.xlane v17, v2;
	_ =	sdelay $0x1  }
0x3df: {  	v19 =	vperm.xlane v17, v1;
	v18 =	vadd.s32 v3, v18;
	_ =	sdelay $0x1  }
0x3e0: {  	v24 =	vperm.xlane v17, v4;
	v19 =	vadd.s32 v3, v19;
	_ =	sdelay $0x1  }
0x3e1: {  	s20 =	simm.s32 $0x1800;
	v25 =	vperm.xlane v17, v5;
	v20 =	vadd.s32 v3, v24  }
0x3e2: {  	[tilespmem:s20], [sflag:$0x2] =	stream.indirect_vreg.gather [hbm4b:s11+s5], $0x80, v18, vm0, $0xb8;
	[tilespmem:$0x1E400] =	vst v63  }
0x3e3: {  	s17 =	simm.s32 $0x1880;
	v26 =	vperm.xlane v17, v6;
	v18 =	vadd.s32 v3, v25  }
0x3e4: {  	[tilespmem:s17], [sflag:$0x2] =	stream.indirect_vreg.gather [hbm4b:s11+s5], $0x80, v19, vm0, $0xb8;
	[tilespmem:$0x1E400] =	vst v63  }
0x3e5: {  	s13 =	simm.s32 $0x1900;
	v27 =	vperm.xlane v17, v7;
	v19 =	vadd.s32 v3, v26  }
0x3e6: {  	[tilespmem:s13], [sflag:$0x2] =	stream.indirect_vreg.gather [hbm4b:s11+s5], $0x80, v20, vm0, $0xb8;
	[tilespmem:$0x1E400] =	vst v63  }
0x3e7: {  	s14 =	simm.s32 $0x1980;
	v29 =	vperm.xlane v17, v8;
	v28 =	vadd.s32 v3, v27  }
0x3e8: {  	[tilespmem:s14], [sflag:$0x2] =	stream.indirect_vreg.gather [hbm4b:s11+s5], $0x80, v18, vm0, $0xb8;
	[tilespmem:$0x1E400] =	vst v63  }
0x3e9: {  	v30 =	vperm.xlane v17, v0;
	s17 =	simm.s32 $0x1A00;
	v18 =	vadd.s32 v3, v29  }
0x3ea: {  	[tilespmem:s17], [sflag:$0x2] =	stream.indirect_vreg.gather [hbm4b:s11+s5], $0x80, v19, vm0, $0xb8;
	[tilespmem:$0x1E400] =	vst v63  }
0x3eb: {  	v31 =	vperm.xlane v17, v9;
	s13 =	simm.s32 $0x1A80;
	v19 =	vadd.s32 v3, v30  }
0x3ec: {  	[tilespmem:s13], [sflag:$0x2] =	stream.indirect_vreg.gather [hbm4b:s11+s5], $0x80, v28, vm0, $0xb8;
	[tilespmem:$0x1E400] =	vst v63  }
0x3ed: {  	v33 =	vperm.xlane v17, v10;
	v32 =	vadd.s32 v3, v31;
	s14 =	simm.s32 $0x1B00  }
0x3ee: {  	[tilespmem:s14], [sflag:$0x2] =	stream.indirect_vreg.gather [hbm4b:s11+s5], $0x80, v18, vm0, $0xb8;
	[tilespmem:$0x1E400] =	vst v63  }
0x3ef: {  	v34 =	vperm.xlane v17, v11;
	s17 =	simm.s32 $0x1B80;
	v18 =	vadd.s32 v3, v33  }
0x3f0: {  	[tilespmem:s17], [sflag:$0x2] =	stream.indirect_vreg.gather [hbm4b:s11+s5], $0x80, v19, vm0, $0xb8;
	[tilespmem:$0x1E400] =	vst v63  }
0x3f1: {  	v35 =	vperm.xlane v17, v12;
	s13 =	simm.s32 $0x1C00;
	v19 =	vadd.s32 v3, v34  }
0x3f2: {  	[tilespmem:s13], [sflag:$0x2] =	stream.indirect_vreg.gather [hbm4b:s11+s5], $0x80, v32, vm0, $0xb8;
	[tilespmem:$0x1E400] =	vst v63  }
0x3f3: {  	v37 =	vperm.xlane v17, v13;
	v36 =	vadd.s32 v3, v35;
	s14 =	simm.s32 $0x1C80  }
0x3f4: {  	[tilespmem:s14], [sflag:$0x2] =	stream.indirect_vreg.gather [hbm4b:s11+s5], $0x80, v18, vm0, $0xb8;
	[tilespmem:$0x1E400] =	vst v63  }
0x3f5: {  	v38 =	vperm.xlane v17, v14;
	s17 =	simm.s32 $0x1D00;
	v18 =	vadd.s32 v3, v37  }
0x3f6: {  	[tilespmem:s17], [sflag:$0x2] =	stream.indirect_vreg.gather [hbm4b:s11+s5], $0x80, v19, vm0, $0xb8;
	[tilespmem:$0x1E400] =	vst v63  }
0x3f7: {  	v39 =	vperm.xlane v17, v15;
	s13 =	simm.s32 $0x1D80;
	v19 =	vadd.s32 v3, v38  }
0x3f8: {  	[tilespmem:s13], [sflag:$0x2] =	stream.indirect_vreg.gather [hbm4b:s11+s5], $0x80, v36, vm0, $0xb8;
	[tilespmem:$0x1E400] =	vst v63  }
0x3f9: {  	v17 =	vperm.xlane v17, v16;
	v40 =	vadd.s32 v3, v39;
	s14 =	simm.s32 $0x1E00  }
0x3fa: {  	[tilespmem:s14], [sflag:$0x2] =	stream.indirect_vreg.gather [hbm4b:s11+s5], $0x80, v18, vm0, $0xb8;
	[tilespmem:$0x1E400] =	vst v63  }
0x3fb: {  	v17 =	vadd.s32 v3, v17;
	s17 =	simm.s32 $0x1E80  }
0x3fc: {  	[tilespmem:s17], [sflag:$0x2] =	stream.indirect_vreg.gather [hbm4b:s11+s5], $0x80, v19, vm0, $0xb8;
	[tilespmem:$0x1E400] =	vst v63  }
0x3fd: {  	s13 =	simm.s32 $0x1F00  }
0x3fe: {  	[tilespmem:s13], [sflag:$0x2] =	stream.indirect_vreg.gather [hbm4b:s11+s5], $0x80, v40, vm0, $0xb8;
	[tilespmem:$0x1E400] =	vst v63  }
0x3ff: {  	s14 =	simm.s32 $0x1F80  }
0x400: {  	[tilespmem:s14], [sflag:$0x2] =	stream.indirect_vreg.gather [hbm4b:s11+s5], $0x80, v17, vm0, $0xb8;
	[tilespmem:$0x1E400] =	vst v63  }
0x401: {  	v17 =	vld [tilespmem:$0x90];
	_ =	sdelay $0x4  }
0x402: {  	v18 =	vshll.u32 v17, $0x1  }
0x403: {  	v17 =	vand.u32 $0x7, v17;
	v18 =	vand.u32 $0xFFFFFFF0, v18  }
0x404: {  	v17 =	vor.u32 v17, v18  }
0x405: {  	v18 =	vperm.xlane v17, v2;
	_ =	sdelay $0x1  }
0x406: {  	v19 =	vperm.xlane v17, v1;
	v18 =	vadd.s32 v3, v18;
	_ =	sdelay $0x1  }
0x407: {  	v41 =	vperm.xlane v17, v4;
	v19 =	vadd.s32 v3, v19;
	_ =	sdelay $0x1  }
0x408: {  	s17 =	simm.s32 $0x2000;
	v42 =	vperm.xlane v17, v5;
	v20 =	vadd.s32 v3, v41  }
0x409: {  	[tilespmem:s17], [sflag:$0x2] =	stream.indirect_vreg.gather [hbm4b:s11+s5], $0x80, v18, vm0, $0xb8;
	[tilespmem:$0x1E400] =	vst v63  }
0x40a: {  	s13 =	simm.s32 $0x2080;
	v43 =	vperm.xlane v17, v6;
	v18 =	vadd.s32 v3, v42  }
0x40b: {  	[tilespmem:s13], [sflag:$0x2] =	stream.indirect_vreg.gather [hbm4b:s11+s5], $0x80, v19, vm0, $0xb8;
	[tilespmem:$0x1E400] =	vst v63  }
0x40c: {  	s14 =	simm.s32 $0x2100;
	v44 =	vperm.xlane v17, v7;
	v19 =	vadd.s32 v3, v43  }
0x40d: {  	[tilespmem:s14], [sflag:$0x2] =	stream.indirect_vreg.gather [hbm4b:s11+s5], $0x80, v20, vm0, $0xb8;
	[tilespmem:$0x1E400] =	vst v63  }
0x40e: {  	v46 =	vperm.xlane v17, v8;
	v45 =	vadd.s32 v3, v44;
	s17 =	simm.s32 $0x2180  }
0x40f: {  	[tilespmem:s17], [sflag:$0x2] =	stream.indirect_vreg.gather [hbm4b:s11+s5], $0x80, v18, vm0, $0xb8;
	[tilespmem:$0x1E400] =	vst v63  }
0x410: {  	v47 =	vperm.xlane v17, v0;
	s13 =	simm.s32 $0x2200;
	v18 =	vadd.s32 v3, v46  }
0x411: {  	[tilespmem:s13], [sflag:$0x2] =	stream.indirect_vreg.gather [hbm4b:s11+s5], $0x80, v19, vm0, $0xb8;
	[tilespmem:$0x1E400] =	vst v63  }
0x412: {  	v48 =	vperm.xlane v17, v9;
	s14 =	simm.s32 $0x2280;
	v19 =	vadd.s32 v3, v47  }
0x413: {  	[tilespmem:s14], [sflag:$0x2] =	stream.indirect_vreg.gather [hbm4b:s11+s5], $0x80, v45, vm0, $0xb8;
	[tilespmem:$0x1E400] =	vst v63  }
0x414: {  	v50 =	vperm.xlane v17, v10;
	v49 =	vadd.s32 v3, v48;
	s17 =	simm.s32 $0x2300  }
0x415: {  	[tilespmem:s17], [sflag:$0x2] =	stream.indirect_vreg.gather [hbm4b:s11+s5], $0x80, v18, vm0, $0xb8;
	[tilespmem:$0x1E400] =	vst v63  }
0x416: {  	v51 =	vperm.xlane v17, v11;
	s13 =	simm.s32 $0x2380;
	v18 =	vadd.s32 v3, v50  }
0x417: {  	[tilespmem:s13], [sflag:$0x2] =	stream.indirect_vreg.gather [hbm4b:s11+s5], $0x80, v19, vm0, $0xb8;
	[tilespmem:$0x1E400] =	vst v63  }
0x418: {  	v52 =	vperm.xlane v17, v12;
	s14 =	simm.s32 $0x2400;
	v19 =	vadd.s32 v3, v51  }
0x419: {  	[tilespmem:s14], [sflag:$0x2] =	stream.indirect_vreg.gather [hbm4b:s11+s5], $0x80, v49, vm0, $0xb8;
	[tilespmem:$0x1E400] =	vst v63  }
0x41a: {  	v54 =	vperm.xlane v17, v13;
	v53 =	vadd.s32 v3, v52;
	s17 =	simm.s32 $0x2480  }
0x41b: {  	[tilespmem:s17], [sflag:$0x2] =	stream.indirect_vreg.gather [hbm4b:s11+s5], $0x80, v18, vm0, $0xb8;
	[tilespmem:$0x1E400] =	vst v63  }
0x41c: {  	v55 =	vperm.xlane v17, v14;
	s13 =	simm.s32 $0x2500;
	v18 =	vadd.s32 v3, v54  }
0x41d: {  	[tilespmem:s13], [sflag:$0x2] =	stream.indirect_vreg.gather [hbm4b:s11+s5], $0x80, v19, vm0, $0xb8;
	[tilespmem:$0x1E400] =	vst v63  }
0x41e: {  	v56 =	vperm.xlane v17, v15;
	s14 =	simm.s32 $0x2580;
	v19 =	vadd.s32 v3, v55  }
0x41f: {  	[tilespmem:s14], [sflag:$0x2] =	stream.indirect_vreg.gather [hbm4b:s11+s5], $0x80, v53, vm0, $0xb8;
	[tilespmem:$0x1E400] =	vst v63  }
0x420: {  	v17 =	vperm.xlane v17, v16;
	v57 =	vadd.s32 v3, v56;
	s17 =	simm.s32 $0x2600  }
0x421: {  	[tilespmem:s17], [sflag:$0x2] =	stream.indirect_vreg.gather [hbm4b:s11+s5], $0x80, v18, vm0, $0xb8;
	[tilespmem:$0x1E400] =	vst v63  }
0x422: {  	v17 =	vadd.s32 v3, v17;
	s13 =	simm.s32 $0x2680  }
0x423: {  	[tilespmem:s13], [sflag:$0x2] =	stream.indirect_vreg.gather [hbm4b:s11+s5], $0x80, v19, vm0, $0xb8;
	[tilespmem:$0x1E400] =	vst v63  }
0x424: {  	s14 =	simm.s32 $0x2700  }
0x425: {  	[tilespmem:s14], [sflag:$0x2] =	stream.indirect_vreg.gather [hbm4b:s11+s5], $0x80, v57, vm0, $0xb8;
	[tilespmem:$0x1E400] =	vst v63  }
0x426: {  	s17 =	simm.s32 $0x2780  }
0x427: {  	[tilespmem:s17], [sflag:$0x2] =	stream.indirect_vreg.gather [hbm4b:s11+s5], $0x80, v17, vm0, $0xb8;
	[tilespmem:$0x1E400] =	vst v63  }
0x428: {  	v17 =	vld.msk [tilespmem:$0xA0], $0xff;
	_ =	sdelay $0x4  }
0x429: {  	v18 =	vshll.u32 v17, $0x1  }
0x42a: {  	v17 =	vand.u32 $0x7, v17;
	v18 =	vand.u32 $0xFFFFFFF0, v18  }
0x42b: {  	v17 =	vor.u32 v17, v18  }
0x42c: {  	v18 =	vperm.xlane v17, v2;
	_ =	sdelay $0x1  }
0x42d: {  	v19 =	vperm.xlane v17, v1;
	v18 =	vadd.s32 v3, v18;
	_ =	sdelay $0x1  }
0x42e: {  	v58 =	vperm.xlane v17, v4;
	v19 =	vadd.s32 v3, v19;
	_ =	sdelay $0x1  }
0x42f: {  	s13 =	simm.s32 $0x2800;
	v59 =	vperm.xlane v17, v5;
	v20 =	vadd.s32 v3, v58  }
0x430: {  	[tilespmem:s13], [sflag:$0x2] =	stream.indirect_vreg.gather [hbm4b:s11+s5], $0x80, v18, vm0, $0xb8;
	[tilespmem:$0x1E400] =	vst v63  }
0x431: {  	s14 =	simm.s32 $0x2880;
	v60 =	vperm.xlane v17, v6;
	v18 =	vadd.s32 v3, v59  }
0x432: {  	[tilespmem:s14], [sflag:$0x2] =	stream.indirect_vreg.gather [hbm4b:s11+s5], $0x80, v19, vm0, $0xb8;
	[tilespmem:$0x1E400] =	vst v63  }
0x433: {  	s17 =	simm.s32 $0x2900;
	v61 =	vperm.xlane v17, v7;
	v19 =	vadd.s32 v3, v60  }
0x434: {  	[tilespmem:s17], [sflag:$0x2] =	stream.indirect_vreg.gather [hbm4b:s11+s5], $0x80, v20, vm0, $0xb8;
	[tilespmem:$0x1E400] =	vst v63  }
0x435: {  	v63 =	vperm.xlane v17, v8;
	v62 =	vadd.s32 v3, v61;
	s13 =	simm.s32 $0x2980  }
0x436: {  	[tilespmem:s13], [sflag:$0x2] =	stream.indirect_vreg.gather [hbm4b:s11+s5], $0x80, v18, vm0, $0xb8;
	[tilespmem:$0x1E400] =	vst v63  }
0x437: {  	s14 =	simm.s32 $0x2A00;
	v18 =	vadd.s32 v3, v63  }
0x438: {  	v17 =	vperm.xlane v17, v0;
	[tilespmem:s14], [sflag:$0x2] =	stream.indirect_vreg.gather [hbm4b:s11+s5], $0x80, v19, vm0, $0xb8;
	[tilespmem:$0x1E400] =	vst v63  }
0x439: {  	s17 =	simm.s32 $0x2A80  }
0x43a: {  	v17 =	vadd.s32 v3, v17;
	[tilespmem:s17], [sflag:$0x2] =	stream.indirect_vreg.gather [hbm4b:s11+s5], $0x80, v62, vm0, $0xb8;
	[tilespmem:$0x1E400] =	vst v63  }
0x43b: {  	s13 =	simm.s32 $0x2B00;
	s17 =	sshll.u32 s23, $0x8  }
0x43c: {  	[tilespmem:s13], [sflag:$0x2] =	stream.indirect_vreg.gather [hbm4b:s11+s5], $0x80, v18, vm0, $0xb8;
	[tilespmem:$0x1E400] =	vst v63  }
.Ltmp4:
0x43d: {  	s8 =	sor.u32 s10, s17;
	(pc) =	sbr.rel @p0 .LBB2_12-.Ltmp4, $4  }
0x43e: {  	s14 =	simm.s32 $0x2B80;
	s8 =	sshrl.u32 s8, $0x3  }
0x43f: {  	[tilespmem:s14], [sflag:$0x2] =	stream.indirect_vreg.gather [hbm4b:s11+s5], $0x80, v17, vm0, $0xb8;
	[tilespmem:$0x1E400] =	vst v63  }
0x440: {  	s23 =	simm.s32 $0x6800;
	s8 =	sadd.s32 s2, s8  }
0x441: {  	[tilespmem:s23], [sflag:$0x6] =	stream.strided.gather [hbm4b:s8+s19], $0x1400, s9, s19, $0x38;
	[tilespmem:$0x1E400] =	vst v63  }
.Ltmp5:
0x442: {  	s8 =	rddreg [dreg:$0x1a];
	(pc) =	sbr.rel .LBB2_2-.Ltmp5, $4  }
0x443: {  	s8 =	sadd.s32 s25, s8  }
0x444: {  	s8 =	sshrl.u32 s8, $0x3  }
0x445: {  	s13 =	simm.s32 $0x180;
	s21 =	sadd.s32 $0x1, s21;
	s8 =	sadd.s32 s6, s8  }
0x446: {  	[tilespmem:s13], [sflag:$0xC] =	stream.linear.gather [hbm4b:s8+s5], $0x28, $0x38;
	[tilespmem:$0x1E400] =	vst v63  }
.LBB2_12:
0x447: {  	s8 =	simm.s32 $0x1  }
0x448: {  	_ =	swait.ge [sflag:s8], $0x1400  }
0x449: {  	[sflag:s8] =	ssyncset.done $0x0  }
0x44a: {  	s25 =	simm.s32 $0x5;
	[sflag:s8] =	ssyncadd.s32 $0xFFFFEC00  }
0x44b: {  	_ =	swait.ge [sflag:s25], $0x1400  }
0x44c: {  	[sflag:s25] =	ssyncset.done $0x0  }
0x44d: {  	s8 =	simm.s32 $0xF0;
	[sflag:s25] =	ssyncadd.s32 $0xFFFFEC00  }
0x44e: {  	v23 =	vld [tilespmem:s8+$0x5310]  }
0x44f: {  	v24 =	vld [tilespmem:s8+$0x5320]  }
0x450: {  	v25 =	vld [tilespmem:s8+$0x5330]  }
0x451: {  	v26 =	vld [tilespmem:s8+$0x5340]  }
0x452: {  	v27 =	vld [tilespmem:s8+$0x5350]  }
0x453: {  	v28 =	vld [tilespmem:s8+$0x5360]  }
0x454: {  	v29 =	vld [tilespmem:s8+$0x5370]  }
0x455: {  	v30 =	vld [tilespmem:s8+$0x5380]  }
0x456: {  	v31 =	vld [tilespmem:s8+$0x5390]  }
0x457: {  	v32 =	vld [tilespmem:s8+$0x53A0]  }
0x458: {  	v22 =	vld [tilespmem:s8+$0x53B0]  }
0x459: {  	v21 =	vld [tilespmem:s8+$0x53C0]  }
0x45a: {  	v20 =	vld [tilespmem:s8+$0x53D0]  }
0x45b: {  	v33 =	vld [tilespmem:s8+$0x310]  }
0x45c: {  	v34 =	vld [tilespmem:s8+$0x320]  }
0x45d: {  	v19 =	vld [tilespmem:s8+$0x53E0]  }
0x45e: {  	v35 =	vld [tilespmem:s8+$0x330]  }
0x45f: {  	v36 =	vld [tilespmem:s8+$0x340]  }
0x460: {  	v18 =	vld [tilespmem:s8+$0x53F0];
	v23 =	vadd.f32 v23, v33  }
0x461: {  	v37 =	vld [tilespmem:s8+$0x350];
	v24 =	vadd.f32 v24, v34  }
0x462: {  	v60 =	vld [tilespmem:s8+$0x360];
	v23 =	vmax.f32 v23, $0.0e+00  }
0x463: {  	v17 =	vld [tilespmem:s8+$0x5400];
	v24 =	vmax.f32 v24, $0.0e+00;
	[tilespmem:s8+$0x310] =	vst v23;
	v23 =	vadd.f32 v25, v35  }
0x464: {  	v38 =	vld [tilespmem:s8+$0x370];
	[tilespmem:s8+$0x320] =	vst v24;
	v24 =	vadd.f32 v26, v36  }
0x465: {  	v61 =	vld [tilespmem:s8+$0x380];
	v23 =	vmax.f32 v23, $0.0e+00  }
0x466: {  	v62 =	vld [tilespmem:s8+$0x390];
	v25 =	vmax.f32 v24, $0.0e+00;
	[tilespmem:s8+$0x330] =	vst v23;
	v23 =	vadd.f32 v27, v37  }
0x467: {  	v63 =	vld [tilespmem:s8+$0x3A0];
	[tilespmem:s8+$0x340] =	vst v25;
	v25 =	vadd.f32 v28, v60  }
0x468: {  	v24 =	vld [tilespmem:s8+$0x3B0];
	v26 =	vmax.f32 v23, $0.0e+00  }
0x469: {  	v23 =	vld [tilespmem:s8+$0x3C0];
	v27 =	vmax.f32 v25, $0.0e+00;
	[tilespmem:s8+$0x350] =	vst v26;
	v26 =	vadd.f32 v29, v38  }
0x46a: {  	v25 =	vld [tilespmem:s8+$0x3D0];
	[tilespmem:s8+$0x360] =	vst v27;
	v27 =	vadd.f32 v30, v61  }
0x46b: {  	v29 =	vadd.f32 v31, v62;
	v28 =	vmax.f32 v26, $0.0e+00;
	v26 =	vld [tilespmem:s8+$0x3E0]  }
0x46c: {  	s13 =	simm.s32 $0x7C0;
	v30 =	vmax.f32 v27, $0.0e+00;
	v27 =	vld [tilespmem:s8+$0x3F0];
	[tilespmem:s8+$0x370] =	vst v28;
	v28 =	vadd.f32 v32, v63  }
.LBB2_13:
0x46d: {  	s14 =	sshra.s32 s13, $0x2;
	p0 =	sne.s32 s13, $0x4FC0;
	[tilespmem:s8+$0x380] =	vst v30;
	v29 =	vmax.f32 v29, $0.0e+00;
	v22 =	vadd.f32 v22, v24;
	v24 =	vld [tilespmem:s8+$0x400]  }
0x46e: {  	v30 =	vld [tilespmem:s14+$0x5310];
	[tilespmem:s8+$0x390] =	vst v29;
	v28 =	vmax.f32 v28, $0.0e+00;
	v21 =	vadd.f32 v21, v23  }
0x46f: {  	v23 =	vld [tilespmem:s14+$0x5320];
	[tilespmem:s8+$0x3A0] =	vst v28;
	v22 =	vmax.f32 v22, $0.0e+00;
	v20 =	vadd.f32 v20, v25  }
0x470: {  	v25 =	vld [tilespmem:s14+$0x5330];
	[tilespmem:s8+$0x3B0] =	vst v22;
	v21 =	vmax.f32 v21, $0.0e+00;
	v19 =	vadd.f32 v19, v26  }
0x471: {  	v26 =	vld [tilespmem:s14+$0x5340];
	[tilespmem:s8+$0x3C0] =	vst v21;
	v20 =	vmax.f32 v20, $0.0e+00;
	v18 =	vadd.f32 v18, v27  }
0x472: {  	v27 =	vld [tilespmem:s14+$0x5350];
	[tilespmem:s8+$0x3D0] =	vst v20;
	v19 =	vmax.f32 v19, $0.0e+00;
	v17 =	vadd.f32 v17, v24  }
0x473: {  	v24 =	vld [tilespmem:s14+$0x5360];
	[tilespmem:s8+$0x3E0] =	vst v19;
	v18 =	vmax.f32 v18, $0.0e+00  }
0x474: {  	v28 =	vld [tilespmem:s14+$0x5370];
	[tilespmem:s8+$0x3F0] =	vst v18;
	v17 =	vmax.f32 v17, $0.0e+00  }
0x475: {  	v29 =	vld [tilespmem:s14+$0x5380];
	[tilespmem:s8+$0x400] =	vst v17;
	s8 =	smov.u32 s14  }
0x476: {  	v31 =	vld [tilespmem:s8+$0x5390]  }
0x477: {  	v32 =	vld [tilespmem:s8+$0x53A0]  }
0x478: {  	v22 =	vld [tilespmem:s8+$0x53B0]  }
0x479: {  	v21 =	vld [tilespmem:s8+$0x53C0]  }
0x47a: {  	v20 =	vld [tilespmem:s8+$0x53D0]  }
0x47b: {  	v19 =	vld [tilespmem:s8+$0x53E0]  }
0x47c: {  	v18 =	vld [tilespmem:s8+$0x53F0]  }
0x47d: {  	v17 =	vld [tilespmem:s8+$0x5400]  }
0x47e: {  	v33 =	vld [tilespmem:s8+$0x310]  }
0x47f: {  	v34 =	vld [tilespmem:s8+$0x320]  }
0x480: {  	v35 =	vld [tilespmem:s8+$0x330]  }
0x481: {  	v36 =	vld [tilespmem:s8+$0x340]  }
0x482: {  	v37 =	vld [tilespmem:s8+$0x350]  }
0x483: {  	v30 =	vadd.f32 v30, v33;
	v33 =	vld [tilespmem:s8+$0x360]  }
0x484: {  	v23 =	vadd.f32 v23, v34;
	v34 =	vld [tilespmem:s8+$0x370]  }
0x485: {  	v30 =	vmax.f32 v30, $0.0e+00;
	v25 =	vadd.f32 v25, v35;
	v35 =	vld [tilespmem:s8+$0x380]  }
0x486: {  	[tilespmem:s8+$0x310] =	vst v30;
	v23 =	vmax.f32 v23, $0.0e+00;
	v26 =	vadd.f32 v26, v36;
	v30 =	vld [tilespmem:s8+$0x390]  }
0x487: {  	[tilespmem:s8+$0x320] =	vst v23;
	v23 =	vmax.f32 v25, $0.0e+00;
	v25 =	vadd.f32 v27, v37;
	v27 =	vld [tilespmem:s8+$0x3A0]  }
.Ltmp6:
0x488: {  	[tilespmem:s8+$0x330] =	vst v23;
	v23 =	vmax.f32 v26, $0.0e+00;
	v26 =	vadd.f32 v24, v33;
	v24 =	vld [tilespmem:s8+$0x3B0];
	(pc) =	sbr.rel @p0 .LBB2_13-.Ltmp6, $4  }
0x489: {  	[tilespmem:s8+$0x340] =	vst v23;
	v25 =	vmax.f32 v25, $0.0e+00;
	v28 =	vadd.f32 v28, v34;
	v23 =	vld [tilespmem:s8+$0x3C0]  }
0x48a: {  	[tilespmem:s8+$0x350] =	vst v25;
	v26 =	vmax.f32 v26, $0.0e+00;
	v33 =	vadd.f32 v29, v35;
	v25 =	vld [tilespmem:s8+$0x3D0]  }
0x48b: {  	[tilespmem:s8+$0x360] =	vst v26;
	v28 =	vmax.f32 v28, $0.0e+00;
	v29 =	vadd.f32 v31, v30;
	v26 =	vld [tilespmem:s8+$0x3E0]  }
0x48c: {  	s13 =	sadd.s32 $0x400, s13;
	[tilespmem:s8+$0x370] =	vst v28;
	v30 =	vmax.f32 v33, $0.0e+00;
	v28 =	vadd.f32 v32, v27;
	v27 =	vld [tilespmem:s8+$0x3F0]  }
0x48d: {  	[tilespmem:s8+$0x380] =	vst v30;
	v29 =	vmax.f32 v29, $0.0e+00;
	v22 =	vadd.f32 v22, v24;
	v24 =	vld [tilespmem:s8+$0x400]  }
0x48e: {  	[tilespmem:s8+$0x390] =	vst v29;
	v28 =	vmax.f32 v28, $0.0e+00;
	v21 =	vadd.f32 v21, v23  }
0x48f: {  	[tilespmem:s8+$0x3A0] =	vst v28;
	v22 =	vmax.f32 v22, $0.0e+00;
	v20 =	vadd.f32 v20, v25  }
0x490: {  	[tilespmem:s8+$0x3B0] =	vst v22;
	v21 =	vmax.f32 v21, $0.0e+00;
	v19 =	vadd.f32 v19, v26  }
0x491: {  	[tilespmem:s8+$0x3C0] =	vst v21;
	v20 =	vmax.f32 v20, $0.0e+00;
	v18 =	vadd.f32 v18, v27  }
0x492: {  	[tilespmem:s8+$0x3D0] =	vst v20;
	v19 =	vmax.f32 v19, $0.0e+00;
	v17 =	vadd.f32 v17, v24  }
0x493: {  	[tilespmem:s8+$0x3E0] =	vst v19;
	v18 =	vmax.f32 v18, $0.0e+00  }
0x494: {  	[tilespmem:s8+$0x3F0] =	vst v18;
	v17 =	vmax.f32 v17, $0.0e+00  }
0x495: {  	s23 =	simm.s32 $0xD;
	[tilespmem:s8+$0x400] =	vst v17  }
0x496: {  	_ =	swait.ge [sflag:s23], $0x28  }
0x497: {  	[sflag:s23] =	ssyncset.done $0x0  }
0x498: {  	s25 =	simm.s32 $0x200;
	s13 =	simm.s32 $0x28;
	[sflag:s23] =	ssyncadd.s32 $0xFFFFFFD8  }
0x499: {  	[spmem:s4] =	stream.indirect.scatter.add.f32 [tilespmem:s19], [sflag:$0x11], $0x80, s25, s13, $0xb8;
	[tilespmem:$0x1E400] =	vst v63  }
0x49a: {  	_ =	swait.ge [sflag:s22], $0x1400  }
0x49b: {  	[sflag:s22] =	ssyncset.done $0x0  }
0x49c: {  	[sflag:s22] =	ssyncadd.s32 $0xFFFFEC00  }
0x49d: {  	_ =	swait.ge [sflag:s24], $0x1400  }
0x49e: {  	[sflag:s24] =	ssyncset.done $0x0  }
0x49f: {  	s8 =	simm.s32 $0xF0;
	[sflag:s24] =	ssyncadd.s32 $0xFFFFEC00  }
0x4a0: {  	v23 =	vld [tilespmem:s8+$0x6710]  }
0x4a1: {  	v24 =	vld [tilespmem:s8+$0x6720]  }
0x4a2: {  	v25 =	vld [tilespmem:s8+$0x6730]  }
0x4a3: {  	v26 =	vld [tilespmem:s8+$0x6740]  }
0x4a4: {  	v27 =	vld [tilespmem:s8+$0x6750]  }
0x4a5: {  	v28 =	vld [tilespmem:s8+$0x6760]  }
0x4a6: {  	v29 =	vld [tilespmem:s8+$0x6770]  }
0x4a7: {  	v30 =	vld [tilespmem:s8+$0x6780]  }
0x4a8: {  	v31 =	vld [tilespmem:s8+$0x6790]  }
0x4a9: {  	v32 =	vld [tilespmem:s8+$0x67A0]  }
0x4aa: {  	v22 =	vld [tilespmem:s8+$0x67B0]  }
0x4ab: {  	v21 =	vld [tilespmem:s8+$0x67C0]  }
0x4ac: {  	v20 =	vld [tilespmem:s8+$0x67D0]  }
0x4ad: {  	v33 =	vld [tilespmem:s8+$0x1710]  }
0x4ae: {  	v34 =	vld [tilespmem:s8+$0x1720]  }
0x4af: {  	v19 =	vld [tilespmem:s8+$0x67E0]  }
0x4b0: {  	v35 =	vld [tilespmem:s8+$0x1730]  }
0x4b1: {  	v36 =	vld [tilespmem:s8+$0x1740]  }
0x4b2: {  	v18 =	vld [tilespmem:s8+$0x67F0];
	v23 =	vadd.f32 v23, v33  }
0x4b3: {  	v37 =	vld [tilespmem:s8+$0x1750];
	v24 =	vadd.f32 v24, v34  }
0x4b4: {  	v60 =	vld [tilespmem:s8+$0x1760];
	v23 =	vmax.f32 v23, $0.0e+00  }
0x4b5: {  	v17 =	vld [tilespmem:s8+$0x6800];
	v24 =	vmax.f32 v24, $0.0e+00;
	[tilespmem:s8+$0x1710] =	vst v23;
	v23 =	vadd.f32 v25, v35  }
0x4b6: {  	v38 =	vld [tilespmem:s8+$0x1770];
	[tilespmem:s8+$0x1720] =	vst v24;
	v24 =	vadd.f32 v26, v36  }
0x4b7: {  	v61 =	vld [tilespmem:s8+$0x1780];
	v23 =	vmax.f32 v23, $0.0e+00  }
0x4b8: {  	v62 =	vld [tilespmem:s8+$0x1790];
	v25 =	vmax.f32 v24, $0.0e+00;
	[tilespmem:s8+$0x1730] =	vst v23;
	v23 =	vadd.f32 v27, v37  }
0x4b9: {  	v63 =	vld [tilespmem:s8+$0x17A0];
	[tilespmem:s8+$0x1740] =	vst v25;
	v25 =	vadd.f32 v28, v60  }
0x4ba: {  	v24 =	vld [tilespmem:s8+$0x17B0];
	v26 =	vmax.f32 v23, $0.0e+00  }
0x4bb: {  	v23 =	vld [tilespmem:s8+$0x17C0];
	v27 =	vmax.f32 v25, $0.0e+00;
	[tilespmem:s8+$0x1750] =	vst v26;
	v26 =	vadd.f32 v29, v38  }
0x4bc: {  	v25 =	vld [tilespmem:s8+$0x17D0];
	[tilespmem:s8+$0x1760] =	vst v27;
	v27 =	vadd.f32 v30, v61  }
0x4bd: {  	v29 =	vadd.f32 v31, v62;
	v28 =	vmax.f32 v26, $0.0e+00;
	v26 =	vld [tilespmem:s8+$0x17E0]  }
0x4be: {  	s13 =	simm.s32 $0x7C0;
	v30 =	vmax.f32 v27, $0.0e+00;
	v27 =	vld [tilespmem:s8+$0x17F0];
	[tilespmem:s8+$0x1770] =	vst v28;
	v28 =	vadd.f32 v32, v63  }
.LBB2_15:
0x4bf: {  	s14 =	sshra.s32 s13, $0x2;
	p0 =	sne.s32 s13, $0x4FC0;
	[tilespmem:s8+$0x1780] =	vst v30;
	v29 =	vmax.f32 v29, $0.0e+00;
	v22 =	vadd.f32 v22, v24;
	v24 =	vld [tilespmem:s8+$0x1800]  }
0x4c0: {  	v30 =	vld [tilespmem:s14+$0x6710];
	[tilespmem:s8+$0x1790] =	vst v29;
	v28 =	vmax.f32 v28, $0.0e+00;
	v21 =	vadd.f32 v21, v23  }
0x4c1: {  	v23 =	vld [tilespmem:s14+$0x6720];
	[tilespmem:s8+$0x17A0] =	vst v28;
	v22 =	vmax.f32 v22, $0.0e+00;
	v20 =	vadd.f32 v20, v25  }
0x4c2: {  	v25 =	vld [tilespmem:s14+$0x6730];
	[tilespmem:s8+$0x17B0] =	vst v22;
	v21 =	vmax.f32 v21, $0.0e+00;
	v19 =	vadd.f32 v19, v26  }
0x4c3: {  	v26 =	vld [tilespmem:s14+$0x6740];
	[tilespmem:s8+$0x17C0] =	vst v21;
	v20 =	vmax.f32 v20, $0.0e+00;
	v18 =	vadd.f32 v18, v27  }
0x4c4: {  	v27 =	vld [tilespmem:s14+$0x6750];
	[tilespmem:s8+$0x17D0] =	vst v20;
	v19 =	vmax.f32 v19, $0.0e+00;
	v17 =	vadd.f32 v17, v24  }
0x4c5: {  	v24 =	vld [tilespmem:s14+$0x6760];
	[tilespmem:s8+$0x17E0] =	vst v19;
	v18 =	vmax.f32 v18, $0.0e+00  }
0x4c6: {  	v28 =	vld [tilespmem:s14+$0x6770];
	[tilespmem:s8+$0x17F0] =	vst v18;
	v17 =	vmax.f32 v17, $0.0e+00  }
0x4c7: {  	v29 =	vld [tilespmem:s14+$0x6780];
	[tilespmem:s8+$0x1800] =	vst v17;
	s8 =	smov.u32 s14  }
0x4c8: {  	v31 =	vld [tilespmem:s8+$0x6790]  }
0x4c9: {  	v32 =	vld [tilespmem:s8+$0x67A0]  }
0x4ca: {  	v22 =	vld [tilespmem:s8+$0x67B0]  }
0x4cb: {  	v21 =	vld [tilespmem:s8+$0x67C0]  }
0x4cc: {  	v20 =	vld [tilespmem:s8+$0x67D0]  }
0x4cd: {  	v19 =	vld [tilespmem:s8+$0x67E0]  }
0x4ce: {  	v18 =	vld [tilespmem:s8+$0x67F0]  }
0x4cf: {  	v17 =	vld [tilespmem:s8+$0x6800]  }
0x4d0: {  	v33 =	vld [tilespmem:s8+$0x1710]  }
0x4d1: {  	v34 =	vld [tilespmem:s8+$0x1720]  }
0x4d2: {  	v35 =	vld [tilespmem:s8+$0x1730]  }
0x4d3: {  	v36 =	vld [tilespmem:s8+$0x1740]  }
0x4d4: {  	v37 =	vld [tilespmem:s8+$0x1750]  }
0x4d5: {  	v30 =	vadd.f32 v30, v33;
	v33 =	vld [tilespmem:s8+$0x1760]  }
0x4d6: {  	v23 =	vadd.f32 v23, v34;
	v34 =	vld [tilespmem:s8+$0x1770]  }
0x4d7: {  	v30 =	vmax.f32 v30, $0.0e+00;
	v25 =	vadd.f32 v25, v35;
	v35 =	vld [tilespmem:s8+$0x1780]  }
0x4d8: {  	[tilespmem:s8+$0x1710] =	vst v30;
	v23 =	vmax.f32 v23, $0.0e+00;
	v26 =	vadd.f32 v26, v36;
	v30 =	vld [tilespmem:s8+$0x1790]  }
0x4d9: {  	[tilespmem:s8+$0x1720] =	vst v23;
	v23 =	vmax.f32 v25, $0.0e+00;
	v25 =	vadd.f32 v27, v37;
	v27 =	vld [tilespmem:s8+$0x17A0]  }
.Ltmp7:
0x4da: {  	[tilespmem:s8+$0x1730] =	vst v23;
	v23 =	vmax.f32 v26, $0.0e+00;
	v26 =	vadd.f32 v24, v33;
	v24 =	vld [tilespmem:s8+$0x17B0];
	(pc) =	sbr.rel @p0 .LBB2_15-.Ltmp7, $4  }
0x4db: {  	[tilespmem:s8+$0x1740] =	vst v23;
	v25 =	vmax.f32 v25, $0.0e+00;
	v28 =	vadd.f32 v28, v34;
	v23 =	vld [tilespmem:s8+$0x17C0]  }
0x4dc: {  	[tilespmem:s8+$0x1750] =	vst v25;
	v26 =	vmax.f32 v26, $0.0e+00;
	v33 =	vadd.f32 v29, v35;
	v25 =	vld [tilespmem:s8+$0x17D0]  }
0x4dd: {  	[tilespmem:s8+$0x1760] =	vst v26;
	v28 =	vmax.f32 v28, $0.0e+00;
	v29 =	vadd.f32 v31, v30;
	v26 =	vld [tilespmem:s8+$0x17E0]  }
0x4de: {  	s13 =	sadd.s32 $0x400, s13;
	[tilespmem:s8+$0x1770] =	vst v28;
	v30 =	vmax.f32 v33, $0.0e+00;
	v28 =	vadd.f32 v32, v27;
	v27 =	vld [tilespmem:s8+$0x17F0]  }
0x4df: {  	[tilespmem:s8+$0x1780] =	vst v30;
	v29 =	vmax.f32 v29, $0.0e+00;
	v22 =	vadd.f32 v22, v24;
	v63 =	vld [tilespmem:s8+$0x1800]  }
0x4e0: {  	[tilespmem:s8+$0x1790] =	vst v29;
	v28 =	vmax.f32 v28, $0.0e+00;
	v21 =	vadd.f32 v21, v23  }
0x4e1: {  	[tilespmem:s8+$0x17A0] =	vst v28;
	v22 =	vmax.f32 v22, $0.0e+00;
	v20 =	vadd.f32 v20, v25  }
0x4e2: {  	[tilespmem:s8+$0x17B0] =	vst v22;
	v21 =	vmax.f32 v21, $0.0e+00;
	v19 =	vadd.f32 v19, v26  }
0x4e3: {  	[tilespmem:s8+$0x17C0] =	vst v21;
	v20 =	vmax.f32 v20, $0.0e+00;
	v18 =	vadd.f32 v18, v27  }
0x4e4: {  	[tilespmem:s8+$0x17D0] =	vst v20;
	v19 =	vmax.f32 v19, $0.0e+00;
	v17 =	vadd.f32 v17, v63  }
0x4e5: {  	[tilespmem:s8+$0x17E0] =	vst v19;
	v18 =	vmax.f32 v18, $0.0e+00  }
0x4e6: {  	[tilespmem:s8+$0x17F0] =	vst v18;
	v17 =	vmax.f32 v17, $0.0e+00  }
0x4e7: {  	s25 =	simm.s32 $0xE;
	[tilespmem:s8+$0x1800] =	vst v17  }
0x4e8: {  	_ =	swait.ge [sflag:s25], $0x28  }
0x4e9: {  	[sflag:s25] =	ssyncset.done $0x0  }
0x4ea: {  	s13 =	simm.s32 $0x28;
	[sflag:s25] =	ssyncadd.s32 $0xFFFFFFD8  }
0x4eb: {  	[spmem:s4] =	stream.indirect.scatter.add.f32 [tilespmem:s20], [sflag:$0x12], $0x80, s18, s13, $0xb8;
	[tilespmem:$0x1E400] =	vst v63  }
0x4ec: {  	_ =	swait.ge [sflag:s0], $0x1400  }
0x4ed: {  	[sflag:s0] =	ssyncset.done $0x0  }
0x4ee: {  	[sflag:s0] =	ssyncadd.s32 $0xFFFFEC00  }
0x4ef: {  	_ =	swait.ge [sflag:s12], $0x1400  }
0x4f0: {  	[sflag:s12] =	ssyncset.done $0x0  }
0x4f1: {  	s14 =	simm.s32 $0x13;
	[sflag:s12] =	ssyncadd.s32 $0xFFFFEC00  }
0x4f2: {  	_ =	swait.ge [sflag:s14], $0x1400  }
0x4f3: {  	[sflag:s14] =	ssyncset.done $0x0  }
0x4f4: {  	s17 =	simm.s32 $0x14;
	[sflag:s14] =	ssyncadd.s32 $0xFFFFEC00  }
0x4f5: {  	_ =	swait.ge [sflag:s17], $0x1400  }
0x4f6: {  	[sflag:s17] =	ssyncset.done $0x0  }
0x4f7: {  	[sflag:s17] =	ssyncadd.s32 $0xFFFFEC00  }
0x4f8: {  	[bflag:$0x0] =	sbarrier.arrive $0xFFFF  }
0x4f9: {  	s21 =	sld [smem:$0x7F8]  }
0x4fa: {  	s14 =	sld [smem:$0x7F9];
	_ =	sdelay $0x1  }
0x4fb: {  	s13 =	rddreg [dreg:$0x9];
	s8 =	sor.u32 $0x1C11, s21  }
0x4fc: {  	[hbm:s13], [sflag:s8] =	dma.local [spmem:s14], $0x800  }
0x4fd: {  	s14 =	sld [smem:$0x7FA];
	_ =	sdelay $0x1  }
0x4fe: {  	s13 =	rddreg [dreg:$0xa]  }
0x4ff: {  	[hbm:s13], [sflag:s8] =	dma.local [spmem:s14], $0x800  }
0x500: {  	s14 =	sld [smem:$0x7FB];
	_ =	sdelay $0x1  }
0x501: {  	s13 =	rddreg [dreg:$0xb]  }
0x502: {  	[hbm:s13], [sflag:s8] =	dma.local [spmem:s14], $0x800  }
0x503: {  	s14 =	sld [smem:$0x7FC];
	_ =	sdelay $0x1  }
0x504: {  	s13 =	rddreg [dreg:$0xc]  }
0x505: {  	[hbm:s13], [sflag:s8] =	dma.local [spmem:s14], $0x800  }
0x506: {  	s14 =	sld [smem:$0x7FD];
	_ =	sdelay $0x1  }
0x507: {  	s13 =	rddreg [dreg:$0xd]  }
0x508: {  	[hbm:s13], [sflag:s8] =	dma.local [spmem:s14], $0x800  }
0x509: {  	_ =	swait.ge [sflag:s0], $0x800  }
0x50a: {  	[sflag:s0] =	ssyncset.done $0x0  }
0x50b: {  	[sflag:s0] =	ssyncadd.s32 $0xFFFFF800  }
0x50c: {  	_ =	swait.ge [sflag:s0], $0x800  }
0x50d: {  	[sflag:s0] =	ssyncset.done $0x0  }
0x50e: {  	[sflag:s0] =	ssyncadd.s32 $0xFFFFF800  }
0x50f: {  	_ =	swait.ge [sflag:s0], $0x800  }
0x510: {  	[sflag:s0] =	ssyncset.done $0x0  }
0x511: {  	[sflag:s0] =	ssyncadd.s32 $0xFFFFF800  }
0x512: {  	_ =	swait.ge [sflag:s0], $0x800  }
0x513: {  	[sflag:s0] =	ssyncset.done $0x0  }
0x514: {  	[sflag:s0] =	ssyncadd.s32 $0xFFFFF800  }
0x515: {  	_ =	swait.ge [sflag:s0], $0x800  }
0x516: {  	s23 =	sld [smem:$0x7F7];
	_ =	sdelay $0x2  }
0x517: {  	s25 =	rddreg [dreg:$0x1c];
	s13 =	sadd.s32 $0x1, s23  }
0x518: {  	p0 =	sne.s32 s13, s25  }
.Ltmp8:
0x519: {  	_ = 	snop;
	(pc) =	sbr.rel @p0 .LBB2_1-.Ltmp8, $3  }
0x51a: {  	_ =	sdelay $0x1  }
0x51b: {  	[sflag:s0] =	ssyncset.done $0x0  }
0x51c: {  	[sflag:s0] =	ssyncadd.s32 $0xFFFFF800  }
0x51d: {  	_ =	sfence.sel $0x180000  }
0x51e: {  	[bflag:$0x0] =	sbarrier.arrive $0xFFFF  }
0x51f: {  	_ =	strace $0x90000047  }
0x520: {  	s0 =	stileid.u32;
	[bflag:$0x2] =	sbarrier.arrive $0xFFFF  }
0x521: {  	p0 =	sne.s32 s0, $0x0;
	s0 =	rddreg [dreg:$0x5]  }
0x522: {  	s0 =	sadd.s32 @!p0 $0x100000, s0  }
0x523: {  	[sflag:s0] =	ssyncadd.tile.s32 @!p0 $0x1;
	_ =	shalt  }
.Lfunc_end2:
_tile_overlayer_lowered:
.L_overlay_start_2:
0x524: {  	(tag) =	ssettag $0x2  }
0x525: {  	s0 =	rddreg [dreg:$0x0];
	s2 =	stileid.u32  }
0x526: {  	s1 =	rddreg [dreg:$0x1];
	p0 =	sne.s32 s2, $0x0  }
0x527: {  	s3 =	rddreg [dreg:$0x2];
	[bflag:$0x3] =	sbarrier.arrive $0xFFFF;
	s2 =	simm.s32 @!p0 $0x1C15  }
0x528: {  	[timem:s3], [sflag:s2] =	dma.local @!p0 [hbm:s0], s1  }
0x529: {  	s0 =	simm.s32 @!p0 $0x15  }
0x52a: {  	_ =	swait.ge @!p0 [sflag:s0], s1  }
0x52b: {  	s1 =	ssub.s32 @!p0 $0x0, s1;
	[sflag:s0] =	ssyncset.done @!p0 $0x0  }
0x52c: {  	[sflag:s0] =	ssyncadd.s32 @!p0 s1  }
0x52d: {  	[bflag:$0x3] =	sbarrier.arrive $0xFFFF  }
0x52e: {  	_ =	shalt  }

</sc_bundles>
